<compile_context>
chip_gen: v7x
topology: tpu7x:2x2x1
jax: 0.10.2.dev20260603
libtpu: 0.0.44.dev20260713+nightly
codegen_flags: <defaults>
</compile_context>

<pallas_src>
import functools

import jax
import jax.numpy as jnp
from jax import lax
from jax.experimental import pallas as pl
from jax.experimental.pallas import tpu as pltpu
from jax.experimental.pallas import tpu_sc as plsc

N = 10000
E = 160000
DIM = 256
QW = 64
NQ = 4
NUM_CLS = 64
NUM_GRAPHS = 64

N_ACC = 10240
ROWS_PER_TILE = N_ACC // 16
CHUNK = 128
CHUNKS_PER_TILE = 80
E_PAD = 16 * CHUNKS_PER_TILE * CHUNK
NBUF = 8
GROUPS = CHUNKS_PER_TILE // NBUF

_sc_mesh = plsc.VectorSubcoreMesh(core_axis_name="c", subcore_axis_name="s")
_sc_params = pltpu.CompilerParams(use_tc_tiling_on_sc=False)




def _deg_body(gdst_hbm, ones_hbm, zeros_hbm, deg_out, didx, ones_v, zbuf,
              acc_sh):
    cid = lax.axis_index("c")
    sid = lax.axis_index("s")

    @pl.when(cid == 0)
    def _():
        pltpu.sync_copy(zeros_hbm, zbuf)
        pltpu.sync_copy(zbuf, acc_sh.at[pl.ds(sid * ROWS_PER_TILE,
                                              ROWS_PER_TILE)])
        pltpu.sync_copy(ones_hbm, ones_v)
        pltpu.sync_copy(gdst_hbm.at[sid], didx)

    plsc.subcore_barrier()

    @pl.when(cid == 0)
    def _():
        def body(j, carry):
            pltpu.sync_copy(ones_v, acc_sh.at[didx.at[j]], add=True)
            return carry
        lax.fori_loop(0, CHUNKS_PER_TILE, body, 0)

    plsc.subcore_barrier()

    @pl.when(cid == 0)
    def _():
        pltpu.sync_copy(acc_sh.at[pl.ds(sid * ROWS_PER_TILE, ROWS_PER_TILE)],
                        zbuf)
        pltpu.sync_copy(zbuf, deg_out.at[pl.ds(sid * ROWS_PER_TILE,
                                               ROWS_PER_TILE)])


_deg_kernel = functools.partial(
    pl.kernel,
    out_type=jax.ShapeDtypeStruct((N_ACC, 16), jnp.float32),
    mesh=_sc_mesh,
    scratch_types=[
        pltpu.VMEM((CHUNKS_PER_TILE, CHUNK), jnp.int32),
        pltpu.VMEM((CHUNK, 16), jnp.float32),
        pltpu.VMEM((ROWS_PER_TILE, 16), jnp.float32),
        pltpu.VMEM_SHARED((N_ACC, 16), jnp.float32),
    ],
    compiler_params=_sc_params,
)(_deg_body)


def _agg_body(p_hbm, gsrc_hbm, gdst_hbm, out_hbm, sidx, didx,
              b0, b1, b2, b3, b4, b5, b6, b7,
              s0, s1, s2, s3, s4, s5, s6, s7,
              t0, t1, t2, t3, t4, t5, t6, t7, acc_sh):
    cid = lax.axis_index("c")
    sid = lax.axis_index("s")
    bufs = [b0, b1, b2, b3, b4, b5, b6, b7]
    sems = [s0, s1, s2, s3, s4, s5, s6, s7]
    ssems = [t0, t1, t2, t3, t4, t5, t6, t7]
    rowbase = sid * ROWS_PER_TILE

    pltpu.sync_copy(gdst_hbm.at[sid], didx)

    for qi in range(2):
        q = 2 * cid + qi
        hbase = q * N_ACC + rowbase
        for k in range(ROWS_PER_TILE // CHUNK):
            pltpu.sync_copy(p_hbm.at[pl.ds(hbase + k * CHUNK, CHUNK)], b0)
            pltpu.sync_copy(b0, acc_sh.at[pl.ds(rowbase + k * CHUNK, CHUNK)])
        pltpu.sync_copy(gsrc_hbm.at[q, sid], sidx)

        plsc.subcore_barrier()

        nb = NBUF // 2

        def fire(bank, j0):
            o = bank * nb
            for k in range(nb):
                pltpu.async_copy(p_hbm.at[sidx.at[j0 + k]], bufs[o + k],
                                 sems[o + k])

        def drain_scatter(bank, j0):
            o = bank * nb
            sdescs = []
            for k in range(nb):
                pltpu.make_async_copy(p_hbm.at[sidx.at[j0 + k]], bufs[o + k],
                                      sems[o + k]).wait()
                sdescs.append(
                    pltpu.async_copy(bufs[o + k],
                                     acc_sh.at[didx.at[j0 + k]],
                                     ssems[o + k], add=True))
            for d in sdescs:
                d.wait()

        fire(0, 0)

        def group(g, carry):
            jA = g * NBUF
            jB = jA + nb
            fire(1, jB)
            drain_scatter(0, jA)

            @pl.when(g < GROUPS - 1)
            def _():
                fire(0, jA + NBUF)

            drain_scatter(1, jB)
            return carry

        lax.fori_loop(0, GROUPS, group, 0)

        plsc.subcore_barrier()

        for k in range(ROWS_PER_TILE // CHUNK):
            pltpu.sync_copy(acc_sh.at[pl.ds(rowbase + k * CHUNK, CHUNK)], b0)
            pltpu.sync_copy(b0, out_hbm.at[pl.ds(hbase + k * CHUNK, CHUNK)])


_agg_kernel = functools.partial(
    pl.kernel,
    out_type=jax.ShapeDtypeStruct((NQ * N_ACC, QW), jnp.float32),
    mesh=_sc_mesh,
    scratch_types=[
        pltpu.VMEM((CHUNKS_PER_TILE, CHUNK), jnp.int32),
        pltpu.VMEM((CHUNKS_PER_TILE, CHUNK), jnp.int32),
    ] + [pltpu.VMEM((CHUNK, QW), jnp.float32)] * NBUF
      + [pltpu.SemaphoreType.DMA] * (2 * NBUF)
      + [pltpu.VMEM_SHARED((N_ACC, QW), jnp.float32)],
    compiler_params=_sc_params,
)(_agg_body)



_BN = 1280


def _tca_body(x_ref, w0_ref, b0_ref, w1_ref, deg_ref, out_ref):
    i = pl.program_id(0)
    h = jnp.dot(x_ref[...], w0_ref[...],
                preferred_element_type=jnp.float32) + b0_ref[...]
    t = jnp.dot(h, w1_ref[...], preferred_element_type=jnp.float32)
    dinv = lax.rsqrt(deg_ref[...] + 1.0)
    p = t * dinv
    rows = lax.broadcasted_iota(jnp.int32, (_BN, 1), 0) + i * _BN
    p = jnp.where(rows < N, p, 0.0)
    for q in range(NQ):
        out_ref[q] = p[:, q * QW:(q + 1) * QW]


def _tcb_body(acc_ref, deg_ref, b1_ref, w2_ref, out_ref):
    i = pl.program_id(0)
    a = jnp.concatenate([acc_ref[q] for q in range(NQ)], axis=1)
    dinv = lax.rsqrt(deg_ref[...] + 1.0)
    h1 = jnp.maximum(a * dinv + b1_ref[...], 0.0)
    t = jnp.dot(h1, w2_ref[...], preferred_element_type=jnp.float32)
    p = t * dinv
    rows = lax.broadcasted_iota(jnp.int32, (_BN, 1), 0) + i * _BN
    p = jnp.where(rows < N, p, 0.0)
    for q in range(NQ):
        out_ref[q] = p[:, q * QW:(q + 1) * QW]


_BNC = 1000


def _tcc_body(acc_ref, deg_ref, b2_ref, batch_ref, wc_ref, bc_ref, out_ref,
              sums_ref, cnts_ref):
    i = pl.program_id(0)

    @pl.when(i == 0)
    def _():
        sums_ref[...] = jnp.zeros_like(sums_ref)
        cnts_ref[...] = jnp.zeros_like(cnts_ref)

    a = jnp.concatenate([acc_ref[q] for q in range(NQ)], axis=1)
    dinv = lax.rsqrt(deg_ref[...] + 1.0)
    h2 = a * dinv + b2_ref[...]
    b = batch_ref[0, 0]
    gids = lax.broadcasted_iota(jnp.int32, (NUM_GRAPHS, _BNC), 0)
    bt = lax.broadcast_in_dim(b, (NUM_GRAPHS, _BNC), (1,))
    onehot = (bt == gids).astype(jnp.float32)
    sums_ref[...] += lax.dot_general(
        onehot, h2, (((1,), (0,)), ((), ())),
        preferred_element_type=jnp.float32)
    cnts_ref[...] += jnp.sum(onehot, axis=1, keepdims=True) * jnp.ones(
        (NUM_GRAPHS, 128), jnp.float32)

    @pl.when(i == N // _BNC - 1)
    def _():
        pooled = sums_ref[...] / jnp.maximum(cnts_ref[:, 0:1], 1.0)
        logits = jnp.dot(pooled, wc_ref[...],
                         preferred_element_type=jnp.float32) + bc_ref[...]
        m = jnp.max(logits, axis=1, keepdims=True)
        e = jnp.exp(logits - m)
        out_ref[...] = e / jnp.sum(e, axis=1, keepdims=True)


def _tca(x_pad, W0, b0, W1, deg_col):
    return pl.pallas_call(
        _tca_body,
        grid=(N_ACC // _BN,),
        in_specs=[
            pl.BlockSpec((_BN, DIM), lambda i: (i, 0)),
            pl.BlockSpec((DIM, DIM), lambda i: (0, 0)),
            pl.BlockSpec((1, DIM), lambda i: (0, 0)),
            pl.BlockSpec((DIM, DIM), lambda i: (0, 0)),
            pl.BlockSpec((_BN, 1), lambda i: (i, 0)),
        ],
        out_specs=pl.BlockSpec((NQ, _BN, QW), lambda i: (0, i, 0)),
        out_shape=jax.ShapeDtypeStruct((NQ, N_ACC, QW), jnp.float32),
    )(x_pad, W0, b0.reshape(1, DIM), W1, deg_col)


def _tcb(acc, deg_col, b1, W2):
    return pl.pallas_call(
        _tcb_body,
        grid=(N_ACC // _BN,),
        in_specs=[
            pl.BlockSpec((NQ, _BN, QW), lambda i: (0, i, 0)),
            pl.BlockSpec((_BN, 1), lambda i: (i, 0)),
            pl.BlockSpec((1, DIM), lambda i: (0, 0)),
            pl.BlockSpec((DIM, DIM), lambda i: (0, 0)),
        ],
        out_specs=pl.BlockSpec((NQ, _BN, QW), lambda i: (0, i, 0)),
        out_shape=jax.ShapeDtypeStruct((NQ, N_ACC, QW), jnp.float32),
    )(acc, deg_col, b1.reshape(1, DIM), W2)


def _tcc(acc, deg_col, b2, batch3, Wc, bc):
    return pl.pallas_call(
        _tcc_body,
        grid=(N // _BNC,),
        in_specs=[
            pl.BlockSpec((NQ, _BNC, QW), lambda i: (0, i, 0)),
            pl.BlockSpec((_BNC, 1), lambda i: (i, 0)),
            pl.BlockSpec((1, DIM), lambda i: (0, 0)),
            pl.BlockSpec((1, 1, _BNC), lambda i: (i, 0, 0)),
            pl.BlockSpec((DIM, NUM_CLS), lambda i: (0, 0)),
            pl.BlockSpec((1, NUM_CLS), lambda i: (0, 0)),
        ],
        out_specs=pl.BlockSpec((NUM_GRAPHS, NUM_CLS), lambda i: (0, 0)),
        out_shape=jax.ShapeDtypeStruct((NUM_GRAPHS, NUM_CLS), jnp.float32),
        scratch_shapes=[
            pltpu.VMEM((NUM_GRAPHS, DIM), jnp.float32),
            pltpu.VMEM((NUM_GRAPHS, 128), jnp.float32),
        ],
    )(acc, deg_col, b2.reshape(1, DIM), batch3, Wc, bc.reshape(1, NUM_CLS))




def kernel(x, edge_index, batch, W0, b0, W1, b1, W2, b2, Wc, bc):
    src = edge_index[0]
    dst = edge_index[1]
    pad = E_PAD - E
    srcp = jnp.concatenate([src, jnp.full((pad,), N, jnp.int32)])
    dstp = jnp.concatenate([dst, jnp.full((pad,), N, jnp.int32)])
    rs = srcp.reshape(16, CHUNKS_PER_TILE, CHUNK)
    gsrc = jnp.stack([rs + q * N_ACC for q in range(NQ)])
    gdst = dstp.reshape(16, CHUNKS_PER_TILE, CHUNK)
    x_pad = jnp.pad(x, ((0, N_ACC - N), (0, 0)))
    batch3 = batch.reshape(N // _BNC, 1, _BNC)
    ones_in = jnp.ones((CHUNK, 16), jnp.float32)
    zeros_in = jnp.zeros((ROWS_PER_TILE, 16), jnp.float32)

    deg16 = _deg_kernel(gdst, ones_in, zeros_in)
    deg_col = deg16[:, 0:1]

    p1 = _tca(x_pad, W0, b0, W1, deg_col)
    acc1 = _agg_kernel(p1.reshape(NQ * N_ACC, QW), gsrc, gdst)
    p2 = _tcb(acc1.reshape(NQ, N_ACC, QW), deg_col, b1, W2)
    acc2 = _agg_kernel(p2.reshape(NQ * N_ACC, QW), gsrc, gdst)
    return _tcc(acc2.reshape(NQ, N_ACC, QW), deg_col, b2, batch3, Wc, bc)

# --- scband reference (transcript-rebuilt; emitter-appended) ---
"""Pipeline reference for scband-gcn-c-34376918237436 (READ-ONLY COPY).

The authoritative reference and input builder live on the scoring server;
editing this copy changes nothing except your own understanding.
"""

import jax, jax.numpy as jnp
import numpy as np

N = 10000
E = 160000
IN_DIM = 256
IN_CH = 256
HID = 256
OUT_CH = 256
NUM_CLS = 64
NUM_GRAPHS = 64


def setup_inputs(seed: int = 0) -> dict:
    key = jax.random.key(seed)
    ks = jax.random.split(key, 12)
    x = jax.random.normal(ks[0], (N, IN_DIM), dtype=jnp.float32)
    edge_index = jax.random.randint(ks[1], (2, E), 0, N, dtype=jnp.int32)
    batch = jnp.sort(jax.random.randint(ks[2], (N,), 0, NUM_GRAPHS, dtype=jnp.int32))
    s = 0.05
    W0 = jax.random.normal(ks[3], (IN_DIM, IN_CH), dtype=jnp.float32) * s
    b0 = jnp.zeros((IN_CH,), dtype=jnp.float32)
    W1 = jax.random.normal(ks[4], (IN_CH, HID), dtype=jnp.float32) * s
    b1 = jnp.zeros((HID,), dtype=jnp.float32)
    W2 = jax.random.normal(ks[5], (HID, OUT_CH), dtype=jnp.float32) * s
    b2 = jnp.zeros((OUT_CH,), dtype=jnp.float32)
    Wc = jax.random.normal(ks[6], (OUT_CH, NUM_CLS), dtype=jnp.float32) * s
    bc = jnp.zeros((NUM_CLS,), dtype=jnp.float32)
    return {"x": x, "edge_index": edge_index, "batch": batch, "W0": W0, "b0": b0,
            "W1": W1, "b1": b1, "W2": W2, "b2": b2, "Wc": Wc, "bc": bc}


def gcn_conv(h_in, edge_index, W, b):
    # GCNConv with added self-loops and symmetric normalization (PyG semantics)
    num_nodes = h_in.shape[0]
    h = h_in @ W
    src = edge_index[0]
    dst = edge_index[1]
    loop = jnp.arange(num_nodes, dtype=src.dtype)
    src = jnp.concatenate([src, loop])
    dst = jnp.concatenate([dst, loop])
    deg = jnp.zeros((num_nodes,), dtype=h.dtype).at[dst].add(1.0)
    dinv = jnp.where(deg > 0, jax.lax.rsqrt(deg), 0.0)
    norm = dinv[src] * dinv[dst]
    msg = h[src] * norm[:, None]
    out = jnp.zeros_like(h).at[dst].add(msg)
    return out + b


def reference(x, edge_index, batch, W0, b0, W1, b1, W2, b2, Wc, bc):
    # stage1 linear
    h = x @ W0 + b0
    # GCN_Net: two GCNConv layers with ReLU (dropout is identity in eval/deterministic reference)
    h = gcn_conv(h, edge_index, W1, b1)
    h = jax.nn.relu(h)
    h = gcn_conv(h, edge_index, W2, b2)
    # global mean pool over graph ids
    sums = jax.ops.segment_sum(h, batch, num_segments=NUM_GRAPHS)
    counts = jax.ops.segment_sum(jnp.ones((h.shape[0], 1), dtype=h.dtype), batch, num_segments=NUM_GRAPHS)
    pooled = sums / jnp.maximum(counts, 1.0)
    # classifier: linear + softmax over dim 1
    logits = pooled @ Wc + bc
    return jax.nn.softmax(logits, axis=1)

if __name__ == "__main__":
    import jax
    _d = setup_inputs()
    print(jax.jit(kernel)(*tuple(_d.values())))

</pallas_src>

<mosaic_0001>
#map = affine_map<(d0, d1) -> (0, 0, 0)>
#map1 = affine_map<(d0, d1) -> (0, 0)>
module attributes {stable_mosaic.version = 14 : i64} {
  func.func @_deg_body(%arg0: i32, %arg1: i32, %arg2: memref<16x80x128xi32, #tpu.memory_space<hbm>>, %arg3: memref<128x16xf32, #tpu.memory_space<hbm>>, %arg4: memref<640x16xf32, #tpu.memory_space<hbm>>, %arg5: memref<10240x16xf32, #tpu.memory_space<hbm>>, %arg6: memref<80x128xi32, #tpu.memory_space<vmem>>, %arg7: memref<128x16xf32, #tpu.memory_space<vmem>>, %arg8: memref<640x16xf32, #tpu.memory_space<vmem>>, %arg9: memref<10240x16xf32, #tpu.memory_space<vmem_shared>>) attributes {dimension_semantics = [#tpu.dimension_semantics<core_parallel>, #tpu.dimension_semantics<subcore_parallel>], iteration_bounds = array<i64: 2, 16>, scalar_prefetch = 0 : i64, scratch_operands = 4 : i64, tpu.core_type = #tpu.core_type<sc_vector_subcore>, window_params = [{transform_indices = #map}, {transform_indices = #map1}, {transform_indices = #map1}, {transform_indices = #map1}]} {
    %eq3A = arith.constant 0 : i32
    %eq3A_0 = arith.cmpi eq, %arg0, %eq3A : i32
    %convert_element_type3A = arith.extui %eq3A_0 : i1 to i32
    %cond3A = arith.constant 0 : i32
    %cond3A_1 = arith.cmpi ne, %convert_element_type3A, %cond3A : i32
    scf.if %cond3A_1 {
      "tpu.region"() ({
        %run_scoped3A = tpu.sem_alloc : memref<!tpu.dma_semaphore, #tpu.memory_space<semaphore_mem>>
        tpu.enqueue_dma source(%arg4 : memref<640x16xf32, #tpu.memory_space<hbm>>) target(%arg8 : memref<640x16xf32, #tpu.memory_space<vmem>>) target_semaphore(%run_scoped3A : memref<!tpu.dma_semaphore, #tpu.memory_space<semaphore_mem>>)
        tpu.wait_dma2 semaphore(%run_scoped3A : memref<!tpu.dma_semaphore, #tpu.memory_space<semaphore_mem>>) src(%arg4 : memref<640x16xf32, #tpu.memory_space<hbm>>) dst(%arg8 : memref<640x16xf32, #tpu.memory_space<vmem>>)
        tpu.yield
      }) : () -> ()
      %mul3A = arith.constant 640 : i32
      %mul3A_13 = arith.muli %arg1, %mul3A : i32
      "tpu.region"() ({
        %run_scoped3A = tpu.sem_alloc : memref<!tpu.dma_semaphore, #tpu.memory_space<semaphore_mem>>
        %dma_start3A = arith.constant 0 : i32
        %dma_start3A_14 = tpu.memref_slice %arg9[%mul3A_13, %dma_start3A] : memref<10240x16xf32, #tpu.memory_space<vmem_shared>> -> memref<640x16xf32, #tpu.memory_space<vmem_shared>>
        %dma_start3A_15 = arith.constant 0 : i32
        %dma_start3A_16 = tpu.memref_slice %arg9[%mul3A_13, %dma_start3A_15] : memref<10240x16xf32, #tpu.memory_space<vmem_shared>> -> memref<640x16xf32, #tpu.memory_space<vmem_shared>>
        tpu.enqueue_dma source(%arg8 : memref<640x16xf32, #tpu.memory_space<vmem>>) target(%dma_start3A_16 : memref<640x16xf32, #tpu.memory_space<vmem_shared>>) target_semaphore(%run_scoped3A : memref<!tpu.dma_semaphore, #tpu.memory_space<semaphore_mem>>)
        %dma_wait3A = arith.constant 0 : i32
        %dma_wait3A_17 = tpu.memref_slice %arg9[%mul3A_13, %dma_wait3A] : memref<10240x16xf32, #tpu.memory_space<vmem_shared>> -> memref<640x16xf32, #tpu.memory_space<vmem_shared>>
        %dma_wait3A_18 = arith.constant 0 : i32
        %dma_wait3A_19 = tpu.memref_slice %arg9[%mul3A_13, %dma_wait3A_18] : memref<10240x16xf32, #tpu.memory_space<vmem_shared>> -> memref<640x16xf32, #tpu.memory_space<vmem_shared>>
        tpu.wait_dma2 semaphore(%run_scoped3A : memref<!tpu.dma_semaphore, #tpu.memory_space<semaphore_mem>>) src(%arg8 : memref<640x16xf32, #tpu.memory_space<vmem>>) dst(%dma_wait3A_19 : memref<640x16xf32, #tpu.memory_space<vmem_shared>>)
        tpu.yield
      }) : () -> ()
      "tpu.region"() ({
        %run_scoped3A = tpu.sem_alloc : memref<!tpu.dma_semaphore, #tpu.memory_space<semaphore_mem>>
        tpu.enqueue_dma source(%arg3 : memref<128x16xf32, #tpu.memory_space<hbm>>) target(%arg7 : memref<128x16xf32, #tpu.memory_space<vmem>>) target_semaphore(%run_scoped3A : memref<!tpu.dma_semaphore, #tpu.memory_space<semaphore_mem>>)
        tpu.wait_dma2 semaphore(%run_scoped3A : memref<!tpu.dma_semaphore, #tpu.memory_space<semaphore_mem>>) src(%arg3 : memref<128x16xf32, #tpu.memory_space<hbm>>) dst(%arg7 : memref<128x16xf32, #tpu.memory_space<vmem>>)
        tpu.yield
      }) : () -> ()
      "tpu.region"() ({
        %run_scoped3A = tpu.sem_alloc : memref<!tpu.dma_semaphore, #tpu.memory_space<semaphore_mem>>
        %dma_start3A = arith.constant 0 : i32
        %dma_start3A_14 = arith.constant 0 : i32
        %dma_start3A_15 = tpu.memref_slice %arg2[%arg1, %dma_start3A, %dma_start3A_14] : memref<16x80x128xi32, #tpu.memory_space<hbm>> -> memref<1x80x128xi32, #tpu.memory_space<hbm>>
        %dma_start3A_16 = tpu.memref_squeeze %dma_start3A_15 : memref<1x80x128xi32, #tpu.memory_space<hbm>> -> memref<80x128xi32, #tpu.memory_space<hbm>>
        %dma_start3A_17 = arith.constant 0 : i32
        %dma_start3A_18 = arith.constant 0 : i32
        %dma_start3A_19 = tpu.memref_slice %arg2[%arg1, %dma_start3A_17, %dma_start3A_18] : memref<16x80x128xi32, #tpu.memory_space<hbm>> -> memref<1x80x128xi32, #tpu.memory_space<hbm>>
        %dma_start3A_20 = tpu.memref_squeeze %dma_start3A_19 : memref<1x80x128xi32, #tpu.memory_space<hbm>> -> memref<80x128xi32, #tpu.memory_space<hbm>>
        tpu.enqueue_dma source(%dma_start3A_20 : memref<80x128xi32, #tpu.memory_space<hbm>>) target(%arg6 : memref<80x128xi32, #tpu.memory_space<vmem>>) target_semaphore(%run_scoped3A : memref<!tpu.dma_semaphore, #tpu.memory_space<semaphore_mem>>)
        %dma_wait3A = arith.constant 0 : i32
        %dma_wait3A_21 = arith.constant 0 : i32
        %dma_wait3A_22 = tpu.memref_slice %arg2[%arg1, %dma_wait3A, %dma_wait3A_21] : memref<16x80x128xi32, #tpu.memory_space<hbm>> -> memref<1x80x128xi32, #tpu.memory_space<hbm>>
        %dma_wait3A_23 = tpu.memref_squeeze %dma_wait3A_22 : memref<1x80x128xi32, #tpu.memory_space<hbm>> -> memref<80x128xi32, #tpu.memory_space<hbm>>
        %dma_wait3A_24 = arith.constant 0 : i32
        %dma_wait3A_25 = arith.constant 0 : i32
        %dma_wait3A_26 = tpu.memref_slice %arg2[%arg1, %dma_wait3A_24, %dma_wait3A_25] : memref<16x80x128xi32, #tpu.memory_space<hbm>> -> memref<1x80x128xi32, #tpu.memory_space<hbm>>
        %dma_wait3A_27 = tpu.memref_squeeze %dma_wait3A_26 : memref<1x80x128xi32, #tpu.memory_space<hbm>> -> memref<80x128xi32, #tpu.memory_space<hbm>>
        tpu.wait_dma2 semaphore(%run_scoped3A : memref<!tpu.dma_semaphore, #tpu.memory_space<semaphore_mem>>) src(%dma_wait3A_27 : memref<80x128xi32, #tpu.memory_space<hbm>>) dst(%arg6 : memref<80x128xi32, #tpu.memory_space<vmem>>)
        tpu.yield
      }) : () -> ()
    } else {
    }
    %barrier3A = arith.constant 0 : index
    tpu.barrier barrier_id(%barrier3A)
    %eq3A_2 = arith.constant 0 : i32
    %eq3A_3 = arith.cmpi eq, %arg0, %eq3A_2 : i32
    %convert_element_type3A_4 = arith.extui %eq3A_3 : i1 to i32
    %cond3A_5 = arith.constant 0 : i32
    %cond3A_6 = arith.cmpi ne, %convert_element_type3A_4, %cond3A_5 : i32
    scf.if %cond3A_6 {
      %scan3A = arith.constant 0 : i32
      %scan3A_13 = arith.constant 0 : i32
      %scan3A_14 = arith.constant 80 : i32
      %scan3A_15 = arith.addi %scan3A_13, %scan3A_14 : i32
      %scan3A_16 = arith.constant 1 : i32
      scf.for %scan3A_18 = %scan3A_13 to %scan3A_15 step %scan3A_16  : i32 {
        "tpu.region"() ({
          %run_scoped3A = tpu.sem_alloc : memref<!tpu.dma_semaphore, #tpu.memory_space<semaphore_mem>>
          %dma_start3A = arith.constant 0 : i32
          %dma_start3A_19 = tpu.memref_slice %arg6[%scan3A_18, %dma_start3A] : memref<80x128xi32, #tpu.memory_space<vmem>> -> memref<1x128xi32, #tpu.memory_space<vmem>>
          %dma_start3A_20 = tpu.memref_squeeze %dma_start3A_19 : memref<1x128xi32, #tpu.memory_space<vmem>> -> memref<128xi32, #tpu.memory_space<vmem>>
          %dma_start3A_21 = arith.constant 0 : i32
          %dma_start3A_22 = arith.constant 0 : i32
          %dma_start3A_23 = tpu.memref_slice %arg9[%dma_start3A_21, %dma_start3A_22] : memref<10240x16xf32, #tpu.memory_space<vmem_shared>> -> memref<10240x16xf32, #tpu.memory_space<vmem_shared>>
          tpu.enqueue_indirect_dma source(%arg7 : memref<128x16xf32, #tpu.memory_space<vmem>>) target(%dma_start3A_23 : memref<10240x16xf32, #tpu.memory_space<vmem_shared>>) offsets(%dma_start3A_20 : memref<128xi32, #tpu.memory_space<vmem>>) semaphore(%run_scoped3A : memref<!tpu.dma_semaphore, #tpu.memory_space<semaphore_mem>>) {add = true}
          %dma_wait3A = arith.constant 0 : i32
          %dma_wait3A_24 = tpu.memref_slice %arg6[%scan3A_18, %dma_wait3A] : memref<80x128xi32, #tpu.memory_space<vmem>> -> memref<1x128xi32, #tpu.memory_space<vmem>>
          %dma_wait3A_25 = tpu.memref_squeeze %dma_wait3A_24 : memref<1x128xi32, #tpu.memory_space<vmem>> -> memref<128xi32, #tpu.memory_space<vmem>>
          %dma_wait3A_26 = arith.constant 0 : i32
          %dma_wait3A_27 = arith.constant 0 : i32
          %dma_wait3A_28 = tpu.memref_slice %arg9[%dma_wait3A_26, %dma_wait3A_27] : memref<10240x16xf32, #tpu.memory_space<vmem_shared>> -> memref<10240x16xf32, #tpu.memory_space<vmem_shared>>
          tpu.wait_indirect_dma semaphore(%run_scoped3A : memref<!tpu.dma_semaphore, #tpu.memory_space<semaphore_mem>>) src(%arg7 : memref<128x16xf32, #tpu.memory_space<vmem>>) dst(%dma_wait3A_28 : memref<10240x16xf32, #tpu.memory_space<vmem_shared>>)
          tpu.yield
        }) : () -> ()
      }
      %scan3A_17 = arith.constant 80 : i32
    } else {
    }
    %barrier3A_7 = arith.constant 0 : index
    tpu.barrier barrier_id(%barrier3A_7)
    %eq3A_8 = arith.constant 0 : i32
    %eq3A_9 = arith.cmpi eq, %arg0, %eq3A_8 : i32
    %convert_element_type3A_10 = arith.extui %eq3A_9 : i1 to i32
    %cond3A_11 = arith.constant 0 : i32
    %cond3A_12 = arith.cmpi ne, %convert_element_type3A_10, %cond3A_11 : i32
    scf.if %cond3A_12 {
      %mul3A = arith.constant 640 : i32
      %mul3A_13 = arith.muli %arg1, %mul3A : i32
      "tpu.region"() ({
        %run_scoped3A = tpu.sem_alloc : memref<!tpu.dma_semaphore, #tpu.memory_space<semaphore_mem>>
        %dma_start3A = arith.constant 0 : i32
        %dma_start3A_16 = tpu.memref_slice %arg9[%mul3A_13, %dma_start3A] : memref<10240x16xf32, #tpu.memory_space<vmem_shared>> -> memref<640x16xf32, #tpu.memory_space<vmem_shared>>
        %dma_start3A_17 = arith.constant 0 : i32
        %dma_start3A_18 = tpu.memref_slice %arg9[%mul3A_13, %dma_start3A_17] : memref<10240x16xf32, #tpu.memory_space<vmem_shared>> -> memref<640x16xf32, #tpu.memory_space<vmem_shared>>
        tpu.enqueue_dma source(%dma_start3A_18 : memref<640x16xf32, #tpu.memory_space<vmem_shared>>) target(%arg8 : memref<640x16xf32, #tpu.memory_space<vmem>>) target_semaphore(%run_scoped3A : memref<!tpu.dma_semaphore, #tpu.memory_space<semaphore_mem>>)
        %dma_wait3A = arith.constant 0 : i32
        %dma_wait3A_19 = tpu.memref_slice %arg9[%mul3A_13, %dma_wait3A] : memref<10240x16xf32, #tpu.memory_space<vmem_shared>> -> memref<640x16xf32, #tpu.memory_space<vmem_shared>>
        %dma_wait3A_20 = arith.constant 0 : i32
        %dma_wait3A_21 = tpu.memref_slice %arg9[%mul3A_13, %dma_wait3A_20] : memref<10240x16xf32, #tpu.memory_space<vmem_shared>> -> memref<640x16xf32, #tpu.memory_space<vmem_shared>>
        tpu.wait_dma2 semaphore(%run_scoped3A : memref<!tpu.dma_semaphore, #tpu.memory_space<semaphore_mem>>) src(%dma_wait3A_21 : memref<640x16xf32, #tpu.memory_space<vmem_shared>>) dst(%arg8 : memref<640x16xf32, #tpu.memory_space<vmem>>)
        tpu.yield
      }) : () -> ()
      %mul3A_14 = arith.constant 640 : i32
      %mul3A_15 = arith.muli %arg1, %mul3A_14 : i32
      "tpu.region"() ({
        %run_scoped3A = tpu.sem_alloc : memref<!tpu.dma_semaphore, #tpu.memory_space<semaphore_mem>>
        %dma_start3A = arith.constant 0 : i32
        %dma_start3A_16 = tpu.memref_slice %arg5[%mul3A_15, %dma_start3A] : memref<10240x16xf32, #tpu.memory_space<hbm>> -> memref<640x16xf32, #tpu.memory_space<hbm>>
        %dma_start3A_17 = arith.constant 0 : i32
        %dma_start3A_18 = tpu.memref_slice %arg5[%mul3A_15, %dma_start3A_17] : memref<10240x16xf32, #tpu.memory_space<hbm>> -> memref<640x16xf32, #tpu.memory_space<hbm>>
        tpu.enqueue_dma source(%arg8 : memref<640x16xf32, #tpu.memory_space<vmem>>) target(%dma_start3A_18 : memref<640x16xf32, #tpu.memory_space<hbm>>) target_semaphore(%run_scoped3A : memref<!tpu.dma_semaphore, #tpu.memory_space<semaphore_mem>>)
        %dma_wait3A = arith.constant 0 : i32
        %dma_wait3A_19 = tpu.memref_slice %arg5[%mul3A_15, %dma_wait3A] : memref<10240x16xf32, #tpu.memory_space<hbm>> -> memref<640x16xf32, #tpu.memory_space<hbm>>
        %dma_wait3A_20 = arith.constant 0 : i32
        %dma_wait3A_21 = tpu.memref_slice %arg5[%mul3A_15, %dma_wait3A_20] : memref<10240x16xf32, #tpu.memory_space<hbm>> -> memref<640x16xf32, #tpu.memory_space<hbm>>
        tpu.wait_dma2 semaphore(%run_scoped3A : memref<!tpu.dma_semaphore, #tpu.memory_space<semaphore_mem>>) src(%arg8 : memref<640x16xf32, #tpu.memory_space<vmem>>) dst(%dma_wait3A_21 : memref<640x16xf32, #tpu.memory_space<hbm>>)
        tpu.yield
      }) : () -> ()
    } else {
    }
    return
  }
}

#map = affine_map<(d0, d1) -> (0, 0)>
#map1 = affine_map<(d0, d1) -> (0, 0, 0, 0)>
#map2 = affine_map<(d0, d1) -> (0, 0, 0)>
module attributes {stable_mosaic.version = 14 : i64} {
  func.func @_agg_body(%arg0: i32, %arg1: i32, %arg2: memref<40960x64xf32, #tpu.memory_space<hbm>>, %arg3: memref<4x16x80x128xi32, #tpu.memory_space<hbm>>, %arg4: memref<16x80x128xi32, #tpu.memory_space<hbm>>, %arg5: memref<40960x64xf32, #tpu.memory_space<hbm>>, %arg6: memref<80x128xi32, #tpu.memory_space<vmem>>, %arg7: memref<80x128xi32, #tpu.memory_space<vmem>>, %arg8: memref<128x64xf32, #tpu.memory_space<vmem>>, %arg9: memref<128x64xf32, #tpu.memory_space<vmem>>, %arg10: memref<128x64xf32, #tpu.memory_space<vmem>>, %arg11: memref<128x64xf32, #tpu.memory_space<vmem>>, %arg12: memref<128x64xf32, #tpu.memory_space<vmem>>, %arg13: memref<128x64xf32, #tpu.memory_space<vmem>>, %arg14: memref<128x64xf32, #tpu.memory_space<vmem>>, %arg15: memref<128x64xf32, #tpu.memory_space<vmem>>, %arg16: memref<!tpu.dma_semaphore, #tpu.memory_space<semaphore_mem>>, %arg17: memref<!tpu.dma_semaphore, #tpu.memory_space<semaphore_mem>>, %arg18: memref<!tpu.dma_semaphore, #tpu.memory_space<semaphore_mem>>, %arg19: memref<!tpu.dma_semaphore, #tpu.memory_space<semaphore_mem>>, %arg20: memref<!tpu.dma_semaphore, #tpu.memory_space<semaphore_mem>>, %arg21: memref<!tpu.dma_semaphore, #tpu.memory_space<semaphore_mem>>, %arg22: memref<!tpu.dma_semaphore, #tpu.memory_space<semaphore_mem>>, %arg23: memref<!tpu.dma_semaphore, #tpu.memory_space<semaphore_mem>>, %arg24: memref<!tpu.dma_semaphore, #tpu.memory_space<semaphore_mem>>, %arg25: memref<!tpu.dma_semaphore, #tpu.memory_space<semaphore_mem>>, %arg26: memref<!tpu.dma_semaphore, #tpu.memory_space<semaphore_mem>>, %arg27: memref<!tpu.dma_semaphore, #tpu.memory_space<semaphore_mem>>, %arg28: memref<!tpu.dma_semaphore, #tpu.memory_space<semaphore_mem>>, %arg29: memref<!tpu.dma_semaphore, #tpu.memory_space<semaphore_mem>>, %arg30: memref<!tpu.dma_semaphore, #tpu.memory_space<semaphore_mem>>, %arg31: memref<!tpu.dma_semaphore, #tpu.memory_space<semaphore_mem>>, %arg32: memref<10240x64xf32, #tpu.memory_space<vmem_shared>>) attributes {dimension_semantics = [#tpu.dimension_semantics<core_parallel>, #tpu.dimension_semantics<subcore_parallel>], iteration_bounds = array<i64: 2, 16>, scalar_prefetch = 0 : i64, scratch_operands = 27 : i64, tpu.core_type = #tpu.core_type<sc_vector_subcore>, window_params = [{transform_indices = #map}, {transform_indices = #map1}, {transform_indices = #map2}, {transform_indices = #map}]} {
    %mul3A = arith.constant 640 : i32
    %mul3A_0 = arith.muli %arg1, %mul3A : i32
    "tpu.region"() ({
      %run_scoped3A = tpu.sem_alloc : memref<!tpu.dma_semaphore, #tpu.memory_space<semaphore_mem>>
      %dma_start3A_163 = arith.constant 0 : i32
      %dma_start3A_164 = arith.constant 0 : i32
      %dma_start3A_165 = tpu.memref_slice %arg4[%arg1, %dma_start3A_163, %dma_start3A_164] : memref<16x80x128xi32, #tpu.memory_space<hbm>> -> memref<1x80x128xi32, #tpu.memory_space<hbm>>
      %dma_start3A_166 = tpu.memref_squeeze %dma_start3A_165 : memref<1x80x128xi32, #tpu.memory_space<hbm>> -> memref<80x128xi32, #tpu.memory_space<hbm>>
      %dma_start3A_167 = arith.constant 0 : i32
      %dma_start3A_168 = arith.constant 0 : i32
      %dma_start3A_169 = tpu.memref_slice %arg4[%arg1, %dma_start3A_167, %dma_start3A_168] : memref<16x80x128xi32, #tpu.memory_space<hbm>> -> memref<1x80x128xi32, #tpu.memory_space<hbm>>
      %dma_start3A_170 = tpu.memref_squeeze %dma_start3A_169 : memref<1x80x128xi32, #tpu.memory_space<hbm>> -> memref<80x128xi32, #tpu.memory_space<hbm>>
      tpu.enqueue_dma source(%dma_start3A_170 : memref<80x128xi32, #tpu.memory_space<hbm>>) target(%arg7 : memref<80x128xi32, #tpu.memory_space<vmem>>) target_semaphore(%run_scoped3A : memref<!tpu.dma_semaphore, #tpu.memory_space<semaphore_mem>>)
      %dma_wait3A = arith.constant 0 : i32
      %dma_wait3A_171 = arith.constant 0 : i32
      %dma_wait3A_172 = tpu.memref_slice %arg4[%arg1, %dma_wait3A, %dma_wait3A_171] : memref<16x80x128xi32, #tpu.memory_space<hbm>> -> memref<1x80x128xi32, #tpu.memory_space<hbm>>
      %dma_wait3A_173 = tpu.memref_squeeze %dma_wait3A_172 : memref<1x80x128xi32, #tpu.memory_space<hbm>> -> memref<80x128xi32, #tpu.memory_space<hbm>>
      %dma_wait3A_174 = arith.constant 0 : i32
      %dma_wait3A_175 = arith.constant 0 : i32
      %dma_wait3A_176 = tpu.memref_slice %arg4[%arg1, %dma_wait3A_174, %dma_wait3A_175] : memref<16x80x128xi32, #tpu.memory_space<hbm>> -> memref<1x80x128xi32, #tpu.memory_space<hbm>>
      %dma_wait3A_177 = tpu.memref_squeeze %dma_wait3A_176 : memref<1x80x128xi32, #tpu.memory_space<hbm>> -> memref<80x128xi32, #tpu.memory_space<hbm>>
      tpu.wait_dma2 semaphore(%run_scoped3A : memref<!tpu.dma_semaphore, #tpu.memory_space<semaphore_mem>>) src(%dma_wait3A_177 : memref<80x128xi32, #tpu.memory_space<hbm>>) dst(%arg7 : memref<80x128xi32, #tpu.memory_space<vmem>>)
      tpu.yield
    }) : () -> ()
    %mul3A_1 = arith.constant 2 : i32
    %mul3A_2 = arith.muli %mul3A_1, %arg0 : i32
    %add3A = arith.constant 0 : i32
    %add3A_3 = arith.addi %mul3A_2, %add3A : i32
    %mul3A_4 = arith.constant 10240 : i32
    %mul3A_5 = arith.muli %add3A_3, %mul3A_4 : i32
    %add3A_6 = arith.addi %mul3A_5, %mul3A_0 : i32
    %add3A_7 = arith.constant 0 : i32
    %add3A_8 = arith.addi %add3A_6, %add3A_7 : i32
    "tpu.region"() ({
      %run_scoped3A = tpu.sem_alloc : memref<!tpu.dma_semaphore, #tpu.memory_space<semaphore_mem>>
      %dma_start3A_163 = arith.constant 0 : i32
      %dma_start3A_164 = tpu.memref_slice %arg2[%add3A_8, %dma_start3A_163] : memref<40960x64xf32, #tpu.memory_space<hbm>> -> memref<128x64xf32, #tpu.memory_space<hbm>>
      %dma_start3A_165 = arith.constant 0 : i32
      %dma_start3A_166 = tpu.memref_slice %arg2[%add3A_8, %dma_start3A_165] : memref<40960x64xf32, #tpu.memory_space<hbm>> -> memref<128x64xf32, #tpu.memory_space<hbm>>
      tpu.enqueue_dma source(%dma_start3A_166 : memref<128x64xf32, #tpu.memory_space<hbm>>) target(%arg8 : memref<128x64xf32, #tpu.memory_space<vmem>>) target_semaphore(%run_scoped3A : memref<!tpu.dma_semaphore, #tpu.memory_space<semaphore_mem>>)
      %dma_wait3A = arith.constant 0 : i32
      %dma_wait3A_167 = tpu.memref_slice %arg2[%add3A_8, %dma_wait3A] : memref<40960x64xf32, #tpu.memory_space<hbm>> -> memref<128x64xf32, #tpu.memory_space<hbm>>
      %dma_wait3A_168 = arith.constant 0 : i32
      %dma_wait3A_169 = tpu.memref_slice %arg2[%add3A_8, %dma_wait3A_168] : memref<40960x64xf32, #tpu.memory_space<hbm>> -> memref<128x64xf32, #tpu.memory_space<hbm>>
      tpu.wait_dma2 semaphore(%run_scoped3A : memref<!tpu.dma_semaphore, #tpu.memory_space<semaphore_mem>>) src(%dma_wait3A_169 : memref<128x64xf32, #tpu.memory_space<hbm>>) dst(%arg8 : memref<128x64xf32, #tpu.memory_space<vmem>>)
      tpu.yield
    }) : () -> ()
    %add3A_9 = arith.constant 0 : i32
    %add3A_10 = arith.addi %mul3A_0, %add3A_9 : i32
    "tpu.region"() ({
      %run_scoped3A = tpu.sem_alloc : memref<!tpu.dma_semaphore, #tpu.memory_space<semaphore_mem>>
      %dma_start3A_163 = arith.constant 0 : i32
      %dma_start3A_164 = tpu.memref_slice %arg32[%add3A_10, %dma_start3A_163] : memref<10240x64xf32, #tpu.memory_space<vmem_shared>> -> memref<128x64xf32, #tpu.memory_space<vmem_shared>>
      %dma_start3A_165 = arith.constant 0 : i32
      %dma_start3A_166 = tpu.memref_slice %arg32[%add3A_10, %dma_start3A_165] : memref<10240x64xf32, #tpu.memory_space<vmem_shared>> -> memref<128x64xf32, #tpu.memory_space<vmem_shared>>
      tpu.enqueue_dma source(%arg8 : memref<128x64xf32, #tpu.memory_space<vmem>>) target(%dma_start3A_166 : memref<128x64xf32, #tpu.memory_space<vmem_shared>>) target_semaphore(%run_scoped3A : memref<!tpu.dma_semaphore, #tpu.memory_space<semaphore_mem>>)
      %dma_wait3A = arith.constant 0 : i32
      %dma_wait3A_167 = tpu.memref_slice %arg32[%add3A_10, %dma_wait3A] : memref<10240x64xf32, #tpu.memory_space<vmem_shared>> -> memref<128x64xf32, #tpu.memory_space<vmem_shared>>
      %dma_wait3A_168 = arith.constant 0 : i32
      %dma_wait3A_169 = tpu.memref_slice %arg32[%add3A_10, %dma_wait3A_168] : memref<10240x64xf32, #tpu.memory_space<vmem_shared>> -> memref<128x64xf32, #tpu.memory_space<vmem_shared>>
      tpu.wait_dma2 semaphore(%run_scoped3A : memref<!tpu.dma_semaphore, #tpu.memory_space<semaphore_mem>>) src(%arg8 : memref<128x64xf32, #tpu.memory_space<vmem>>) dst(%dma_wait3A_169 : memref<128x64xf32, #tpu.memory_space<vmem_shared>>)
      tpu.yield
    }) : () -> ()
    %add3A_11 = arith.constant 128 : i32
    %add3A_12 = arith.addi %add3A_6, %add3A_11 : i32
    "tpu.region"() ({
      %run_scoped3A = tpu.sem_alloc : memref<!tpu.dma_semaphore, #tpu.memory_space<semaphore_mem>>
      %dma_start3A_163 = arith.constant 0 : i32
      %dma_start3A_164 = tpu.memref_slice %arg2[%add3A_12, %dma_start3A_163] : memref<40960x64xf32, #tpu.memory_space<hbm>> -> memref<128x64xf32, #tpu.memory_space<hbm>>
      %dma_start3A_165 = arith.constant 0 : i32
      %dma_start3A_166 = tpu.memref_slice %arg2[%add3A_12, %dma_start3A_165] : memref<40960x64xf32, #tpu.memory_space<hbm>> -> memref<128x64xf32, #tpu.memory_space<hbm>>
      tpu.enqueue_dma source(%dma_start3A_166 : memref<128x64xf32, #tpu.memory_space<hbm>>) target(%arg8 : memref<128x64xf32, #tpu.memory_space<vmem>>) target_semaphore(%run_scoped3A : memref<!tpu.dma_semaphore, #tpu.memory_space<semaphore_mem>>)
      %dma_wait3A = arith.constant 0 : i32
      %dma_wait3A_167 = tpu.memref_slice %arg2[%add3A_12, %dma_wait3A] : memref<40960x64xf32, #tpu.memory_space<hbm>> -> memref<128x64xf32, #tpu.memory_space<hbm>>
      %dma_wait3A_168 = arith.constant 0 : i32
      %dma_wait3A_169 = tpu.memref_slice %arg2[%add3A_12, %dma_wait3A_168] : memref<40960x64xf32, #tpu.memory_space<hbm>> -> memref<128x64xf32, #tpu.memory_space<hbm>>
      tpu.wait_dma2 semaphore(%run_scoped3A : memref<!tpu.dma_semaphore, #tpu.memory_space<semaphore_mem>>) src(%dma_wait3A_169 : memref<128x64xf32, #tpu.memory_space<hbm>>) dst(%arg8 : memref<128x64xf32, #tpu.memory_space<vmem>>)
      tpu.yield
    }) : () -> ()
    %add3A_13 = arith.constant 128 : i32
    %add3A_14 = arith.addi %mul3A_0, %add3A_13 : i32
    "tpu.region"() ({
      %run_scoped3A = tpu.sem_alloc : memref<!tpu.dma_semaphore, #tpu.memory_space<semaphore_mem>>
      %dma_start3A_163 = arith.constant 0 : i32
      %dma_start3A_164 = tpu.memref_slice %arg32[%add3A_14, %dma_start3A_163] : memref<10240x64xf32, #tpu.memory_space<vmem_shared>> -> memref<128x64xf32, #tpu.memory_space<vmem_shared>>
      %dma_start3A_165 = arith.constant 0 : i32
      %dma_start3A_166 = tpu.memref_slice %arg32[%add3A_14, %dma_start3A_165] : memref<10240x64xf32, #tpu.memory_space<vmem_shared>> -> memref<128x64xf32, #tpu.memory_space<vmem_shared>>
      tpu.enqueue_dma source(%arg8 : memref<128x64xf32, #tpu.memory_space<vmem>>) target(%dma_start3A_166 : memref<128x64xf32, #tpu.memory_space<vmem_shared>>) target_semaphore(%run_scoped3A : memref<!tpu.dma_semaphore, #tpu.memory_space<semaphore_mem>>)
      %dma_wait3A = arith.constant 0 : i32
      %dma_wait3A_167 = tpu.memref_slice %arg32[%add3A_14, %dma_wait3A] : memref<10240x64xf32, #tpu.memory_space<vmem_shared>> -> memref<128x64xf32, #tpu.memory_space<vmem_shared>>
      %dma_wait3A_168 = arith.constant 0 : i32
      %dma_wait3A_169 = tpu.memref_slice %arg32[%add3A_14, %dma_wait3A_168] : memref<10240x64xf32, #tpu.memory_space<vmem_shared>> -> memref<128x64xf32, #tpu.memory_space<vmem_shared>>
      tpu.wait_dma2 semaphore(%run_scoped3A : memref<!tpu.dma_semaphore, #tpu.memory_space<semaphore_mem>>) src(%arg8 : memref<128x64xf32, #tpu.memory_space<vmem>>) dst(%dma_wait3A_169 : memref<128x64xf32, #tpu.memory_space<vmem_shared>>)
      tpu.yield
    }) : () -> ()
    %add3A_15 = arith.constant 256 : i32
    %add3A_16 = arith.addi %add3A_6, %add3A_15 : i32
    "tpu.region"() ({
      %run_scoped3A = tpu.sem_alloc : memref<!tpu.dma_semaphore, #tpu.memory_space<semaphore_mem>>
      %dma_start3A_163 = arith.constant 0 : i32
      %dma_start3A_164 = tpu.memref_slice %arg2[%add3A_16, %dma_start3A_163] : memref<40960x64xf32, #tpu.memory_space<hbm>> -> memref<128x64xf32, #tpu.memory_space<hbm>>
      %dma_start3A_165 = arith.constant 0 : i32
      %dma_start3A_166 = tpu.memref_slice %arg2[%add3A_16, %dma_start3A_165] : memref<40960x64xf32, #tpu.memory_space<hbm>> -> memref<128x64xf32, #tpu.memory_space<hbm>>
      tpu.enqueue_dma source(%dma_start3A_166 : memref<128x64xf32, #tpu.memory_space<hbm>>) target(%arg8 : memref<128x64xf32, #tpu.memory_space<vmem>>) target_semaphore(%run_scoped3A : memref<!tpu.dma_semaphore, #tpu.memory_space<semaphore_mem>>)
      %dma_wait3A = arith.constant 0 : i32
      %dma_wait3A_167 = tpu.memref_slice %arg2[%add3A_16, %dma_wait3A] : memref<40960x64xf32, #tpu.memory_space<hbm>> -> memref<128x64xf32, #tpu.memory_space<hbm>>
      %dma_wait3A_168 = arith.constant 0 : i32
      %dma_wait3A_169 = tpu.memref_slice %arg2[%add3A_16, %dma_wait3A_168] : memref<40960x64xf32, #tpu.memory_space<hbm>> -> memref<128x64xf32, #tpu.memory_space<hbm>>
      tpu.wait_dma2 semaphore(%run_scoped3A : memref<!tpu.dma_semaphore, #tpu.memory_space<semaphore_mem>>) src(%dma_wait3A_169 : memref<128x64xf32, #tpu.memory_space<hbm>>) dst(%arg8 : memref<128x64xf32, #tpu.memory_space<vmem>>)
      tpu.yield
    }) : () -> ()
    %add3A_17 = arith.constant 256 : i32
    %add3A_18 = arith.addi %mul3A_0, %add3A_17 : i32
    "tpu.region"() ({
      %run_scoped3A = tpu.sem_alloc : memref<!tpu.dma_semaphore, #tpu.memory_space<semaphore_mem>>
      %dma_start3A_163 = arith.constant 0 : i32
      %dma_start3A_164 = tpu.memref_slice %arg32[%add3A_18, %dma_start3A_163] : memref<10240x64xf32, #tpu.memory_space<vmem_shared>> -> memref<128x64xf32, #tpu.memory_space<vmem_shared>>
      %dma_start3A_165 = arith.constant 0 : i32
      %dma_start3A_166 = tpu.memref_slice %arg32[%add3A_18, %dma_start3A_165] : memref<10240x64xf32, #tpu.memory_space<vmem_shared>> -> memref<128x64xf32, #tpu.memory_space<vmem_shared>>
      tpu.enqueue_dma source(%arg8 : memref<128x64xf32, #tpu.memory_space<vmem>>) target(%dma_start3A_166 : memref<128x64xf32, #tpu.memory_space<vmem_shared>>) target_semaphore(%run_scoped3A : memref<!tpu.dma_semaphore, #tpu.memory_space<semaphore_mem>>)
      %dma_wait3A = arith.constant 0 : i32
      %dma_wait3A_167 = tpu.memref_slice %arg32[%add3A_18, %dma_wait3A] : memref<10240x64xf32, #tpu.memory_space<vmem_shared>> -> memref<128x64xf32, #tpu.memory_space<vmem_shared>>
      %dma_wait3A_168 = arith.constant 0 : i32
      %dma_wait3A_169 = tpu.memref_slice %arg32[%add3A_18, %dma_wait3A_168] : memref<10240x64xf32, #tpu.memory_space<vmem_shared>> -> memref<128x64xf32, #tpu.memory_space<vmem_shared>>
      tpu.wait_dma2 semaphore(%run_scoped3A : memref<!tpu.dma_semaphore, #tpu.memory_space<semaphore_mem>>) src(%arg8 : memref<128x64xf32, #tpu.memory_space<vmem>>) dst(%dma_wait3A_169 : memref<128x64xf32, #tpu.memory_space<vmem_shared>>)
      tpu.yield
    }) : () -> ()
    %add3A_19 = arith.constant 384 : i32
    %add3A_20 = arith.addi %add3A_6, %add3A_19 : i32
    "tpu.region"() ({
      %run_scoped3A = tpu.sem_alloc : memref<!tpu.dma_semaphore, #tpu.memory_space<semaphore_mem>>
      %dma_start3A_163 = arith.constant 0 : i32
      %dma_start3A_164 = tpu.memref_slice %arg2[%add3A_20, %dma_start3A_163] : memref<40960x64xf32, #tpu.memory_space<hbm>> -> memref<128x64xf32, #tpu.memory_space<hbm>>
      %dma_start3A_165 = arith.constant 0 : i32
      %dma_start3A_166 = tpu.memref_slice %arg2[%add3A_20, %dma_start3A_165] : memref<40960x64xf32, #tpu.memory_space<hbm>> -> memref<128x64xf32, #tpu.memory_space<hbm>>
      tpu.enqueue_dma source(%dma_start3A_166 : memref<128x64xf32, #tpu.memory_space<hbm>>) target(%arg8 : memref<128x64xf32, #tpu.memory_space<vmem>>) target_semaphore(%run_scoped3A : memref<!tpu.dma_semaphore, #tpu.memory_space<semaphore_mem>>)
      %dma_wait3A = arith.constant 0 : i32
      %dma_wait3A_167 = tpu.memref_slice %arg2[%add3A_20, %dma_wait3A] : memref<40960x64xf32, #tpu.memory_space<hbm>> -> memref<128x64xf32, #tpu.memory_space<hbm>>
      %dma_wait3A_168 = arith.constant 0 : i32
      %dma_wait3A_169 = tpu.memref_slice %arg2[%add3A_20, %dma_wait3A_168] : memref<40960x64xf32, #tpu.memory_space<hbm>> -> memref<128x64xf32, #tpu.memory_space<hbm>>
      tpu.wait_dma2 semaphore(%run_scoped3A : memref<!tpu.dma_semaphore, #tpu.memory_space<semaphore_mem>>) src(%dma_wait3A_169 : memref<128x64xf32, #tpu.memory_space<hbm>>) dst(%arg8 : memref<128x64xf32, #tpu.memory_space<vmem>>)
      tpu.yield
    }) : () -> ()
    %add3A_21 = arith.constant 384 : i32
    %add3A_22 = arith.addi %mul3A_0, %add3A_21 : i32
    "tpu.region"() ({
      %run_scoped3A = tpu.sem_alloc : memref<!tpu.dma_semaphore, #tpu.memory_space<semaphore_mem>>
      %dma_start3A_163 = arith.constant 0 : i32
      %dma_start3A_164 = tpu.memref_slice %arg32[%add3A_22, %dma_start3A_163] : memref<10240x64xf32, #tpu.memory_space<vmem_shared>> -> memref<128x64xf32, #tpu.memory_space<vmem_shared>>
      %dma_start3A_165 = arith.constant 0 : i32
      %dma_start3A_166 = tpu.memref_slice %arg32[%add3A_22, %dma_start3A_165] : memref<10240x64xf32, #tpu.memory_space<vmem_shared>> -> memref<128x64xf32, #tpu.memory_space<vmem_shared>>
      tpu.enqueue_dma source(%arg8 : memref<128x64xf32, #tpu.memory_space<vmem>>) target(%dma_start3A_166 : memref<128x64xf32, #tpu.memory_space<vmem_shared>>) target_semaphore(%run_scoped3A : memref<!tpu.dma_semaphore, #tpu.memory_space<semaphore_mem>>)
      %dma_wait3A = arith.constant 0 : i32
      %dma_wait3A_167 = tpu.memref_slice %arg32[%add3A_22, %dma_wait3A] : memref<10240x64xf32, #tpu.memory_space<vmem_shared>> -> memref<128x64xf32, #tpu.memory_space<vmem_shared>>
      %dma_wait3A_168 = arith.constant 0 : i32
      %dma_wait3A_169 = tpu.memref_slice %arg32[%add3A_22, %dma_wait3A_168] : memref<10240x64xf32, #tpu.memory_space<vmem_shared>> -> memref<128x64xf32, #tpu.memory_space<vmem_shared>>
      tpu.wait_dma2 semaphore(%run_scoped3A : memref<!tpu.dma_semaphore, #tpu.memory_space<semaphore_mem>>) src(%arg8 : memref<128x64xf32, #tpu.memory_space<vmem>>) dst(%dma_wait3A_169 : memref<128x64xf32, #tpu.memory_space<vmem_shared>>)
      tpu.yield
    }) : () -> ()
    %add3A_23 = arith.constant 512 : i32
    %add3A_24 = arith.addi %add3A_6, %add3A_23 : i32
    "tpu.region"() ({
      %run_scoped3A = tpu.sem_alloc : memref<!tpu.dma_semaphore, #tpu.memory_space<semaphore_mem>>
      %dma_start3A_163 = arith.constant 0 : i32
      %dma_start3A_164 = tpu.memref_slice %arg2[%add3A_24, %dma_start3A_163] : memref<40960x64xf32, #tpu.memory_space<hbm>> -> memref<128x64xf32, #tpu.memory_space<hbm>>
      %dma_start3A_165 = arith.constant 0 : i32
      %dma_start3A_166 = tpu.memref_slice %arg2[%add3A_24, %dma_start3A_165] : memref<40960x64xf32, #tpu.memory_space<hbm>> -> memref<128x64xf32, #tpu.memory_space<hbm>>
      tpu.enqueue_dma source(%dma_start3A_166 : memref<128x64xf32, #tpu.memory_space<hbm>>) target(%arg8 : memref<128x64xf32, #tpu.memory_space<vmem>>) target_semaphore(%run_scoped3A : memref<!tpu.dma_semaphore, #tpu.memory_space<semaphore_mem>>)
      %dma_wait3A = arith.constant 0 : i32
      %dma_wait3A_167 = tpu.memref_slice %arg2[%add3A_24, %dma_wait3A] : memref<40960x64xf32, #tpu.memory_space<hbm>> -> memref<128x64xf32, #tpu.memory_space<hbm>>
      %dma_wait3A_168 = arith.constant 0 : i32
      %dma_wait3A_169 = tpu.memref_slice %arg2[%add3A_24, %dma_wait3A_168] : memref<40960x64xf32, #tpu.memory_space<hbm>> -> memref<128x64xf32, #tpu.memory_space<hbm>>
      tpu.wait_dma2 semaphore(%run_scoped3A : memref<!tpu.dma_semaphore, #tpu.memory_space<semaphore_mem>>) src(%dma_wait3A_169 : memref<128x64xf32, #tpu.memory_space<hbm>>) dst(%arg8 : memref<128x64xf32, #tpu.memory_space<vmem>>)
      tpu.yield
    }) : () -> ()
    %add3A_25 = arith.constant 512 : i32
    %add3A_26 = arith.addi %mul3A_0, %add3A_25 : i32
    "tpu.region"() ({
      %run_scoped3A = tpu.sem_alloc : memref<!tpu.dma_semaphore, #tpu.memory_space<semaphore_mem>>
      %dma_start3A_163 = arith.constant 0 : i32
      %dma_start3A_164 = tpu.memref_slice %arg32[%add3A_26, %dma_start3A_163] : memref<10240x64xf32, #tpu.memory_space<vmem_shared>> -> memref<128x64xf32, #tpu.memory_space<vmem_shared>>
      %dma_start3A_165 = arith.constant 0 : i32
      %dma_start3A_166 = tpu.memref_slice %arg32[%add3A_26, %dma_start3A_165] : memref<10240x64xf32, #tpu.memory_space<vmem_shared>> -> memref<128x64xf32, #tpu.memory_space<vmem_shared>>
      tpu.enqueue_dma source(%arg8 : memref<128x64xf32, #tpu.memory_space<vmem>>) target(%dma_start3A_166 : memref<128x64xf32, #tpu.memory_space<vmem_shared>>) target_semaphore(%run_scoped3A : memref<!tpu.dma_semaphore, #tpu.memory_space<semaphore_mem>>)
      %dma_wait3A = arith.constant 0 : i32
      %dma_wait3A_167 = tpu.memref_slice %arg32[%add3A_26, %dma_wait3A] : memref<10240x64xf32, #tpu.memory_space<vmem_shared>> -> memref<128x64xf32, #tpu.memory_space<vmem_shared>>
      %dma_wait3A_168 = arith.constant 0 : i32
      %dma_wait3A_169 = tpu.memref_slice %arg32[%add3A_26, %dma_wait3A_168] : memref<10240x64xf32, #tpu.memory_space<vmem_shared>> -> memref<128x64xf32, #tpu.memory_space<vmem_shared>>
      tpu.wait_dma2 semaphore(%run_scoped3A : memref<!tpu.dma_semaphore, #tpu.memory_space<semaphore_mem>>) src(%arg8 : memref<128x64xf32, #tpu.memory_space<vmem>>) dst(%dma_wait3A_169 : memref<128x64xf32, #tpu.memory_space<vmem_shared>>)
      tpu.yield
    }) : () -> ()
    "tpu.region"() ({
      %run_scoped3A = tpu.sem_alloc : memref<!tpu.dma_semaphore, #tpu.memory_space<semaphore_mem>>
      %dma_start3A_163 = arith.constant 0 : i32
      %dma_start3A_164 = arith.constant 0 : i32
      %dma_start3A_165 = tpu.memref_slice %arg3[%add3A_3, %arg1, %dma_start3A_163, %dma_start3A_164] : memref<4x16x80x128xi32, #tpu.memory_space<hbm>> -> memref<1x1x80x128xi32, #tpu.memory_space<hbm>>
      %dma_start3A_166 = tpu.memref_squeeze %dma_start3A_165 : memref<1x1x80x128xi32, #tpu.memory_space<hbm>> -> memref<80x128xi32, #tpu.memory_space<hbm>>
      %dma_start3A_167 = arith.constant 0 : i32
      %dma_start3A_168 = arith.constant 0 : i32
      %dma_start3A_169 = tpu.memref_slice %arg3[%add3A_3, %arg1, %dma_start3A_167, %dma_start3A_168] : memref<4x16x80x128xi32, #tpu.memory_space<hbm>> -> memref<1x1x80x128xi32, #tpu.memory_space<hbm>>
      %dma_start3A_170 = tpu.memref_squeeze %dma_start3A_169 : memref<1x1x80x128xi32, #tpu.memory_space<hbm>> -> memref<80x128xi32, #tpu.memory_space<hbm>>
      tpu.enqueue_dma source(%dma_start3A_170 : memref<80x128xi32, #tpu.memory_space<hbm>>) target(%arg6 : memref<80x128xi32, #tpu.memory_space<vmem>>) target_semaphore(%run_scoped3A : memref<!tpu.dma_semaphore, #tpu.memory_space<semaphore_mem>>)
      %dma_wait3A = arith.constant 0 : i32
      %dma_wait3A_171 = arith.constant 0 : i32
      %dma_wait3A_172 = tpu.memref_slice %arg3[%add3A_3, %arg1, %dma_wait3A, %dma_wait3A_171] : memref<4x16x80x128xi32, #tpu.memory_space<hbm>> -> memref<1x1x80x128xi32, #tpu.memory_space<hbm>>
      %dma_wait3A_173 = tpu.memref_squeeze %dma_wait3A_172 : memref<1x1x80x128xi32, #tpu.memory_space<hbm>> -> memref<80x128xi32, #tpu.memory_space<hbm>>
      %dma_wait3A_174 = arith.constant 0 : i32
      %dma_wait3A_175 = arith.constant 0 : i32
      %dma_wait3A_176 = tpu.memref_slice %arg3[%add3A_3, %arg1, %dma_wait3A_174, %dma_wait3A_175] : memref<4x16x80x128xi32, #tpu.memory_space<hbm>> -> memref<1x1x80x128xi32, #tpu.memory_space<hbm>>
      %dma_wait3A_177 = tpu.memref_squeeze %dma_wait3A_176 : memref<1x1x80x128xi32, #tpu.memory_space<hbm>> -> memref<80x128xi32, #tpu.memory_space<hbm>>
      tpu.wait_dma2 semaphore(%run_scoped3A : memref<!tpu.dma_semaphore, #tpu.memory_space<semaphore_mem>>) src(%dma_wait3A_177 : memref<80x128xi32, #tpu.memory_space<hbm>>) dst(%arg6 : memref<80x128xi32, #tpu.memory_space<vmem>>)
      tpu.yield
    }) : () -> ()
    %barrier3A = arith.constant 0 : index
    tpu.barrier barrier_id(%barrier3A)
    %dma_start3A = arith.constant 0 : i32
    %dma_start3A_27 = arith.constant 0 : i32
    %dma_start3A_28 = tpu.memref_slice %arg6[%dma_start3A, %dma_start3A_27] : memref<80x128xi32, #tpu.memory_space<vmem>> -> memref<1x128xi32, #tpu.memory_space<vmem>>
    %dma_start3A_29 = tpu.memref_squeeze %dma_start3A_28 : memref<1x128xi32, #tpu.memory_space<vmem>> -> memref<128xi32, #tpu.memory_space<vmem>>
    %dma_start3A_30 = arith.constant 0 : i32
    %dma_start3A_31 = arith.constant 0 : i32
    %dma_start3A_32 = tpu.memref_slice %arg2[%dma_start3A_30, %dma_start3A_31] : memref<40960x64xf32, #tpu.memory_space<hbm>> -> memref<40960x64xf32, #tpu.memory_space<hbm>>
    tpu.enqueue_indirect_dma source(%dma_start3A_32 : memref<40960x64xf32, #tpu.memory_space<hbm>>) target(%arg8 : memref<128x64xf32, #tpu.memory_space<vmem>>) offsets(%dma_start3A_29 : memref<128xi32, #tpu.memory_space<vmem>>) semaphore(%arg16 : memref<!tpu.dma_semaphore, #tpu.memory_space<semaphore_mem>>)
    %dma_start3A_33 = arith.constant 1 : i32
    %dma_start3A_34 = arith.constant 0 : i32
    %dma_start3A_35 = tpu.memref_slice %arg6[%dma_start3A_33, %dma_start3A_34] : memref<80x128xi32, #tpu.memory_space<vmem>> -> memref<1x128xi32, #tpu.memory_space<vmem>>
    %dma_start3A_36 = tpu.memref_squeeze %dma_start3A_35 : memref<1x128xi32, #tpu.memory_space<vmem>> -> memref<128xi32, #tpu.memory_space<vmem>>
    %dma_start3A_37 = arith.constant 0 : i32
    %dma_start3A_38 = arith.constant 0 : i32
    %dma_start3A_39 = tpu.memref_slice %arg2[%dma_start3A_37, %dma_start3A_38] : memref<40960x64xf32, #tpu.memory_space<hbm>> -> memref<40960x64xf32, #tpu.memory_space<hbm>>
    tpu.enqueue_indirect_dma source(%dma_start3A_39 : memref<40960x64xf32, #tpu.memory_space<hbm>>) target(%arg9 : memref<128x64xf32, #tpu.memory_space<vmem>>) offsets(%dma_start3A_36 : memref<128xi32, #tpu.memory_space<vmem>>) semaphore(%arg17 : memref<!tpu.dma_semaphore, #tpu.memory_space<semaphore_mem>>)
    %dma_start3A_40 = arith.constant 2 : i32
    %dma_start3A_41 = arith.constant 0 : i32
    %dma_start3A_42 = tpu.memref_slice %arg6[%dma_start3A_40, %dma_start3A_41] : memref<80x128xi32, #tpu.memory_space<vmem>> -> memref<1x128xi32, #tpu.memory_space<vmem>>
    %dma_start3A_43 = tpu.memref_squeeze %dma_start3A_42 : memref<1x128xi32, #tpu.memory_space<vmem>> -> memref<128xi32, #tpu.memory_space<vmem>>
    %dma_start3A_44 = arith.constant 0 : i32
    %dma_start3A_45 = arith.constant 0 : i32
    %dma_start3A_46 = tpu.memref_slice %arg2[%dma_start3A_44, %dma_start3A_45] : memref<40960x64xf32, #tpu.memory_space<hbm>> -> memref<40960x64xf32, #tpu.memory_space<hbm>>
    tpu.enqueue_indirect_dma source(%dma_start3A_46 : memref<40960x64xf32, #tpu.memory_space<hbm>>) target(%arg10 : memref<128x64xf32, #tpu.memory_space<vmem>>) offsets(%dma_start3A_43 : memref<128xi32, #tpu.memory_space<vmem>>) semaphore(%arg18 : memref<!tpu.dma_semaphore, #tpu.memory_space<semaphore_mem>>)
    %dma_start3A_47 = arith.constant 3 : i32
    %dma_start3A_48 = arith.constant 0 : i32
    %dma_start3A_49 = tpu.memref_slice %arg6[%dma_start3A_47, %dma_start3A_48] : memref<80x128xi32, #tpu.memory_space<vmem>> -> memref<1x128xi32, #tpu.memory_space<vmem>>
    %dma_start3A_50 = tpu.memref_squeeze %dma_start3A_49 : memref<1x128xi32, #tpu.memory_space<vmem>> -> memref<128xi32, #tpu.memory_space<vmem>>
    %dma_start3A_51 = arith.constant 0 : i32
    %dma_start3A_52 = arith.constant 0 : i32
    %dma_start3A_53 = tpu.memref_slice %arg2[%dma_start3A_51, %dma_start3A_52] : memref<40960x64xf32, #tpu.memory_space<hbm>> -> memref<40960x64xf32, #tpu.memory_space<hbm>>
    tpu.enqueue_indirect_dma source(%dma_start3A_53 : memref<40960x64xf32, #tpu.memory_space<hbm>>) target(%arg11 : memref<128x64xf32, #tpu.memory_space<vmem>>) offsets(%dma_start3A_50 : memref<128xi32, #tpu.memory_space<vmem>>) semaphore(%arg19 : memref<!tpu.dma_semaphore, #tpu.memory_space<semaphore_mem>>)
    %scan3A = arith.constant 0 : i32
    %scan3A_54 = arith.constant 0 : i32
    %scan3A_55 = arith.constant 10 : i32
    %scan3A_56 = arith.addi %scan3A_54, %scan3A_55 : i32
    %scan3A_57 = arith.constant 1 : i32
    scf.for %scan3A_163 = %scan3A_54 to %scan3A_56 step %scan3A_57  : i32 {
      %mul3A_164 = arith.constant 8 : i32
      %mul3A_165 = arith.muli %scan3A_163, %mul3A_164 : i32
      %add3A_166 = arith.constant 4 : i32
      %add3A_167 = arith.addi %mul3A_165, %add3A_166 : i32
      %add3A_168 = arith.constant 0 : i32
      %add3A_169 = arith.addi %add3A_167, %add3A_168 : i32
      %dma_start3A_170 = arith.constant 0 : i32
      %dma_start3A_171 = tpu.memref_slice %arg6[%add3A_169, %dma_start3A_170] : memref<80x128xi32, #tpu.memory_space<vmem>> -> memref<1x128xi32, #tpu.memory_space<vmem>>
      %dma_start3A_172 = tpu.memref_squeeze %dma_start3A_171 : memref<1x128xi32, #tpu.memory_space<vmem>> -> memref<128xi32, #tpu.memory_space<vmem>>
      %dma_start3A_173 = arith.constant 0 : i32
      %dma_start3A_174 = arith.constant 0 : i32
      %dma_start3A_175 = tpu.memref_slice %arg2[%dma_start3A_173, %dma_start3A_174] : memref<40960x64xf32, #tpu.memory_space<hbm>> -> memref<40960x64xf32, #tpu.memory_space<hbm>>
      tpu.enqueue_indirect_dma source(%dma_start3A_175 : memref<40960x64xf32, #tpu.memory_space<hbm>>) target(%arg12 : memref<128x64xf32, #tpu.memory_space<vmem>>) offsets(%dma_start3A_172 : memref<128xi32, #tpu.memory_space<vmem>>) semaphore(%arg20 : memref<!tpu.dma_semaphore, #tpu.memory_space<semaphore_mem>>)
      %add3A_176 = arith.constant 1 : i32
      %add3A_177 = arith.addi %add3A_167, %add3A_176 : i32
      %dma_start3A_178 = arith.constant 0 : i32
      %dma_start3A_179 = tpu.memref_slice %arg6[%add3A_177, %dma_start3A_178] : memref<80x128xi32, #tpu.memory_space<vmem>> -> memref<1x128xi32, #tpu.memory_space<vmem>>
      %dma_start3A_180 = tpu.memref_squeeze %dma_start3A_179 : memref<1x128xi32, #tpu.memory_space<vmem>> -> memref<128xi32, #tpu.memory_space<vmem>>
      %dma_start3A_181 = arith.constant 0 : i32
      %dma_start3A_182 = arith.constant 0 : i32
      %dma_start3A_183 = tpu.memref_slice %arg2[%dma_start3A_181, %dma_start3A_182] : memref<40960x64xf32, #tpu.memory_space<hbm>> -> memref<40960x64xf32, #tpu.memory_space<hbm>>
      tpu.enqueue_indirect_dma source(%dma_start3A_183 : memref<40960x64xf32, #tpu.memory_space<hbm>>) target(%arg13 : memref<128x64xf32, #tpu.memory_space<vmem>>) offsets(%dma_start3A_180 : memref<128xi32, #tpu.memory_space<vmem>>) semaphore(%arg21 : memref<!tpu.dma_semaphore, #tpu.memory_space<semaphore_mem>>)
      %add3A_184 = arith.constant 2 : i32
      %add3A_185 = arith.addi %add3A_167, %add3A_184 : i32
      %dma_start3A_186 = arith.constant 0 : i32
      %dma_start3A_187 = tpu.memref_slice %arg6[%add3A_185, %dma_start3A_186] : memref<80x128xi32, #tpu.memory_space<vmem>> -> memref<1x128xi32, #tpu.memory_space<vmem>>
      %dma_start3A_188 = tpu.memref_squeeze %dma_start3A_187 : memref<1x128xi32, #tpu.memory_space<vmem>> -> memref<128xi32, #tpu.memory_space<vmem>>
      %dma_start3A_189 = arith.constant 0 : i32
      %dma_start3A_190 = arith.constant 0 : i32
      %dma_start3A_191 = tpu.memref_slice %arg2[%dma_start3A_189, %dma_start3A_190] : memref<40960x64xf32, #tpu.memory_space<hbm>> -> memref<40960x64xf32, #tpu.memory_space<hbm>>
      tpu.enqueue_indirect_dma source(%dma_start3A_191 : memref<40960x64xf32, #tpu.memory_space<hbm>>) target(%arg14 : memref<128x64xf32, #tpu.memory_space<vmem>>) offsets(%dma_start3A_188 : memref<128xi32, #tpu.memory_space<vmem>>) semaphore(%arg22 : memref<!tpu.dma_semaphore, #tpu.memory_space<semaphore_mem>>)
      %add3A_192 = arith.constant 3 : i32
      %add3A_193 = arith.addi %add3A_167, %add3A_192 : i32
      %dma_start3A_194 = arith.constant 0 : i32
      %dma_start3A_195 = tpu.memref_slice %arg6[%add3A_193, %dma_start3A_194] : memref<80x128xi32, #tpu.memory_space<vmem>> -> memref<1x128xi32, #tpu.memory_space<vmem>>
      %dma_start3A_196 = tpu.memref_squeeze %dma_start3A_195 : memref<1x128xi32, #tpu.memory_space<vmem>> -> memref<128xi32, #tpu.memory_space<vmem>>
      %dma_start3A_197 = arith.constant 0 : i32
      %dma_start3A_198 = arith.constant 0 : i32
      %dma_start3A_199 = tpu.memref_slice %arg2[%dma_start3A_197, %dma_start3A_198] : memref<40960x64xf32, #tpu.memory_space<hbm>> -> memref<40960x64xf32, #tpu.memory_space<hbm>>
      tpu.enqueue_indirect_dma source(%dma_start3A_199 : memref<40960x64xf32, #tpu.memory_space<hbm>>) target(%arg15 : memref<128x64xf32, #tpu.memory_space<vmem>>) offsets(%dma_start3A_196 : memref<128xi32, #tpu.memory_space<vmem>>) semaphore(%arg23 : memref<!tpu.dma_semaphore, #tpu.memory_space<semaphore_mem>>)
      %add3A_200 = arith.constant 0 : i32
      %add3A_201 = arith.addi %mul3A_165, %add3A_200 : i32
      %dma_wait3A = arith.constant 0 : i32
      %dma_wait3A_202 = tpu.memref_slice %arg6[%add3A_201, %dma_wait3A] : memref<80x128xi32, #tpu.memory_space<vmem>> -> memref<1x128xi32, #tpu.memory_space<vmem>>
      %dma_wait3A_203 = tpu.memref_squeeze %dma_wait3A_202 : memref<1x128xi32, #tpu.memory_space<vmem>> -> memref<128xi32, #tpu.memory_space<vmem>>
      %dma_wait3A_204 = arith.constant 0 : i32
      %dma_wait3A_205 = arith.constant 0 : i32
      %dma_wait3A_206 = tpu.memref_slice %arg2[%dma_wait3A_204, %dma_wait3A_205] : memref<40960x64xf32, #tpu.memory_space<hbm>> -> memref<40960x64xf32, #tpu.memory_space<hbm>>
      tpu.wait_indirect_dma semaphore(%arg16 : memref<!tpu.dma_semaphore, #tpu.memory_space<semaphore_mem>>) src(%dma_wait3A_206 : memref<40960x64xf32, #tpu.memory_space<hbm>>) dst(%arg8 : memref<128x64xf32, #tpu.memory_space<vmem>>)
      %add3A_207 = arith.constant 0 : i32
      %add3A_208 = arith.addi %mul3A_165, %add3A_207 : i32
      %dma_start3A_209 = arith.constant 0 : i32
      %dma_start3A_210 = tpu.memref_slice %arg7[%add3A_208, %dma_start3A_209] : memref<80x128xi32, #tpu.memory_space<vmem>> -> memref<1x128xi32, #tpu.memory_space<vmem>>
      %dma_start3A_211 = tpu.memref_squeeze %dma_start3A_210 : memref<1x128xi32, #tpu.memory_space<vmem>> -> memref<128xi32, #tpu.memory_space<vmem>>
      %dma_start3A_212 = arith.constant 0 : i32
      %dma_start3A_213 = arith.constant 0 : i32
      %dma_start3A_214 = tpu.memref_slice %arg32[%dma_start3A_212, %dma_start3A_213] : memref<10240x64xf32, #tpu.memory_space<vmem_shared>> -> memref<10240x64xf32, #tpu.memory_space<vmem_shared>>
      tpu.enqueue_indirect_dma source(%arg8 : memref<128x64xf32, #tpu.memory_space<vmem>>) target(%dma_start3A_214 : memref<10240x64xf32, #tpu.memory_space<vmem_shared>>) offsets(%dma_start3A_211 : memref<128xi32, #tpu.memory_space<vmem>>) semaphore(%arg24 : memref<!tpu.dma_semaphore, #tpu.memory_space<semaphore_mem>>) {add = true}
      %add3A_215 = arith.constant 1 : i32
      %add3A_216 = arith.addi %mul3A_165, %add3A_215 : i32
      %dma_wait3A_217 = arith.constant 0 : i32
      %dma_wait3A_218 = tpu.memref_slice %arg6[%add3A_216, %dma_wait3A_217] : memref<80x128xi32, #tpu.memory_space<vmem>> -> memref<1x128xi32, #tpu.memory_space<vmem>>
      %dma_wait3A_219 = tpu.memref_squeeze %dma_wait3A_218 : memref<1x128xi32, #tpu.memory_space<vmem>> -> memref<128xi32, #tpu.memory_space<vmem>>
      %dma_wait3A_220 = arith.constant 0 : i32
      %dma_wait3A_221 = arith.constant 0 : i32
      %dma_wait3A_222 = tpu.memref_slice %arg2[%dma_wait3A_220, %dma_wait3A_221] : memref<40960x64xf32, #tpu.memory_space<hbm>> -> memref<40960x64xf32, #tpu.memory_space<hbm>>
      tpu.wait_indirect_dma semaphore(%arg17 : memref<!tpu.dma_semaphore, #tpu.memory_space<semaphore_mem>>) src(%dma_wait3A_222 : memref<40960x64xf32, #tpu.memory_space<hbm>>) dst(%arg9 : memref<128x64xf32, #tpu.memory_space<vmem>>)
      %add3A_223 = arith.constant 1 : i32
      %add3A_224 = arith.addi %mul3A_165, %add3A_223 : i32
      %dma_start3A_225 = arith.constant 0 : i32
      %dma_start3A_226 = tpu.memref_slice %arg7[%add3A_224, %dma_start3A_225] : memref<80x128xi32, #tpu.memory_space<vmem>> -> memref<1x128xi32, #tpu.memory_space<vmem>>
      %dma_start3A_227 = tpu.memref_squeeze %dma_start3A_226 : memref<1x128xi32, #tpu.memory_space<vmem>> -> memref<128xi32, #tpu.memory_space<vmem>>
      %dma_start3A_228 = arith.constant 0 : i32
      %dma_start3A_229 = arith.constant 0 : i32
      %dma_start3A_230 = tpu.memref_slice %arg32[%dma_start3A_228, %dma_start3A_229] : memref<10240x64xf32, #tpu.memory_space<vmem_shared>> -> memref<10240x64xf32, #tpu.memory_space<vmem_shared>>
      tpu.enqueue_indirect_dma source(%arg9 : memref<128x64xf32, #tpu.memory_space<vmem>>) target(%dma_start3A_230 : memref<10240x64xf32, #tpu.memory_space<vmem_shared>>) offsets(%dma_start3A_227 : memref<128xi32, #tpu.memory_space<vmem>>) semaphore(%arg25 : memref<!tpu.dma_semaphore, #tpu.memory_space<semaphore_mem>>) {add = true}
      %add3A_231 = arith.constant 2 : i32
      %add3A_232 = arith.addi %mul3A_165, %add3A_231 : i32
      %dma_wait3A_233 = arith.constant 0 : i32
      %dma_wait3A_234 = tpu.memref_slice %arg6[%add3A_232, %dma_wait3A_233] : memref<80x128xi32, #tpu.memory_space<vmem>> -> memref<1x128xi32, #tpu.memory_space<vmem>>
      %dma_wait3A_235 = tpu.memref_squeeze %dma_wait3A_234 : memref<1x128xi32, #tpu.memory_space<vmem>> -> memref<128xi32, #tpu.memory_space<vmem>>
      %dma_wait3A_236 = arith.constant 0 : i32
      %dma_wait3A_237 = arith.constant 0 : i32
      %dma_wait3A_238 = tpu.memref_slice %arg2[%dma_wait3A_236, %dma_wait3A_237] : memref<40960x64xf32, #tpu.memory_space<hbm>> -> memref<40960x64xf32, #tpu.memory_space<hbm>>
      tpu.wait_indirect_dma semaphore(%arg18 : memref<!tpu.dma_semaphore, #tpu.memory_space<semaphore_mem>>) src(%dma_wait3A_238 : memref<40960x64xf32, #tpu.memory_space<hbm>>) dst(%arg10 : memref<128x64xf32, #tpu.memory_space<vmem>>)
      %add3A_239 = arith.constant 2 : i32
      %add3A_240 = arith.addi %mul3A_165, %add3A_239 : i32
      %dma_start3A_241 = arith.constant 0 : i32
      %dma_start3A_242 = tpu.memref_slice %arg7[%add3A_240, %dma_start3A_241] : memref<80x128xi32, #tpu.memory_space<vmem>> -> memref<1x128xi32, #tpu.memory_space<vmem>>
      %dma_start3A_243 = tpu.memref_squeeze %dma_start3A_242 : memref<1x128xi32, #tpu.memory_space<vmem>> -> memref<128xi32, #tpu.memory_space<vmem>>
      %dma_start3A_244 = arith.constant 0 : i32
      %dma_start3A_245 = arith.constant 0 : i32
      %dma_start3A_246 = tpu.memref_slice %arg32[%dma_start3A_244, %dma_start3A_245] : memref<10240x64xf32, #tpu.memory_space<vmem_shared>> -> memref<10240x64xf32, #tpu.memory_space<vmem_shared>>
      tpu.enqueue_indirect_dma source(%arg10 : memref<128x64xf32, #tpu.memory_space<vmem>>) target(%dma_start3A_246 : memref<10240x64xf32, #tpu.memory_space<vmem_shared>>) offsets(%dma_start3A_243 : memref<128xi32, #tpu.memory_space<vmem>>) semaphore(%arg26 : memref<!tpu.dma_semaphore, #tpu.memory_space<semaphore_mem>>) {add = true}
      %add3A_247 = arith.constant 3 : i32
      %add3A_248 = arith.addi %mul3A_165, %add3A_247 : i32
      %dma_wait3A_249 = arith.constant 0 : i32
      %dma_wait3A_250 = tpu.memref_slice %arg6[%add3A_248, %dma_wait3A_249] : memref<80x128xi32, #tpu.memory_space<vmem>> -> memref<1x128xi32, #tpu.memory_space<vmem>>
      %dma_wait3A_251 = tpu.memref_squeeze %dma_wait3A_250 : memref<1x128xi32, #tpu.memory_space<vmem>> -> memref<128xi32, #tpu.memory_space<vmem>>
      %dma_wait3A_252 = arith.constant 0 : i32
      %dma_wait3A_253 = arith.constant 0 : i32
      %dma_wait3A_254 = tpu.memref_slice %arg2[%dma_wait3A_252, %dma_wait3A_253] : memref<40960x64xf32, #tpu.memory_space<hbm>> -> memref<40960x64xf32, #tpu.memory_space<hbm>>
      tpu.wait_indirect_dma semaphore(%arg19 : memref<!tpu.dma_semaphore, #tpu.memory_space<semaphore_mem>>) src(%dma_wait3A_254 : memref<40960x64xf32, #tpu.memory_space<hbm>>) dst(%arg11 : memref<128x64xf32, #tpu.memory_space<vmem>>)
      %add3A_255 = arith.constant 3 : i32
      %add3A_256 = arith.addi %mul3A_165, %add3A_255 : i32
      %dma_start3A_257 = arith.constant 0 : i32
      %dma_start3A_258 = tpu.memref_slice %arg7[%add3A_256, %dma_start3A_257] : memref<80x128xi32, #tpu.memory_space<vmem>> -> memref<1x128xi32, #tpu.memory_space<vmem>>
      %dma_start3A_259 = tpu.memref_squeeze %dma_start3A_258 : memref<1x128xi32, #tpu.memory_space<vmem>> -> memref<128xi32, #tpu.memory_space<vmem>>
      %dma_start3A_260 = arith.constant 0 : i32
      %dma_start3A_261 = arith.constant 0 : i32
      %dma_start3A_262 = tpu.memref_slice %arg32[%dma_start3A_260, %dma_start3A_261] : memref<10240x64xf32, #tpu.memory_space<vmem_shared>> -> memref<10240x64xf32, #tpu.memory_space<vmem_shared>>
      tpu.enqueue_indirect_dma source(%arg11 : memref<128x64xf32, #tpu.memory_space<vmem>>) target(%dma_start3A_262 : memref<10240x64xf32, #tpu.memory_space<vmem_shared>>) offsets(%dma_start3A_259 : memref<128xi32, #tpu.memory_space<vmem>>) semaphore(%arg27 : memref<!tpu.dma_semaphore, #tpu.memory_space<semaphore_mem>>) {add = true}
      %dma_wait3A_263 = arith.constant 0 : i32
      %dma_wait3A_264 = tpu.memref_slice %arg7[%add3A_208, %dma_wait3A_263] : memref<80x128xi32, #tpu.memory_space<vmem>> -> memref<1x128xi32, #tpu.memory_space<vmem>>
      %dma_wait3A_265 = tpu.memref_squeeze %dma_wait3A_264 : memref<1x128xi32, #tpu.memory_space<vmem>> -> memref<128xi32, #tpu.memory_space<vmem>>
      %dma_wait3A_266 = arith.constant 0 : i32
      %dma_wait3A_267 = arith.constant 0 : i32
      %dma_wait3A_268 = tpu.memref_slice %arg32[%dma_wait3A_266, %dma_wait3A_267] : memref<10240x64xf32, #tpu.memory_space<vmem_shared>> -> memref<10240x64xf32, #tpu.memory_space<vmem_shared>>
      tpu.wait_indirect_dma semaphore(%arg24 : memref<!tpu.dma_semaphore, #tpu.memory_space<semaphore_mem>>) src(%arg8 : memref<128x64xf32, #tpu.memory_space<vmem>>) dst(%dma_wait3A_268 : memref<10240x64xf32, #tpu.memory_space<vmem_shared>>)
      %dma_wait3A_269 = arith.constant 0 : i32
      %dma_wait3A_270 = tpu.memref_slice %arg7[%add3A_224, %dma_wait3A_269] : memref<80x128xi32, #tpu.memory_space<vmem>> -> memref<1x128xi32, #tpu.memory_space<vmem>>
      %dma_wait3A_271 = tpu.memref_squeeze %dma_wait3A_270 : memref<1x128xi32, #tpu.memory_space<vmem>> -> memref<128xi32, #tpu.memory_space<vmem>>
      %dma_wait3A_272 = arith.constant 0 : i32
      %dma_wait3A_273 = arith.constant 0 : i32
      %dma_wait3A_274 = tpu.memref_slice %arg32[%dma_wait3A_272, %dma_wait3A_273] : memref<10240x64xf32, #tpu.memory_space<vmem_shared>> -> memref<10240x64xf32, #tpu.memory_space<vmem_shared>>
      tpu.wait_indirect_dma semaphore(%arg25 : memref<!tpu.dma_semaphore, #tpu.memory_space<semaphore_mem>>) src(%arg9 : memref<128x64xf32, #tpu.memory_space<vmem>>) dst(%dma_wait3A_274 : memref<10240x64xf32, #tpu.memory_space<vmem_shared>>)
      %dma_wait3A_275 = arith.constant 0 : i32
      %dma_wait3A_276 = tpu.memref_slice %arg7[%add3A_240, %dma_wait3A_275] : memref<80x128xi32, #tpu.memory_space<vmem>> -> memref<1x128xi32, #tpu.memory_space<vmem>>
      %dma_wait3A_277 = tpu.memref_squeeze %dma_wait3A_276 : memref<1x128xi32, #tpu.memory_space<vmem>> -> memref<128xi32, #tpu.memory_space<vmem>>
      %dma_wait3A_278 = arith.constant 0 : i32
      %dma_wait3A_279 = arith.constant 0 : i32
      %dma_wait3A_280 = tpu.memref_slice %arg32[%dma_wait3A_278, %dma_wait3A_279] : memref<10240x64xf32, #tpu.memory_space<vmem_shared>> -> memref<10240x64xf32, #tpu.memory_space<vmem_shared>>
      tpu.wait_indirect_dma semaphore(%arg26 : memref<!tpu.dma_semaphore, #tpu.memory_space<semaphore_mem>>) src(%arg10 : memref<128x64xf32, #tpu.memory_space<vmem>>) dst(%dma_wait3A_280 : memref<10240x64xf32, #tpu.memory_space<vmem_shared>>)
      %dma_wait3A_281 = arith.constant 0 : i32
      %dma_wait3A_282 = tpu.memref_slice %arg7[%add3A_256, %dma_wait3A_281] : memref<80x128xi32, #tpu.memory_space<vmem>> -> memref<1x128xi32, #tpu.memory_space<vmem>>
      %dma_wait3A_283 = tpu.memref_squeeze %dma_wait3A_282 : memref<1x128xi32, #tpu.memory_space<vmem>> -> memref<128xi32, #tpu.memory_space<vmem>>
      %dma_wait3A_284 = arith.constant 0 : i32
      %dma_wait3A_285 = arith.constant 0 : i32
      %dma_wait3A_286 = tpu.memref_slice %arg32[%dma_wait3A_284, %dma_wait3A_285] : memref<10240x64xf32, #tpu.memory_space<vmem_shared>> -> memref<10240x64xf32, #tpu.memory_space<vmem_shared>>
      tpu.wait_indirect_dma semaphore(%arg27 : memref<!tpu.dma_semaphore, #tpu.memory_space<semaphore_mem>>) src(%arg11 : memref<128x64xf32, #tpu.memory_space<vmem>>) dst(%dma_wait3A_286 : memref<10240x64xf32, #tpu.memory_space<vmem_shared>>)
      %lt3A = arith.constant 9 : i32
      %lt3A_287 = arith.cmpi slt, %scan3A_163, %lt3A : i32
      %convert_element_type3A = arith.extui %lt3A_287 : i1 to i32
      %cond3A = arith.constant 0 : i32
      %cond3A_288 = arith.cmpi ne, %convert_element_type3A, %cond3A : i32
      scf.if %cond3A_288 {
        %add3A_377 = arith.constant 8 : i32
        %add3A_378 = arith.addi %mul3A_165, %add3A_377 : i32
        %add3A_379 = arith.constant 0 : i32
        %add3A_380 = arith.addi %add3A_378, %add3A_379 : i32
        %dma_start3A_381 = arith.constant 0 : i32
        %dma_start3A_382 = tpu.memref_slice %arg6[%add3A_380, %dma_start3A_381] : memref<80x128xi32, #tpu.memory_space<vmem>> -> memref<1x128xi32, #tpu.memory_space<vmem>>
        %dma_start3A_383 = tpu.memref_squeeze %dma_start3A_382 : memref<1x128xi32, #tpu.memory_space<vmem>> -> memref<128xi32, #tpu.memory_space<vmem>>
        %dma_start3A_384 = arith.constant 0 : i32
        %dma_start3A_385 = arith.constant 0 : i32
        %dma_start3A_386 = tpu.memref_slice %arg2[%dma_start3A_384, %dma_start3A_385] : memref<40960x64xf32, #tpu.memory_space<hbm>> -> memref<40960x64xf32, #tpu.memory_space<hbm>>
        tpu.enqueue_indirect_dma source(%dma_start3A_386 : memref<40960x64xf32, #tpu.memory_space<hbm>>) target(%arg8 : memref<128x64xf32, #tpu.memory_space<vmem>>) offsets(%dma_start3A_383 : memref<128xi32, #tpu.memory_space<vmem>>) semaphore(%arg16 : memref<!tpu.dma_semaphore, #tpu.memory_space<semaphore_mem>>)
        %add3A_387 = arith.constant 1 : i32
        %add3A_388 = arith.addi %add3A_378, %add3A_387 : i32
        %dma_start3A_389 = arith.constant 0 : i32
        %dma_start3A_390 = tpu.memref_slice %arg6[%add3A_388, %dma_start3A_389] : memref<80x128xi32, #tpu.memory_space<vmem>> -> memref<1x128xi32, #tpu.memory_space<vmem>>
        %dma_start3A_391 = tpu.memref_squeeze %dma_start3A_390 : memref<1x128xi32, #tpu.memory_space<vmem>> -> memref<128xi32, #tpu.memory_space<vmem>>
        %dma_start3A_392 = arith.constant 0 : i32
        %dma_start3A_393 = arith.constant 0 : i32
        %dma_start3A_394 = tpu.memref_slice %arg2[%dma_start3A_392, %dma_start3A_393] : memref<40960x64xf32, #tpu.memory_space<hbm>> -> memref<40960x64xf32, #tpu.memory_space<hbm>>
        tpu.enqueue_indirect_dma source(%dma_start3A_394 : memref<40960x64xf32, #tpu.memory_space<hbm>>) target(%arg9 : memref<128x64xf32, #tpu.memory_space<vmem>>) offsets(%dma_start3A_391 : memref<128xi32, #tpu.memory_space<vmem>>) semaphore(%arg17 : memref<!tpu.dma_semaphore, #tpu.memory_space<semaphore_mem>>)
        %add3A_395 = arith.constant 2 : i32
        %add3A_396 = arith.addi %add3A_378, %add3A_395 : i32
        %dma_start3A_397 = arith.constant 0 : i32
        %dma_start3A_398 = tpu.memref_slice %arg6[%add3A_396, %dma_start3A_397] : memref<80x128xi32, #tpu.memory_space<vmem>> -> memref<1x128xi32, #tpu.memory_space<vmem>>
        %dma_start3A_399 = tpu.memref_squeeze %dma_start3A_398 : memref<1x128xi32, #tpu.memory_space<vmem>> -> memref<128xi32, #tpu.memory_space<vmem>>
        %dma_start3A_400 = arith.constant 0 : i32
        %dma_start3A_401 = arith.constant 0 : i32
        %dma_start3A_402 = tpu.memref_slice %arg2[%dma_start3A_400, %dma_start3A_401] : memref<40960x64xf32, #tpu.memory_space<hbm>> -> memref<40960x64xf32, #tpu.memory_space<hbm>>
        tpu.enqueue_indirect_dma source(%dma_start3A_402 : memref<40960x64xf32, #tpu.memory_space<hbm>>) target(%arg10 : memref<128x64xf32, #tpu.memory_space<vmem>>) offsets(%dma_start3A_399 : memref<128xi32, #tpu.memory_space<vmem>>) semaphore(%arg18 : memref<!tpu.dma_semaphore, #tpu.memory_space<semaphore_mem>>)
        %add3A_403 = arith.constant 3 : i32
        %add3A_404 = arith.addi %add3A_378, %add3A_403 : i32
        %dma_start3A_405 = arith.constant 0 : i32
        %dma_start3A_406 = tpu.memref_slice %arg6[%add3A_404, %dma_start3A_405] : memref<80x128xi32, #tpu.memory_space<vmem>> -> memref<1x128xi32, #tpu.memory_space<vmem>>
        %dma_start3A_407 = tpu.memref_squeeze %dma_start3A_406 : memref<1x128xi32, #tpu.memory_space<vmem>> -> memref<128xi32, #tpu.memory_space<vmem>>
        %dma_start3A_408 = arith.constant 0 : i32
        %dma_start3A_409 = arith.constant 0 : i32
        %dma_start3A_410 = tpu.memref_slice %arg2[%dma_start3A_408, %dma_start3A_409] : memref<40960x64xf32, #tpu.memory_space<hbm>> -> memref<40960x64xf32, #tpu.memory_space<hbm>>
        tpu.enqueue_indirect_dma source(%dma_start3A_410 : memref<40960x64xf32, #tpu.memory_space<hbm>>) target(%arg11 : memref<128x64xf32, #tpu.memory_space<vmem>>) offsets(%dma_start3A_407 : memref<128xi32, #tpu.memory_space<vmem>>) semaphore(%arg19 : memref<!tpu.dma_semaphore, #tpu.memory_space<semaphore_mem>>)
      } else {
      }
      %add3A_289 = arith.constant 0 : i32
      %add3A_290 = arith.addi %add3A_167, %add3A_289 : i32
      %dma_wait3A_291 = arith.constant 0 : i32
      %dma_wait3A_292 = tpu.memref_slice %arg6[%add3A_290, %dma_wait3A_291] : memref<80x128xi32, #tpu.memory_space<vmem>> -> memref<1x128xi32, #tpu.memory_space<vmem>>
      %dma_wait3A_293 = tpu.memref_squeeze %dma_wait3A_292 : memref<1x128xi32, #tpu.memory_space<vmem>> -> memref<128xi32, #tpu.memory_space<vmem>>
      %dma_wait3A_294 = arith.constant 0 : i32
      %dma_wait3A_295 = arith.constant 0 : i32
      %dma_wait3A_296 = tpu.memref_slice %arg2[%dma_wait3A_294, %dma_wait3A_295] : memref<40960x64xf32, #tpu.memory_space<hbm>> -> memref<40960x64xf32, #tpu.memory_space<hbm>>
      tpu.wait_indirect_dma semaphore(%arg20 : memref<!tpu.dma_semaphore, #tpu.memory_space<semaphore_mem>>) src(%dma_wait3A_296 : memref<40960x64xf32, #tpu.memory_space<hbm>>) dst(%arg12 : memref<128x64xf32, #tpu.memory_space<vmem>>)
      %add3A_297 = arith.constant 0 : i32
      %add3A_298 = arith.addi %add3A_167, %add3A_297 : i32
      %dma_start3A_299 = arith.constant 0 : i32
      %dma_start3A_300 = tpu.memref_slice %arg7[%add3A_298, %dma_start3A_299] : memref<80x128xi32, #tpu.memory_space<vmem>> -> memref<1x128xi32, #tpu.memory_space<vmem>>
      %dma_start3A_301 = tpu.memref_squeeze %dma_start3A_300 : memref<1x128xi32, #tpu.memory_space<vmem>> -> memref<128xi32, #tpu.memory_space<vmem>>
      %dma_start3A_302 = arith.constant 0 : i32
      %dma_start3A_303 = arith.constant 0 : i32
      %dma_start3A_304 = tpu.memref_slice %arg32[%dma_start3A_302, %dma_start3A_303] : memref<10240x64xf32, #tpu.memory_space<vmem_shared>> -> memref<10240x64xf32, #tpu.memory_space<vmem_shared>>
      tpu.enqueue_indirect_dma source(%arg12 : memref<128x64xf32, #tpu.memory_space<vmem>>) target(%dma_start3A_304 : memref<10240x64xf32, #tpu.memory_space<vmem_shared>>) offsets(%dma_start3A_301 : memref<128xi32, #tpu.memory_space<vmem>>) semaphore(%arg28 : memref<!tpu.dma_semaphore, #tpu.memory_space<semaphore_mem>>) {add = true}
      %add3A_305 = arith.constant 1 : i32
      %add3A_306 = arith.addi %add3A_167, %add3A_305 : i32
      %dma_wait3A_307 = arith.constant 0 : i32
      %dma_wait3A_308 = tpu.memref_slice %arg6[%add3A_306, %dma_wait3A_307] : memref<80x128xi32, #tpu.memory_space<vmem>> -> memref<1x128xi32, #tpu.memory_space<vmem>>
      %dma_wait3A_309 = tpu.memref_squeeze %dma_wait3A_308 : memref<1x128xi32, #tpu.memory_space<vmem>> -> memref<128xi32, #tpu.memory_space<vmem>>
      %dma_wait3A_310 = arith.constant 0 : i32
      %dma_wait3A_311 = arith.constant 0 : i32
      %dma_wait3A_312 = tpu.memref_slice %arg2[%dma_wait3A_310, %dma_wait3A_311] : memref<40960x64xf32, #tpu.memory_space<hbm>> -> memref<40960x64xf32, #tpu.memory_space<hbm>>
      tpu.wait_indirect_dma semaphore(%arg21 : memref<!tpu.dma_semaphore, #tpu.memory_space<semaphore_mem>>) src(%dma_wait3A_312 : memref<40960x64xf32, #tpu.memory_space<hbm>>) dst(%arg13 : memref<128x64xf32, #tpu.memory_space<vmem>>)
      %add3A_313 = arith.constant 1 : i32
      %add3A_314 = arith.addi %add3A_167, %add3A_313 : i32
      %dma_start3A_315 = arith.constant 0 : i32
      %dma_start3A_316 = tpu.memref_slice %arg7[%add3A_314, %dma_start3A_315] : memref<80x128xi32, #tpu.memory_space<vmem>> -> memref<1x128xi32, #tpu.memory_space<vmem>>
      %dma_start3A_317 = tpu.memref_squeeze %dma_start3A_316 : memref<1x128xi32, #tpu.memory_space<vmem>> -> memref<128xi32, #tpu.memory_space<vmem>>
      %dma_start3A_318 = arith.constant 0 : i32
      %dma_start3A_319 = arith.constant 0 : i32
      %dma_start3A_320 = tpu.memref_slice %arg32[%dma_start3A_318, %dma_start3A_319] : memref<10240x64xf32, #tpu.memory_space<vmem_shared>> -> memref<10240x64xf32, #tpu.memory_space<vmem_shared>>
      tpu.enqueue_indirect_dma source(%arg13 : memref<128x64xf32, #tpu.memory_space<vmem>>) target(%dma_start3A_320 : memref<10240x64xf32, #tpu.memory_space<vmem_shared>>) offsets(%dma_start3A_317 : memref<128xi32, #tpu.memory_space<vmem>>) semaphore(%arg29 : memref<!tpu.dma_semaphore, #tpu.memory_space<semaphore_mem>>) {add = true}
      %add3A_321 = arith.constant 2 : i32
      %add3A_322 = arith.addi %add3A_167, %add3A_321 : i32
      %dma_wait3A_323 = arith.constant 0 : i32
      %dma_wait3A_324 = tpu.memref_slice %arg6[%add3A_322, %dma_wait3A_323] : memref<80x128xi32, #tpu.memory_space<vmem>> -> memref<1x128xi32, #tpu.memory_space<vmem>>
      %dma_wait3A_325 = tpu.memref_squeeze %dma_wait3A_324 : memref<1x128xi32, #tpu.memory_space<vmem>> -> memref<128xi32, #tpu.memory_space<vmem>>
      %dma_wait3A_326 = arith.constant 0 : i32
      %dma_wait3A_327 = arith.constant 0 : i32
      %dma_wait3A_328 = tpu.memref_slice %arg2[%dma_wait3A_326, %dma_wait3A_327] : memref<40960x64xf32, #tpu.memory_space<hbm>> -> memref<40960x64xf32, #tpu.memory_space<hbm>>
      tpu.wait_indirect_dma semaphore(%arg22 : memref<!tpu.dma_semaphore, #tpu.memory_space<semaphore_mem>>) src(%dma_wait3A_328 : memref<40960x64xf32, #tpu.memory_space<hbm>>) dst(%arg14 : memref<128x64xf32, #tpu.memory_space<vmem>>)
      %add3A_329 = arith.constant 2 : i32
      %add3A_330 = arith.addi %add3A_167, %add3A_329 : i32
      %dma_start3A_331 = arith.constant 0 : i32
      %dma_start3A_332 = tpu.memref_slice %arg7[%add3A_330, %dma_start3A_331] : memref<80x128xi32, #tpu.memory_space<vmem>> -> memref<1x128xi32, #tpu.memory_space<vmem>>
      %dma_start3A_333 = tpu.memref_squeeze %dma_start3A_332 : memref<1x128xi32, #tpu.memory_space<vmem>> -> memref<128xi32, #tpu.memory_space<vmem>>
      %dma_start3A_334 = arith.constant 0 : i32
      %dma_start3A_335 = arith.constant 0 : i32
      %dma_start3A_336 = tpu.memref_slice %arg32[%dma_start3A_334, %dma_start3A_335] : memref<10240x64xf32, #tpu.memory_space<vmem_shared>> -> memref<10240x64xf32, #tpu.memory_space<vmem_shared>>
      tpu.enqueue_indirect_dma source(%arg14 : memref<128x64xf32, #tpu.memory_space<vmem>>) target(%dma_start3A_336 : memref<10240x64xf32, #tpu.memory_space<vmem_shared>>) offsets(%dma_start3A_333 : memref<128xi32, #tpu.memory_space<vmem>>) semaphore(%arg30 : memref<!tpu.dma_semaphore, #tpu.memory_space<semaphore_mem>>) {add = true}
      %add3A_337 = arith.constant 3 : i32
      %add3A_338 = arith.addi %add3A_167, %add3A_337 : i32
      %dma_wait3A_339 = arith.constant 0 : i32
      %dma_wait3A_340 = tpu.memref_slice %arg6[%add3A_338, %dma_wait3A_339] : memref<80x128xi32, #tpu.memory_space<vmem>> -> memref<1x128xi32, #tpu.memory_space<vmem>>
      %dma_wait3A_341 = tpu.memref_squeeze %dma_wait3A_340 : memref<1x128xi32, #tpu.memory_space<vmem>> -> memref<128xi32, #tpu.memory_space<vmem>>
      %dma_wait3A_342 = arith.constant 0 : i32
      %dma_wait3A_343 = arith.constant 0 : i32
      %dma_wait3A_344 = tpu.memref_slice %arg2[%dma_wait3A_342, %dma_wait3A_343] : memref<40960x64xf32, #tpu.memory_space<hbm>> -> memref<40960x64xf32, #tpu.memory_space<hbm>>
      tpu.wait_indirect_dma semaphore(%arg23 : memref<!tpu.dma_semaphore, #tpu.memory_space<semaphore_mem>>) src(%dma_wait3A_344 : memref<40960x64xf32, #tpu.memory_space<hbm>>) dst(%arg15 : memref<128x64xf32, #tpu.memory_space<vmem>>)
      %add3A_345 = arith.constant 3 : i32
      %add3A_346 = arith.addi %add3A_167, %add3A_345 : i32
      %dma_start3A_347 = arith.constant 0 : i32
      %dma_start3A_348 = tpu.memref_slice %arg7[%add3A_346, %dma_start3A_347] : memref<80x128xi32, #tpu.memory_space<vmem>> -> memref<1x128xi32, #tpu.memory_space<vmem>>
      %dma_start3A_349 = tpu.memref_squeeze %dma_start3A_348 : memref<1x128xi32, #tpu.memory_space<vmem>> -> memref<128xi32, #tpu.memory_space<vmem>>
      %dma_start3A_350 = arith.constant 0 : i32
      %dma_start3A_351 = arith.constant 0 : i32
      %dma_start3A_352 = tpu.memref_slice %arg32[%dma_start3A_350, %dma_start3A_351] : memref<10240x64xf32, #tpu.memory_space<vmem_shared>> -> memref<10240x64xf32, #tpu.memory_space<vmem_shared>>
      tpu.enqueue_indirect_dma source(%arg15 : memref<128x64xf32, #tpu.memory_space<vmem>>) target(%dma_start3A_352 : memref<10240x64xf32, #tpu.memory_space<vmem_shared>>) offsets(%dma_start3A_349 : memref<128xi32, #tpu.memory_space<vmem>>) semaphore(%arg31 : memref<!tpu.dma_semaphore, #tpu.memory_space<semaphore_mem>>) {add = true}
      %dma_wait3A_353 = arith.constant 0 : i32
      %dma_wait3A_354 = tpu.memref_slice %arg7[%add3A_298, %dma_wait3A_353] : memref<80x128xi32, #tpu.memory_space<vmem>> -> memref<1x128xi32, #tpu.memory_space<vmem>>
      %dma_wait3A_355 = tpu.memref_squeeze %dma_wait3A_354 : memref<1x128xi32, #tpu.memory_space<vmem>> -> memref<128xi32, #tpu.memory_space<vmem>>
      %dma_wait3A_356 = arith.constant 0 : i32
      %dma_wait3A_357 = arith.constant 0 : i32
      %dma_wait3A_358 = tpu.memref_slice %arg32[%dma_wait3A_356, %dma_wait3A_357] : memref<10240x64xf32, #tpu.memory_space<vmem_shared>> -> memref<10240x64xf32, #tpu.memory_space<vmem_shared>>
      tpu.wait_indirect_dma semaphore(%arg28 : memref<!tpu.dma_semaphore, #tpu.memory_space<semaphore_mem>>) src(%arg12 : memref<128x64xf32, #tpu.memory_space<vmem>>) dst(%dma_wait3A_358 : memref<10240x64xf32, #tpu.memory_space<vmem_shared>>)
      %dma_wait3A_359 = arith.constant 0 : i32
      %dma_wait3A_360 = tpu.memref_slice %arg7[%add3A_314, %dma_wait3A_359] : memref<80x128xi32, #tpu.memory_space<vmem>> -> memref<1x128xi32, #tpu.memory_space<vmem>>
      %dma_wait3A_361 = tpu.memref_squeeze %dma_wait3A_360 : memref<1x128xi32, #tpu.memory_space<vmem>> -> memref<128xi32, #tpu.memory_space<vmem>>
      %dma_wait3A_362 = arith.constant 0 : i32
      %dma_wait3A_363 = arith.constant 0 : i32
      %dma_wait3A_364 = tpu.memref_slice %arg32[%dma_wait3A_362, %dma_wait3A_363] : memref<10240x64xf32, #tpu.memory_space<vmem_shared>> -> memref<10240x64xf32, #tpu.memory_space<vmem_shared>>
      tpu.wait_indirect_dma semaphore(%arg29 : memref<!tpu.dma_semaphore, #tpu.memory_space<semaphore_mem>>) src(%arg13 : memref<128x64xf32, #tpu.memory_space<vmem>>) dst(%dma_wait3A_364 : memref<10240x64xf32, #tpu.memory_space<vmem_shared>>)
      %dma_wait3A_365 = arith.constant 0 : i32
      %dma_wait3A_366 = tpu.memref_slice %arg7[%add3A_330, %dma_wait3A_365] : memref<80x128xi32, #tpu.memory_space<vmem>> -> memref<1x128xi32, #tpu.memory_space<vmem>>
      %dma_wait3A_367 = tpu.memref_squeeze %dma_wait3A_366 : memref<1x128xi32, #tpu.memory_space<vmem>> -> memref<128xi32, #tpu.memory_space<vmem>>
      %dma_wait3A_368 = arith.constant 0 : i32
      %dma_wait3A_369 = arith.constant 0 : i32
      %dma_wait3A_370 = tpu.memref_slice %arg32[%dma_wait3A_368, %dma_wait3A_369] : memref<10240x64xf32, #tpu.memory_space<vmem_shared>> -> memref<10240x64xf32, #tpu.memory_space<vmem_shared>>
      tpu.wait_indirect_dma semaphore(%arg30 : memref<!tpu.dma_semaphore, #tpu.memory_space<semaphore_mem>>) src(%arg14 : memref<128x64xf32, #tpu.memory_space<vmem>>) dst(%dma_wait3A_370 : memref<10240x64xf32, #tpu.memory_space<vmem_shared>>)
      %dma_wait3A_371 = arith.constant 0 : i32
      %dma_wait3A_372 = tpu.memref_slice %arg7[%add3A_346, %dma_wait3A_371] : memref<80x128xi32, #tpu.memory_space<vmem>> -> memref<1x128xi32, #tpu.memory_space<vmem>>
      %dma_wait3A_373 = tpu.memref_squeeze %dma_wait3A_372 : memref<1x128xi32, #tpu.memory_space<vmem>> -> memref<128xi32, #tpu.memory_space<vmem>>
      %dma_wait3A_374 = arith.constant 0 : i32
      %dma_wait3A_375 = arith.constant 0 : i32
      %dma_wait3A_376 = tpu.memref_slice %arg32[%dma_wait3A_374, %dma_wait3A_375] : memref<10240x64xf32, #tpu.memory_space<vmem_shared>> -> memref<10240x64xf32, #tpu.memory_space<vmem_shared>>
      tpu.wait_indirect_dma semaphore(%arg31 : memref<!tpu.dma_semaphore, #tpu.memory_space<semaphore_mem>>) src(%arg15 : memref<128x64xf32, #tpu.memory_space<vmem>>) dst(%dma_wait3A_376 : memref<10240x64xf32, #tpu.memory_space<vmem_shared>>)
    }
    %scan3A_58 = arith.constant 10 : i32
    %barrier3A_59 = arith.constant 0 : index
    tpu.barrier barrier_id(%barrier3A_59)
    %add3A_60 = arith.constant 0 : i32
    %add3A_61 = arith.addi %mul3A_0, %add3A_60 : i32
    "tpu.region"() ({
      %run_scoped3A = tpu.sem_alloc : memref<!tpu.dma_semaphore, #tpu.memory_space<semaphore_mem>>
      %dma_start3A_163 = arith.constant 0 : i32
      %dma_start3A_164 = tpu.memref_slice %arg32[%add3A_61, %dma_start3A_163] : memref<10240x64xf32, #tpu.memory_space<vmem_shared>> -> memref<128x64xf32, #tpu.memory_space<vmem_shared>>
      %dma_start3A_165 = arith.constant 0 : i32
      %dma_start3A_166 = tpu.memref_slice %arg32[%add3A_61, %dma_start3A_165] : memref<10240x64xf32, #tpu.memory_space<vmem_shared>> -> memref<128x64xf32, #tpu.memory_space<vmem_shared>>
      tpu.enqueue_dma source(%dma_start3A_166 : memref<128x64xf32, #tpu.memory_space<vmem_shared>>) target(%arg8 : memref<128x64xf32, #tpu.memory_space<vmem>>) target_semaphore(%run_scoped3A : memref<!tpu.dma_semaphore, #tpu.memory_space<semaphore_mem>>)
      %dma_wait3A = arith.constant 0 : i32
      %dma_wait3A_167 = tpu.memref_slice %arg32[%add3A_61, %dma_wait3A] : memref<10240x64xf32, #tpu.memory_space<vmem_shared>> -> memref<128x64xf32, #tpu.memory_space<vmem_shared>>
      %dma_wait3A_168 = arith.constant 0 : i32
      %dma_wait3A_169 = tpu.memref_slice %arg32[%add3A_61, %dma_wait3A_168] : memref<10240x64xf32, #tpu.memory_space<vmem_shared>> -> memref<128x64xf32, #tpu.memory_space<vmem_shared>>
      tpu.wait_dma2 semaphore(%run_scoped3A : memref<!tpu.dma_semaphore, #tpu.memory_space<semaphore_mem>>) src(%dma_wait3A_169 : memref<128x64xf32, #tpu.memory_space<vmem_shared>>) dst(%arg8 : memref<128x64xf32, #tpu.memory_space<vmem>>)
      tpu.yield
    }) : () -> ()
    %add3A_62 = arith.constant 0 : i32
    %add3A_63 = arith.addi %add3A_6, %add3A_62 : i32
    "tpu.region"() ({
      %run_scoped3A = tpu.sem_alloc : memref<!tpu.dma_semaphore, #tpu.memory_space<semaphore_mem>>
      %dma_start3A_163 = arith.constant 0 : i32
      %dma_start3A_164 = tpu.memref_slice %arg5[%add3A_63, %dma_start3A_163] : memref<40960x64xf32, #tpu.memory_space<hbm>> -> memref<128x64xf32, #tpu.memory_space<hbm>>
      %dma_start3A_165 = arith.constant 0 : i32
      %dma_start3A_166 = tpu.memref_slice %arg5[%add3A_63, %dma_start3A_165] : memref<40960x64xf32, #tpu.memory_space<hbm>> -> memref<128x64xf32, #tpu.memory_space<hbm>>
      tpu.enqueue_dma source(%arg8 : memref<128x64xf32, #tpu.memory_space<vmem>>) target(%dma_start3A_166 : memref<128x64xf32, #tpu.memory_space<hbm>>) target_semaphore(%run_scoped3A : memref<!tpu.dma_semaphore, #tpu.memory_space<semaphore_mem>>)
      %dma_wait3A = arith.constant 0 : i32
      %dma_wait3A_167 = tpu.memref_slice %arg5[%add3A_63, %dma_wait3A] : memref<40960x64xf32, #tpu.memory_space<hbm>> -> memref<128x64xf32, #tpu.memory_space<hbm>>
      %dma_wait3A_168 = arith.constant 0 : i32
      %dma_wait3A_169 = tpu.memref_slice %arg5[%add3A_63, %dma_wait3A_168] : memref<40960x64xf32, #tpu.memory_space<hbm>> -> memref<128x64xf32, #tpu.memory_space<hbm>>
      tpu.wait_dma2 semaphore(%run_scoped3A : memref<!tpu.dma_semaphore, #tpu.memory_space<semaphore_mem>>) src(%arg8 : memref<128x64xf32, #tpu.memory_space<vmem>>) dst(%dma_wait3A_169 : memref<128x64xf32, #tpu.memory_space<hbm>>)
      tpu.yield
    }) : () -> ()
    %add3A_64 = arith.constant 128 : i32
    %add3A_65 = arith.addi %mul3A_0, %add3A_64 : i32
    "tpu.region"() ({
      %run_scoped3A = tpu.sem_alloc : memref<!tpu.dma_semaphore, #tpu.memory_space<semaphore_mem>>
      %dma_start3A_163 = arith.constant 0 : i32
      %dma_start3A_164 = tpu.memref_slice %arg32[%add3A_65, %dma_start3A_163] : memref<10240x64xf32, #tpu.memory_space<vmem_shared>> -> memref<128x64xf32, #tpu.memory_space<vmem_shared>>
      %dma_start3A_165 = arith.constant 0 : i32
      %dma_start3A_166 = tpu.memref_slice %arg32[%add3A_65, %dma_start3A_165] : memref<10240x64xf32, #tpu.memory_space<vmem_shared>> -> memref<128x64xf32, #tpu.memory_space<vmem_shared>>
      tpu.enqueue_dma source(%dma_start3A_166 : memref<128x64xf32, #tpu.memory_space<vmem_shared>>) target(%arg8 : memref<128x64xf32, #tpu.memory_space<vmem>>) target_semaphore(%run_scoped3A : memref<!tpu.dma_semaphore, #tpu.memory_space<semaphore_mem>>)
      %dma_wait3A = arith.constant 0 : i32
      %dma_wait3A_167 = tpu.memref_slice %arg32[%add3A_65, %dma_wait3A] : memref<10240x64xf32, #tpu.memory_space<vmem_shared>> -> memref<128x64xf32, #tpu.memory_space<vmem_shared>>
      %dma_wait3A_168 = arith.constant 0 : i32
      %dma_wait3A_169 = tpu.memref_slice %arg32[%add3A_65, %dma_wait3A_168] : memref<10240x64xf32, #tpu.memory_space<vmem_shared>> -> memref<128x64xf32, #tpu.memory_space<vmem_shared>>
      tpu.wait_dma2 semaphore(%run_scoped3A : memref<!tpu.dma_semaphore, #tpu.memory_space<semaphore_mem>>) src(%dma_wait3A_169 : memref<128x64xf32, #tpu.memory_space<vmem_shared>>) dst(%arg8 : memref<128x64xf32, #tpu.memory_space<vmem>>)
      tpu.yield
    }) : () -> ()
    %add3A_66 = arith.constant 128 : i32
    %add3A_67 = arith.addi %add3A_6, %add3A_66 : i32
    "tpu.region"() ({
      %run_scoped3A = tpu.sem_alloc : memref<!tpu.dma_semaphore, #tpu.memory_space<semaphore_mem>>
      %dma_start3A_163 = arith.constant 0 : i32
      %dma_start3A_164 = tpu.memref_slice %arg5[%add3A_67, %dma_start3A_163] : memref<40960x64xf32, #tpu.memory_space<hbm>> -> memref<128x64xf32, #tpu.memory_space<hbm>>
      %dma_start3A_165 = arith.constant 0 : i32
      %dma_start3A_166 = tpu.memref_slice %arg5[%add3A_67, %dma_start3A_165] : memref<40960x64xf32, #tpu.memory_space<hbm>> -> memref<128x64xf32, #tpu.memory_space<hbm>>
      tpu.enqueue_dma source(%arg8 : memref<128x64xf32, #tpu.memory_space<vmem>>) target(%dma_start3A_166 : memref<128x64xf32, #tpu.memory_space<hbm>>) target_semaphore(%run_scoped3A : memref<!tpu.dma_semaphore, #tpu.memory_space<semaphore_mem>>)
      %dma_wait3A = arith.constant 0 : i32
      %dma_wait3A_167 = tpu.memref_slice %arg5[%add3A_67, %dma_wait3A] : memref<40960x64xf32, #tpu.memory_space<hbm>> -> memref<128x64xf32, #tpu.memory_space<hbm>>
      %dma_wait3A_168 = arith.constant 0 : i32
      %dma_wait3A_169 = tpu.memref_slice %arg5[%add3A_67, %dma_wait3A_168] : memref<40960x64xf32, #tpu.memory_space<hbm>> -> memref<128x64xf32, #tpu.memory_space<hbm>>
      tpu.wait_dma2 semaphore(%run_scoped3A : memref<!tpu.dma_semaphore, #tpu.memory_space<semaphore_mem>>) src(%arg8 : memref<128x64xf32, #tpu.memory_space<vmem>>) dst(%dma_wait3A_169 : memref<128x64xf32, #tpu.memory_space<hbm>>)
      tpu.yield
    }) : () -> ()
    %add3A_68 = arith.constant 256 : i32
    %add3A_69 = arith.addi %mul3A_0, %add3A_68 : i32
    "tpu.region"() ({
      %run_scoped3A = tpu.sem_alloc : memref<!tpu.dma_semaphore, #tpu.memory_space<semaphore_mem>>
      %dma_start3A_163 = arith.constant 0 : i32
      %dma_start3A_164 = tpu.memref_slice %arg32[%add3A_69, %dma_start3A_163] : memref<10240x64xf32, #tpu.memory_space<vmem_shared>> -> memref<128x64xf32, #tpu.memory_space<vmem_shared>>
      %dma_start3A_165 = arith.constant 0 : i32
      %dma_start3A_166 = tpu.memref_slice %arg32[%add3A_69, %dma_start3A_165] : memref<10240x64xf32, #tpu.memory_space<vmem_shared>> -> memref<128x64xf32, #tpu.memory_space<vmem_shared>>
      tpu.enqueue_dma source(%dma_start3A_166 : memref<128x64xf32, #tpu.memory_space<vmem_shared>>) target(%arg8 : memref<128x64xf32, #tpu.memory_space<vmem>>) target_semaphore(%run_scoped3A : memref<!tpu.dma_semaphore, #tpu.memory_space<semaphore_mem>>)
      %dma_wait3A = arith.constant 0 : i32
      %dma_wait3A_167 = tpu.memref_slice %arg32[%add3A_69, %dma_wait3A] : memref<10240x64xf32, #tpu.memory_space<vmem_shared>> -> memref<128x64xf32, #tpu.memory_space<vmem_shared>>
      %dma_wait3A_168 = arith.constant 0 : i32
      %dma_wait3A_169 = tpu.memref_slice %arg32[%add3A_69, %dma_wait3A_168] : memref<10240x64xf32, #tpu.memory_space<vmem_shared>> -> memref<128x64xf32, #tpu.memory_space<vmem_shared>>
      tpu.wait_dma2 semaphore(%run_scoped3A : memref<!tpu.dma_semaphore, #tpu.memory_space<semaphore_mem>>) src(%dma_wait3A_169 : memref<128x64xf32, #tpu.memory_space<vmem_shared>>) dst(%arg8 : memref<128x64xf32, #tpu.memory_space<vmem>>)
      tpu.yield
    }) : () -> ()
    %add3A_70 = arith.constant 256 : i32
    %add3A_71 = arith.addi %add3A_6, %add3A_70 : i32
    "tpu.region"() ({
      %run_scoped3A = tpu.sem_alloc : memref<!tpu.dma_semaphore, #tpu.memory_space<semaphore_mem>>
      %dma_start3A_163 = arith.constant 0 : i32
      %dma_start3A_164 = tpu.memref_slice %arg5[%add3A_71, %dma_start3A_163] : memref<40960x64xf32, #tpu.memory_space<hbm>> -> memref<128x64xf32, #tpu.memory_space<hbm>>
      %dma_start3A_165 = arith.constant 0 : i32
      %dma_start3A_166 = tpu.memref_slice %arg5[%add3A_71, %dma_start3A_165] : memref<40960x64xf32, #tpu.memory_space<hbm>> -> memref<128x64xf32, #tpu.memory_space<hbm>>
      tpu.enqueue_dma source(%arg8 : memref<128x64xf32, #tpu.memory_space<vmem>>) target(%dma_start3A_166 : memref<128x64xf32, #tpu.memory_space<hbm>>) target_semaphore(%run_scoped3A : memref<!tpu.dma_semaphore, #tpu.memory_space<semaphore_mem>>)
      %dma_wait3A = arith.constant 0 : i32
      %dma_wait3A_167 = tpu.memref_slice %arg5[%add3A_71, %dma_wait3A] : memref<40960x64xf32, #tpu.memory_space<hbm>> -> memref<128x64xf32, #tpu.memory_space<hbm>>
      %dma_wait3A_168 = arith.constant 0 : i32
      %dma_wait3A_169 = tpu.memref_slice %arg5[%add3A_71, %dma_wait3A_168] : memref<40960x64xf32, #tpu.memory_space<hbm>> -> memref<128x64xf32, #tpu.memory_space<hbm>>
      tpu.wait_dma2 semaphore(%run_scoped3A : memref<!tpu.dma_semaphore, #tpu.memory_space<semaphore_mem>>) src(%arg8 : memref<128x64xf32, #tpu.memory_space<vmem>>) dst(%dma_wait3A_169 : memref<128x64xf32, #tpu.memory_space<hbm>>)
      tpu.yield
    }) : () -> ()
    %add3A_72 = arith.constant 384 : i32
    %add3A_73 = arith.addi %mul3A_0, %add3A_72 : i32
    "tpu.region"() ({
      %run_scoped3A = tpu.sem_alloc : memref<!tpu.dma_semaphore, #tpu.memory_space<semaphore_mem>>
      %dma_start3A_163 = arith.constant 0 : i32
      %dma_start3A_164 = tpu.memref_slice %arg32[%add3A_73, %dma_start3A_163] : memref<10240x64xf32, #tpu.memory_space<vmem_shared>> -> memref<128x64xf32, #tpu.memory_space<vmem_shared>>
      %dma_start3A_165 = arith.constant 0 : i32
      %dma_start3A_166 = tpu.memref_slice %arg32[%add3A_73, %dma_start3A_165] : memref<10240x64xf32, #tpu.memory_space<vmem_shared>> -> memref<128x64xf32, #tpu.memory_space<vmem_shared>>
      tpu.enqueue_dma source(%dma_start3A_166 : memref<128x64xf32, #tpu.memory_space<vmem_shared>>) target(%arg8 : memref<128x64xf32, #tpu.memory_space<vmem>>) target_semaphore(%run_scoped3A : memref<!tpu.dma_semaphore, #tpu.memory_space<semaphore_mem>>)
      %dma_wait3A = arith.constant 0 : i32
      %dma_wait3A_167 = tpu.memref_slice %arg32[%add3A_73, %dma_wait3A] : memref<10240x64xf32, #tpu.memory_space<vmem_shared>> -> memref<128x64xf32, #tpu.memory_space<vmem_shared>>
      %dma_wait3A_168 = arith.constant 0 : i32
      %dma_wait3A_169 = tpu.memref_slice %arg32[%add3A_73, %dma_wait3A_168] : memref<10240x64xf32, #tpu.memory_space<vmem_shared>> -> memref<128x64xf32, #tpu.memory_space<vmem_shared>>
      tpu.wait_dma2 semaphore(%run_scoped3A : memref<!tpu.dma_semaphore, #tpu.memory_space<semaphore_mem>>) src(%dma_wait3A_169 : memref<128x64xf32, #tpu.memory_space<vmem_shared>>) dst(%arg8 : memref<128x64xf32, #tpu.memory_space<vmem>>)
      tpu.yield
    }) : () -> ()
    %add3A_74 = arith.constant 384 : i32
    %add3A_75 = arith.addi %add3A_6, %add3A_74 : i32
    "tpu.region"() ({
      %run_scoped3A = tpu.sem_alloc : memref<!tpu.dma_semaphore, #tpu.memory_space<semaphore_mem>>
      %dma_start3A_163 = arith.constant 0 : i32
      %dma_start3A_164 = tpu.memref_slice %arg5[%add3A_75, %dma_start3A_163] : memref<40960x64xf32, #tpu.memory_space<hbm>> -> memref<128x64xf32, #tpu.memory_space<hbm>>
      %dma_start3A_165 = arith.constant 0 : i32
      %dma_start3A_166 = tpu.memref_slice %arg5[%add3A_75, %dma_start3A_165] : memref<40960x64xf32, #tpu.memory_space<hbm>> -> memref<128x64xf32, #tpu.memory_space<hbm>>
      tpu.enqueue_dma source(%arg8 : memref<128x64xf32, #tpu.memory_space<vmem>>) target(%dma_start3A_166 : memref<128x64xf32, #tpu.memory_space<hbm>>) target_semaphore(%run_scoped3A : memref<!tpu.dma_semaphore, #tpu.memory_space<semaphore_mem>>)
      %dma_wait3A = arith.constant 0 : i32
      %dma_wait3A_167 = tpu.memref_slice %arg5[%add3A_75, %dma_wait3A] : memref<40960x64xf32, #tpu.memory_space<hbm>> -> memref<128x64xf32, #tpu.memory_space<hbm>>
      %dma_wait3A_168 = arith.constant 0 : i32
      %dma_wait3A_169 = tpu.memref_slice %arg5[%add3A_75, %dma_wait3A_168] : memref<40960x64xf32, #tpu.memory_space<hbm>> -> memref<128x64xf32, #tpu.memory_space<hbm>>
      tpu.wait_dma2 semaphore(%run_scoped3A : memref<!tpu.dma_semaphore, #tpu.memory_space<semaphore_mem>>) src(%arg8 : memref<128x64xf32, #tpu.memory_space<vmem>>) dst(%dma_wait3A_169 : memref<128x64xf32, #tpu.memory_space<hbm>>)
      tpu.yield
    }) : () -> ()
    %add3A_76 = arith.constant 512 : i32
    %add3A_77 = arith.addi %mul3A_0, %add3A_76 : i32
    "tpu.region"() ({
      %run_scoped3A = tpu.sem_alloc : memref<!tpu.dma_semaphore, #tpu.memory_space<semaphore_mem>>
      %dma_start3A_163 = arith.constant 0 : i32
      %dma_start3A_164 = tpu.memref_slice %arg32[%add3A_77, %dma_start3A_163] : memref<10240x64xf32, #tpu.memory_space<vmem_shared>> -> memref<128x64xf32, #tpu.memory_space<vmem_shared>>
      %dma_start3A_165 = arith.constant 0 : i32
      %dma_start3A_166 = tpu.memref_slice %arg32[%add3A_77, %dma_start3A_165] : memref<10240x64xf32, #tpu.memory_space<vmem_shared>> -> memref<128x64xf32, #tpu.memory_space<vmem_shared>>
      tpu.enqueue_dma source(%dma_start3A_166 : memref<128x64xf32, #tpu.memory_space<vmem_shared>>) target(%arg8 : memref<128x64xf32, #tpu.memory_space<vmem>>) target_semaphore(%run_scoped3A : memref<!tpu.dma_semaphore, #tpu.memory_space<semaphore_mem>>)
      %dma_wait3A = arith.constant 0 : i32
      %dma_wait3A_167 = tpu.memref_slice %arg32[%add3A_77, %dma_wait3A] : memref<10240x64xf32, #tpu.memory_space<vmem_shared>> -> memref<128x64xf32, #tpu.memory_space<vmem_shared>>
      %dma_wait3A_168 = arith.constant 0 : i32
      %dma_wait3A_169 = tpu.memref_slice %arg32[%add3A_77, %dma_wait3A_168] : memref<10240x64xf32, #tpu.memory_space<vmem_shared>> -> memref<128x64xf32, #tpu.memory_space<vmem_shared>>
      tpu.wait_dma2 semaphore(%run_scoped3A : memref<!tpu.dma_semaphore, #tpu.memory_space<semaphore_mem>>) src(%dma_wait3A_169 : memref<128x64xf32, #tpu.memory_space<vmem_shared>>) dst(%arg8 : memref<128x64xf32, #tpu.memory_space<vmem>>)
      tpu.yield
    }) : () -> ()
    %add3A_78 = arith.constant 512 : i32
    %add3A_79 = arith.addi %add3A_6, %add3A_78 : i32
    "tpu.region"() ({
      %run_scoped3A = tpu.sem_alloc : memref<!tpu.dma_semaphore, #tpu.memory_space<semaphore_mem>>
      %dma_start3A_163 = arith.constant 0 : i32
      %dma_start3A_164 = tpu.memref_slice %arg5[%add3A_79, %dma_start3A_163] : memref<40960x64xf32, #tpu.memory_space<hbm>> -> memref<128x64xf32, #tpu.memory_space<hbm>>
      %dma_start3A_165 = arith.constant 0 : i32
      %dma_start3A_166 = tpu.memref_slice %arg5[%add3A_79, %dma_start3A_165] : memref<40960x64xf32, #tpu.memory_space<hbm>> -> memref<128x64xf32, #tpu.memory_space<hbm>>
      tpu.enqueue_dma source(%arg8 : memref<128x64xf32, #tpu.memory_space<vmem>>) target(%dma_start3A_166 : memref<128x64xf32, #tpu.memory_space<hbm>>) target_semaphore(%run_scoped3A : memref<!tpu.dma_semaphore, #tpu.memory_space<semaphore_mem>>)
      %dma_wait3A = arith.constant 0 : i32
      %dma_wait3A_167 = tpu.memref_slice %arg5[%add3A_79, %dma_wait3A] : memref<40960x64xf32, #tpu.memory_space<hbm>> -> memref<128x64xf32, #tpu.memory_space<hbm>>
      %dma_wait3A_168 = arith.constant 0 : i32
      %dma_wait3A_169 = tpu.memref_slice %arg5[%add3A_79, %dma_wait3A_168] : memref<40960x64xf32, #tpu.memory_space<hbm>> -> memref<128x64xf32, #tpu.memory_space<hbm>>
      tpu.wait_dma2 semaphore(%run_scoped3A : memref<!tpu.dma_semaphore, #tpu.memory_space<semaphore_mem>>) src(%arg8 : memref<128x64xf32, #tpu.memory_space<vmem>>) dst(%dma_wait3A_169 : memref<128x64xf32, #tpu.memory_space<hbm>>)
      tpu.yield
    }) : () -> ()
    %mul3A_80 = arith.constant 2 : i32
    %mul3A_81 = arith.muli %mul3A_80, %arg0 : i32
    %add3A_82 = arith.constant 1 : i32
    %add3A_83 = arith.addi %mul3A_81, %add3A_82 : i32
    %mul3A_84 = arith.constant 10240 : i32
    %mul3A_85 = arith.muli %add3A_83, %mul3A_84 : i32
    %add3A_86 = arith.addi %mul3A_85, %mul3A_0 : i32
    %add3A_87 = arith.constant 0 : i32
    %add3A_88 = arith.addi %add3A_86, %add3A_87 : i32
    "tpu.region"() ({
      %run_scoped3A = tpu.sem_alloc : memref<!tpu.dma_semaphore, #tpu.memory_space<semaphore_mem>>
      %dma_start3A_163 = arith.constant 0 : i32
      %dma_start3A_164 = tpu.memref_slice %arg2[%add3A_88, %dma_start3A_163] : memref<40960x64xf32, #tpu.memory_space<hbm>> -> memref<128x64xf32, #tpu.memory_space<hbm>>
      %dma_start3A_165 = arith.constant 0 : i32
      %dma_start3A_166 = tpu.memref_slice %arg2[%add3A_88, %dma_start3A_165] : memref<40960x64xf32, #tpu.memory_space<hbm>> -> memref<128x64xf32, #tpu.memory_space<hbm>>
      tpu.enqueue_dma source(%dma_start3A_166 : memref<128x64xf32, #tpu.memory_space<hbm>>) target(%arg8 : memref<128x64xf32, #tpu.memory_space<vmem>>) target_semaphore(%run_scoped3A : memref<!tpu.dma_semaphore, #tpu.memory_space<semaphore_mem>>)
      %dma_wait3A = arith.constant 0 : i32
      %dma_wait3A_167 = tpu.memref_slice %arg2[%add3A_88, %dma_wait3A] : memref<40960x64xf32, #tpu.memory_space<hbm>> -> memref<128x64xf32, #tpu.memory_space<hbm>>
      %dma_wait3A_168 = arith.constant 0 : i32
      %dma_wait3A_169 = tpu.memref_slice %arg2[%add3A_88, %dma_wait3A_168] : memref<40960x64xf32, #tpu.memory_space<hbm>> -> memref<128x64xf32, #tpu.memory_space<hbm>>
      tpu.wait_dma2 semaphore(%run_scoped3A : memref<!tpu.dma_semaphore, #tpu.memory_space<semaphore_mem>>) src(%dma_wait3A_169 : memref<128x64xf32, #tpu.memory_space<hbm>>) dst(%arg8 : memref<128x64xf32, #tpu.memory_space<vmem>>)
      tpu.yield
    }) : () -> ()
    %add3A_89 = arith.constant 0 : i32
    %add3A_90 = arith.addi %mul3A_0, %add3A_89 : i32
    "tpu.region"() ({
      %run_scoped3A = tpu.sem_alloc : memref<!tpu.dma_semaphore, #tpu.memory_space<semaphore_mem>>
      %dma_start3A_163 = arith.constant 0 : i32
      %dma_start3A_164 = tpu.memref_slice %arg32[%add3A_90, %dma_start3A_163] : memref<10240x64xf32, #tpu.memory_space<vmem_shared>> -> memref<128x64xf32, #tpu.memory_space<vmem_shared>>
      %dma_start3A_165 = arith.constant 0 : i32
      %dma_start3A_166 = tpu.memref_slice %arg32[%add3A_90, %dma_start3A_165] : memref<10240x64xf32, #tpu.memory_space<vmem_shared>> -> memref<128x64xf32, #tpu.memory_space<vmem_shared>>
      tpu.enqueue_dma source(%arg8 : memref<128x64xf32, #tpu.memory_space<vmem>>) target(%dma_start3A_166 : memref<128x64xf32, #tpu.memory_space<vmem_shared>>) target_semaphore(%run_scoped3A : memref<!tpu.dma_semaphore, #tpu.memory_space<semaphore_mem>>)
      %dma_wait3A = arith.constant 0 : i32
      %dma_wait3A_167 = tpu.memref_slice %arg32[%add3A_90, %dma_wait3A] : memref<10240x64xf32, #tpu.memory_space<vmem_shared>> -> memref<128x64xf32, #tpu.memory_space<vmem_shared>>
      %dma_wait3A_168 = arith.constant 0 : i32
      %dma_wait3A_169 = tpu.memref_slice %arg32[%add3A_90, %dma_wait3A_168] : memref<10240x64xf32, #tpu.memory_space<vmem_shared>> -> memref<128x64xf32, #tpu.memory_space<vmem_shared>>
      tpu.wait_dma2 semaphore(%run_scoped3A : memref<!tpu.dma_semaphore, #tpu.memory_space<semaphore_mem>>) src(%arg8 : memref<128x64xf32, #tpu.memory_space<vmem>>) dst(%dma_wait3A_169 : memref<128x64xf32, #tpu.memory_space<vmem_shared>>)
      tpu.yield
    }) : () -> ()
    %add3A_91 = arith.constant 128 : i32
    %add3A_92 = arith.addi %add3A_86, %add3A_91 : i32
    "tpu.region"() ({
      %run_scoped3A = tpu.sem_alloc : memref<!tpu.dma_semaphore, #tpu.memory_space<semaphore_mem>>
      %dma_start3A_163 = arith.constant 0 : i32
      %dma_start3A_164 = tpu.memref_slice %arg2[%add3A_92, %dma_start3A_163] : memref<40960x64xf32, #tpu.memory_space<hbm>> -> memref<128x64xf32, #tpu.memory_space<hbm>>
      %dma_start3A_165 = arith.constant 0 : i32
      %dma_start3A_166 = tpu.memref_slice %arg2[%add3A_92, %dma_start3A_165] : memref<40960x64xf32, #tpu.memory_space<hbm>> -> memref<128x64xf32, #tpu.memory_space<hbm>>
      tpu.enqueue_dma source(%dma_start3A_166 : memref<128x64xf32, #tpu.memory_space<hbm>>) target(%arg8 : memref<128x64xf32, #tpu.memory_space<vmem>>) target_semaphore(%run_scoped3A : memref<!tpu.dma_semaphore, #tpu.memory_space<semaphore_mem>>)
      %dma_wait3A = arith.constant 0 : i32
      %dma_wait3A_167 = tpu.memref_slice %arg2[%add3A_92, %dma_wait3A] : memref<40960x64xf32, #tpu.memory_space<hbm>> -> memref<128x64xf32, #tpu.memory_space<hbm>>
      %dma_wait3A_168 = arith.constant 0 : i32
      %dma_wait3A_169 = tpu.memref_slice %arg2[%add3A_92, %dma_wait3A_168] : memref<40960x64xf32, #tpu.memory_space<hbm>> -> memref<128x64xf32, #tpu.memory_space<hbm>>
      tpu.wait_dma2 semaphore(%run_scoped3A : memref<!tpu.dma_semaphore, #tpu.memory_space<semaphore_mem>>) src(%dma_wait3A_169 : memref<128x64xf32, #tpu.memory_space<hbm>>) dst(%arg8 : memref<128x64xf32, #tpu.memory_space<vmem>>)
      tpu.yield
    }) : () -> ()
    %add3A_93 = arith.constant 128 : i32
    %add3A_94 = arith.addi %mul3A_0, %add3A_93 : i32
    "tpu.region"() ({
      %run_scoped3A = tpu.sem_alloc : memref<!tpu.dma_semaphore, #tpu.memory_space<semaphore_mem>>
      %dma_start3A_163 = arith.constant 0 : i32
      %dma_start3A_164 = tpu.memref_slice %arg32[%add3A_94, %dma_start3A_163] : memref<10240x64xf32, #tpu.memory_space<vmem_shared>> -> memref<128x64xf32, #tpu.memory_space<vmem_shared>>
      %dma_start3A_165 = arith.constant 0 : i32
      %dma_start3A_166 = tpu.memref_slice %arg32[%add3A_94, %dma_start3A_165] : memref<10240x64xf32, #tpu.memory_space<vmem_shared>> -> memref<128x64xf32, #tpu.memory_space<vmem_shared>>
      tpu.enqueue_dma source(%arg8 : memref<128x64xf32, #tpu.memory_space<vmem>>) target(%dma_start3A_166 : memref<128x64xf32, #tpu.memory_space<vmem_shared>>) target_semaphore(%run_scoped3A : memref<!tpu.dma_semaphore, #tpu.memory_space<semaphore_mem>>)
      %dma_wait3A = arith.constant 0 : i32
      %dma_wait3A_167 = tpu.memref_slice %arg32[%add3A_94, %dma_wait3A] : memref<10240x64xf32, #tpu.memory_space<vmem_shared>> -> memref<128x64xf32, #tpu.memory_space<vmem_shared>>
      %dma_wait3A_168 = arith.constant 0 : i32
      %dma_wait3A_169 = tpu.memref_slice %arg32[%add3A_94, %dma_wait3A_168] : memref<10240x64xf32, #tpu.memory_space<vmem_shared>> -> memref<128x64xf32, #tpu.memory_space<vmem_shared>>
      tpu.wait_dma2 semaphore(%run_scoped3A : memref<!tpu.dma_semaphore, #tpu.memory_space<semaphore_mem>>) src(%arg8 : memref<128x64xf32, #tpu.memory_space<vmem>>) dst(%dma_wait3A_169 : memref<128x64xf32, #tpu.memory_space<vmem_shared>>)
      tpu.yield
    }) : () -> ()
    %add3A_95 = arith.constant 256 : i32
    %add3A_96 = arith.addi %add3A_86, %add3A_95 : i32
    "tpu.region"() ({
      %run_scoped3A = tpu.sem_alloc : memref<!tpu.dma_semaphore, #tpu.memory_space<semaphore_mem>>
      %dma_start3A_163 = arith.constant 0 : i32
      %dma_start3A_164 = tpu.memref_slice %arg2[%add3A_96, %dma_start3A_163] : memref<40960x64xf32, #tpu.memory_space<hbm>> -> memref<128x64xf32, #tpu.memory_space<hbm>>
      %dma_start3A_165 = arith.constant 0 : i32
      %dma_start3A_166 = tpu.memref_slice %arg2[%add3A_96, %dma_start3A_165] : memref<40960x64xf32, #tpu.memory_space<hbm>> -> memref<128x64xf32, #tpu.memory_space<hbm>>
      tpu.enqueue_dma source(%dma_start3A_166 : memref<128x64xf32, #tpu.memory_space<hbm>>) target(%arg8 : memref<128x64xf32, #tpu.memory_space<vmem>>) target_semaphore(%run_scoped3A : memref<!tpu.dma_semaphore, #tpu.memory_space<semaphore_mem>>)
      %dma_wait3A = arith.constant 0 : i32
      %dma_wait3A_167 = tpu.memref_slice %arg2[%add3A_96, %dma_wait3A] : memref<40960x64xf32, #tpu.memory_space<hbm>> -> memref<128x64xf32, #tpu.memory_space<hbm>>
      %dma_wait3A_168 = arith.constant 0 : i32
      %dma_wait3A_169 = tpu.memref_slice %arg2[%add3A_96, %dma_wait3A_168] : memref<40960x64xf32, #tpu.memory_space<hbm>> -> memref<128x64xf32, #tpu.memory_space<hbm>>
      tpu.wait_dma2 semaphore(%run_scoped3A : memref<!tpu.dma_semaphore, #tpu.memory_space<semaphore_mem>>) src(%dma_wait3A_169 : memref<128x64xf32, #tpu.memory_space<hbm>>) dst(%arg8 : memref<128x64xf32, #tpu.memory_space<vmem>>)
      tpu.yield
    }) : () -> ()
    %add3A_97 = arith.constant 256 : i32
    %add3A_98 = arith.addi %mul3A_0, %add3A_97 : i32
    "tpu.region"() ({
      %run_scoped3A = tpu.sem_alloc : memref<!tpu.dma_semaphore, #tpu.memory_space<semaphore_mem>>
      %dma_start3A_163 = arith.constant 0 : i32
      %dma_start3A_164 = tpu.memref_slice %arg32[%add3A_98, %dma_start3A_163] : memref<10240x64xf32, #tpu.memory_space<vmem_shared>> -> memref<128x64xf32, #tpu.memory_space<vmem_shared>>
      %dma_start3A_165 = arith.constant 0 : i32
      %dma_start3A_166 = tpu.memref_slice %arg32[%add3A_98, %dma_start3A_165] : memref<10240x64xf32, #tpu.memory_space<vmem_shared>> -> memref<128x64xf32, #tpu.memory_space<vmem_shared>>
      tpu.enqueue_dma source(%arg8 : memref<128x64xf32, #tpu.memory_space<vmem>>) target(%dma_start3A_166 : memref<128x64xf32, #tpu.memory_space<vmem_shared>>) target_semaphore(%run_scoped3A : memref<!tpu.dma_semaphore, #tpu.memory_space<semaphore_mem>>)
      %dma_wait3A = arith.constant 0 : i32
      %dma_wait3A_167 = tpu.memref_slice %arg32[%add3A_98, %dma_wait3A] : memref<10240x64xf32, #tpu.memory_space<vmem_shared>> -> memref<128x64xf32, #tpu.memory_space<vmem_shared>>
      %dma_wait3A_168 = arith.constant 0 : i32
      %dma_wait3A_169 = tpu.memref_slice %arg32[%add3A_98, %dma_wait3A_168] : memref<10240x64xf32, #tpu.memory_space<vmem_shared>> -> memref<128x64xf32, #tpu.memory_space<vmem_shared>>
      tpu.wait_dma2 semaphore(%run_scoped3A : memref<!tpu.dma_semaphore, #tpu.memory_space<semaphore_mem>>) src(%arg8 : memref<128x64xf32, #tpu.memory_space<vmem>>) dst(%dma_wait3A_169 : memref<128x64xf32, #tpu.memory_space<vmem_shared>>)
      tpu.yield
    }) : () -> ()
    %add3A_99 = arith.constant 384 : i32
    %add3A_100 = arith.addi %add3A_86, %add3A_99 : i32
    "tpu.region"() ({
      %run_scoped3A = tpu.sem_alloc : memref<!tpu.dma_semaphore, #tpu.memory_space<semaphore_mem>>
      %dma_start3A_163 = arith.constant 0 : i32
      %dma_start3A_164 = tpu.memref_slice %arg2[%add3A_100, %dma_start3A_163] : memref<40960x64xf32, #tpu.memory_space<hbm>> -> memref<128x64xf32, #tpu.memory_space<hbm>>
      %dma_start3A_165 = arith.constant 0 : i32
      %dma_start3A_166 = tpu.memref_slice %arg2[%add3A_100, %dma_start3A_165] : memref<40960x64xf32, #tpu.memory_space<hbm>> -> memref<128x64xf32, #tpu.memory_space<hbm>>
      tpu.enqueue_dma source(%dma_start3A_166 : memref<128x64xf32, #tpu.memory_space<hbm>>) target(%arg8 : memref<128x64xf32, #tpu.memory_space<vmem>>) target_semaphore(%run_scoped3A : memref<!tpu.dma_semaphore, #tpu.memory_space<semaphore_mem>>)
      %dma_wait3A = arith.constant 0 : i32
      %dma_wait3A_167 = tpu.memref_slice %arg2[%add3A_100, %dma_wait3A] : memref<40960x64xf32, #tpu.memory_space<hbm>> -> memref<128x64xf32, #tpu.memory_space<hbm>>
      %dma_wait3A_168 = arith.constant 0 : i32
      %dma_wait3A_169 = tpu.memref_slice %arg2[%add3A_100, %dma_wait3A_168] : memref<40960x64xf32, #tpu.memory_space<hbm>> -> memref<128x64xf32, #tpu.memory_space<hbm>>
      tpu.wait_dma2 semaphore(%run_scoped3A : memref<!tpu.dma_semaphore, #tpu.memory_space<semaphore_mem>>) src(%dma_wait3A_169 : memref<128x64xf32, #tpu.memory_space<hbm>>) dst(%arg8 : memref<128x64xf32, #tpu.memory_space<vmem>>)
      tpu.yield
    }) : () -> ()
    %add3A_101 = arith.constant 384 : i32
    %add3A_102 = arith.addi %mul3A_0, %add3A_101 : i32
    "tpu.region"() ({
      %run_scoped3A = tpu.sem_alloc : memref<!tpu.dma_semaphore, #tpu.memory_space<semaphore_mem>>
      %dma_start3A_163 = arith.constant 0 : i32
      %dma_start3A_164 = tpu.memref_slice %arg32[%add3A_102, %dma_start3A_163] : memref<10240x64xf32, #tpu.memory_space<vmem_shared>> -> memref<128x64xf32, #tpu.memory_space<vmem_shared>>
      %dma_start3A_165 = arith.constant 0 : i32
      %dma_start3A_166 = tpu.memref_slice %arg32[%add3A_102, %dma_start3A_165] : memref<10240x64xf32, #tpu.memory_space<vmem_shared>> -> memref<128x64xf32, #tpu.memory_space<vmem_shared>>
      tpu.enqueue_dma source(%arg8 : memref<128x64xf32, #tpu.memory_space<vmem>>) target(%dma_start3A_166 : memref<128x64xf32, #tpu.memory_space<vmem_shared>>) target_semaphore(%run_scoped3A : memref<!tpu.dma_semaphore, #tpu.memory_space<semaphore_mem>>)
      %dma_wait3A = arith.constant 0 : i32
      %dma_wait3A_167 = tpu.memref_slice %arg32[%add3A_102, %dma_wait3A] : memref<10240x64xf32, #tpu.memory_space<vmem_shared>> -> memref<128x64xf32, #tpu.memory_space<vmem_shared>>
      %dma_wait3A_168 = arith.constant 0 : i32
      %dma_wait3A_169 = tpu.memref_slice %arg32[%add3A_102, %dma_wait3A_168] : memref<10240x64xf32, #tpu.memory_space<vmem_shared>> -> memref<128x64xf32, #tpu.memory_space<vmem_shared>>
      tpu.wait_dma2 semaphore(%run_scoped3A : memref<!tpu.dma_semaphore, #tpu.memory_space<semaphore_mem>>) src(%arg8 : memref<128x64xf32, #tpu.memory_space<vmem>>) dst(%dma_wait3A_169 : memref<128x64xf32, #tpu.memory_space<vmem_shared>>)
      tpu.yield
    }) : () -> ()
    %add3A_103 = arith.constant 512 : i32
    %add3A_104 = arith.addi %add3A_86, %add3A_103 : i32
    "tpu.region"() ({
      %run_scoped3A = tpu.sem_alloc : memref<!tpu.dma_semaphore, #tpu.memory_space<semaphore_mem>>
      %dma_start3A_163 = arith.constant 0 : i32
      %dma_start3A_164 = tpu.memref_slice %arg2[%add3A_104, %dma_start3A_163] : memref<40960x64xf32, #tpu.memory_space<hbm>> -> memref<128x64xf32, #tpu.memory_space<hbm>>
      %dma_start3A_165 = arith.constant 0 : i32
      %dma_start3A_166 = tpu.memref_slice %arg2[%add3A_104, %dma_start3A_165] : memref<40960x64xf32, #tpu.memory_space<hbm>> -> memref<128x64xf32, #tpu.memory_space<hbm>>
      tpu.enqueue_dma source(%dma_start3A_166 : memref<128x64xf32, #tpu.memory_space<hbm>>) target(%arg8 : memref<128x64xf32, #tpu.memory_space<vmem>>) target_semaphore(%run_scoped3A : memref<!tpu.dma_semaphore, #tpu.memory_space<semaphore_mem>>)
      %dma_wait3A = arith.constant 0 : i32
      %dma_wait3A_167 = tpu.memref_slice %arg2[%add3A_104, %dma_wait3A] : memref<40960x64xf32, #tpu.memory_space<hbm>> -> memref<128x64xf32, #tpu.memory_space<hbm>>
      %dma_wait3A_168 = arith.constant 0 : i32
      %dma_wait3A_169 = tpu.memref_slice %arg2[%add3A_104, %dma_wait3A_168] : memref<40960x64xf32, #tpu.memory_space<hbm>> -> memref<128x64xf32, #tpu.memory_space<hbm>>
      tpu.wait_dma2 semaphore(%run_scoped3A : memref<!tpu.dma_semaphore, #tpu.memory_space<semaphore_mem>>) src(%dma_wait3A_169 : memref<128x64xf32, #tpu.memory_space<hbm>>) dst(%arg8 : memref<128x64xf32, #tpu.memory_space<vmem>>)
      tpu.yield
    }) : () -> ()
    %add3A_105 = arith.constant 512 : i32
    %add3A_106 = arith.addi %mul3A_0, %add3A_105 : i32
    "tpu.region"() ({
      %run_scoped3A = tpu.sem_alloc : memref<!tpu.dma_semaphore, #tpu.memory_space<semaphore_mem>>
      %dma_start3A_163 = arith.constant 0 : i32
      %dma_start3A_164 = tpu.memref_slice %arg32[%add3A_106, %dma_start3A_163] : memref<10240x64xf32, #tpu.memory_space<vmem_shared>> -> memref<128x64xf32, #tpu.memory_space<vmem_shared>>
      %dma_start3A_165 = arith.constant 0 : i32
      %dma_start3A_166 = tpu.memref_slice %arg32[%add3A_106, %dma_start3A_165] : memref<10240x64xf32, #tpu.memory_space<vmem_shared>> -> memref<128x64xf32, #tpu.memory_space<vmem_shared>>
      tpu.enqueue_dma source(%arg8 : memref<128x64xf32, #tpu.memory_space<vmem>>) target(%dma_start3A_166 : memref<128x64xf32, #tpu.memory_space<vmem_shared>>) target_semaphore(%run_scoped3A : memref<!tpu.dma_semaphore, #tpu.memory_space<semaphore_mem>>)
      %dma_wait3A = arith.constant 0 : i32
      %dma_wait3A_167 = tpu.memref_slice %arg32[%add3A_106, %dma_wait3A] : memref<10240x64xf32, #tpu.memory_space<vmem_shared>> -> memref<128x64xf32, #tpu.memory_space<vmem_shared>>
      %dma_wait3A_168 = arith.constant 0 : i32
      %dma_wait3A_169 = tpu.memref_slice %arg32[%add3A_106, %dma_wait3A_168] : memref<10240x64xf32, #tpu.memory_space<vmem_shared>> -> memref<128x64xf32, #tpu.memory_space<vmem_shared>>
      tpu.wait_dma2 semaphore(%run_scoped3A : memref<!tpu.dma_semaphore, #tpu.memory_space<semaphore_mem>>) src(%arg8 : memref<128x64xf32, #tpu.memory_space<vmem>>) dst(%dma_wait3A_169 : memref<128x64xf32, #tpu.memory_space<vmem_shared>>)
      tpu.yield
    }) : () -> ()
    "tpu.region"() ({
      %run_scoped3A = tpu.sem_alloc : memref<!tpu.dma_semaphore, #tpu.memory_space<semaphore_mem>>
      %dma_start3A_163 = arith.constant 0 : i32
      %dma_start3A_164 = arith.constant 0 : i32
      %dma_start3A_165 = tpu.memref_slice %arg3[%add3A_83, %arg1, %dma_start3A_163, %dma_start3A_164] : memref<4x16x80x128xi32, #tpu.memory_space<hbm>> -> memref<1x1x80x128xi32, #tpu.memory_space<hbm>>
      %dma_start3A_166 = tpu.memref_squeeze %dma_start3A_165 : memref<1x1x80x128xi32, #tpu.memory_space<hbm>> -> memref<80x128xi32, #tpu.memory_space<hbm>>
      %dma_start3A_167 = arith.constant 0 : i32
      %dma_start3A_168 = arith.constant 0 : i32
      %dma_start3A_169 = tpu.memref_slice %arg3[%add3A_83, %arg1, %dma_start3A_167, %dma_start3A_168] : memref<4x16x80x128xi32, #tpu.memory_space<hbm>> -> memref<1x1x80x128xi32, #tpu.memory_space<hbm>>
      %dma_start3A_170 = tpu.memref_squeeze %dma_start3A_169 : memref<1x1x80x128xi32, #tpu.memory_space<hbm>> -> memref<80x128xi32, #tpu.memory_space<hbm>>
      tpu.enqueue_dma source(%dma_start3A_170 : memref<80x128xi32, #tpu.memory_space<hbm>>) target(%arg6 : memref<80x128xi32, #tpu.memory_space<vmem>>) target_semaphore(%run_scoped3A : memref<!tpu.dma_semaphore, #tpu.memory_space<semaphore_mem>>)
      %dma_wait3A = arith.constant 0 : i32
      %dma_wait3A_171 = arith.constant 0 : i32
      %dma_wait3A_172 = tpu.memref_slice %arg3[%add3A_83, %arg1, %dma_wait3A, %dma_wait3A_171] : memref<4x16x80x128xi32, #tpu.memory_space<hbm>> -> memref<1x1x80x128xi32, #tpu.memory_space<hbm>>
      %dma_wait3A_173 = tpu.memref_squeeze %dma_wait3A_172 : memref<1x1x80x128xi32, #tpu.memory_space<hbm>> -> memref<80x128xi32, #tpu.memory_space<hbm>>
      %dma_wait3A_174 = arith.constant 0 : i32
      %dma_wait3A_175 = arith.constant 0 : i32
      %dma_wait3A_176 = tpu.memref_slice %arg3[%add3A_83, %arg1, %dma_wait3A_174, %dma_wait3A_175] : memref<4x16x80x128xi32, #tpu.memory_space<hbm>> -> memref<1x1x80x128xi32, #tpu.memory_space<hbm>>
      %dma_wait3A_177 = tpu.memref_squeeze %dma_wait3A_176 : memref<1x1x80x128xi32, #tpu.memory_space<hbm>> -> memref<80x128xi32, #tpu.memory_space<hbm>>
      tpu.wait_dma2 semaphore(%run_scoped3A : memref<!tpu.dma_semaphore, #tpu.memory_space<semaphore_mem>>) src(%dma_wait3A_177 : memref<80x128xi32, #tpu.memory_space<hbm>>) dst(%arg6 : memref<80x128xi32, #tpu.memory_space<vmem>>)
      tpu.yield
    }) : () -> ()
    %barrier3A_107 = arith.constant 0 : index
    tpu.barrier barrier_id(%barrier3A_107)
    %dma_start3A_108 = arith.constant 0 : i32
    %dma_start3A_109 = arith.constant 0 : i32
    %dma_start3A_110 = tpu.memref_slice %arg6[%dma_start3A_108, %dma_start3A_109] : memref<80x128xi32, #tpu.memory_space<vmem>> -> memref<1x128xi32, #tpu.memory_space<vmem>>
    %dma_start3A_111 = tpu.memref_squeeze %dma_start3A_110 : memref<1x128xi32, #tpu.memory_space<vmem>> -> memref<128xi32, #tpu.memory_space<vmem>>
    %dma_start3A_112 = arith.constant 0 : i32
    %dma_start3A_113 = arith.constant 0 : i32
    %dma_start3A_114 = tpu.memref_slice %arg2[%dma_start3A_112, %dma_start3A_113] : memref<40960x64xf32, #tpu.memory_space<hbm>> -> memref<40960x64xf32, #tpu.memory_space<hbm>>
    tpu.enqueue_indirect_dma source(%dma_start3A_114 : memref<40960x64xf32, #tpu.memory_space<hbm>>) target(%arg8 : memref<128x64xf32, #tpu.memory_space<vmem>>) offsets(%dma_start3A_111 : memref<128xi32, #tpu.memory_space<vmem>>) semaphore(%arg16 : memref<!tpu.dma_semaphore, #tpu.memory_space<semaphore_mem>>)
    %dma_start3A_115 = arith.constant 1 : i32
    %dma_start3A_116 = arith.constant 0 : i32
    %dma_start3A_117 = tpu.memref_slice %arg6[%dma_start3A_115, %dma_start3A_116] : memref<80x128xi32, #tpu.memory_space<vmem>> -> memref<1x128xi32, #tpu.memory_space<vmem>>
    %dma_start3A_118 = tpu.memref_squeeze %dma_start3A_117 : memref<1x128xi32, #tpu.memory_space<vmem>> -> memref<128xi32, #tpu.memory_space<vmem>>
    %dma_start3A_119 = arith.constant 0 : i32
    %dma_start3A_120 = arith.constant 0 : i32
    %dma_start3A_121 = tpu.memref_slice %arg2[%dma_start3A_119, %dma_start3A_120] : memref<40960x64xf32, #tpu.memory_space<hbm>> -> memref<40960x64xf32, #tpu.memory_space<hbm>>
    tpu.enqueue_indirect_dma source(%dma_start3A_121 : memref<40960x64xf32, #tpu.memory_space<hbm>>) target(%arg9 : memref<128x64xf32, #tpu.memory_space<vmem>>) offsets(%dma_start3A_118 : memref<128xi32, #tpu.memory_space<vmem>>) semaphore(%arg17 : memref<!tpu.dma_semaphore, #tpu.memory_space<semaphore_mem>>)
    %dma_start3A_122 = arith.constant 2 : i32
    %dma_start3A_123 = arith.constant 0 : i32
    %dma_start3A_124 = tpu.memref_slice %arg6[%dma_start3A_122, %dma_start3A_123] : memref<80x128xi32, #tpu.memory_space<vmem>> -> memref<1x128xi32, #tpu.memory_space<vmem>>
    %dma_start3A_125 = tpu.memref_squeeze %dma_start3A_124 : memref<1x128xi32, #tpu.memory_space<vmem>> -> memref<128xi32, #tpu.memory_space<vmem>>
    %dma_start3A_126 = arith.constant 0 : i32
    %dma_start3A_127 = arith.constant 0 : i32
    %dma_start3A_128 = tpu.memref_slice %arg2[%dma_start3A_126, %dma_start3A_127] : memref<40960x64xf32, #tpu.memory_space<hbm>> -> memref<40960x64xf32, #tpu.memory_space<hbm>>
    tpu.enqueue_indirect_dma source(%dma_start3A_128 : memref<40960x64xf32, #tpu.memory_space<hbm>>) target(%arg10 : memref<128x64xf32, #tpu.memory_space<vmem>>) offsets(%dma_start3A_125 : memref<128xi32, #tpu.memory_space<vmem>>) semaphore(%arg18 : memref<!tpu.dma_semaphore, #tpu.memory_space<semaphore_mem>>)
    %dma_start3A_129 = arith.constant 3 : i32
    %dma_start3A_130 = arith.constant 0 : i32
    %dma_start3A_131 = tpu.memref_slice %arg6[%dma_start3A_129, %dma_start3A_130] : memref<80x128xi32, #tpu.memory_space<vmem>> -> memref<1x128xi32, #tpu.memory_space<vmem>>
    %dma_start3A_132 = tpu.memref_squeeze %dma_start3A_131 : memref<1x128xi32, #tpu.memory_space<vmem>> -> memref<128xi32, #tpu.memory_space<vmem>>
    %dma_start3A_133 = arith.constant 0 : i32
    %dma_start3A_134 = arith.constant 0 : i32
    %dma_start3A_135 = tpu.memref_slice %arg2[%dma_start3A_133, %dma_start3A_134] : memref<40960x64xf32, #tpu.memory_space<hbm>> -> memref<40960x64xf32, #tpu.memory_space<hbm>>
    tpu.enqueue_indirect_dma source(%dma_start3A_135 : memref<40960x64xf32, #tpu.memory_space<hbm>>) target(%arg11 : memref<128x64xf32, #tpu.memory_space<vmem>>) offsets(%dma_start3A_132 : memref<128xi32, #tpu.memory_space<vmem>>) semaphore(%arg19 : memref<!tpu.dma_semaphore, #tpu.memory_space<semaphore_mem>>)
    %scan3A_136 = arith.constant 0 : i32
    %scan3A_137 = arith.constant 0 : i32
    %scan3A_138 = arith.constant 10 : i32
    %scan3A_139 = arith.addi %scan3A_137, %scan3A_138 : i32
    %scan3A_140 = arith.constant 1 : i32
    scf.for %scan3A_163 = %scan3A_137 to %scan3A_139 step %scan3A_140  : i32 {
      %mul3A_164 = arith.constant 8 : i32
      %mul3A_165 = arith.muli %scan3A_163, %mul3A_164 : i32
      %add3A_166 = arith.constant 4 : i32
      %add3A_167 = arith.addi %mul3A_165, %add3A_166 : i32
      %add3A_168 = arith.constant 0 : i32
      %add3A_169 = arith.addi %add3A_167, %add3A_168 : i32
      %dma_start3A_170 = arith.constant 0 : i32
      %dma_start3A_171 = tpu.memref_slice %arg6[%add3A_169, %dma_start3A_170] : memref<80x128xi32, #tpu.memory_space<vmem>> -> memref<1x128xi32, #tpu.memory_space<vmem>>
      %dma_start3A_172 = tpu.memref_squeeze %dma_start3A_171 : memref<1x128xi32, #tpu.memory_space<vmem>> -> memref<128xi32, #tpu.memory_space<vmem>>
      %dma_start3A_173 = arith.constant 0 : i32
      %dma_start3A_174 = arith.constant 0 : i32
      %dma_start3A_175 = tpu.memref_slice %arg2[%dma_start3A_173, %dma_start3A_174] : memref<40960x64xf32, #tpu.memory_space<hbm>> -> memref<40960x64xf32, #tpu.memory_space<hbm>>
      tpu.enqueue_indirect_dma source(%dma_start3A_175 : memref<40960x64xf32, #tpu.memory_space<hbm>>) target(%arg12 : memref<128x64xf32, #tpu.memory_space<vmem>>) offsets(%dma_start3A_172 : memref<128xi32, #tpu.memory_space<vmem>>) semaphore(%arg20 : memref<!tpu.dma_semaphore, #tpu.memory_space<semaphore_mem>>)
      %add3A_176 = arith.constant 1 : i32
      %add3A_177 = arith.addi %add3A_167, %add3A_176 : i32
      %dma_start3A_178 = arith.constant 0 : i32
      %dma_start3A_179 = tpu.memref_slice %arg6[%add3A_177, %dma_start3A_178] : memref<80x128xi32, #tpu.memory_space<vmem>> -> memref<1x128xi32, #tpu.memory_space<vmem>>
      %dma_start3A_180 = tpu.memref_squeeze %dma_start3A_179 : memref<1x128xi32, #tpu.memory_space<vmem>> -> memref<128xi32, #tpu.memory_space<vmem>>
      %dma_start3A_181 = arith.constant 0 : i32
      %dma_start3A_182 = arith.constant 0 : i32
      %dma_start3A_183 = tpu.memref_slice %arg2[%dma_start3A_181, %dma_start3A_182] : memref<40960x64xf32, #tpu.memory_space<hbm>> -> memref<40960x64xf32, #tpu.memory_space<hbm>>
      tpu.enqueue_indirect_dma source(%dma_start3A_183 : memref<40960x64xf32, #tpu.memory_space<hbm>>) target(%arg13 : memref<128x64xf32, #tpu.memory_space<vmem>>) offsets(%dma_start3A_180 : memref<128xi32, #tpu.memory_space<vmem>>) semaphore(%arg21 : memref<!tpu.dma_semaphore, #tpu.memory_space<semaphore_mem>>)
      %add3A_184 = arith.constant 2 : i32
      %add3A_185 = arith.addi %add3A_167, %add3A_184 : i32
      %dma_start3A_186 = arith.constant 0 : i32
      %dma_start3A_187 = tpu.memref_slice %arg6[%add3A_185, %dma_start3A_186] : memref<80x128xi32, #tpu.memory_space<vmem>> -> memref<1x128xi32, #tpu.memory_space<vmem>>
      %dma_start3A_188 = tpu.memref_squeeze %dma_start3A_187 : memref<1x128xi32, #tpu.memory_space<vmem>> -> memref<128xi32, #tpu.memory_space<vmem>>
      %dma_start3A_189 = arith.constant 0 : i32
      %dma_start3A_190 = arith.constant 0 : i32
      %dma_start3A_191 = tpu.memref_slice %arg2[%dma_start3A_189, %dma_start3A_190] : memref<40960x64xf32, #tpu.memory_space<hbm>> -> memref<40960x64xf32, #tpu.memory_space<hbm>>
      tpu.enqueue_indirect_dma source(%dma_start3A_191 : memref<40960x64xf32, #tpu.memory_space<hbm>>) target(%arg14 : memref<128x64xf32, #tpu.memory_space<vmem>>) offsets(%dma_start3A_188 : memref<128xi32, #tpu.memory_space<vmem>>) semaphore(%arg22 : memref<!tpu.dma_semaphore, #tpu.memory_space<semaphore_mem>>)
      %add3A_192 = arith.constant 3 : i32
      %add3A_193 = arith.addi %add3A_167, %add3A_192 : i32
      %dma_start3A_194 = arith.constant 0 : i32
      %dma_start3A_195 = tpu.memref_slice %arg6[%add3A_193, %dma_start3A_194] : memref<80x128xi32, #tpu.memory_space<vmem>> -> memref<1x128xi32, #tpu.memory_space<vmem>>
      %dma_start3A_196 = tpu.memref_squeeze %dma_start3A_195 : memref<1x128xi32, #tpu.memory_space<vmem>> -> memref<128xi32, #tpu.memory_space<vmem>>
      %dma_start3A_197 = arith.constant 0 : i32
      %dma_start3A_198 = arith.constant 0 : i32
      %dma_start3A_199 = tpu.memref_slice %arg2[%dma_start3A_197, %dma_start3A_198] : memref<40960x64xf32, #tpu.memory_space<hbm>> -> memref<40960x64xf32, #tpu.memory_space<hbm>>
      tpu.enqueue_indirect_dma source(%dma_start3A_199 : memref<40960x64xf32, #tpu.memory_space<hbm>>) target(%arg15 : memref<128x64xf32, #tpu.memory_space<vmem>>) offsets(%dma_start3A_196 : memref<128xi32, #tpu.memory_space<vmem>>) semaphore(%arg23 : memref<!tpu.dma_semaphore, #tpu.memory_space<semaphore_mem>>)
      %add3A_200 = arith.constant 0 : i32
      %add3A_201 = arith.addi %mul3A_165, %add3A_200 : i32
      %dma_wait3A = arith.constant 0 : i32
      %dma_wait3A_202 = tpu.memref_slice %arg6[%add3A_201, %dma_wait3A] : memref<80x128xi32, #tpu.memory_space<vmem>> -> memref<1x128xi32, #tpu.memory_space<vmem>>
      %dma_wait3A_203 = tpu.memref_squeeze %dma_wait3A_202 : memref<1x128xi32, #tpu.memory_space<vmem>> -> memref<128xi32, #tpu.memory_space<vmem>>
      %dma_wait3A_204 = arith.constant 0 : i32
      %dma_wait3A_205 = arith.constant 0 : i32
      %dma_wait3A_206 = tpu.memref_slice %arg2[%dma_wait3A_204, %dma_wait3A_205] : memref<40960x64xf32, #tpu.memory_space<hbm>> -> memref<40960x64xf32, #tpu.memory_space<hbm>>
      tpu.wait_indirect_dma semaphore(%arg16 : memref<!tpu.dma_semaphore, #tpu.memory_space<semaphore_mem>>) src(%dma_wait3A_206 : memref<40960x64xf32, #tpu.memory_space<hbm>>) dst(%arg8 : memref<128x64xf32, #tpu.memory_space<vmem>>)
      %add3A_207 = arith.constant 0 : i32
      %add3A_208 = arith.addi %mul3A_165, %add3A_207 : i32
      %dma_start3A_209 = arith.constant 0 : i32
      %dma_start3A_210 = tpu.memref_slice %arg7[%add3A_208, %dma_start3A_209] : memref<80x128xi32, #tpu.memory_space<vmem>> -> memref<1x128xi32, #tpu.memory_space<vmem>>
      %dma_start3A_211 = tpu.memref_squeeze %dma_start3A_210 : memref<1x128xi32, #tpu.memory_space<vmem>> -> memref<128xi32, #tpu.memory_space<vmem>>
      %dma_start3A_212 = arith.constant 0 : i32
      %dma_start3A_213 = arith.constant 0 : i32
      %dma_start3A_214 = tpu.memref_slice %arg32[%dma_start3A_212, %dma_start3A_213] : memref<10240x64xf32, #tpu.memory_space<vmem_shared>> -> memref<10240x64xf32, #tpu.memory_space<vmem_shared>>
      tpu.enqueue_indirect_dma source(%arg8 : memref<128x64xf32, #tpu.memory_space<vmem>>) target(%dma_start3A_214 : memref<10240x64xf32, #tpu.memory_space<vmem_shared>>) offsets(%dma_start3A_211 : memref<128xi32, #tpu.memory_space<vmem>>) semaphore(%arg24 : memref<!tpu.dma_semaphore, #tpu.memory_space<semaphore_mem>>) {add = true}
      %add3A_215 = arith.constant 1 : i32
      %add3A_216 = arith.addi %mul3A_165, %add3A_215 : i32
      %dma_wait3A_217 = arith.constant 0 : i32
      %dma_wait3A_218 = tpu.memref_slice %arg6[%add3A_216, %dma_wait3A_217] : memref<80x128xi32, #tpu.memory_space<vmem>> -> memref<1x128xi32, #tpu.memory_space<vmem>>
      %dma_wait3A_219 = tpu.memref_squeeze %dma_wait3A_218 : memref<1x128xi32, #tpu.memory_space<vmem>> -> memref<128xi32, #tpu.memory_space<vmem>>
      %dma_wait3A_220 = arith.constant 0 : i32
      %dma_wait3A_221 = arith.constant 0 : i32
      %dma_wait3A_222 = tpu.memref_slice %arg2[%dma_wait3A_220, %dma_wait3A_221] : memref<40960x64xf32, #tpu.memory_space<hbm>> -> memref<40960x64xf32, #tpu.memory_space<hbm>>
      tpu.wait_indirect_dma semaphore(%arg17 : memref<!tpu.dma_semaphore, #tpu.memory_space<semaphore_mem>>) src(%dma_wait3A_222 : memref<40960x64xf32, #tpu.memory_space<hbm>>) dst(%arg9 : memref<128x64xf32, #tpu.memory_space<vmem>>)
      %add3A_223 = arith.constant 1 : i32
      %add3A_224 = arith.addi %mul3A_165, %add3A_223 : i32
      %dma_start3A_225 = arith.constant 0 : i32
      %dma_start3A_226 = tpu.memref_slice %arg7[%add3A_224, %dma_start3A_225] : memref<80x128xi32, #tpu.memory_space<vmem>> -> memref<1x128xi32, #tpu.memory_space<vmem>>
      %dma_start3A_227 = tpu.memref_squeeze %dma_start3A_226 : memref<1x128xi32, #tpu.memory_space<vmem>> -> memref<128xi32, #tpu.memory_space<vmem>>
      %dma_start3A_228 = arith.constant 0 : i32
      %dma_start3A_229 = arith.constant 0 : i32
      %dma_start3A_230 = tpu.memref_slice %arg32[%dma_start3A_228, %dma_start3A_229] : memref<10240x64xf32, #tpu.memory_space<vmem_shared>> -> memref<10240x64xf32, #tpu.memory_space<vmem_shared>>
      tpu.enqueue_indirect_dma source(%arg9 : memref<128x64xf32, #tpu.memory_space<vmem>>) target(%dma_start3A_230 : memref<10240x64xf32, #tpu.memory_space<vmem_shared>>) offsets(%dma_start3A_227 : memref<128xi32, #tpu.memory_space<vmem>>) semaphore(%arg25 : memref<!tpu.dma_semaphore, #tpu.memory_space<semaphore_mem>>) {add = true}
      %add3A_231 = arith.constant 2 : i32
      %add3A_232 = arith.addi %mul3A_165, %add3A_231 : i32
      %dma_wait3A_233 = arith.constant 0 : i32
      %dma_wait3A_234 = tpu.memref_slice %arg6[%add3A_232, %dma_wait3A_233] : memref<80x128xi32, #tpu.memory_space<vmem>> -> memref<1x128xi32, #tpu.memory_space<vmem>>
      %dma_wait3A_235 = tpu.memref_squeeze %dma_wait3A_234 : memref<1x128xi32, #tpu.memory_space<vmem>> -> memref<128xi32, #tpu.memory_space<vmem>>
      %dma_wait3A_236 = arith.constant 0 : i32
      %dma_wait3A_237 = arith.constant 0 : i32
      %dma_wait3A_238 = tpu.memref_slice %arg2[%dma_wait3A_236, %dma_wait3A_237] : memref<40960x64xf32, #tpu.memory_space<hbm>> -> memref<40960x64xf32, #tpu.memory_space<hbm>>
      tpu.wait_indirect_dma semaphore(%arg18 : memref<!tpu.dma_semaphore, #tpu.memory_space<semaphore_mem>>) src(%dma_wait3A_238 : memref<40960x64xf32, #tpu.memory_space<hbm>>) dst(%arg10 : memref<128x64xf32, #tpu.memory_space<vmem>>)
      %add3A_239 = arith.constant 2 : i32
      %add3A_240 = arith.addi %mul3A_165, %add3A_239 : i32
      %dma_start3A_241 = arith.constant 0 : i32
      %dma_start3A_242 = tpu.memref_slice %arg7[%add3A_240, %dma_start3A_241] : memref<80x128xi32, #tpu.memory_space<vmem>> -> memref<1x128xi32, #tpu.memory_space<vmem>>
      %dma_start3A_243 = tpu.memref_squeeze %dma_start3A_242 : memref<1x128xi32, #tpu.memory_space<vmem>> -> memref<128xi32, #tpu.memory_space<vmem>>
      %dma_start3A_244 = arith.constant 0 : i32
      %dma_start3A_245 = arith.constant 0 : i32
      %dma_start3A_246 = tpu.memref_slice %arg32[%dma_start3A_244, %dma_start3A_245] : memref<10240x64xf32, #tpu.memory_space<vmem_shared>> -> memref<10240x64xf32, #tpu.memory_space<vmem_shared>>
      tpu.enqueue_indirect_dma source(%arg10 : memref<128x64xf32, #tpu.memory_space<vmem>>) target(%dma_start3A_246 : memref<10240x64xf32, #tpu.memory_space<vmem_shared>>) offsets(%dma_start3A_243 : memref<128xi32, #tpu.memory_space<vmem>>) semaphore(%arg26 : memref<!tpu.dma_semaphore, #tpu.memory_space<semaphore_mem>>) {add = true}
      %add3A_247 = arith.constant 3 : i32
      %add3A_248 = arith.addi %mul3A_165, %add3A_247 : i32
      %dma_wait3A_249 = arith.constant 0 : i32
      %dma_wait3A_250 = tpu.memref_slice %arg6[%add3A_248, %dma_wait3A_249] : memref<80x128xi32, #tpu.memory_space<vmem>> -> memref<1x128xi32, #tpu.memory_space<vmem>>
      %dma_wait3A_251 = tpu.memref_squeeze %dma_wait3A_250 : memref<1x128xi32, #tpu.memory_space<vmem>> -> memref<128xi32, #tpu.memory_space<vmem>>
      %dma_wait3A_252 = arith.constant 0 : i32
      %dma_wait3A_253 = arith.constant 0 : i32
      %dma_wait3A_254 = tpu.memref_slice %arg2[%dma_wait3A_252, %dma_wait3A_253] : memref<40960x64xf32, #tpu.memory_space<hbm>> -> memref<40960x64xf32, #tpu.memory_space<hbm>>
      tpu.wait_indirect_dma semaphore(%arg19 : memref<!tpu.dma_semaphore, #tpu.memory_space<semaphore_mem>>) src(%dma_wait3A_254 : memref<40960x64xf32, #tpu.memory_space<hbm>>) dst(%arg11 : memref<128x64xf32, #tpu.memory_space<vmem>>)
      %add3A_255 = arith.constant 3 : i32
      %add3A_256 = arith.addi %mul3A_165, %add3A_255 : i32
      %dma_start3A_257 = arith.constant 0 : i32
      %dma_start3A_258 = tpu.memref_slice %arg7[%add3A_256, %dma_start3A_257] : memref<80x128xi32, #tpu.memory_space<vmem>> -> memref<1x128xi32, #tpu.memory_space<vmem>>
      %dma_start3A_259 = tpu.memref_squeeze %dma_start3A_258 : memref<1x128xi32, #tpu.memory_space<vmem>> -> memref<128xi32, #tpu.memory_space<vmem>>
      %dma_start3A_260 = arith.constant 0 : i32
      %dma_start3A_261 = arith.constant 0 : i32
      %dma_start3A_262 = tpu.memref_slice %arg32[%dma_start3A_260, %dma_start3A_261] : memref<10240x64xf32, #tpu.memory_space<vmem_shared>> -> memref<10240x64xf32, #tpu.memory_space<vmem_shared>>
      tpu.enqueue_indirect_dma source(%arg11 : memref<128x64xf32, #tpu.memory_space<vmem>>) target(%dma_start3A_262 : memref<10240x64xf32, #tpu.memory_space<vmem_shared>>) offsets(%dma_start3A_259 : memref<128xi32, #tpu.memory_space<vmem>>) semaphore(%arg27 : memref<!tpu.dma_semaphore, #tpu.memory_space<semaphore_mem>>) {add = true}
      %dma_wait3A_263 = arith.constant 0 : i32
      %dma_wait3A_264 = tpu.memref_slice %arg7[%add3A_208, %dma_wait3A_263] : memref<80x128xi32, #tpu.memory_space<vmem>> -> memref<1x128xi32, #tpu.memory_space<vmem>>
      %dma_wait3A_265 = tpu.memref_squeeze %dma_wait3A_264 : memref<1x128xi32, #tpu.memory_space<vmem>> -> memref<128xi32, #tpu.memory_space<vmem>>
      %dma_wait3A_266 = arith.constant 0 : i32
      %dma_wait3A_267 = arith.constant 0 : i32
      %dma_wait3A_268 = tpu.memref_slice %arg32[%dma_wait3A_266, %dma_wait3A_267] : memref<10240x64xf32, #tpu.memory_space<vmem_shared>> -> memref<10240x64xf32, #tpu.memory_space<vmem_shared>>
      tpu.wait_indirect_dma semaphore(%arg24 : memref<!tpu.dma_semaphore, #tpu.memory_space<semaphore_mem>>) src(%arg8 : memref<128x64xf32, #tpu.memory_space<vmem>>) dst(%dma_wait3A_268 : memref<10240x64xf32, #tpu.memory_space<vmem_shared>>)
      %dma_wait3A_269 = arith.constant 0 : i32
      %dma_wait3A_270 = tpu.memref_slice %arg7[%add3A_224, %dma_wait3A_269] : memref<80x128xi32, #tpu.memory_space<vmem>> -> memref<1x128xi32, #tpu.memory_space<vmem>>
      %dma_wait3A_271 = tpu.memref_squeeze %dma_wait3A_270 : memref<1x128xi32, #tpu.memory_space<vmem>> -> memref<128xi32, #tpu.memory_space<vmem>>
      %dma_wait3A_272 = arith.constant 0 : i32
      %dma_wait3A_273 = arith.constant 0 : i32
      %dma_wait3A_274 = tpu.memref_slice %arg32[%dma_wait3A_272, %dma_wait3A_273] : memref<10240x64xf32, #tpu.memory_space<vmem_shared>> -> memref<10240x64xf32, #tpu.memory_space<vmem_shared>>
      tpu.wait_indirect_dma semaphore(%arg25 : memref<!tpu.dma_semaphore, #tpu.memory_space<semaphore_mem>>) src(%arg9 : memref<128x64xf32, #tpu.memory_space<vmem>>) dst(%dma_wait3A_274 : memref<10240x64xf32, #tpu.memory_space<vmem_shared>>)
      %dma_wait3A_275 = arith.constant 0 : i32
      %dma_wait3A_276 = tpu.memref_slice %arg7[%add3A_240, %dma_wait3A_275] : memref<80x128xi32, #tpu.memory_space<vmem>> -> memref<1x128xi32, #tpu.memory_space<vmem>>
      %dma_wait3A_277 = tpu.memref_squeeze %dma_wait3A_276 : memref<1x128xi32, #tpu.memory_space<vmem>> -> memref<128xi32, #tpu.memory_space<vmem>>
      %dma_wait3A_278 = arith.constant 0 : i32
      %dma_wait3A_279 = arith.constant 0 : i32
      %dma_wait3A_280 = tpu.memref_slice %arg32[%dma_wait3A_278, %dma_wait3A_279] : memref<10240x64xf32, #tpu.memory_space<vmem_shared>> -> memref<10240x64xf32, #tpu.memory_space<vmem_shared>>
      tpu.wait_indirect_dma semaphore(%arg26 : memref<!tpu.dma_semaphore, #tpu.memory_space<semaphore_mem>>) src(%arg10 : memref<128x64xf32, #tpu.memory_space<vmem>>) dst(%dma_wait3A_280 : memref<10240x64xf32, #tpu.memory_space<vmem_shared>>)
      %dma_wait3A_281 = arith.constant 0 : i32
      %dma_wait3A_282 = tpu.memref_slice %arg7[%add3A_256, %dma_wait3A_281] : memref<80x128xi32, #tpu.memory_space<vmem>> -> memref<1x128xi32, #tpu.memory_space<vmem>>
      %dma_wait3A_283 = tpu.memref_squeeze %dma_wait3A_282 : memref<1x128xi32, #tpu.memory_space<vmem>> -> memref<128xi32, #tpu.memory_space<vmem>>
      %dma_wait3A_284 = arith.constant 0 : i32
      %dma_wait3A_285 = arith.constant 0 : i32
      %dma_wait3A_286 = tpu.memref_slice %arg32[%dma_wait3A_284, %dma_wait3A_285] : memref<10240x64xf32, #tpu.memory_space<vmem_shared>> -> memref<10240x64xf32, #tpu.memory_space<vmem_shared>>
      tpu.wait_indirect_dma semaphore(%arg27 : memref<!tpu.dma_semaphore, #tpu.memory_space<semaphore_mem>>) src(%arg11 : memref<128x64xf32, #tpu.memory_space<vmem>>) dst(%dma_wait3A_286 : memref<10240x64xf32, #tpu.memory_space<vmem_shared>>)
      %lt3A = arith.constant 9 : i32
      %lt3A_287 = arith.cmpi slt, %scan3A_163, %lt3A : i32
      %convert_element_type3A = arith.extui %lt3A_287 : i1 to i32
      %cond3A = arith.constant 0 : i32
      %cond3A_288 = arith.cmpi ne, %convert_element_type3A, %cond3A : i32
      scf.if %cond3A_288 {
        %add3A_377 = arith.constant 8 : i32
        %add3A_378 = arith.addi %mul3A_165, %add3A_377 : i32
        %add3A_379 = arith.constant 0 : i32
        %add3A_380 = arith.addi %add3A_378, %add3A_379 : i32
        %dma_start3A_381 = arith.constant 0 : i32
        %dma_start3A_382 = tpu.memref_slice %arg6[%add3A_380, %dma_start3A_381] : memref<80x128xi32, #tpu.memory_space<vmem>> -> memref<1x128xi32, #tpu.memory_space<vmem>>
        %dma_start3A_383 = tpu.memref_squeeze %dma_start3A_382 : memref<1x128xi32, #tpu.memory_space<vmem>> -> memref<128xi32, #tpu.memory_space<vmem>>
        %dma_start3A_384 = arith.constant 0 : i32
        %dma_start3A_385 = arith.constant 0 : i32
        %dma_start3A_386 = tpu.memref_slice %arg2[%dma_start3A_384, %dma_start3A_385] : memref<40960x64xf32, #tpu.memory_space<hbm>> -> memref<40960x64xf32, #tpu.memory_space<hbm>>
        tpu.enqueue_indirect_dma source(%dma_start3A_386 : memref<40960x64xf32, #tpu.memory_space<hbm>>) target(%arg8 : memref<128x64xf32, #tpu.memory_space<vmem>>) offsets(%dma_start3A_383 : memref<128xi32, #tpu.memory_space<vmem>>) semaphore(%arg16 : memref<!tpu.dma_semaphore, #tpu.memory_space<semaphore_mem>>)
        %add3A_387 = arith.constant 1 : i32
        %add3A_388 = arith.addi %add3A_378, %add3A_387 : i32
        %dma_start3A_389 = arith.constant 0 : i32
        %dma_start3A_390 = tpu.memref_slice %arg6[%add3A_388, %dma_start3A_389] : memref<80x128xi32, #tpu.memory_space<vmem>> -> memref<1x128xi32, #tpu.memory_space<vmem>>
        %dma_start3A_391 = tpu.memref_squeeze %dma_start3A_390 : memref<1x128xi32, #tpu.memory_space<vmem>> -> memref<128xi32, #tpu.memory_space<vmem>>
        %dma_start3A_392 = arith.constant 0 : i32
        %dma_start3A_393 = arith.constant 0 : i32
        %dma_start3A_394 = tpu.memref_slice %arg2[%dma_start3A_392, %dma_start3A_393] : memref<40960x64xf32, #tpu.memory_space<hbm>> -> memref<40960x64xf32, #tpu.memory_space<hbm>>
        tpu.enqueue_indirect_dma source(%dma_start3A_394 : memref<40960x64xf32, #tpu.memory_space<hbm>>) target(%arg9 : memref<128x64xf32, #tpu.memory_space<vmem>>) offsets(%dma_start3A_391 : memref<128xi32, #tpu.memory_space<vmem>>) semaphore(%arg17 : memref<!tpu.dma_semaphore, #tpu.memory_space<semaphore_mem>>)
        %add3A_395 = arith.constant 2 : i32
        %add3A_396 = arith.addi %add3A_378, %add3A_395 : i32
        %dma_start3A_397 = arith.constant 0 : i32
        %dma_start3A_398 = tpu.memref_slice %arg6[%add3A_396, %dma_start3A_397] : memref<80x128xi32, #tpu.memory_space<vmem>> -> memref<1x128xi32, #tpu.memory_space<vmem>>
        %dma_start3A_399 = tpu.memref_squeeze %dma_start3A_398 : memref<1x128xi32, #tpu.memory_space<vmem>> -> memref<128xi32, #tpu.memory_space<vmem>>
        %dma_start3A_400 = arith.constant 0 : i32
        %dma_start3A_401 = arith.constant 0 : i32
        %dma_start3A_402 = tpu.memref_slice %arg2[%dma_start3A_400, %dma_start3A_401] : memref<40960x64xf32, #tpu.memory_space<hbm>> -> memref<40960x64xf32, #tpu.memory_space<hbm>>
        tpu.enqueue_indirect_dma source(%dma_start3A_402 : memref<40960x64xf32, #tpu.memory_space<hbm>>) target(%arg10 : memref<128x64xf32, #tpu.memory_space<vmem>>) offsets(%dma_start3A_399 : memref<128xi32, #tpu.memory_space<vmem>>) semaphore(%arg18 : memref<!tpu.dma_semaphore, #tpu.memory_space<semaphore_mem>>)
        %add3A_403 = arith.constant 3 : i32
        %add3A_404 = arith.addi %add3A_378, %add3A_403 : i32
        %dma_start3A_405 = arith.constant 0 : i32
        %dma_start3A_406 = tpu.memref_slice %arg6[%add3A_404, %dma_start3A_405] : memref<80x128xi32, #tpu.memory_space<vmem>> -> memref<1x128xi32, #tpu.memory_space<vmem>>
        %dma_start3A_407 = tpu.memref_squeeze %dma_start3A_406 : memref<1x128xi32, #tpu.memory_space<vmem>> -> memref<128xi32, #tpu.memory_space<vmem>>
        %dma_start3A_408 = arith.constant 0 : i32
        %dma_start3A_409 = arith.constant 0 : i32
        %dma_start3A_410 = tpu.memref_slice %arg2[%dma_start3A_408, %dma_start3A_409] : memref<40960x64xf32, #tpu.memory_space<hbm>> -> memref<40960x64xf32, #tpu.memory_space<hbm>>
        tpu.enqueue_indirect_dma source(%dma_start3A_410 : memref<40960x64xf32, #tpu.memory_space<hbm>>) target(%arg11 : memref<128x64xf32, #tpu.memory_space<vmem>>) offsets(%dma_start3A_407 : memref<128xi32, #tpu.memory_space<vmem>>) semaphore(%arg19 : memref<!tpu.dma_semaphore, #tpu.memory_space<semaphore_mem>>)
      } else {
      }
      %add3A_289 = arith.constant 0 : i32
      %add3A_290 = arith.addi %add3A_167, %add3A_289 : i32
      %dma_wait3A_291 = arith.constant 0 : i32
      %dma_wait3A_292 = tpu.memref_slice %arg6[%add3A_290, %dma_wait3A_291] : memref<80x128xi32, #tpu.memory_space<vmem>> -> memref<1x128xi32, #tpu.memory_space<vmem>>
      %dma_wait3A_293 = tpu.memref_squeeze %dma_wait3A_292 : memref<1x128xi32, #tpu.memory_space<vmem>> -> memref<128xi32, #tpu.memory_space<vmem>>
      %dma_wait3A_294 = arith.constant 0 : i32
      %dma_wait3A_295 = arith.constant 0 : i32
      %dma_wait3A_296 = tpu.memref_slice %arg2[%dma_wait3A_294, %dma_wait3A_295] : memref<40960x64xf32, #tpu.memory_space<hbm>> -> memref<40960x64xf32, #tpu.memory_space<hbm>>
      tpu.wait_indirect_dma semaphore(%arg20 : memref<!tpu.dma_semaphore, #tpu.memory_space<semaphore_mem>>) src(%dma_wait3A_296 : memref<40960x64xf32, #tpu.memory_space<hbm>>) dst(%arg12 : memref<128x64xf32, #tpu.memory_space<vmem>>)
      %add3A_297 = arith.constant 0 : i32
      %add3A_298 = arith.addi %add3A_167, %add3A_297 : i32
      %dma_start3A_299 = arith.constant 0 : i32
      %dma_start3A_300 = tpu.memref_slice %arg7[%add3A_298, %dma_start3A_299] : memref<80x128xi32, #tpu.memory_space<vmem>> -> memref<1x128xi32, #tpu.memory_space<vmem>>
      %dma_start3A_301 = tpu.memref_squeeze %dma_start3A_300 : memref<1x128xi32, #tpu.memory_space<vmem>> -> memref<128xi32, #tpu.memory_space<vmem>>
      %dma_start3A_302 = arith.constant 0 : i32
      %dma_start3A_303 = arith.constant 0 : i32
      %dma_start3A_304 = tpu.memref_slice %arg32[%dma_start3A_302, %dma_start3A_303] : memref<10240x64xf32, #tpu.memory_space<vmem_shared>> -> memref<10240x64xf32, #tpu.memory_space<vmem_shared>>
      tpu.enqueue_indirect_dma source(%arg12 : memref<128x64xf32, #tpu.memory_space<vmem>>) target(%dma_start3A_304 : memref<10240x64xf32, #tpu.memory_space<vmem_shared>>) offsets(%dma_start3A_301 : memref<128xi32, #tpu.memory_space<vmem>>) semaphore(%arg28 : memref<!tpu.dma_semaphore, #tpu.memory_space<semaphore_mem>>) {add = true}
      %add3A_305 = arith.constant 1 : i32
      %add3A_306 = arith.addi %add3A_167, %add3A_305 : i32
      %dma_wait3A_307 = arith.constant 0 : i32
      %dma_wait3A_308 = tpu.memref_slice %arg6[%add3A_306, %dma_wait3A_307] : memref<80x128xi32, #tpu.memory_space<vmem>> -> memref<1x128xi32, #tpu.memory_space<vmem>>
      %dma_wait3A_309 = tpu.memref_squeeze %dma_wait3A_308 : memref<1x128xi32, #tpu.memory_space<vmem>> -> memref<128xi32, #tpu.memory_space<vmem>>
      %dma_wait3A_310 = arith.constant 0 : i32
      %dma_wait3A_311 = arith.constant 0 : i32
      %dma_wait3A_312 = tpu.memref_slice %arg2[%dma_wait3A_310, %dma_wait3A_311] : memref<40960x64xf32, #tpu.memory_space<hbm>> -> memref<40960x64xf32, #tpu.memory_space<hbm>>
      tpu.wait_indirect_dma semaphore(%arg21 : memref<!tpu.dma_semaphore, #tpu.memory_space<semaphore_mem>>) src(%dma_wait3A_312 : memref<40960x64xf32, #tpu.memory_space<hbm>>) dst(%arg13 : memref<128x64xf32, #tpu.memory_space<vmem>>)
      %add3A_313 = arith.constant 1 : i32
      %add3A_314 = arith.addi %add3A_167, %add3A_313 : i32
      %dma_start3A_315 = arith.constant 0 : i32
      %dma_start3A_316 = tpu.memref_slice %arg7[%add3A_314, %dma_start3A_315] : memref<80x128xi32, #tpu.memory_space<vmem>> -> memref<1x128xi32, #tpu.memory_space<vmem>>
      %dma_start3A_317 = tpu.memref_squeeze %dma_start3A_316 : memref<1x128xi32, #tpu.memory_space<vmem>> -> memref<128xi32, #tpu.memory_space<vmem>>
      %dma_start3A_318 = arith.constant 0 : i32
      %dma_start3A_319 = arith.constant 0 : i32
      %dma_start3A_320 = tpu.memref_slice %arg32[%dma_start3A_318, %dma_start3A_319] : memref<10240x64xf32, #tpu.memory_space<vmem_shared>> -> memref<10240x64xf32, #tpu.memory_space<vmem_shared>>
      tpu.enqueue_indirect_dma source(%arg13 : memref<128x64xf32, #tpu.memory_space<vmem>>) target(%dma_start3A_320 : memref<10240x64xf32, #tpu.memory_space<vmem_shared>>) offsets(%dma_start3A_317 : memref<128xi32, #tpu.memory_space<vmem>>) semaphore(%arg29 : memref<!tpu.dma_semaphore, #tpu.memory_space<semaphore_mem>>) {add = true}
      %add3A_321 = arith.constant 2 : i32
      %add3A_322 = arith.addi %add3A_167, %add3A_321 : i32
      %dma_wait3A_323 = arith.constant 0 : i32
      %dma_wait3A_324 = tpu.memref_slice %arg6[%add3A_322, %dma_wait3A_323] : memref<80x128xi32, #tpu.memory_space<vmem>> -> memref<1x128xi32, #tpu.memory_space<vmem>>
      %dma_wait3A_325 = tpu.memref_squeeze %dma_wait3A_324 : memref<1x128xi32, #tpu.memory_space<vmem>> -> memref<128xi32, #tpu.memory_space<vmem>>
      %dma_wait3A_326 = arith.constant 0 : i32
      %dma_wait3A_327 = arith.constant 0 : i32
      %dma_wait3A_328 = tpu.memref_slice %arg2[%dma_wait3A_326, %dma_wait3A_327] : memref<40960x64xf32, #tpu.memory_space<hbm>> -> memref<40960x64xf32, #tpu.memory_space<hbm>>
      tpu.wait_indirect_dma semaphore(%arg22 : memref<!tpu.dma_semaphore, #tpu.memory_space<semaphore_mem>>) src(%dma_wait3A_328 : memref<40960x64xf32, #tpu.memory_space<hbm>>) dst(%arg14 : memref<128x64xf32, #tpu.memory_space<vmem>>)
      %add3A_329 = arith.constant 2 : i32
      %add3A_330 = arith.addi %add3A_167, %add3A_329 : i32
      %dma_start3A_331 = arith.constant 0 : i32
      %dma_start3A_332 = tpu.memref_slice %arg7[%add3A_330, %dma_start3A_331] : memref<80x128xi32, #tpu.memory_space<vmem>> -> memref<1x128xi32, #tpu.memory_space<vmem>>
      %dma_start3A_333 = tpu.memref_squeeze %dma_start3A_332 : memref<1x128xi32, #tpu.memory_space<vmem>> -> memref<128xi32, #tpu.memory_space<vmem>>
      %dma_start3A_334 = arith.constant 0 : i32
      %dma_start3A_335 = arith.constant 0 : i32
      %dma_start3A_336 = tpu.memref_slice %arg32[%dma_start3A_334, %dma_start3A_335] : memref<10240x64xf32, #tpu.memory_space<vmem_shared>> -> memref<10240x64xf32, #tpu.memory_space<vmem_shared>>
      tpu.enqueue_indirect_dma source(%arg14 : memref<128x64xf32, #tpu.memory_space<vmem>>) target(%dma_start3A_336 : memref<10240x64xf32, #tpu.memory_space<vmem_shared>>) offsets(%dma_start3A_333 : memref<128xi32, #tpu.memory_space<vmem>>) semaphore(%arg30 : memref<!tpu.dma_semaphore, #tpu.memory_space<semaphore_mem>>) {add = true}
      %add3A_337 = arith.constant 3 : i32
      %add3A_338 = arith.addi %add3A_167, %add3A_337 : i32
      %dma_wait3A_339 = arith.constant 0 : i32
      %dma_wait3A_340 = tpu.memref_slice %arg6[%add3A_338, %dma_wait3A_339] : memref<80x128xi32, #tpu.memory_space<vmem>> -> memref<1x128xi32, #tpu.memory_space<vmem>>
      %dma_wait3A_341 = tpu.memref_squeeze %dma_wait3A_340 : memref<1x128xi32, #tpu.memory_space<vmem>> -> memref<128xi32, #tpu.memory_space<vmem>>
      %dma_wait3A_342 = arith.constant 0 : i32
      %dma_wait3A_343 = arith.constant 0 : i32
      %dma_wait3A_344 = tpu.memref_slice %arg2[%dma_wait3A_342, %dma_wait3A_343] : memref<40960x64xf32, #tpu.memory_space<hbm>> -> memref<40960x64xf32, #tpu.memory_space<hbm>>
      tpu.wait_indirect_dma semaphore(%arg23 : memref<!tpu.dma_semaphore, #tpu.memory_space<semaphore_mem>>) src(%dma_wait3A_344 : memref<40960x64xf32, #tpu.memory_space<hbm>>) dst(%arg15 : memref<128x64xf32, #tpu.memory_space<vmem>>)
      %add3A_345 = arith.constant 3 : i32
      %add3A_346 = arith.addi %add3A_167, %add3A_345 : i32
      %dma_start3A_347 = arith.constant 0 : i32
      %dma_start3A_348 = tpu.memref_slice %arg7[%add3A_346, %dma_start3A_347] : memref<80x128xi32, #tpu.memory_space<vmem>> -> memref<1x128xi32, #tpu.memory_space<vmem>>
      %dma_start3A_349 = tpu.memref_squeeze %dma_start3A_348 : memref<1x128xi32, #tpu.memory_space<vmem>> -> memref<128xi32, #tpu.memory_space<vmem>>
      %dma_start3A_350 = arith.constant 0 : i32
      %dma_start3A_351 = arith.constant 0 : i32
      %dma_start3A_352 = tpu.memref_slice %arg32[%dma_start3A_350, %dma_start3A_351] : memref<10240x64xf32, #tpu.memory_space<vmem_shared>> -> memref<10240x64xf32, #tpu.memory_space<vmem_shared>>
      tpu.enqueue_indirect_dma source(%arg15 : memref<128x64xf32, #tpu.memory_space<vmem>>) target(%dma_start3A_352 : memref<10240x64xf32, #tpu.memory_space<vmem_shared>>) offsets(%dma_start3A_349 : memref<128xi32, #tpu.memory_space<vmem>>) semaphore(%arg31 : memref<!tpu.dma_semaphore, #tpu.memory_space<semaphore_mem>>) {add = true}
      %dma_wait3A_353 = arith.constant 0 : i32
      %dma_wait3A_354 = tpu.memref_slice %arg7[%add3A_298, %dma_wait3A_353] : memref<80x128xi32, #tpu.memory_space<vmem>> -> memref<1x128xi32, #tpu.memory_space<vmem>>
      %dma_wait3A_355 = tpu.memref_squeeze %dma_wait3A_354 : memref<1x128xi32, #tpu.memory_space<vmem>> -> memref<128xi32, #tpu.memory_space<vmem>>
      %dma_wait3A_356 = arith.constant 0 : i32
      %dma_wait3A_357 = arith.constant 0 : i32
      %dma_wait3A_358 = tpu.memref_slice %arg32[%dma_wait3A_356, %dma_wait3A_357] : memref<10240x64xf32, #tpu.memory_space<vmem_shared>> -> memref<10240x64xf32, #tpu.memory_space<vmem_shared>>
      tpu.wait_indirect_dma semaphore(%arg28 : memref<!tpu.dma_semaphore, #tpu.memory_space<semaphore_mem>>) src(%arg12 : memref<128x64xf32, #tpu.memory_space<vmem>>) dst(%dma_wait3A_358 : memref<10240x64xf32, #tpu.memory_space<vmem_shared>>)
      %dma_wait3A_359 = arith.constant 0 : i32
      %dma_wait3A_360 = tpu.memref_slice %arg7[%add3A_314, %dma_wait3A_359] : memref<80x128xi32, #tpu.memory_space<vmem>> -> memref<1x128xi32, #tpu.memory_space<vmem>>
      %dma_wait3A_361 = tpu.memref_squeeze %dma_wait3A_360 : memref<1x128xi32, #tpu.memory_space<vmem>> -> memref<128xi32, #tpu.memory_space<vmem>>
      %dma_wait3A_362 = arith.constant 0 : i32
      %dma_wait3A_363 = arith.constant 0 : i32
      %dma_wait3A_364 = tpu.memref_slice %arg32[%dma_wait3A_362, %dma_wait3A_363] : memref<10240x64xf32, #tpu.memory_space<vmem_shared>> -> memref<10240x64xf32, #tpu.memory_space<vmem_shared>>
      tpu.wait_indirect_dma semaphore(%arg29 : memref<!tpu.dma_semaphore, #tpu.memory_space<semaphore_mem>>) src(%arg13 : memref<128x64xf32, #tpu.memory_space<vmem>>) dst(%dma_wait3A_364 : memref<10240x64xf32, #tpu.memory_space<vmem_shared>>)
      %dma_wait3A_365 = arith.constant 0 : i32
      %dma_wait3A_366 = tpu.memref_slice %arg7[%add3A_330, %dma_wait3A_365] : memref<80x128xi32, #tpu.memory_space<vmem>> -> memref<1x128xi32, #tpu.memory_space<vmem>>
      %dma_wait3A_367 = tpu.memref_squeeze %dma_wait3A_366 : memref<1x128xi32, #tpu.memory_space<vmem>> -> memref<128xi32, #tpu.memory_space<vmem>>
      %dma_wait3A_368 = arith.constant 0 : i32
      %dma_wait3A_369 = arith.constant 0 : i32
      %dma_wait3A_370 = tpu.memref_slice %arg32[%dma_wait3A_368, %dma_wait3A_369] : memref<10240x64xf32, #tpu.memory_space<vmem_shared>> -> memref<10240x64xf32, #tpu.memory_space<vmem_shared>>
      tpu.wait_indirect_dma semaphore(%arg30 : memref<!tpu.dma_semaphore, #tpu.memory_space<semaphore_mem>>) src(%arg14 : memref<128x64xf32, #tpu.memory_space<vmem>>) dst(%dma_wait3A_370 : memref<10240x64xf32, #tpu.memory_space<vmem_shared>>)
      %dma_wait3A_371 = arith.constant 0 : i32
      %dma_wait3A_372 = tpu.memref_slice %arg7[%add3A_346, %dma_wait3A_371] : memref<80x128xi32, #tpu.memory_space<vmem>> -> memref<1x128xi32, #tpu.memory_space<vmem>>
      %dma_wait3A_373 = tpu.memref_squeeze %dma_wait3A_372 : memref<1x128xi32, #tpu.memory_space<vmem>> -> memref<128xi32, #tpu.memory_space<vmem>>
      %dma_wait3A_374 = arith.constant 0 : i32
      %dma_wait3A_375 = arith.constant 0 : i32
      %dma_wait3A_376 = tpu.memref_slice %arg32[%dma_wait3A_374, %dma_wait3A_375] : memref<10240x64xf32, #tpu.memory_space<vmem_shared>> -> memref<10240x64xf32, #tpu.memory_space<vmem_shared>>
      tpu.wait_indirect_dma semaphore(%arg31 : memref<!tpu.dma_semaphore, #tpu.memory_space<semaphore_mem>>) src(%arg15 : memref<128x64xf32, #tpu.memory_space<vmem>>) dst(%dma_wait3A_376 : memref<10240x64xf32, #tpu.memory_space<vmem_shared>>)
    }
    %scan3A_141 = arith.constant 10 : i32
    %barrier3A_142 = arith.constant 0 : index
    tpu.barrier barrier_id(%barrier3A_142)
    %add3A_143 = arith.constant 0 : i32
    %add3A_144 = arith.addi %mul3A_0, %add3A_143 : i32
    "tpu.region"() ({
      %run_scoped3A = tpu.sem_alloc : memref<!tpu.dma_semaphore, #tpu.memory_space<semaphore_mem>>
      %dma_start3A_163 = arith.constant 0 : i32
      %dma_start3A_164 = tpu.memref_slice %arg32[%add3A_144, %dma_start3A_163] : memref<10240x64xf32, #tpu.memory_space<vmem_shared>> -> memref<128x64xf32, #tpu.memory_space<vmem_shared>>
      %dma_start3A_165 = arith.constant 0 : i32
      %dma_start3A_166 = tpu.memref_slice %arg32[%add3A_144, %dma_start3A_165] : memref<10240x64xf32, #tpu.memory_space<vmem_shared>> -> memref<128x64xf32, #tpu.memory_space<vmem_shared>>
      tpu.enqueue_dma source(%dma_start3A_166 : memref<128x64xf32, #tpu.memory_space<vmem_shared>>) target(%arg8 : memref<128x64xf32, #tpu.memory_space<vmem>>) target_semaphore(%run_scoped3A : memref<!tpu.dma_semaphore, #tpu.memory_space<semaphore_mem>>)
      %dma_wait3A = arith.constant 0 : i32
      %dma_wait3A_167 = tpu.memref_slice %arg32[%add3A_144, %dma_wait3A] : memref<10240x64xf32, #tpu.memory_space<vmem_shared>> -> memref<128x64xf32, #tpu.memory_space<vmem_shared>>
      %dma_wait3A_168 = arith.constant 0 : i32
      %dma_wait3A_169 = tpu.memref_slice %arg32[%add3A_144, %dma_wait3A_168] : memref<10240x64xf32, #tpu.memory_space<vmem_shared>> -> memref<128x64xf32, #tpu.memory_space<vmem_shared>>
      tpu.wait_dma2 semaphore(%run_scoped3A : memref<!tpu.dma_semaphore, #tpu.memory_space<semaphore_mem>>) src(%dma_wait3A_169 : memref<128x64xf32, #tpu.memory_space<vmem_shared>>) dst(%arg8 : memref<128x64xf32, #tpu.memory_space<vmem>>)
      tpu.yield
    }) : () -> ()
    %add3A_145 = arith.constant 0 : i32
    %add3A_146 = arith.addi %add3A_86, %add3A_145 : i32
    "tpu.region"() ({
      %run_scoped3A = tpu.sem_alloc : memref<!tpu.dma_semaphore, #tpu.memory_space<semaphore_mem>>
      %dma_start3A_163 = arith.constant 0 : i32
      %dma_start3A_164 = tpu.memref_slice %arg5[%add3A_146, %dma_start3A_163] : memref<40960x64xf32, #tpu.memory_space<hbm>> -> memref<128x64xf32, #tpu.memory_space<hbm>>
      %dma_start3A_165 = arith.constant 0 : i32
      %dma_start3A_166 = tpu.memref_slice %arg5[%add3A_146, %dma_start3A_165] : memref<40960x64xf32, #tpu.memory_space<hbm>> -> memref<128x64xf32, #tpu.memory_space<hbm>>
      tpu.enqueue_dma source(%arg8 : memref<128x64xf32, #tpu.memory_space<vmem>>) target(%dma_start3A_166 : memref<128x64xf32, #tpu.memory_space<hbm>>) target_semaphore(%run_scoped3A : memref<!tpu.dma_semaphore, #tpu.memory_space<semaphore_mem>>)
      %dma_wait3A = arith.constant 0 : i32
      %dma_wait3A_167 = tpu.memref_slice %arg5[%add3A_146, %dma_wait3A] : memref<40960x64xf32, #tpu.memory_space<hbm>> -> memref<128x64xf32, #tpu.memory_space<hbm>>
      %dma_wait3A_168 = arith.constant 0 : i32
      %dma_wait3A_169 = tpu.memref_slice %arg5[%add3A_146, %dma_wait3A_168] : memref<40960x64xf32, #tpu.memory_space<hbm>> -> memref<128x64xf32, #tpu.memory_space<hbm>>
      tpu.wait_dma2 semaphore(%run_scoped3A : memref<!tpu.dma_semaphore, #tpu.memory_space<semaphore_mem>>) src(%arg8 : memref<128x64xf32, #tpu.memory_space<vmem>>) dst(%dma_wait3A_169 : memref<128x64xf32, #tpu.memory_space<hbm>>)
      tpu.yield
    }) : () -> ()
    %add3A_147 = arith.constant 128 : i32
    %add3A_148 = arith.addi %mul3A_0, %add3A_147 : i32
    "tpu.region"() ({
      %run_scoped3A = tpu.sem_alloc : memref<!tpu.dma_semaphore, #tpu.memory_space<semaphore_mem>>
      %dma_start3A_163 = arith.constant 0 : i32
      %dma_start3A_164 = tpu.memref_slice %arg32[%add3A_148, %dma_start3A_163] : memref<10240x64xf32, #tpu.memory_space<vmem_shared>> -> memref<128x64xf32, #tpu.memory_space<vmem_shared>>
      %dma_start3A_165 = arith.constant 0 : i32
      %dma_start3A_166 = tpu.memref_slice %arg32[%add3A_148, %dma_start3A_165] : memref<10240x64xf32, #tpu.memory_space<vmem_shared>> -> memref<128x64xf32, #tpu.memory_space<vmem_shared>>
      tpu.enqueue_dma source(%dma_start3A_166 : memref<128x64xf32, #tpu.memory_space<vmem_shared>>) target(%arg8 : memref<128x64xf32, #tpu.memory_space<vmem>>) target_semaphore(%run_scoped3A : memref<!tpu.dma_semaphore, #tpu.memory_space<semaphore_mem>>)
      %dma_wait3A = arith.constant 0 : i32
      %dma_wait3A_167 = tpu.memref_slice %arg32[%add3A_148, %dma_wait3A] : memref<10240x64xf32, #tpu.memory_space<vmem_shared>> -> memref<128x64xf32, #tpu.memory_space<vmem_shared>>
      %dma_wait3A_168 = arith.constant 0 : i32
      %dma_wait3A_169 = tpu.memref_slice %arg32[%add3A_148, %dma_wait3A_168] : memref<10240x64xf32, #tpu.memory_space<vmem_shared>> -> memref<128x64xf32, #tpu.memory_space<vmem_shared>>
      tpu.wait_dma2 semaphore(%run_scoped3A : memref<!tpu.dma_semaphore, #tpu.memory_space<semaphore_mem>>) src(%dma_wait3A_169 : memref<128x64xf32, #tpu.memory_space<vmem_shared>>) dst(%arg8 : memref<128x64xf32, #tpu.memory_space<vmem>>)
      tpu.yield
    }) : () -> ()
    %add3A_149 = arith.constant 128 : i32
    %add3A_150 = arith.addi %add3A_86, %add3A_149 : i32
    "tpu.region"() ({
      %run_scoped3A = tpu.sem_alloc : memref<!tpu.dma_semaphore, #tpu.memory_space<semaphore_mem>>
      %dma_start3A_163 = arith.constant 0 : i32
      %dma_start3A_164 = tpu.memref_slice %arg5[%add3A_150, %dma_start3A_163] : memref<40960x64xf32, #tpu.memory_space<hbm>> -> memref<128x64xf32, #tpu.memory_space<hbm>>
      %dma_start3A_165 = arith.constant 0 : i32
      %dma_start3A_166 = tpu.memref_slice %arg5[%add3A_150, %dma_start3A_165] : memref<40960x64xf32, #tpu.memory_space<hbm>> -> memref<128x64xf32, #tpu.memory_space<hbm>>
      tpu.enqueue_dma source(%arg8 : memref<128x64xf32, #tpu.memory_space<vmem>>) target(%dma_start3A_166 : memref<128x64xf32, #tpu.memory_space<hbm>>) target_semaphore(%run_scoped3A : memref<!tpu.dma_semaphore, #tpu.memory_space<semaphore_mem>>)
      %dma_wait3A = arith.constant 0 : i32
      %dma_wait3A_167 = tpu.memref_slice %arg5[%add3A_150, %dma_wait3A] : memref<40960x64xf32, #tpu.memory_space<hbm>> -> memref<128x64xf32, #tpu.memory_space<hbm>>
      %dma_wait3A_168 = arith.constant 0 : i32
      %dma_wait3A_169 = tpu.memref_slice %arg5[%add3A_150, %dma_wait3A_168] : memref<40960x64xf32, #tpu.memory_space<hbm>> -> memref<128x64xf32, #tpu.memory_space<hbm>>
      tpu.wait_dma2 semaphore(%run_scoped3A : memref<!tpu.dma_semaphore, #tpu.memory_space<semaphore_mem>>) src(%arg8 : memref<128x64xf32, #tpu.memory_space<vmem>>) dst(%dma_wait3A_169 : memref<128x64xf32, #tpu.memory_space<hbm>>)
      tpu.yield
    }) : () -> ()
    %add3A_151 = arith.constant 256 : i32
    %add3A_152 = arith.addi %mul3A_0, %add3A_151 : i32
    "tpu.region"() ({
      %run_scoped3A = tpu.sem_alloc : memref<!tpu.dma_semaphore, #tpu.memory_space<semaphore_mem>>
      %dma_start3A_163 = arith.constant 0 : i32
      %dma_start3A_164 = tpu.memref_slice %arg32[%add3A_152, %dma_start3A_163] : memref<10240x64xf32, #tpu.memory_space<vmem_shared>> -> memref<128x64xf32, #tpu.memory_space<vmem_shared>>
      %dma_start3A_165 = arith.constant 0 : i32
      %dma_start3A_166 = tpu.memref_slice %arg32[%add3A_152, %dma_start3A_165] : memref<10240x64xf32, #tpu.memory_space<vmem_shared>> -> memref<128x64xf32, #tpu.memory_space<vmem_shared>>
      tpu.enqueue_dma source(%dma_start3A_166 : memref<128x64xf32, #tpu.memory_space<vmem_shared>>) target(%arg8 : memref<128x64xf32, #tpu.memory_space<vmem>>) target_semaphore(%run_scoped3A : memref<!tpu.dma_semaphore, #tpu.memory_space<semaphore_mem>>)
      %dma_wait3A = arith.constant 0 : i32
      %dma_wait3A_167 = tpu.memref_slice %arg32[%add3A_152, %dma_wait3A] : memref<10240x64xf32, #tpu.memory_space<vmem_shared>> -> memref<128x64xf32, #tpu.memory_space<vmem_shared>>
      %dma_wait3A_168 = arith.constant 0 : i32
      %dma_wait3A_169 = tpu.memref_slice %arg32[%add3A_152, %dma_wait3A_168] : memref<10240x64xf32, #tpu.memory_space<vmem_shared>> -> memref<128x64xf32, #tpu.memory_space<vmem_shared>>
      tpu.wait_dma2 semaphore(%run_scoped3A : memref<!tpu.dma_semaphore, #tpu.memory_space<semaphore_mem>>) src(%dma_wait3A_169 : memref<128x64xf32, #tpu.memory_space<vmem_shared>>) dst(%arg8 : memref<128x64xf32, #tpu.memory_space<vmem>>)
      tpu.yield
    }) : () -> ()
    %add3A_153 = arith.constant 256 : i32
    %add3A_154 = arith.addi %add3A_86, %add3A_153 : i32
    "tpu.region"() ({
      %run_scoped3A = tpu.sem_alloc : memref<!tpu.dma_semaphore, #tpu.memory_space<semaphore_mem>>
      %dma_start3A_163 = arith.constant 0 : i32
      %dma_start3A_164 = tpu.memref_slice %arg5[%add3A_154, %dma_start3A_163] : memref<40960x64xf32, #tpu.memory_space<hbm>> -> memref<128x64xf32, #tpu.memory_space<hbm>>
      %dma_start3A_165 = arith.constant 0 : i32
      %dma_start3A_166 = tpu.memref_slice %arg5[%add3A_154, %dma_start3A_165] : memref<40960x64xf32, #tpu.memory_space<hbm>> -> memref<128x64xf32, #tpu.memory_space<hbm>>
      tpu.enqueue_dma source(%arg8 : memref<128x64xf32, #tpu.memory_space<vmem>>) target(%dma_start3A_166 : memref<128x64xf32, #tpu.memory_space<hbm>>) target_semaphore(%run_scoped3A : memref<!tpu.dma_semaphore, #tpu.memory_space<semaphore_mem>>)
      %dma_wait3A = arith.constant 0 : i32
      %dma_wait3A_167 = tpu.memref_slice %arg5[%add3A_154, %dma_wait3A] : memref<40960x64xf32, #tpu.memory_space<hbm>> -> memref<128x64xf32, #tpu.memory_space<hbm>>
      %dma_wait3A_168 = arith.constant 0 : i32
      %dma_wait3A_169 = tpu.memref_slice %arg5[%add3A_154, %dma_wait3A_168] : memref<40960x64xf32, #tpu.memory_space<hbm>> -> memref<128x64xf32, #tpu.memory_space<hbm>>
      tpu.wait_dma2 semaphore(%run_scoped3A : memref<!tpu.dma_semaphore, #tpu.memory_space<semaphore_mem>>) src(%arg8 : memref<128x64xf32, #tpu.memory_space<vmem>>) dst(%dma_wait3A_169 : memref<128x64xf32, #tpu.memory_space<hbm>>)
      tpu.yield
    }) : () -> ()
    %add3A_155 = arith.constant 384 : i32
    %add3A_156 = arith.addi %mul3A_0, %add3A_155 : i32
    "tpu.region"() ({
      %run_scoped3A = tpu.sem_alloc : memref<!tpu.dma_semaphore, #tpu.memory_space<semaphore_mem>>
      %dma_start3A_163 = arith.constant 0 : i32
      %dma_start3A_164 = tpu.memref_slice %arg32[%add3A_156, %dma_start3A_163] : memref<10240x64xf32, #tpu.memory_space<vmem_shared>> -> memref<128x64xf32, #tpu.memory_space<vmem_shared>>
      %dma_start3A_165 = arith.constant 0 : i32
      %dma_start3A_166 = tpu.memref_slice %arg32[%add3A_156, %dma_start3A_165] : memref<10240x64xf32, #tpu.memory_space<vmem_shared>> -> memref<128x64xf32, #tpu.memory_space<vmem_shared>>
      tpu.enqueue_dma source(%dma_start3A_166 : memref<128x64xf32, #tpu.memory_space<vmem_shared>>) target(%arg8 : memref<128x64xf32, #tpu.memory_space<vmem>>) target_semaphore(%run_scoped3A : memref<!tpu.dma_semaphore, #tpu.memory_space<semaphore_mem>>)
      %dma_wait3A = arith.constant 0 : i32
      %dma_wait3A_167 = tpu.memref_slice %arg32[%add3A_156, %dma_wait3A] : memref<10240x64xf32, #tpu.memory_space<vmem_shared>> -> memref<128x64xf32, #tpu.memory_space<vmem_shared>>
      %dma_wait3A_168 = arith.constant 0 : i32
      %dma_wait3A_169 = tpu.memref_slice %arg32[%add3A_156, %dma_wait3A_168] : memref<10240x64xf32, #tpu.memory_space<vmem_shared>> -> memref<128x64xf32, #tpu.memory_space<vmem_shared>>
      tpu.wait_dma2 semaphore(%run_scoped3A : memref<!tpu.dma_semaphore, #tpu.memory_space<semaphore_mem>>) src(%dma_wait3A_169 : memref<128x64xf32, #tpu.memory_space<vmem_shared>>) dst(%arg8 : memref<128x64xf32, #tpu.memory_space<vmem>>)
      tpu.yield
    }) : () -> ()
    %add3A_157 = arith.constant 384 : i32
    %add3A_158 = arith.addi %add3A_86, %add3A_157 : i32
    "tpu.region"() ({
      %run_scoped3A = tpu.sem_alloc : memref<!tpu.dma_semaphore, #tpu.memory_space<semaphore_mem>>
      %dma_start3A_163 = arith.constant 0 : i32
      %dma_start3A_164 = tpu.memref_slice %arg5[%add3A_158, %dma_start3A_163] : memref<40960x64xf32, #tpu.memory_space<hbm>> -> memref<128x64xf32, #tpu.memory_space<hbm>>
      %dma_start3A_165 = arith.constant 0 : i32
      %dma_start3A_166 = tpu.memref_slice %arg5[%add3A_158, %dma_start3A_165] : memref<40960x64xf32, #tpu.memory_space<hbm>> -> memref<128x64xf32, #tpu.memory_space<hbm>>
      tpu.enqueue_dma source(%arg8 : memref<128x64xf32, #tpu.memory_space<vmem>>) target(%dma_start3A_166 : memref<128x64xf32, #tpu.memory_space<hbm>>) target_semaphore(%run_scoped3A : memref<!tpu.dma_semaphore, #tpu.memory_space<semaphore_mem>>)
      %dma_wait3A = arith.constant 0 : i32
      %dma_wait3A_167 = tpu.memref_slice %arg5[%add3A_158, %dma_wait3A] : memref<40960x64xf32, #tpu.memory_space<hbm>> -> memref<128x64xf32, #tpu.memory_space<hbm>>
      %dma_wait3A_168 = arith.constant 0 : i32
      %dma_wait3A_169 = tpu.memref_slice %arg5[%add3A_158, %dma_wait3A_168] : memref<40960x64xf32, #tpu.memory_space<hbm>> -> memref<128x64xf32, #tpu.memory_space<hbm>>
      tpu.wait_dma2 semaphore(%run_scoped3A : memref<!tpu.dma_semaphore, #tpu.memory_space<semaphore_mem>>) src(%arg8 : memref<128x64xf32, #tpu.memory_space<vmem>>) dst(%dma_wait3A_169 : memref<128x64xf32, #tpu.memory_space<hbm>>)
      tpu.yield
    }) : () -> ()
    %add3A_159 = arith.constant 512 : i32
    %add3A_160 = arith.addi %mul3A_0, %add3A_159 : i32
    "tpu.region"() ({
      %run_scoped3A = tpu.sem_alloc : memref<!tpu.dma_semaphore, #tpu.memory_space<semaphore_mem>>
      %dma_start3A_163 = arith.constant 0 : i32
      %dma_start3A_164 = tpu.memref_slice %arg32[%add3A_160, %dma_start3A_163] : memref<10240x64xf32, #tpu.memory_space<vmem_shared>> -> memref<128x64xf32, #tpu.memory_space<vmem_shared>>
      %dma_start3A_165 = arith.constant 0 : i32
      %dma_start3A_166 = tpu.memref_slice %arg32[%add3A_160, %dma_start3A_165] : memref<10240x64xf32, #tpu.memory_space<vmem_shared>> -> memref<128x64xf32, #tpu.memory_space<vmem_shared>>
      tpu.enqueue_dma source(%dma_start3A_166 : memref<128x64xf32, #tpu.memory_space<vmem_shared>>) target(%arg8 : memref<128x64xf32, #tpu.memory_space<vmem>>) target_semaphore(%run_scoped3A : memref<!tpu.dma_semaphore, #tpu.memory_space<semaphore_mem>>)
      %dma_wait3A = arith.constant 0 : i32
      %dma_wait3A_167 = tpu.memref_slice %arg32[%add3A_160, %dma_wait3A] : memref<10240x64xf32, #tpu.memory_space<vmem_shared>> -> memref<128x64xf32, #tpu.memory_space<vmem_shared>>
      %dma_wait3A_168 = arith.constant 0 : i32
      %dma_wait3A_169 = tpu.memref_slice %arg32[%add3A_160, %dma_wait3A_168] : memref<10240x64xf32, #tpu.memory_space<vmem_shared>> -> memref<128x64xf32, #tpu.memory_space<vmem_shared>>
      tpu.wait_dma2 semaphore(%run_scoped3A : memref<!tpu.dma_semaphore, #tpu.memory_space<semaphore_mem>>) src(%dma_wait3A_169 : memref<128x64xf32, #tpu.memory_space<vmem_shared>>) dst(%arg8 : memref<128x64xf32, #tpu.memory_space<vmem>>)
      tpu.yield
    }) : () -> ()
    %add3A_161 = arith.constant 512 : i32
    %add3A_162 = arith.addi %add3A_86, %add3A_161 : i32
    "tpu.region"() ({
      %run_scoped3A = tpu.sem_alloc : memref<!tpu.dma_semaphore, #tpu.memory_space<semaphore_mem>>
      %dma_start3A_163 = arith.constant 0 : i32
      %dma_start3A_164 = tpu.memref_slice %arg5[%add3A_162, %dma_start3A_163] : memref<40960x64xf32, #tpu.memory_space<hbm>> -> memref<128x64xf32, #tpu.memory_space<hbm>>
      %dma_start3A_165 = arith.constant 0 : i32
      %dma_start3A_166 = tpu.memref_slice %arg5[%add3A_162, %dma_start3A_165] : memref<40960x64xf32, #tpu.memory_space<hbm>> -> memref<128x64xf32, #tpu.memory_space<hbm>>
      tpu.enqueue_dma source(%arg8 : memref<128x64xf32, #tpu.memory_space<vmem>>) target(%dma_start3A_166 : memref<128x64xf32, #tpu.memory_space<hbm>>) target_semaphore(%run_scoped3A : memref<!tpu.dma_semaphore, #tpu.memory_space<semaphore_mem>>)
      %dma_wait3A = arith.constant 0 : i32
      %dma_wait3A_167 = tpu.memref_slice %arg5[%add3A_162, %dma_wait3A] : memref<40960x64xf32, #tpu.memory_space<hbm>> -> memref<128x64xf32, #tpu.memory_space<hbm>>
      %dma_wait3A_168 = arith.constant 0 : i32
      %dma_wait3A_169 = tpu.memref_slice %arg5[%add3A_162, %dma_wait3A_168] : memref<40960x64xf32, #tpu.memory_space<hbm>> -> memref<128x64xf32, #tpu.memory_space<hbm>>
      tpu.wait_dma2 semaphore(%run_scoped3A : memref<!tpu.dma_semaphore, #tpu.memory_space<semaphore_mem>>) src(%arg8 : memref<128x64xf32, #tpu.memory_space<vmem>>) dst(%dma_wait3A_169 : memref<128x64xf32, #tpu.memory_space<hbm>>)
      tpu.yield
    }) : () -> ()
    return
  }
}

#map = affine_map<(d0, d1) -> (0, 0)>
#map1 = affine_map<(d0, d1) -> (0, 0, 0, 0)>
#map2 = affine_map<(d0, d1) -> (0, 0, 0)>
module attributes {stable_mosaic.version = 14 : i64} {
  func.func @_agg_body(%arg0: i32, %arg1: i32, %arg2: memref<40960x64xf32, #tpu.memory_space<hbm>>, %arg3: memref<4x16x80x128xi32, #tpu.memory_space<hbm>>, %arg4: memref<16x80x128xi32, #tpu.memory_space<hbm>>, %arg5: memref<40960x64xf32, #tpu.memory_space<hbm>>, %arg6: memref<80x128xi32, #tpu.memory_space<vmem>>, %arg7: memref<80x128xi32, #tpu.memory_space<vmem>>, %arg8: memref<128x64xf32, #tpu.memory_space<vmem>>, %arg9: memref<128x64xf32, #tpu.memory_space<vmem>>, %arg10: memref<128x64xf32, #tpu.memory_space<vmem>>, %arg11: memref<128x64xf32, #tpu.memory_space<vmem>>, %arg12: memref<128x64xf32, #tpu.memory_space<vmem>>, %arg13: memref<128x64xf32, #tpu.memory_space<vmem>>, %arg14: memref<128x64xf32, #tpu.memory_space<vmem>>, %arg15: memref<128x64xf32, #tpu.memory_space<vmem>>, %arg16: memref<!tpu.dma_semaphore, #tpu.memory_space<semaphore_mem>>, %arg17: memref<!tpu.dma_semaphore, #tpu.memory_space<semaphore_mem>>, %arg18: memref<!tpu.dma_semaphore, #tpu.memory_space<semaphore_mem>>, %arg19: memref<!tpu.dma_semaphore, #tpu.memory_space<semaphore_mem>>, %arg20: memref<!tpu.dma_semaphore, #tpu.memory_space<semaphore_mem>>, %arg21: memref<!tpu.dma_semaphore, #tpu.memory_space<semaphore_mem>>, %arg22: memref<!tpu.dma_semaphore, #tpu.memory_space<semaphore_mem>>, %arg23: memref<!tpu.dma_semaphore, #tpu.memory_space<semaphore_mem>>, %arg24: memref<!tpu.dma_semaphore, #tpu.memory_space<semaphore_mem>>, %arg25: memref<!tpu.dma_semaphore, #tpu.memory_space<semaphore_mem>>, %arg26: memref<!tpu.dma_semaphore, #tpu.memory_space<semaphore_mem>>, %arg27: memref<!tpu.dma_semaphore, #tpu.memory_space<semaphore_mem>>, %arg28: memref<!tpu.dma_semaphore, #tpu.memory_space<semaphore_mem>>, %arg29: memref<!tpu.dma_semaphore, #tpu.memory_space<semaphore_mem>>, %arg30: memref<!tpu.dma_semaphore, #tpu.memory_space<semaphore_mem>>, %arg31: memref<!tpu.dma_semaphore, #tpu.memory_space<semaphore_mem>>, %arg32: memref<10240x64xf32, #tpu.memory_space<vmem_shared>>) attributes {dimension_semantics = [#tpu.dimension_semantics<core_parallel>, #tpu.dimension_semantics<subcore_parallel>], iteration_bounds = array<i64: 2, 16>, scalar_prefetch = 0 : i64, scratch_operands = 27 : i64, tpu.core_type = #tpu.core_type<sc_vector_subcore>, window_params = [{transform_indices = #map}, {transform_indices = #map1}, {transform_indices = #map2}, {transform_indices = #map}]} {
    %mul3A = arith.constant 640 : i32
    %mul3A_0 = arith.muli %arg1, %mul3A : i32
    "tpu.region"() ({
      %run_scoped3A = tpu.sem_alloc : memref<!tpu.dma_semaphore, #tpu.memory_space<semaphore_mem>>
      %dma_start3A_163 = arith.constant 0 : i32
      %dma_start3A_164 = arith.constant 0 : i32
      %dma_start3A_165 = tpu.memref_slice %arg4[%arg1, %dma_start3A_163, %dma_start3A_164] : memref<16x80x128xi32, #tpu.memory_space<hbm>> -> memref<1x80x128xi32, #tpu.memory_space<hbm>>
      %dma_start3A_166 = tpu.memref_squeeze %dma_start3A_165 : memref<1x80x128xi32, #tpu.memory_space<hbm>> -> memref<80x128xi32, #tpu.memory_space<hbm>>
      %dma_start3A_167 = arith.constant 0 : i32
      %dma_start3A_168 = arith.constant 0 : i32
      %dma_start3A_169 = tpu.memref_slice %arg4[%arg1, %dma_start3A_167, %dma_start3A_168] : memref<16x80x128xi32, #tpu.memory_space<hbm>> -> memref<1x80x128xi32, #tpu.memory_space<hbm>>
      %dma_start3A_170 = tpu.memref_squeeze %dma_start3A_169 : memref<1x80x128xi32, #tpu.memory_space<hbm>> -> memref<80x128xi32, #tpu.memory_space<hbm>>
      tpu.enqueue_dma source(%dma_start3A_170 : memref<80x128xi32, #tpu.memory_space<hbm>>) target(%arg7 : memref<80x128xi32, #tpu.memory_space<vmem>>) target_semaphore(%run_scoped3A : memref<!tpu.dma_semaphore, #tpu.memory_space<semaphore_mem>>)
      %dma_wait3A = arith.constant 0 : i32
      %dma_wait3A_171 = arith.constant 0 : i32
      %dma_wait3A_172 = tpu.memref_slice %arg4[%arg1, %dma_wait3A, %dma_wait3A_171] : memref<16x80x128xi32, #tpu.memory_space<hbm>> -> memref<1x80x128xi32, #tpu.memory_space<hbm>>
      %dma_wait3A_173 = tpu.memref_squeeze %dma_wait3A_172 : memref<1x80x128xi32, #tpu.memory_space<hbm>> -> memref<80x128xi32, #tpu.memory_space<hbm>>
      %dma_wait3A_174 = arith.constant 0 : i32
      %dma_wait3A_175 = arith.constant 0 : i32
      %dma_wait3A_176 = tpu.memref_slice %arg4[%arg1, %dma_wait3A_174, %dma_wait3A_175] : memref<16x80x128xi32, #tpu.memory_space<hbm>> -> memref<1x80x128xi32, #tpu.memory_space<hbm>>
      %dma_wait3A_177 = tpu.memref_squeeze %dma_wait3A_176 : memref<1x80x128xi32, #tpu.memory_space<hbm>> -> memref<80x128xi32, #tpu.memory_space<hbm>>
      tpu.wait_dma2 semaphore(%run_scoped3A : memref<!tpu.dma_semaphore, #tpu.memory_space<semaphore_mem>>) src(%dma_wait3A_177 : memref<80x128xi32, #tpu.memory_space<hbm>>) dst(%arg7 : memref<80x128xi32, #tpu.memory_space<vmem>>)
      tpu.yield
    }) : () -> ()
    %mul3A_1 = arith.constant 2 : i32
    %mul3A_2 = arith.muli %mul3A_1, %arg0 : i32
    %add3A = arith.constant 0 : i32
    %add3A_3 = arith.addi %mul3A_2, %add3A : i32
    %mul3A_4 = arith.constant 10240 : i32
    %mul3A_5 = arith.muli %add3A_3, %mul3A_4 : i32
    %add3A_6 = arith.addi %mul3A_5, %mul3A_0 : i32
    %add3A_7 = arith.constant 0 : i32
    %add3A_8 = arith.addi %add3A_6, %add3A_7 : i32
    "tpu.region"() ({
      %run_scoped3A = tpu.sem_alloc : memref<!tpu.dma_semaphore, #tpu.memory_space<semaphore_mem>>
      %dma_start3A_163 = arith.constant 0 : i32
      %dma_start3A_164 = tpu.memref_slice %arg2[%add3A_8, %dma_start3A_163] : memref<40960x64xf32, #tpu.memory_space<hbm>> -> memref<128x64xf32, #tpu.memory_space<hbm>>
      %dma_start3A_165 = arith.constant 0 : i32
      %dma_start3A_166 = tpu.memref_slice %arg2[%add3A_8, %dma_start3A_165] : memref<40960x64xf32, #tpu.memory_space<hbm>> -> memref<128x64xf32, #tpu.memory_space<hbm>>
      tpu.enqueue_dma source(%dma_start3A_166 : memref<128x64xf32, #tpu.memory_space<hbm>>) target(%arg8 : memref<128x64xf32, #tpu.memory_space<vmem>>) target_semaphore(%run_scoped3A : memref<!tpu.dma_semaphore, #tpu.memory_space<semaphore_mem>>)
      %dma_wait3A = arith.constant 0 : i32
      %dma_wait3A_167 = tpu.memref_slice %arg2[%add3A_8, %dma_wait3A] : memref<40960x64xf32, #tpu.memory_space<hbm>> -> memref<128x64xf32, #tpu.memory_space<hbm>>
      %dma_wait3A_168 = arith.constant 0 : i32
      %dma_wait3A_169 = tpu.memref_slice %arg2[%add3A_8, %dma_wait3A_168] : memref<40960x64xf32, #tpu.memory_space<hbm>> -> memref<128x64xf32, #tpu.memory_space<hbm>>
      tpu.wait_dma2 semaphore(%run_scoped3A : memref<!tpu.dma_semaphore, #tpu.memory_space<semaphore_mem>>) src(%dma_wait3A_169 : memref<128x64xf32, #tpu.memory_space<hbm>>) dst(%arg8 : memref<128x64xf32, #tpu.memory_space<vmem>>)
      tpu.yield
    }) : () -> ()
    %add3A_9 = arith.constant 0 : i32
    %add3A_10 = arith.addi %mul3A_0, %add3A_9 : i32
    "tpu.region"() ({
      %run_scoped3A = tpu.sem_alloc : memref<!tpu.dma_semaphore, #tpu.memory_space<semaphore_mem>>
      %dma_start3A_163 = arith.constant 0 : i32
      %dma_start3A_164 = tpu.memref_slice %arg32[%add3A_10, %dma_start3A_163] : memref<10240x64xf32, #tpu.memory_space<vmem_shared>> -> memref<128x64xf32, #tpu.memory_space<vmem_shared>>
      %dma_start3A_165 = arith.constant 0 : i32
      %dma_start3A_166 = tpu.memref_slice %arg32[%add3A_10, %dma_start3A_165] : memref<10240x64xf32, #tpu.memory_space<vmem_shared>> -> memref<128x64xf32, #tpu.memory_space<vmem_shared>>
      tpu.enqueue_dma source(%arg8 : memref<128x64xf32, #tpu.memory_space<vmem>>) target(%dma_start3A_166 : memref<128x64xf32, #tpu.memory_space<vmem_shared>>) target_semaphore(%run_scoped3A : memref<!tpu.dma_semaphore, #tpu.memory_space<semaphore_mem>>)
      %dma_wait3A = arith.constant 0 : i32
      %dma_wait3A_167 = tpu.memref_slice %arg32[%add3A_10, %dma_wait3A] : memref<10240x64xf32, #tpu.memory_space<vmem_shared>> -> memref<128x64xf32, #tpu.memory_space<vmem_shared>>
      %dma_wait3A_168 = arith.constant 0 : i32
      %dma_wait3A_169 = tpu.memref_slice %arg32[%add3A_10, %dma_wait3A_168] : memref<10240x64xf32, #tpu.memory_space<vmem_shared>> -> memref<128x64xf32, #tpu.memory_space<vmem_shared>>
      tpu.wait_dma2 semaphore(%run_scoped3A : memref<!tpu.dma_semaphore, #tpu.memory_space<semaphore_mem>>) src(%arg8 : memref<128x64xf32, #tpu.memory_space<vmem>>) dst(%dma_wait3A_169 : memref<128x64xf32, #tpu.memory_space<vmem_shared>>)
      tpu.yield
    }) : () -> ()
    %add3A_11 = arith.constant 128 : i32
    %add3A_12 = arith.addi %add3A_6, %add3A_11 : i32
    "tpu.region"() ({
      %run_scoped3A = tpu.sem_alloc : memref<!tpu.dma_semaphore, #tpu.memory_space<semaphore_mem>>
      %dma_start3A_163 = arith.constant 0 : i32
      %dma_start3A_164 = tpu.memref_slice %arg2[%add3A_12, %dma_start3A_163] : memref<40960x64xf32, #tpu.memory_space<hbm>> -> memref<128x64xf32, #tpu.memory_space<hbm>>
      %dma_start3A_165 = arith.constant 0 : i32
      %dma_start3A_166 = tpu.memref_slice %arg2[%add3A_12, %dma_start3A_165] : memref<40960x64xf32, #tpu.memory_space<hbm>> -> memref<128x64xf32, #tpu.memory_space<hbm>>
      tpu.enqueue_dma source(%dma_start3A_166 : memref<128x64xf32, #tpu.memory_space<hbm>>) target(%arg8 : memref<128x64xf32, #tpu.memory_space<vmem>>) target_semaphore(%run_scoped3A : memref<!tpu.dma_semaphore, #tpu.memory_space<semaphore_mem>>)
      %dma_wait3A = arith.constant 0 : i32
      %dma_wait3A_167 = tpu.memref_slice %arg2[%add3A_12, %dma_wait3A] : memref<40960x64xf32, #tpu.memory_space<hbm>> -> memref<128x64xf32, #tpu.memory_space<hbm>>
      %dma_wait3A_168 = arith.constant 0 : i32
      %dma_wait3A_169 = tpu.memref_slice %arg2[%add3A_12, %dma_wait3A_168] : memref<40960x64xf32, #tpu.memory_space<hbm>> -> memref<128x64xf32, #tpu.memory_space<hbm>>
      tpu.wait_dma2 semaphore(%run_scoped3A : memref<!tpu.dma_semaphore, #tpu.memory_space<semaphore_mem>>) src(%dma_wait3A_169 : memref<128x64xf32, #tpu.memory_space<hbm>>) dst(%arg8 : memref<128x64xf32, #tpu.memory_space<vmem>>)
      tpu.yield
    }) : () -> ()
    %add3A_13 = arith.constant 128 : i32
    %add3A_14 = arith.addi %mul3A_0, %add3A_13 : i32
    "tpu.region"() ({
      %run_scoped3A = tpu.sem_alloc : memref<!tpu.dma_semaphore, #tpu.memory_space<semaphore_mem>>
      %dma_start3A_163 = arith.constant 0 : i32
      %dma_start3A_164 = tpu.memref_slice %arg32[%add3A_14, %dma_start3A_163] : memref<10240x64xf32, #tpu.memory_space<vmem_shared>> -> memref<128x64xf32, #tpu.memory_space<vmem_shared>>
      %dma_start3A_165 = arith.constant 0 : i32
      %dma_start3A_166 = tpu.memref_slice %arg32[%add3A_14, %dma_start3A_165] : memref<10240x64xf32, #tpu.memory_space<vmem_shared>> -> memref<128x64xf32, #tpu.memory_space<vmem_shared>>
      tpu.enqueue_dma source(%arg8 : memref<128x64xf32, #tpu.memory_space<vmem>>) target(%dma_start3A_166 : memref<128x64xf32, #tpu.memory_space<vmem_shared>>) target_semaphore(%run_scoped3A : memref<!tpu.dma_semaphore, #tpu.memory_space<semaphore_mem>>)
      %dma_wait3A = arith.constant 0 : i32
      %dma_wait3A_167 = tpu.memref_slice %arg32[%add3A_14, %dma_wait3A] : memref<10240x64xf32, #tpu.memory_space<vmem_shared>> -> memref<128x64xf32, #tpu.memory_space<vmem_shared>>
      %dma_wait3A_168 = arith.constant 0 : i32
      %dma_wait3A_169 = tpu.memref_slice %arg32[%add3A_14, %dma_wait3A_168] : memref<10240x64xf32, #tpu.memory_space<vmem_shared>> -> memref<128x64xf32, #tpu.memory_space<vmem_shared>>
      tpu.wait_dma2 semaphore(%run_scoped3A : memref<!tpu.dma_semaphore, #tpu.memory_space<semaphore_mem>>) src(%arg8 : memref<128x64xf32, #tpu.memory_space<vmem>>) dst(%dma_wait3A_169 : memref<128x64xf32, #tpu.memory_space<vmem_shared>>)
      tpu.yield
    }) : () -> ()
    %add3A_15 = arith.constant 256 : i32
    %add3A_16 = arith.addi %add3A_6, %add3A_15 : i32
    "tpu.region"() ({
      %run_scoped3A = tpu.sem_alloc : memref<!tpu.dma_semaphore, #tpu.memory_space<semaphore_mem>>
      %dma_start3A_163 = arith.constant 0 : i32
      %dma_start3A_164 = tpu.memref_slice %arg2[%add3A_16, %dma_start3A_163] : memref<40960x64xf32, #tpu.memory_space<hbm>> -> memref<128x64xf32, #tpu.memory_space<hbm>>
      %dma_start3A_165 = arith.constant 0 : i32
      %dma_start3A_166 = tpu.memref_slice %arg2[%add3A_16, %dma_start3A_165] : memref<40960x64xf32, #tpu.memory_space<hbm>> -> memref<128x64xf32, #tpu.memory_space<hbm>>
      tpu.enqueue_dma source(%dma_start3A_166 : memref<128x64xf32, #tpu.memory_space<hbm>>) target(%arg8 : memref<128x64xf32, #tpu.memory_space<vmem>>) target_semaphore(%run_scoped3A : memref<!tpu.dma_semaphore, #tpu.memory_space<semaphore_mem>>)
      %dma_wait3A = arith.constant 0 : i32
      %dma_wait3A_167 = tpu.memref_slice %arg2[%add3A_16, %dma_wait3A] : memref<40960x64xf32, #tpu.memory_space<hbm>> -> memref<128x64xf32, #tpu.memory_space<hbm>>
      %dma_wait3A_168 = arith.constant 0 : i32
      %dma_wait3A_169 = tpu.memref_slice %arg2[%add3A_16, %dma_wait3A_168] : memref<40960x64xf32, #tpu.memory_space<hbm>> -> memref<128x64xf32, #tpu.memory_space<hbm>>
      tpu.wait_dma2 semaphore(%run_scoped3A : memref<!tpu.dma_semaphore, #tpu.memory_space<semaphore_mem>>) src(%dma_wait3A_169 : memref<128x64xf32, #tpu.memory_space<hbm>>) dst(%arg8 : memref<128x64xf32, #tpu.memory_space<vmem>>)
      tpu.yield
    }) : () -> ()
    %add3A_17 = arith.constant 256 : i32
    %add3A_18 = arith.addi %mul3A_0, %add3A_17 : i32
    "tpu.region"() ({
      %run_scoped3A = tpu.sem_alloc : memref<!tpu.dma_semaphore, #tpu.memory_space<semaphore_mem>>
      %dma_start3A_163 = arith.constant 0 : i32
      %dma_start3A_164 = tpu.memref_slice %arg32[%add3A_18, %dma_start3A_163] : memref<10240x64xf32, #tpu.memory_space<vmem_shared>> -> memref<128x64xf32, #tpu.memory_space<vmem_shared>>
      %dma_start3A_165 = arith.constant 0 : i32
      %dma_start3A_166 = tpu.memref_slice %arg32[%add3A_18, %dma_start3A_165] : memref<10240x64xf32, #tpu.memory_space<vmem_shared>> -> memref<128x64xf32, #tpu.memory_space<vmem_shared>>
      tpu.enqueue_dma source(%arg8 : memref<128x64xf32, #tpu.memory_space<vmem>>) target(%dma_start3A_166 : memref<128x64xf32, #tpu.memory_space<vmem_shared>>) target_semaphore(%run_scoped3A : memref<!tpu.dma_semaphore, #tpu.memory_space<semaphore_mem>>)
      %dma_wait3A = arith.constant 0 : i32
      %dma_wait3A_167 = tpu.memref_slice %arg32[%add3A_18, %dma_wait3A] : memref<10240x64xf32, #tpu.memory_space<vmem_shared>> -> memref<128x64xf32, #tpu.memory_space<vmem_shared>>
      %dma_wait3A_168 = arith.constant 0 : i32
      %dma_wait3A_169 = tpu.memref_slice %arg32[%add3A_18, %dma_wait3A_168] : memref<10240x64xf32, #tpu.memory_space<vmem_shared>> -> memref<128x64xf32, #tpu.memory_space<vmem_shared>>
      tpu.wait_dma2 semaphore(%run_scoped3A : memref<!tpu.dma_semaphore, #tpu.memory_space<semaphore_mem>>) src(%arg8 : memref<128x64xf32, #tpu.memory_space<vmem>>) dst(%dma_wait3A_169 : memref<128x64xf32, #tpu.memory_space<vmem_shared>>)
      tpu.yield
    }) : () -> ()
    %add3A_19 = arith.constant 384 : i32
    %add3A_20 = arith.addi %add3A_6, %add3A_19 : i32
    "tpu.region"() ({
      %run_scoped3A = tpu.sem_alloc : memref<!tpu.dma_semaphore, #tpu.memory_space<semaphore_mem>>
      %dma_start3A_163 = arith.constant 0 : i32
      %dma_start3A_164 = tpu.memref_slice %arg2[%add3A_20, %dma_start3A_163] : memref<40960x64xf32, #tpu.memory_space<hbm>> -> memref<128x64xf32, #tpu.memory_space<hbm>>
      %dma_start3A_165 = arith.constant 0 : i32
      %dma_start3A_166 = tpu.memref_slice %arg2[%add3A_20, %dma_start3A_165] : memref<40960x64xf32, #tpu.memory_space<hbm>> -> memref<128x64xf32, #tpu.memory_space<hbm>>
      tpu.enqueue_dma source(%dma_start3A_166 : memref<128x64xf32, #tpu.memory_space<hbm>>) target(%arg8 : memref<128x64xf32, #tpu.memory_space<vmem>>) target_semaphore(%run_scoped3A : memref<!tpu.dma_semaphore, #tpu.memory_space<semaphore_mem>>)
      %dma_wait3A = arith.constant 0 : i32
      %dma_wait3A_167 = tpu.memref_slice %arg2[%add3A_20, %dma_wait3A] : memref<40960x64xf32, #tpu.memory_space<hbm>> -> memref<128x64xf32, #tpu.memory_space<hbm>>
      %dma_wait3A_168 = arith.constant 0 : i32
      %dma_wait3A_169 = tpu.memref_slice %arg2[%add3A_20, %dma_wait3A_168] : memref<40960x64xf32, #tpu.memory_space<hbm>> -> memref<128x64xf32, #tpu.memory_space<hbm>>
      tpu.wait_dma2 semaphore(%run_scoped3A : memref<!tpu.dma_semaphore, #tpu.memory_space<semaphore_mem>>) src(%dma_wait3A_169 : memref<128x64xf32, #tpu.memory_space<hbm>>) dst(%arg8 : memref<128x64xf32, #tpu.memory_space<vmem>>)
      tpu.yield
    }) : () -> ()
    %add3A_21 = arith.constant 384 : i32
    %add3A_22 = arith.addi %mul3A_0, %add3A_21 : i32
    "tpu.region"() ({
      %run_scoped3A = tpu.sem_alloc : memref<!tpu.dma_semaphore, #tpu.memory_space<semaphore_mem>>
      %dma_start3A_163 = arith.constant 0 : i32
      %dma_start3A_164 = tpu.memref_slice %arg32[%add3A_22, %dma_start3A_163] : memref<10240x64xf32, #tpu.memory_space<vmem_shared>> -> memref<128x64xf32, #tpu.memory_space<vmem_shared>>
      %dma_start3A_165 = arith.constant 0 : i32
      %dma_start3A_166 = tpu.memref_slice %arg32[%add3A_22, %dma_start3A_165] : memref<10240x64xf32, #tpu.memory_space<vmem_shared>> -> memref<128x64xf32, #tpu.memory_space<vmem_shared>>
      tpu.enqueue_dma source(%arg8 : memref<128x64xf32, #tpu.memory_space<vmem>>) target(%dma_start3A_166 : memref<128x64xf32, #tpu.memory_space<vmem_shared>>) target_semaphore(%run_scoped3A : memref<!tpu.dma_semaphore, #tpu.memory_space<semaphore_mem>>)
      %dma_wait3A = arith.constant 0 : i32
      %dma_wait3A_167 = tpu.memref_slice %arg32[%add3A_22, %dma_wait3A] : memref<10240x64xf32, #tpu.memory_space<vmem_shared>> -> memref<128x64xf32, #tpu.memory_space<vmem_shared>>
      %dma_wait3A_168 = arith.constant 0 : i32
      %dma_wait3A_169 = tpu.memref_slice %arg32[%add3A_22, %dma_wait3A_168] : memref<10240x64xf32, #tpu.memory_space<vmem_shared>> -> memref<128x64xf32, #tpu.memory_space<vmem_shared>>
      tpu.wait_dma2 semaphore(%run_scoped3A : memref<!tpu.dma_semaphore, #tpu.memory_space<semaphore_mem>>) src(%arg8 : memref<128x64xf32, #tpu.memory_space<vmem>>) dst(%dma_wait3A_169 : memref<128x64xf32, #tpu.memory_space<vmem_shared>>)
      tpu.yield
    }) : () -> ()
    %add3A_23 = arith.constant 512 : i32
    %add3A_24 = arith.addi %add3A_6, %add3A_23 : i32
    "tpu.region"() ({
      %run_scoped3A = tpu.sem_alloc : memref<!tpu.dma_semaphore, #tpu.memory_space<semaphore_mem>>
      %dma_start3A_163 = arith.constant 0 : i32
      %dma_start3A_164 = tpu.memref_slice %arg2[%add3A_24, %dma_start3A_163] : memref<40960x64xf32, #tpu.memory_space<hbm>> -> memref<128x64xf32, #tpu.memory_space<hbm>>
      %dma_start3A_165 = arith.constant 0 : i32
      %dma_start3A_166 = tpu.memref_slice %arg2[%add3A_24, %dma_start3A_165] : memref<40960x64xf32, #tpu.memory_space<hbm>> -> memref<128x64xf32, #tpu.memory_space<hbm>>
      tpu.enqueue_dma source(%dma_start3A_166 : memref<128x64xf32, #tpu.memory_space<hbm>>) target(%arg8 : memref<128x64xf32, #tpu.memory_space<vmem>>) target_semaphore(%run_scoped3A : memref<!tpu.dma_semaphore, #tpu.memory_space<semaphore_mem>>)
      %dma_wait3A = arith.constant 0 : i32
      %dma_wait3A_167 = tpu.memref_slice %arg2[%add3A_24, %dma_wait3A] : memref<40960x64xf32, #tpu.memory_space<hbm>> -> memref<128x64xf32, #tpu.memory_space<hbm>>
      %dma_wait3A_168 = arith.constant 0 : i32
      %dma_wait3A_169 = tpu.memref_slice %arg2[%add3A_24, %dma_wait3A_168] : memref<40960x64xf32, #tpu.memory_space<hbm>> -> memref<128x64xf32, #tpu.memory_space<hbm>>
      tpu.wait_dma2 semaphore(%run_scoped3A : memref<!tpu.dma_semaphore, #tpu.memory_space<semaphore_mem>>) src(%dma_wait3A_169 : memref<128x64xf32, #tpu.memory_space<hbm>>) dst(%arg8 : memref<128x64xf32, #tpu.memory_space<vmem>>)
      tpu.yield
    }) : () -> ()
    %add3A_25 = arith.constant 512 : i32
    %add3A_26 = arith.addi %mul3A_0, %add3A_25 : i32
    "tpu.region"() ({
      %run_scoped3A = tpu.sem_alloc : memref<!tpu.dma_semaphore, #tpu.memory_space<semaphore_mem>>
      %dma_start3A_163 = arith.constant 0 : i32
      %dma_start3A_164 = tpu.memref_slice %arg32[%add3A_26, %dma_start3A_163] : memref<10240x64xf32, #tpu.memory_space<vmem_shared>> -> memref<128x64xf32, #tpu.memory_space<vmem_shared>>
      %dma_start3A_165 = arith.constant 0 : i32
      %dma_start3A_166 = tpu.memref_slice %arg32[%add3A_26, %dma_start3A_165] : memref<10240x64xf32, #tpu.memory_space<vmem_shared>> -> memref<128x64xf32, #tpu.memory_space<vmem_shared>>
      tpu.enqueue_dma source(%arg8 : memref<128x64xf32, #tpu.memory_space<vmem>>) target(%dma_start3A_166 : memref<128x64xf32, #tpu.memory_space<vmem_shared>>) target_semaphore(%run_scoped3A : memref<!tpu.dma_semaphore, #tpu.memory_space<semaphore_mem>>)
      %dma_wait3A = arith.constant 0 : i32
      %dma_wait3A_167 = tpu.memref_slice %arg32[%add3A_26, %dma_wait3A] : memref<10240x64xf32, #tpu.memory_space<vmem_shared>> -> memref<128x64xf32, #tpu.memory_space<vmem_shared>>
      %dma_wait3A_168 = arith.constant 0 : i32
      %dma_wait3A_169 = tpu.memref_slice %arg32[%add3A_26, %dma_wait3A_168] : memref<10240x64xf32, #tpu.memory_space<vmem_shared>> -> memref<128x64xf32, #tpu.memory_space<vmem_shared>>
      tpu.wait_dma2 semaphore(%run_scoped3A : memref<!tpu.dma_semaphore, #tpu.memory_space<semaphore_mem>>) src(%arg8 : memref<128x64xf32, #tpu.memory_space<vmem>>) dst(%dma_wait3A_169 : memref<128x64xf32, #tpu.memory_space<vmem_shared>>)
      tpu.yield
    }) : () -> ()
    "tpu.region"() ({
      %run_scoped3A = tpu.sem_alloc : memref<!tpu.dma_semaphore, #tpu.memory_space<semaphore_mem>>
      %dma_start3A_163 = arith.constant 0 : i32
      %dma_start3A_164 = arith.constant 0 : i32
      %dma_start3A_165 = tpu.memref_slice %arg3[%add3A_3, %arg1, %dma_start3A_163, %dma_start3A_164] : memref<4x16x80x128xi32, #tpu.memory_space<hbm>> -> memref<1x1x80x128xi32, #tpu.memory_space<hbm>>
      %dma_start3A_166 = tpu.memref_squeeze %dma_start3A_165 : memref<1x1x80x128xi32, #tpu.memory_space<hbm>> -> memref<80x128xi32, #tpu.memory_space<hbm>>
      %dma_start3A_167 = arith.constant 0 : i32
      %dma_start3A_168 = arith.constant 0 : i32
      %dma_start3A_169 = tpu.memref_slice %arg3[%add3A_3, %arg1, %dma_start3A_167, %dma_start3A_168] : memref<4x16x80x128xi32, #tpu.memory_space<hbm>> -> memref<1x1x80x128xi32, #tpu.memory_space<hbm>>
      %dma_start3A_170 = tpu.memref_squeeze %dma_start3A_169 : memref<1x1x80x128xi32, #tpu.memory_space<hbm>> -> memref<80x128xi32, #tpu.memory_space<hbm>>
      tpu.enqueue_dma source(%dma_start3A_170 : memref<80x128xi32, #tpu.memory_space<hbm>>) target(%arg6 : memref<80x128xi32, #tpu.memory_space<vmem>>) target_semaphore(%run_scoped3A : memref<!tpu.dma_semaphore, #tpu.memory_space<semaphore_mem>>)
      %dma_wait3A = arith.constant 0 : i32
      %dma_wait3A_171 = arith.constant 0 : i32
      %dma_wait3A_172 = tpu.memref_slice %arg3[%add3A_3, %arg1, %dma_wait3A, %dma_wait3A_171] : memref<4x16x80x128xi32, #tpu.memory_space<hbm>> -> memref<1x1x80x128xi32, #tpu.memory_space<hbm>>
      %dma_wait3A_173 = tpu.memref_squeeze %dma_wait3A_172 : memref<1x1x80x128xi32, #tpu.memory_space<hbm>> -> memref<80x128xi32, #tpu.memory_space<hbm>>
      %dma_wait3A_174 = arith.constant 0 : i32
      %dma_wait3A_175 = arith.constant 0 : i32
      %dma_wait3A_176 = tpu.memref_slice %arg3[%add3A_3, %arg1, %dma_wait3A_174, %dma_wait3A_175] : memref<4x16x80x128xi32, #tpu.memory_space<hbm>> -> memref<1x1x80x128xi32, #tpu.memory_space<hbm>>
      %dma_wait3A_177 = tpu.memref_squeeze %dma_wait3A_176 : memref<1x1x80x128xi32, #tpu.memory_space<hbm>> -> memref<80x128xi32, #tpu.memory_space<hbm>>
      tpu.wait_dma2 semaphore(%run_scoped3A : memref<!tpu.dma_semaphore, #tpu.memory_space<semaphore_mem>>) src(%dma_wait3A_177 : memref<80x128xi32, #tpu.memory_space<hbm>>) dst(%arg6 : memref<80x128xi32, #tpu.memory_space<vmem>>)
      tpu.yield
    }) : () -> ()
    %barrier3A = arith.constant 0 : index
    tpu.barrier barrier_id(%barrier3A)
    %dma_start3A = arith.constant 0 : i32
    %dma_start3A_27 = arith.constant 0 : i32
    %dma_start3A_28 = tpu.memref_slice %arg6[%dma_start3A, %dma_start3A_27] : memref<80x128xi32, #tpu.memory_space<vmem>> -> memref<1x128xi32, #tpu.memory_space<vmem>>
    %dma_start3A_29 = tpu.memref_squeeze %dma_start3A_28 : memref<1x128xi32, #tpu.memory_space<vmem>> -> memref<128xi32, #tpu.memory_space<vmem>>
    %dma_start3A_30 = arith.constant 0 : i32
    %dma_start3A_31 = arith.constant 0 : i32
    %dma_start3A_32 = tpu.memref_slice %arg2[%dma_start3A_30, %dma_start3A_31] : memref<40960x64xf32, #tpu.memory_space<hbm>> -> memref<40960x64xf32, #tpu.memory_space<hbm>>
    tpu.enqueue_indirect_dma source(%dma_start3A_32 : memref<40960x64xf32, #tpu.memory_space<hbm>>) target(%arg8 : memref<128x64xf32, #tpu.memory_space<vmem>>) offsets(%dma_start3A_29 : memref<128xi32, #tpu.memory_space<vmem>>) semaphore(%arg16 : memref<!tpu.dma_semaphore, #tpu.memory_space<semaphore_mem>>)
    %dma_start3A_33 = arith.constant 1 : i32
    %dma_start3A_34 = arith.constant 0 : i32
    %dma_start3A_35 = tpu.memref_slice %arg6[%dma_start3A_33, %dma_start3A_34] : memref<80x128xi32, #tpu.memory_space<vmem>> -> memref<1x128xi32, #tpu.memory_space<vmem>>
    %dma_start3A_36 = tpu.memref_squeeze %dma_start3A_35 : memref<1x128xi32, #tpu.memory_space<vmem>> -> memref<128xi32, #tpu.memory_space<vmem>>
    %dma_start3A_37 = arith.constant 0 : i32
    %dma_start3A_38 = arith.constant 0 : i32
    %dma_start3A_39 = tpu.memref_slice %arg2[%dma_start3A_37, %dma_start3A_38] : memref<40960x64xf32, #tpu.memory_space<hbm>> -> memref<40960x64xf32, #tpu.memory_space<hbm>>
    tpu.enqueue_indirect_dma source(%dma_start3A_39 : memref<40960x64xf32, #tpu.memory_space<hbm>>) target(%arg9 : memref<128x64xf32, #tpu.memory_space<vmem>>) offsets(%dma_start3A_36 : memref<128xi32, #tpu.memory_space<vmem>>) semaphore(%arg17 : memref<!tpu.dma_semaphore, #tpu.memory_space<semaphore_mem>>)
    %dma_start3A_40 = arith.constant 2 : i32
    %dma_start3A_41 = arith.constant 0 : i32
    %dma_start3A_42 = tpu.memref_slice %arg6[%dma_start3A_40, %dma_start3A_41] : memref<80x128xi32, #tpu.memory_space<vmem>> -> memref<1x128xi32, #tpu.memory_space<vmem>>
    %dma_start3A_43 = tpu.memref_squeeze %dma_start3A_42 : memref<1x128xi32, #tpu.memory_space<vmem>> -> memref<128xi32, #tpu.memory_space<vmem>>
    %dma_start3A_44 = arith.constant 0 : i32
    %dma_start3A_45 = arith.constant 0 : i32
    %dma_start3A_46 = tpu.memref_slice %arg2[%dma_start3A_44, %dma_start3A_45] : memref<40960x64xf32, #tpu.memory_space<hbm>> -> memref<40960x64xf32, #tpu.memory_space<hbm>>
    tpu.enqueue_indirect_dma source(%dma_start3A_46 : memref<40960x64xf32, #tpu.memory_space<hbm>>) target(%arg10 : memref<128x64xf32, #tpu.memory_space<vmem>>) offsets(%dma_start3A_43 : memref<128xi32, #tpu.memory_space<vmem>>) semaphore(%arg18 : memref<!tpu.dma_semaphore, #tpu.memory_space<semaphore_mem>>)
    %dma_start3A_47 = arith.constant 3 : i32
    %dma_start3A_48 = arith.constant 0 : i32
    %dma_start3A_49 = tpu.memref_slice %arg6[%dma_start3A_47, %dma_start3A_48] : memref<80x128xi32, #tpu.memory_space<vmem>> -> memref<1x128xi32, #tpu.memory_space<vmem>>
    %dma_start3A_50 = tpu.memref_squeeze %dma_start3A_49 : memref<1x128xi32, #tpu.memory_space<vmem>> -> memref<128xi32, #tpu.memory_space<vmem>>
    %dma_start3A_51 = arith.constant 0 : i32
    %dma_start3A_52 = arith.constant 0 : i32
    %dma_start3A_53 = tpu.memref_slice %arg2[%dma_start3A_51, %dma_start3A_52] : memref<40960x64xf32, #tpu.memory_space<hbm>> -> memref<40960x64xf32, #tpu.memory_space<hbm>>
    tpu.enqueue_indirect_dma source(%dma_start3A_53 : memref<40960x64xf32, #tpu.memory_space<hbm>>) target(%arg11 : memref<128x64xf32, #tpu.memory_space<vmem>>) offsets(%dma_start3A_50 : memref<128xi32, #tpu.memory_space<vmem>>) semaphore(%arg19 : memref<!tpu.dma_semaphore, #tpu.memory_space<semaphore_mem>>)
    %scan3A = arith.constant 0 : i32
    %scan3A_54 = arith.constant 0 : i32
    %scan3A_55 = arith.constant 10 : i32
    %scan3A_56 = arith.addi %scan3A_54, %scan3A_55 : i32
    %scan3A_57 = arith.constant 1 : i32
    scf.for %scan3A_163 = %scan3A_54 to %scan3A_56 step %scan3A_57  : i32 {
      %mul3A_164 = arith.constant 8 : i32
      %mul3A_165 = arith.muli %scan3A_163, %mul3A_164 : i32
      %add3A_166 = arith.constant 4 : i32
      %add3A_167 = arith.addi %mul3A_165, %add3A_166 : i32
      %add3A_168 = arith.constant 0 : i32
      %add3A_169 = arith.addi %add3A_167, %add3A_168 : i32
      %dma_start3A_170 = arith.constant 0 : i32
      %dma_start3A_171 = tpu.memref_slice %arg6[%add3A_169, %dma_start3A_170] : memref<80x128xi32, #tpu.memory_space<vmem>> -> memref<1x128xi32, #tpu.memory_space<vmem>>
      %dma_start3A_172 = tpu.memref_squeeze %dma_start3A_171 : memref<1x128xi32, #tpu.memory_space<vmem>> -> memref<128xi32, #tpu.memory_space<vmem>>
      %dma_start3A_173 = arith.constant 0 : i32
      %dma_start3A_174 = arith.constant 0 : i32
      %dma_start3A_175 = tpu.memref_slice %arg2[%dma_start3A_173, %dma_start3A_174] : memref<40960x64xf32, #tpu.memory_space<hbm>> -> memref<40960x64xf32, #tpu.memory_space<hbm>>
      tpu.enqueue_indirect_dma source(%dma_start3A_175 : memref<40960x64xf32, #tpu.memory_space<hbm>>) target(%arg12 : memref<128x64xf32, #tpu.memory_space<vmem>>) offsets(%dma_start3A_172 : memref<128xi32, #tpu.memory_space<vmem>>) semaphore(%arg20 : memref<!tpu.dma_semaphore, #tpu.memory_space<semaphore_mem>>)
      %add3A_176 = arith.constant 1 : i32
      %add3A_177 = arith.addi %add3A_167, %add3A_176 : i32
      %dma_start3A_178 = arith.constant 0 : i32
      %dma_start3A_179 = tpu.memref_slice %arg6[%add3A_177, %dma_start3A_178] : memref<80x128xi32, #tpu.memory_space<vmem>> -> memref<1x128xi32, #tpu.memory_space<vmem>>
      %dma_start3A_180 = tpu.memref_squeeze %dma_start3A_179 : memref<1x128xi32, #tpu.memory_space<vmem>> -> memref<128xi32, #tpu.memory_space<vmem>>
      %dma_start3A_181 = arith.constant 0 : i32
      %dma_start3A_182 = arith.constant 0 : i32
      %dma_start3A_183 = tpu.memref_slice %arg2[%dma_start3A_181, %dma_start3A_182] : memref<40960x64xf32, #tpu.memory_space<hbm>> -> memref<40960x64xf32, #tpu.memory_space<hbm>>
      tpu.enqueue_indirect_dma source(%dma_start3A_183 : memref<40960x64xf32, #tpu.memory_space<hbm>>) target(%arg13 : memref<128x64xf32, #tpu.memory_space<vmem>>) offsets(%dma_start3A_180 : memref<128xi32, #tpu.memory_space<vmem>>) semaphore(%arg21 : memref<!tpu.dma_semaphore, #tpu.memory_space<semaphore_mem>>)
      %add3A_184 = arith.constant 2 : i32
      %add3A_185 = arith.addi %add3A_167, %add3A_184 : i32
      %dma_start3A_186 = arith.constant 0 : i32
      %dma_start3A_187 = tpu.memref_slice %arg6[%add3A_185, %dma_start3A_186] : memref<80x128xi32, #tpu.memory_space<vmem>> -> memref<1x128xi32, #tpu.memory_space<vmem>>
      %dma_start3A_188 = tpu.memref_squeeze %dma_start3A_187 : memref<1x128xi32, #tpu.memory_space<vmem>> -> memref<128xi32, #tpu.memory_space<vmem>>
      %dma_start3A_189 = arith.constant 0 : i32
      %dma_start3A_190 = arith.constant 0 : i32
      %dma_start3A_191 = tpu.memref_slice %arg2[%dma_start3A_189, %dma_start3A_190] : memref<40960x64xf32, #tpu.memory_space<hbm>> -> memref<40960x64xf32, #tpu.memory_space<hbm>>
      tpu.enqueue_indirect_dma source(%dma_start3A_191 : memref<40960x64xf32, #tpu.memory_space<hbm>>) target(%arg14 : memref<128x64xf32, #tpu.memory_space<vmem>>) offsets(%dma_start3A_188 : memref<128xi32, #tpu.memory_space<vmem>>) semaphore(%arg22 : memref<!tpu.dma_semaphore, #tpu.memory_space<semaphore_mem>>)
      %add3A_192 = arith.constant 3 : i32
      %add3A_193 = arith.addi %add3A_167, %add3A_192 : i32
      %dma_start3A_194 = arith.constant 0 : i32
      %dma_start3A_195 = tpu.memref_slice %arg6[%add3A_193, %dma_start3A_194] : memref<80x128xi32, #tpu.memory_space<vmem>> -> memref<1x128xi32, #tpu.memory_space<vmem>>
      %dma_start3A_196 = tpu.memref_squeeze %dma_start3A_195 : memref<1x128xi32, #tpu.memory_space<vmem>> -> memref<128xi32, #tpu.memory_space<vmem>>
      %dma_start3A_197 = arith.constant 0 : i32
      %dma_start3A_198 = arith.constant 0 : i32
      %dma_start3A_199 = tpu.memref_slice %arg2[%dma_start3A_197, %dma_start3A_198] : memref<40960x64xf32, #tpu.memory_space<hbm>> -> memref<40960x64xf32, #tpu.memory_space<hbm>>
      tpu.enqueue_indirect_dma source(%dma_start3A_199 : memref<40960x64xf32, #tpu.memory_space<hbm>>) target(%arg15 : memref<128x64xf32, #tpu.memory_space<vmem>>) offsets(%dma_start3A_196 : memref<128xi32, #tpu.memory_space<vmem>>) semaphore(%arg23 : memref<!tpu.dma_semaphore, #tpu.memory_space<semaphore_mem>>)
      %add3A_200 = arith.constant 0 : i32
      %add3A_201 = arith.addi %mul3A_165, %add3A_200 : i32
      %dma_wait3A = arith.constant 0 : i32
      %dma_wait3A_202 = tpu.memref_slice %arg6[%add3A_201, %dma_wait3A] : memref<80x128xi32, #tpu.memory_space<vmem>> -> memref<1x128xi32, #tpu.memory_space<vmem>>
      %dma_wait3A_203 = tpu.memref_squeeze %dma_wait3A_202 : memref<1x128xi32, #tpu.memory_space<vmem>> -> memref<128xi32, #tpu.memory_space<vmem>>
      %dma_wait3A_204 = arith.constant 0 : i32
      %dma_wait3A_205 = arith.constant 0 : i32
      %dma_wait3A_206 = tpu.memref_slice %arg2[%dma_wait3A_204, %dma_wait3A_205] : memref<40960x64xf32, #tpu.memory_space<hbm>> -> memref<40960x64xf32, #tpu.memory_space<hbm>>
      tpu.wait_indirect_dma semaphore(%arg16 : memref<!tpu.dma_semaphore, #tpu.memory_space<semaphore_mem>>) src(%dma_wait3A_206 : memref<40960x64xf32, #tpu.memory_space<hbm>>) dst(%arg8 : memref<128x64xf32, #tpu.memory_space<vmem>>)
      %add3A_207 = arith.constant 0 : i32
      %add3A_208 = arith.addi %mul3A_165, %add3A_207 : i32
      %dma_start3A_209 = arith.constant 0 : i32
      %dma_start3A_210 = tpu.memref_slice %arg7[%add3A_208, %dma_start3A_209] : memref<80x128xi32, #tpu.memory_space<vmem>> -> memref<1x128xi32, #tpu.memory_space<vmem>>
      %dma_start3A_211 = tpu.memref_squeeze %dma_start3A_210 : memref<1x128xi32, #tpu.memory_space<vmem>> -> memref<128xi32, #tpu.memory_space<vmem>>
      %dma_start3A_212 = arith.constant 0 : i32
      %dma_start3A_213 = arith.constant 0 : i32
      %dma_start3A_214 = tpu.memref_slice %arg32[%dma_start3A_212, %dma_start3A_213] : memref<10240x64xf32, #tpu.memory_space<vmem_shared>> -> memref<10240x64xf32, #tpu.memory_space<vmem_shared>>
      tpu.enqueue_indirect_dma source(%arg8 : memref<128x64xf32, #tpu.memory_space<vmem>>) target(%dma_start3A_214 : memref<10240x64xf32, #tpu.memory_space<vmem_shared>>) offsets(%dma_start3A_211 : memref<128xi32, #tpu.memory_space<vmem>>) semaphore(%arg24 : memref<!tpu.dma_semaphore, #tpu.memory_space<semaphore_mem>>) {add = true}
      %add3A_215 = arith.constant 1 : i32
      %add3A_216 = arith.addi %mul3A_165, %add3A_215 : i32
      %dma_wait3A_217 = arith.constant 0 : i32
      %dma_wait3A_218 = tpu.memref_slice %arg6[%add3A_216, %dma_wait3A_217] : memref<80x128xi32, #tpu.memory_space<vmem>> -> memref<1x128xi32, #tpu.memory_space<vmem>>
      %dma_wait3A_219 = tpu.memref_squeeze %dma_wait3A_218 : memref<1x128xi32, #tpu.memory_space<vmem>> -> memref<128xi32, #tpu.memory_space<vmem>>
      %dma_wait3A_220 = arith.constant 0 : i32
      %dma_wait3A_221 = arith.constant 0 : i32
      %dma_wait3A_222 = tpu.memref_slice %arg2[%dma_wait3A_220, %dma_wait3A_221] : memref<40960x64xf32, #tpu.memory_space<hbm>> -> memref<40960x64xf32, #tpu.memory_space<hbm>>
      tpu.wait_indirect_dma semaphore(%arg17 : memref<!tpu.dma_semaphore, #tpu.memory_space<semaphore_mem>>) src(%dma_wait3A_222 : memref<40960x64xf32, #tpu.memory_space<hbm>>) dst(%arg9 : memref<128x64xf32, #tpu.memory_space<vmem>>)
      %add3A_223 = arith.constant 1 : i32
      %add3A_224 = arith.addi %mul3A_165, %add3A_223 : i32
      %dma_start3A_225 = arith.constant 0 : i32
      %dma_start3A_226 = tpu.memref_slice %arg7[%add3A_224, %dma_start3A_225] : memref<80x128xi32, #tpu.memory_space<vmem>> -> memref<1x128xi32, #tpu.memory_space<vmem>>
      %dma_start3A_227 = tpu.memref_squeeze %dma_start3A_226 : memref<1x128xi32, #tpu.memory_space<vmem>> -> memref<128xi32, #tpu.memory_space<vmem>>
      %dma_start3A_228 = arith.constant 0 : i32
      %dma_start3A_229 = arith.constant 0 : i32
      %dma_start3A_230 = tpu.memref_slice %arg32[%dma_start3A_228, %dma_start3A_229] : memref<10240x64xf32, #tpu.memory_space<vmem_shared>> -> memref<10240x64xf32, #tpu.memory_space<vmem_shared>>
      tpu.enqueue_indirect_dma source(%arg9 : memref<128x64xf32, #tpu.memory_space<vmem>>) target(%dma_start3A_230 : memref<10240x64xf32, #tpu.memory_space<vmem_shared>>) offsets(%dma_start3A_227 : memref<128xi32, #tpu.memory_space<vmem>>) semaphore(%arg25 : memref<!tpu.dma_semaphore, #tpu.memory_space<semaphore_mem>>) {add = true}
      %add3A_231 = arith.constant 2 : i32
      %add3A_232 = arith.addi %mul3A_165, %add3A_231 : i32
      %dma_wait3A_233 = arith.constant 0 : i32
      %dma_wait3A_234 = tpu.memref_slice %arg6[%add3A_232, %dma_wait3A_233] : memref<80x128xi32, #tpu.memory_space<vmem>> -> memref<1x128xi32, #tpu.memory_space<vmem>>
      %dma_wait3A_235 = tpu.memref_squeeze %dma_wait3A_234 : memref<1x128xi32, #tpu.memory_space<vmem>> -> memref<128xi32, #tpu.memory_space<vmem>>
      %dma_wait3A_236 = arith.constant 0 : i32
      %dma_wait3A_237 = arith.constant 0 : i32
      %dma_wait3A_238 = tpu.memref_slice %arg2[%dma_wait3A_236, %dma_wait3A_237] : memref<40960x64xf32, #tpu.memory_space<hbm>> -> memref<40960x64xf32, #tpu.memory_space<hbm>>
      tpu.wait_indirect_dma semaphore(%arg18 : memref<!tpu.dma_semaphore, #tpu.memory_space<semaphore_mem>>) src(%dma_wait3A_238 : memref<40960x64xf32, #tpu.memory_space<hbm>>) dst(%arg10 : memref<128x64xf32, #tpu.memory_space<vmem>>)
      %add3A_239 = arith.constant 2 : i32
      %add3A_240 = arith.addi %mul3A_165, %add3A_239 : i32
      %dma_start3A_241 = arith.constant 0 : i32
      %dma_start3A_242 = tpu.memref_slice %arg7[%add3A_240, %dma_start3A_241] : memref<80x128xi32, #tpu.memory_space<vmem>> -> memref<1x128xi32, #tpu.memory_space<vmem>>
      %dma_start3A_243 = tpu.memref_squeeze %dma_start3A_242 : memref<1x128xi32, #tpu.memory_space<vmem>> -> memref<128xi32, #tpu.memory_space<vmem>>
      %dma_start3A_244 = arith.constant 0 : i32
      %dma_start3A_245 = arith.constant 0 : i32
      %dma_start3A_246 = tpu.memref_slice %arg32[%dma_start3A_244, %dma_start3A_245] : memref<10240x64xf32, #tpu.memory_space<vmem_shared>> -> memref<10240x64xf32, #tpu.memory_space<vmem_shared>>
      tpu.enqueue_indirect_dma source(%arg10 : memref<128x64xf32, #tpu.memory_space<vmem>>) target(%dma_start3A_246 : memref<10240x64xf32, #tpu.memory_space<vmem_shared>>) offsets(%dma_start3A_243 : memref<128xi32, #tpu.memory_space<vmem>>) semaphore(%arg26 : memref<!tpu.dma_semaphore, #tpu.memory_space<semaphore_mem>>) {add = true}
      %add3A_247 = arith.constant 3 : i32
      %add3A_248 = arith.addi %mul3A_165, %add3A_247 : i32
      %dma_wait3A_249 = arith.constant 0 : i32
      %dma_wait3A_250 = tpu.memref_slice %arg6[%add3A_248, %dma_wait3A_249] : memref<80x128xi32, #tpu.memory_space<vmem>> -> memref<1x128xi32, #tpu.memory_space<vmem>>
      %dma_wait3A_251 = tpu.memref_squeeze %dma_wait3A_250 : memref<1x128xi32, #tpu.memory_space<vmem>> -> memref<128xi32, #tpu.memory_space<vmem>>
      %dma_wait3A_252 = arith.constant 0 : i32
      %dma_wait3A_253 = arith.constant 0 : i32
      %dma_wait3A_254 = tpu.memref_slice %arg2[%dma_wait3A_252, %dma_wait3A_253] : memref<40960x64xf32, #tpu.memory_space<hbm>> -> memref<40960x64xf32, #tpu.memory_space<hbm>>
      tpu.wait_indirect_dma semaphore(%arg19 : memref<!tpu.dma_semaphore, #tpu.memory_space<semaphore_mem>>) src(%dma_wait3A_254 : memref<40960x64xf32, #tpu.memory_space<hbm>>) dst(%arg11 : memref<128x64xf32, #tpu.memory_space<vmem>>)
      %add3A_255 = arith.constant 3 : i32
      %add3A_256 = arith.addi %mul3A_165, %add3A_255 : i32
      %dma_start3A_257 = arith.constant 0 : i32
      %dma_start3A_258 = tpu.memref_slice %arg7[%add3A_256, %dma_start3A_257] : memref<80x128xi32, #tpu.memory_space<vmem>> -> memref<1x128xi32, #tpu.memory_space<vmem>>
      %dma_start3A_259 = tpu.memref_squeeze %dma_start3A_258 : memref<1x128xi32, #tpu.memory_space<vmem>> -> memref<128xi32, #tpu.memory_space<vmem>>
      %dma_start3A_260 = arith.constant 0 : i32
      %dma_start3A_261 = arith.constant 0 : i32
      %dma_start3A_262 = tpu.memref_slice %arg32[%dma_start3A_260, %dma_start3A_261] : memref<10240x64xf32, #tpu.memory_space<vmem_shared>> -> memref<10240x64xf32, #tpu.memory_space<vmem_shared>>
      tpu.enqueue_indirect_dma source(%arg11 : memref<128x64xf32, #tpu.memory_space<vmem>>) target(%dma_start3A_262 : memref<10240x64xf32, #tpu.memory_space<vmem_shared>>) offsets(%dma_start3A_259 : memref<128xi32, #tpu.memory_space<vmem>>) semaphore(%arg27 : memref<!tpu.dma_semaphore, #tpu.memory_space<semaphore_mem>>) {add = true}
      %dma_wait3A_263 = arith.constant 0 : i32
      %dma_wait3A_264 = tpu.memref_slice %arg7[%add3A_208, %dma_wait3A_263] : memref<80x128xi32, #tpu.memory_space<vmem>> -> memref<1x128xi32, #tpu.memory_space<vmem>>
      %dma_wait3A_265 = tpu.memref_squeeze %dma_wait3A_264 : memref<1x128xi32, #tpu.memory_space<vmem>> -> memref<128xi32, #tpu.memory_space<vmem>>
      %dma_wait3A_266 = arith.constant 0 : i32
      %dma_wait3A_267 = arith.constant 0 : i32
      %dma_wait3A_268 = tpu.memref_slice %arg32[%dma_wait3A_266, %dma_wait3A_267] : memref<10240x64xf32, #tpu.memory_space<vmem_shared>> -> memref<10240x64xf32, #tpu.memory_space<vmem_shared>>
      tpu.wait_indirect_dma semaphore(%arg24 : memref<!tpu.dma_semaphore, #tpu.memory_space<semaphore_mem>>) src(%arg8 : memref<128x64xf32, #tpu.memory_space<vmem>>) dst(%dma_wait3A_268 : memref<10240x64xf32, #tpu.memory_space<vmem_shared>>)
      %dma_wait3A_269 = arith.constant 0 : i32
      %dma_wait3A_270 = tpu.memref_slice %arg7[%add3A_224, %dma_wait3A_269] : memref<80x128xi32, #tpu.memory_space<vmem>> -> memref<1x128xi32, #tpu.memory_space<vmem>>
      %dma_wait3A_271 = tpu.memref_squeeze %dma_wait3A_270 : memref<1x128xi32, #tpu.memory_space<vmem>> -> memref<128xi32, #tpu.memory_space<vmem>>
      %dma_wait3A_272 = arith.constant 0 : i32
      %dma_wait3A_273 = arith.constant 0 : i32
      %dma_wait3A_274 = tpu.memref_slice %arg32[%dma_wait3A_272, %dma_wait3A_273] : memref<10240x64xf32, #tpu.memory_space<vmem_shared>> -> memref<10240x64xf32, #tpu.memory_space<vmem_shared>>
      tpu.wait_indirect_dma semaphore(%arg25 : memref<!tpu.dma_semaphore, #tpu.memory_space<semaphore_mem>>) src(%arg9 : memref<128x64xf32, #tpu.memory_space<vmem>>) dst(%dma_wait3A_274 : memref<10240x64xf32, #tpu.memory_space<vmem_shared>>)
      %dma_wait3A_275 = arith.constant 0 : i32
      %dma_wait3A_276 = tpu.memref_slice %arg7[%add3A_240, %dma_wait3A_275] : memref<80x128xi32, #tpu.memory_space<vmem>> -> memref<1x128xi32, #tpu.memory_space<vmem>>
      %dma_wait3A_277 = tpu.memref_squeeze %dma_wait3A_276 : memref<1x128xi32, #tpu.memory_space<vmem>> -> memref<128xi32, #tpu.memory_space<vmem>>
      %dma_wait3A_278 = arith.constant 0 : i32
      %dma_wait3A_279 = arith.constant 0 : i32
      %dma_wait3A_280 = tpu.memref_slice %arg32[%dma_wait3A_278, %dma_wait3A_279] : memref<10240x64xf32, #tpu.memory_space<vmem_shared>> -> memref<10240x64xf32, #tpu.memory_space<vmem_shared>>
      tpu.wait_indirect_dma semaphore(%arg26 : memref<!tpu.dma_semaphore, #tpu.memory_space<semaphore_mem>>) src(%arg10 : memref<128x64xf32, #tpu.memory_space<vmem>>) dst(%dma_wait3A_280 : memref<10240x64xf32, #tpu.memory_space<vmem_shared>>)
      %dma_wait3A_281 = arith.constant 0 : i32
      %dma_wait3A_282 = tpu.memref_slice %arg7[%add3A_256, %dma_wait3A_281] : memref<80x128xi32, #tpu.memory_space<vmem>> -> memref<1x128xi32, #tpu.memory_space<vmem>>
      %dma_wait3A_283 = tpu.memref_squeeze %dma_wait3A_282 : memref<1x128xi32, #tpu.memory_space<vmem>> -> memref<128xi32, #tpu.memory_space<vmem>>
      %dma_wait3A_284 = arith.constant 0 : i32
      %dma_wait3A_285 = arith.constant 0 : i32
      %dma_wait3A_286 = tpu.memref_slice %arg32[%dma_wait3A_284, %dma_wait3A_285] : memref<10240x64xf32, #tpu.memory_space<vmem_shared>> -> memref<10240x64xf32, #tpu.memory_space<vmem_shared>>
      tpu.wait_indirect_dma semaphore(%arg27 : memref<!tpu.dma_semaphore, #tpu.memory_space<semaphore_mem>>) src(%arg11 : memref<128x64xf32, #tpu.memory_space<vmem>>) dst(%dma_wait3A_286 : memref<10240x64xf32, #tpu.memory_space<vmem_shared>>)
      %lt3A = arith.constant 9 : i32
      %lt3A_287 = arith.cmpi slt, %scan3A_163, %lt3A : i32
      %convert_element_type3A = arith.extui %lt3A_287 : i1 to i32
      %cond3A = arith.constant 0 : i32
      %cond3A_288 = arith.cmpi ne, %convert_element_type3A, %cond3A : i32
      scf.if %cond3A_288 {
        %add3A_377 = arith.constant 8 : i32
        %add3A_378 = arith.addi %mul3A_165, %add3A_377 : i32
        %add3A_379 = arith.constant 0 : i32
        %add3A_380 = arith.addi %add3A_378, %add3A_379 : i32
        %dma_start3A_381 = arith.constant 0 : i32
        %dma_start3A_382 = tpu.memref_slice %arg6[%add3A_380, %dma_start3A_381] : memref<80x128xi32, #tpu.memory_space<vmem>> -> memref<1x128xi32, #tpu.memory_space<vmem>>
        %dma_start3A_383 = tpu.memref_squeeze %dma_start3A_382 : memref<1x128xi32, #tpu.memory_space<vmem>> -> memref<128xi32, #tpu.memory_space<vmem>>
        %dma_start3A_384 = arith.constant 0 : i32
        %dma_start3A_385 = arith.constant 0 : i32
        %dma_start3A_386 = tpu.memref_slice %arg2[%dma_start3A_384, %dma_start3A_385] : memref<40960x64xf32, #tpu.memory_space<hbm>> -> memref<40960x64xf32, #tpu.memory_space<hbm>>
        tpu.enqueue_indirect_dma source(%dma_start3A_386 : memref<40960x64xf32, #tpu.memory_space<hbm>>) target(%arg8 : memref<128x64xf32, #tpu.memory_space<vmem>>) offsets(%dma_start3A_383 : memref<128xi32, #tpu.memory_space<vmem>>) semaphore(%arg16 : memref<!tpu.dma_semaphore, #tpu.memory_space<semaphore_mem>>)
        %add3A_387 = arith.constant 1 : i32
        %add3A_388 = arith.addi %add3A_378, %add3A_387 : i32
        %dma_start3A_389 = arith.constant 0 : i32
        %dma_start3A_390 = tpu.memref_slice %arg6[%add3A_388, %dma_start3A_389] : memref<80x128xi32, #tpu.memory_space<vmem>> -> memref<1x128xi32, #tpu.memory_space<vmem>>
        %dma_start3A_391 = tpu.memref_squeeze %dma_start3A_390 : memref<1x128xi32, #tpu.memory_space<vmem>> -> memref<128xi32, #tpu.memory_space<vmem>>
        %dma_start3A_392 = arith.constant 0 : i32
        %dma_start3A_393 = arith.constant 0 : i32
        %dma_start3A_394 = tpu.memref_slice %arg2[%dma_start3A_392, %dma_start3A_393] : memref<40960x64xf32, #tpu.memory_space<hbm>> -> memref<40960x64xf32, #tpu.memory_space<hbm>>
        tpu.enqueue_indirect_dma source(%dma_start3A_394 : memref<40960x64xf32, #tpu.memory_space<hbm>>) target(%arg9 : memref<128x64xf32, #tpu.memory_space<vmem>>) offsets(%dma_start3A_391 : memref<128xi32, #tpu.memory_space<vmem>>) semaphore(%arg17 : memref<!tpu.dma_semaphore, #tpu.memory_space<semaphore_mem>>)
        %add3A_395 = arith.constant 2 : i32
        %add3A_396 = arith.addi %add3A_378, %add3A_395 : i32
        %dma_start3A_397 = arith.constant 0 : i32
        %dma_start3A_398 = tpu.memref_slice %arg6[%add3A_396, %dma_start3A_397] : memref<80x128xi32, #tpu.memory_space<vmem>> -> memref<1x128xi32, #tpu.memory_space<vmem>>
        %dma_start3A_399 = tpu.memref_squeeze %dma_start3A_398 : memref<1x128xi32, #tpu.memory_space<vmem>> -> memref<128xi32, #tpu.memory_space<vmem>>
        %dma_start3A_400 = arith.constant 0 : i32
        %dma_start3A_401 = arith.constant 0 : i32
        %dma_start3A_402 = tpu.memref_slice %arg2[%dma_start3A_400, %dma_start3A_401] : memref<40960x64xf32, #tpu.memory_space<hbm>> -> memref<40960x64xf32, #tpu.memory_space<hbm>>
        tpu.enqueue_indirect_dma source(%dma_start3A_402 : memref<40960x64xf32, #tpu.memory_space<hbm>>) target(%arg10 : memref<128x64xf32, #tpu.memory_space<vmem>>) offsets(%dma_start3A_399 : memref<128xi32, #tpu.memory_space<vmem>>) semaphore(%arg18 : memref<!tpu.dma_semaphore, #tpu.memory_space<semaphore_mem>>)
        %add3A_403 = arith.constant 3 : i32
        %add3A_404 = arith.addi %add3A_378, %add3A_403 : i32
        %dma_start3A_405 = arith.constant 0 : i32
        %dma_start3A_406 = tpu.memref_slice %arg6[%add3A_404, %dma_start3A_405] : memref<80x128xi32, #tpu.memory_space<vmem>> -> memref<1x128xi32, #tpu.memory_space<vmem>>
        %dma_start3A_407 = tpu.memref_squeeze %dma_start3A_406 : memref<1x128xi32, #tpu.memory_space<vmem>> -> memref<128xi32, #tpu.memory_space<vmem>>
        %dma_start3A_408 = arith.constant 0 : i32
        %dma_start3A_409 = arith.constant 0 : i32
        %dma_start3A_410 = tpu.memref_slice %arg2[%dma_start3A_408, %dma_start3A_409] : memref<40960x64xf32, #tpu.memory_space<hbm>> -> memref<40960x64xf32, #tpu.memory_space<hbm>>
        tpu.enqueue_indirect_dma source(%dma_start3A_410 : memref<40960x64xf32, #tpu.memory_space<hbm>>) target(%arg11 : memref<128x64xf32, #tpu.memory_space<vmem>>) offsets(%dma_start3A_407 : memref<128xi32, #tpu.memory_space<vmem>>) semaphore(%arg19 : memref<!tpu.dma_semaphore, #tpu.memory_space<semaphore_mem>>)
      } else {
      }
      %add3A_289 = arith.constant 0 : i32
      %add3A_290 = arith.addi %add3A_167, %add3A_289 : i32
      %dma_wait3A_291 = arith.constant 0 : i32
      %dma_wait3A_292 = tpu.memref_slice %arg6[%add3A_290, %dma_wait3A_291] : memref<80x128xi32, #tpu.memory_space<vmem>> -> memref<1x128xi32, #tpu.memory_space<vmem>>
      %dma_wait3A_293 = tpu.memref_squeeze %dma_wait3A_292 : memref<1x128xi32, #tpu.memory_space<vmem>> -> memref<128xi32, #tpu.memory_space<vmem>>
      %dma_wait3A_294 = arith.constant 0 : i32
      %dma_wait3A_295 = arith.constant 0 : i32
      %dma_wait3A_296 = tpu.memref_slice %arg2[%dma_wait3A_294, %dma_wait3A_295] : memref<40960x64xf32, #tpu.memory_space<hbm>> -> memref<40960x64xf32, #tpu.memory_space<hbm>>
      tpu.wait_indirect_dma semaphore(%arg20 : memref<!tpu.dma_semaphore, #tpu.memory_space<semaphore_mem>>) src(%dma_wait3A_296 : memref<40960x64xf32, #tpu.memory_space<hbm>>) dst(%arg12 : memref<128x64xf32, #tpu.memory_space<vmem>>)
      %add3A_297 = arith.constant 0 : i32
      %add3A_298 = arith.addi %add3A_167, %add3A_297 : i32
      %dma_start3A_299 = arith.constant 0 : i32
      %dma_start3A_300 = tpu.memref_slice %arg7[%add3A_298, %dma_start3A_299] : memref<80x128xi32, #tpu.memory_space<vmem>> -> memref<1x128xi32, #tpu.memory_space<vmem>>
      %dma_start3A_301 = tpu.memref_squeeze %dma_start3A_300 : memref<1x128xi32, #tpu.memory_space<vmem>> -> memref<128xi32, #tpu.memory_space<vmem>>
      %dma_start3A_302 = arith.constant 0 : i32
      %dma_start3A_303 = arith.constant 0 : i32
      %dma_start3A_304 = tpu.memref_slice %arg32[%dma_start3A_302, %dma_start3A_303] : memref<10240x64xf32, #tpu.memory_space<vmem_shared>> -> memref<10240x64xf32, #tpu.memory_space<vmem_shared>>
      tpu.enqueue_indirect_dma source(%arg12 : memref<128x64xf32, #tpu.memory_space<vmem>>) target(%dma_start3A_304 : memref<10240x64xf32, #tpu.memory_space<vmem_shared>>) offsets(%dma_start3A_301 : memref<128xi32, #tpu.memory_space<vmem>>) semaphore(%arg28 : memref<!tpu.dma_semaphore, #tpu.memory_space<semaphore_mem>>) {add = true}
      %add3A_305 = arith.constant 1 : i32
      %add3A_306 = arith.addi %add3A_167, %add3A_305 : i32
      %dma_wait3A_307 = arith.constant 0 : i32
      %dma_wait3A_308 = tpu.memref_slice %arg6[%add3A_306, %dma_wait3A_307] : memref<80x128xi32, #tpu.memory_space<vmem>> -> memref<1x128xi32, #tpu.memory_space<vmem>>
      %dma_wait3A_309 = tpu.memref_squeeze %dma_wait3A_308 : memref<1x128xi32, #tpu.memory_space<vmem>> -> memref<128xi32, #tpu.memory_space<vmem>>
      %dma_wait3A_310 = arith.constant 0 : i32
      %dma_wait3A_311 = arith.constant 0 : i32
      %dma_wait3A_312 = tpu.memref_slice %arg2[%dma_wait3A_310, %dma_wait3A_311] : memref<40960x64xf32, #tpu.memory_space<hbm>> -> memref<40960x64xf32, #tpu.memory_space<hbm>>
      tpu.wait_indirect_dma semaphore(%arg21 : memref<!tpu.dma_semaphore, #tpu.memory_space<semaphore_mem>>) src(%dma_wait3A_312 : memref<40960x64xf32, #tpu.memory_space<hbm>>) dst(%arg13 : memref<128x64xf32, #tpu.memory_space<vmem>>)
      %add3A_313 = arith.constant 1 : i32
      %add3A_314 = arith.addi %add3A_167, %add3A_313 : i32
      %dma_start3A_315 = arith.constant 0 : i32
      %dma_start3A_316 = tpu.memref_slice %arg7[%add3A_314, %dma_start3A_315] : memref<80x128xi32, #tpu.memory_space<vmem>> -> memref<1x128xi32, #tpu.memory_space<vmem>>
      %dma_start3A_317 = tpu.memref_squeeze %dma_start3A_316 : memref<1x128xi32, #tpu.memory_space<vmem>> -> memref<128xi32, #tpu.memory_space<vmem>>
      %dma_start3A_318 = arith.constant 0 : i32
      %dma_start3A_319 = arith.constant 0 : i32
      %dma_start3A_320 = tpu.memref_slice %arg32[%dma_start3A_318, %dma_start3A_319] : memref<10240x64xf32, #tpu.memory_space<vmem_shared>> -> memref<10240x64xf32, #tpu.memory_space<vmem_shared>>
      tpu.enqueue_indirect_dma source(%arg13 : memref<128x64xf32, #tpu.memory_space<vmem>>) target(%dma_start3A_320 : memref<10240x64xf32, #tpu.memory_space<vmem_shared>>) offsets(%dma_start3A_317 : memref<128xi32, #tpu.memory_space<vmem>>) semaphore(%arg29 : memref<!tpu.dma_semaphore, #tpu.memory_space<semaphore_mem>>) {add = true}
      %add3A_321 = arith.constant 2 : i32
      %add3A_322 = arith.addi %add3A_167, %add3A_321 : i32
      %dma_wait3A_323 = arith.constant 0 : i32
      %dma_wait3A_324 = tpu.memref_slice %arg6[%add3A_322, %dma_wait3A_323] : memref<80x128xi32, #tpu.memory_space<vmem>> -> memref<1x128xi32, #tpu.memory_space<vmem>>
      %dma_wait3A_325 = tpu.memref_squeeze %dma_wait3A_324 : memref<1x128xi32, #tpu.memory_space<vmem>> -> memref<128xi32, #tpu.memory_space<vmem>>
      %dma_wait3A_326 = arith.constant 0 : i32
      %dma_wait3A_327 = arith.constant 0 : i32
      %dma_wait3A_328 = tpu.memref_slice %arg2[%dma_wait3A_326, %dma_wait3A_327] : memref<40960x64xf32, #tpu.memory_space<hbm>> -> memref<40960x64xf32, #tpu.memory_space<hbm>>
      tpu.wait_indirect_dma semaphore(%arg22 : memref<!tpu.dma_semaphore, #tpu.memory_space<semaphore_mem>>) src(%dma_wait3A_328 : memref<40960x64xf32, #tpu.memory_space<hbm>>) dst(%arg14 : memref<128x64xf32, #tpu.memory_space<vmem>>)
      %add3A_329 = arith.constant 2 : i32
      %add3A_330 = arith.addi %add3A_167, %add3A_329 : i32
      %dma_start3A_331 = arith.constant 0 : i32
      %dma_start3A_332 = tpu.memref_slice %arg7[%add3A_330, %dma_start3A_331] : memref<80x128xi32, #tpu.memory_space<vmem>> -> memref<1x128xi32, #tpu.memory_space<vmem>>
      %dma_start3A_333 = tpu.memref_squeeze %dma_start3A_332 : memref<1x128xi32, #tpu.memory_space<vmem>> -> memref<128xi32, #tpu.memory_space<vmem>>
      %dma_start3A_334 = arith.constant 0 : i32
      %dma_start3A_335 = arith.constant 0 : i32
      %dma_start3A_336 = tpu.memref_slice %arg32[%dma_start3A_334, %dma_start3A_335] : memref<10240x64xf32, #tpu.memory_space<vmem_shared>> -> memref<10240x64xf32, #tpu.memory_space<vmem_shared>>
      tpu.enqueue_indirect_dma source(%arg14 : memref<128x64xf32, #tpu.memory_space<vmem>>) target(%dma_start3A_336 : memref<10240x64xf32, #tpu.memory_space<vmem_shared>>) offsets(%dma_start3A_333 : memref<128xi32, #tpu.memory_space<vmem>>) semaphore(%arg30 : memref<!tpu.dma_semaphore, #tpu.memory_space<semaphore_mem>>) {add = true}
      %add3A_337 = arith.constant 3 : i32
      %add3A_338 = arith.addi %add3A_167, %add3A_337 : i32
      %dma_wait3A_339 = arith.constant 0 : i32
      %dma_wait3A_340 = tpu.memref_slice %arg6[%add3A_338, %dma_wait3A_339] : memref<80x128xi32, #tpu.memory_space<vmem>> -> memref<1x128xi32, #tpu.memory_space<vmem>>
      %dma_wait3A_341 = tpu.memref_squeeze %dma_wait3A_340 : memref<1x128xi32, #tpu.memory_space<vmem>> -> memref<128xi32, #tpu.memory_space<vmem>>
      %dma_wait3A_342 = arith.constant 0 : i32
      %dma_wait3A_343 = arith.constant 0 : i32
      %dma_wait3A_344 = tpu.memref_slice %arg2[%dma_wait3A_342, %dma_wait3A_343] : memref<40960x64xf32, #tpu.memory_space<hbm>> -> memref<40960x64xf32, #tpu.memory_space<hbm>>
      tpu.wait_indirect_dma semaphore(%arg23 : memref<!tpu.dma_semaphore, #tpu.memory_space<semaphore_mem>>) src(%dma_wait3A_344 : memref<40960x64xf32, #tpu.memory_space<hbm>>) dst(%arg15 : memref<128x64xf32, #tpu.memory_space<vmem>>)
      %add3A_345 = arith.constant 3 : i32
      %add3A_346 = arith.addi %add3A_167, %add3A_345 : i32
      %dma_start3A_347 = arith.constant 0 : i32
      %dma_start3A_348 = tpu.memref_slice %arg7[%add3A_346, %dma_start3A_347] : memref<80x128xi32, #tpu.memory_space<vmem>> -> memref<1x128xi32, #tpu.memory_space<vmem>>
      %dma_start3A_349 = tpu.memref_squeeze %dma_start3A_348 : memref<1x128xi32, #tpu.memory_space<vmem>> -> memref<128xi32, #tpu.memory_space<vmem>>
      %dma_start3A_350 = arith.constant 0 : i32
      %dma_start3A_351 = arith.constant 0 : i32
      %dma_start3A_352 = tpu.memref_slice %arg32[%dma_start3A_350, %dma_start3A_351] : memref<10240x64xf32, #tpu.memory_space<vmem_shared>> -> memref<10240x64xf32, #tpu.memory_space<vmem_shared>>
      tpu.enqueue_indirect_dma source(%arg15 : memref<128x64xf32, #tpu.memory_space<vmem>>) target(%dma_start3A_352 : memref<10240x64xf32, #tpu.memory_space<vmem_shared>>) offsets(%dma_start3A_349 : memref<128xi32, #tpu.memory_space<vmem>>) semaphore(%arg31 : memref<!tpu.dma_semaphore, #tpu.memory_space<semaphore_mem>>) {add = true}
      %dma_wait3A_353 = arith.constant 0 : i32
      %dma_wait3A_354 = tpu.memref_slice %arg7[%add3A_298, %dma_wait3A_353] : memref<80x128xi32, #tpu.memory_space<vmem>> -> memref<1x128xi32, #tpu.memory_space<vmem>>
      %dma_wait3A_355 = tpu.memref_squeeze %dma_wait3A_354 : memref<1x128xi32, #tpu.memory_space<vmem>> -> memref<128xi32, #tpu.memory_space<vmem>>
      %dma_wait3A_356 = arith.constant 0 : i32
      %dma_wait3A_357 = arith.constant 0 : i32
      %dma_wait3A_358 = tpu.memref_slice %arg32[%dma_wait3A_356, %dma_wait3A_357] : memref<10240x64xf32, #tpu.memory_space<vmem_shared>> -> memref<10240x64xf32, #tpu.memory_space<vmem_shared>>
      tpu.wait_indirect_dma semaphore(%arg28 : memref<!tpu.dma_semaphore, #tpu.memory_space<semaphore_mem>>) src(%arg12 : memref<128x64xf32, #tpu.memory_space<vmem>>) dst(%dma_wait3A_358 : memref<10240x64xf32, #tpu.memory_space<vmem_shared>>)
      %dma_wait3A_359 = arith.constant 0 : i32
      %dma_wait3A_360 = tpu.memref_slice %arg7[%add3A_314, %dma_wait3A_359] : memref<80x128xi32, #tpu.memory_space<vmem>> -> memref<1x128xi32, #tpu.memory_space<vmem>>
      %dma_wait3A_361 = tpu.memref_squeeze %dma_wait3A_360 : memref<1x128xi32, #tpu.memory_space<vmem>> -> memref<128xi32, #tpu.memory_space<vmem>>
      %dma_wait3A_362 = arith.constant 0 : i32
      %dma_wait3A_363 = arith.constant 0 : i32
      %dma_wait3A_364 = tpu.memref_slice %arg32[%dma_wait3A_362, %dma_wait3A_363] : memref<10240x64xf32, #tpu.memory_space<vmem_shared>> -> memref<10240x64xf32, #tpu.memory_space<vmem_shared>>
      tpu.wait_indirect_dma semaphore(%arg29 : memref<!tpu.dma_semaphore, #tpu.memory_space<semaphore_mem>>) src(%arg13 : memref<128x64xf32, #tpu.memory_space<vmem>>) dst(%dma_wait3A_364 : memref<10240x64xf32, #tpu.memory_space<vmem_shared>>)
      %dma_wait3A_365 = arith.constant 0 : i32
      %dma_wait3A_366 = tpu.memref_slice %arg7[%add3A_330, %dma_wait3A_365] : memref<80x128xi32, #tpu.memory_space<vmem>> -> memref<1x128xi32, #tpu.memory_space<vmem>>
      %dma_wait3A_367 = tpu.memref_squeeze %dma_wait3A_366 : memref<1x128xi32, #tpu.memory_space<vmem>> -> memref<128xi32, #tpu.memory_space<vmem>>
      %dma_wait3A_368 = arith.constant 0 : i32
      %dma_wait3A_369 = arith.constant 0 : i32
      %dma_wait3A_370 = tpu.memref_slice %arg32[%dma_wait3A_368, %dma_wait3A_369] : memref<10240x64xf32, #tpu.memory_space<vmem_shared>> -> memref<10240x64xf32, #tpu.memory_space<vmem_shared>>
      tpu.wait_indirect_dma semaphore(%arg30 : memref<!tpu.dma_semaphore, #tpu.memory_space<semaphore_mem>>) src(%arg14 : memref<128x64xf32, #tpu.memory_space<vmem>>) dst(%dma_wait3A_370 : memref<10240x64xf32, #tpu.memory_space<vmem_shared>>)
      %dma_wait3A_371 = arith.constant 0 : i32
      %dma_wait3A_372 = tpu.memref_slice %arg7[%add3A_346, %dma_wait3A_371] : memref<80x128xi32, #tpu.memory_space<vmem>> -> memref<1x128xi32, #tpu.memory_space<vmem>>
      %dma_wait3A_373 = tpu.memref_squeeze %dma_wait3A_372 : memref<1x128xi32, #tpu.memory_space<vmem>> -> memref<128xi32, #tpu.memory_space<vmem>>
      %dma_wait3A_374 = arith.constant 0 : i32
      %dma_wait3A_375 = arith.constant 0 : i32
      %dma_wait3A_376 = tpu.memref_slice %arg32[%dma_wait3A_374, %dma_wait3A_375] : memref<10240x64xf32, #tpu.memory_space<vmem_shared>> -> memref<10240x64xf32, #tpu.memory_space<vmem_shared>>
      tpu.wait_indirect_dma semaphore(%arg31 : memref<!tpu.dma_semaphore, #tpu.memory_space<semaphore_mem>>) src(%arg15 : memref<128x64xf32, #tpu.memory_space<vmem>>) dst(%dma_wait3A_376 : memref<10240x64xf32, #tpu.memory_space<vmem_shared>>)
    }
    %scan3A_58 = arith.constant 10 : i32
    %barrier3A_59 = arith.constant 0 : index
    tpu.barrier barrier_id(%barrier3A_59)
    %add3A_60 = arith.constant 0 : i32
    %add3A_61 = arith.addi %mul3A_0, %add3A_60 : i32
    "tpu.region"() ({
      %run_scoped3A = tpu.sem_alloc : memref<!tpu.dma_semaphore, #tpu.memory_space<semaphore_mem>>
      %dma_start3A_163 = arith.constant 0 : i32
      %dma_start3A_164 = tpu.memref_slice %arg32[%add3A_61, %dma_start3A_163] : memref<10240x64xf32, #tpu.memory_space<vmem_shared>> -> memref<128x64xf32, #tpu.memory_space<vmem_shared>>
      %dma_start3A_165 = arith.constant 0 : i32
      %dma_start3A_166 = tpu.memref_slice %arg32[%add3A_61, %dma_start3A_165] : memref<10240x64xf32, #tpu.memory_space<vmem_shared>> -> memref<128x64xf32, #tpu.memory_space<vmem_shared>>
      tpu.enqueue_dma source(%dma_start3A_166 : memref<128x64xf32, #tpu.memory_space<vmem_shared>>) target(%arg8 : memref<128x64xf32, #tpu.memory_space<vmem>>) target_semaphore(%run_scoped3A : memref<!tpu.dma_semaphore, #tpu.memory_space<semaphore_mem>>)
      %dma_wait3A = arith.constant 0 : i32
      %dma_wait3A_167 = tpu.memref_slice %arg32[%add3A_61, %dma_wait3A] : memref<10240x64xf32, #tpu.memory_space<vmem_shared>> -> memref<128x64xf32, #tpu.memory_space<vmem_shared>>
      %dma_wait3A_168 = arith.constant 0 : i32
      %dma_wait3A_169 = tpu.memref_slice %arg32[%add3A_61, %dma_wait3A_168] : memref<10240x64xf32, #tpu.memory_space<vmem_shared>> -> memref<128x64xf32, #tpu.memory_space<vmem_shared>>
      tpu.wait_dma2 semaphore(%run_scoped3A : memref<!tpu.dma_semaphore, #tpu.memory_space<semaphore_mem>>) src(%dma_wait3A_169 : memref<128x64xf32, #tpu.memory_space<vmem_shared>>) dst(%arg8 : memref<128x64xf32, #tpu.memory_space<vmem>>)
      tpu.yield
    }) : () -> ()
    %add3A_62 = arith.constant 0 : i32
    %add3A_63 = arith.addi %add3A_6, %add3A_62 : i32
    "tpu.region"() ({
      %run_scoped3A = tpu.sem_alloc : memref<!tpu.dma_semaphore, #tpu.memory_space<semaphore_mem>>
      %dma_start3A_163 = arith.constant 0 : i32
      %dma_start3A_164 = tpu.memref_slice %arg5[%add3A_63, %dma_start3A_163] : memref<40960x64xf32, #tpu.memory_space<hbm>> -> memref<128x64xf32, #tpu.memory_space<hbm>>
      %dma_start3A_165 = arith.constant 0 : i32
      %dma_start3A_166 = tpu.memref_slice %arg5[%add3A_63, %dma_start3A_165] : memref<40960x64xf32, #tpu.memory_space<hbm>> -> memref<128x64xf32, #tpu.memory_space<hbm>>
      tpu.enqueue_dma source(%arg8 : memref<128x64xf32, #tpu.memory_space<vmem>>) target(%dma_start3A_166 : memref<128x64xf32, #tpu.memory_space<hbm>>) target_semaphore(%run_scoped3A : memref<!tpu.dma_semaphore, #tpu.memory_space<semaphore_mem>>)
      %dma_wait3A = arith.constant 0 : i32
      %dma_wait3A_167 = tpu.memref_slice %arg5[%add3A_63, %dma_wait3A] : memref<40960x64xf32, #tpu.memory_space<hbm>> -> memref<128x64xf32, #tpu.memory_space<hbm>>
      %dma_wait3A_168 = arith.constant 0 : i32
      %dma_wait3A_169 = tpu.memref_slice %arg5[%add3A_63, %dma_wait3A_168] : memref<40960x64xf32, #tpu.memory_space<hbm>> -> memref<128x64xf32, #tpu.memory_space<hbm>>
      tpu.wait_dma2 semaphore(%run_scoped3A : memref<!tpu.dma_semaphore, #tpu.memory_space<semaphore_mem>>) src(%arg8 : memref<128x64xf32, #tpu.memory_space<vmem>>) dst(%dma_wait3A_169 : memref<128x64xf32, #tpu.memory_space<hbm>>)
      tpu.yield
    }) : () -> ()
    %add3A_64 = arith.constant 128 : i32
    %add3A_65 = arith.addi %mul3A_0, %add3A_64 : i32
    "tpu.region"() ({
      %run_scoped3A = tpu.sem_alloc : memref<!tpu.dma_semaphore, #tpu.memory_space<semaphore_mem>>
      %dma_start3A_163 = arith.constant 0 : i32
      %dma_start3A_164 = tpu.memref_slice %arg32[%add3A_65, %dma_start3A_163] : memref<10240x64xf32, #tpu.memory_space<vmem_shared>> -> memref<128x64xf32, #tpu.memory_space<vmem_shared>>
      %dma_start3A_165 = arith.constant 0 : i32
      %dma_start3A_166 = tpu.memref_slice %arg32[%add3A_65, %dma_start3A_165] : memref<10240x64xf32, #tpu.memory_space<vmem_shared>> -> memref<128x64xf32, #tpu.memory_space<vmem_shared>>
      tpu.enqueue_dma source(%dma_start3A_166 : memref<128x64xf32, #tpu.memory_space<vmem_shared>>) target(%arg8 : memref<128x64xf32, #tpu.memory_space<vmem>>) target_semaphore(%run_scoped3A : memref<!tpu.dma_semaphore, #tpu.memory_space<semaphore_mem>>)
      %dma_wait3A = arith.constant 0 : i32
      %dma_wait3A_167 = tpu.memref_slice %arg32[%add3A_65, %dma_wait3A] : memref<10240x64xf32, #tpu.memory_space<vmem_shared>> -> memref<128x64xf32, #tpu.memory_space<vmem_shared>>
      %dma_wait3A_168 = arith.constant 0 : i32
      %dma_wait3A_169 = tpu.memref_slice %arg32[%add3A_65, %dma_wait3A_168] : memref<10240x64xf32, #tpu.memory_space<vmem_shared>> -> memref<128x64xf32, #tpu.memory_space<vmem_shared>>
      tpu.wait_dma2 semaphore(%run_scoped3A : memref<!tpu.dma_semaphore, #tpu.memory_space<semaphore_mem>>) src(%dma_wait3A_169 : memref<128x64xf32, #tpu.memory_space<vmem_shared>>) dst(%arg8 : memref<128x64xf32, #tpu.memory_space<vmem>>)
      tpu.yield
    }) : () -> ()
    %add3A_66 = arith.constant 128 : i32
    %add3A_67 = arith.addi %add3A_6, %add3A_66 : i32
    "tpu.region"() ({
      %run_scoped3A = tpu.sem_alloc : memref<!tpu.dma_semaphore, #tpu.memory_space<semaphore_mem>>
      %dma_start3A_163 = arith.constant 0 : i32
      %dma_start3A_164 = tpu.memref_slice %arg5[%add3A_67, %dma_start3A_163] : memref<40960x64xf32, #tpu.memory_space<hbm>> -> memref<128x64xf32, #tpu.memory_space<hbm>>
      %dma_start3A_165 = arith.constant 0 : i32
      %dma_start3A_166 = tpu.memref_slice %arg5[%add3A_67, %dma_start3A_165] : memref<40960x64xf32, #tpu.memory_space<hbm>> -> memref<128x64xf32, #tpu.memory_space<hbm>>
      tpu.enqueue_dma source(%arg8 : memref<128x64xf32, #tpu.memory_space<vmem>>) target(%dma_start3A_166 : memref<128x64xf32, #tpu.memory_space<hbm>>) target_semaphore(%run_scoped3A : memref<!tpu.dma_semaphore, #tpu.memory_space<semaphore_mem>>)
      %dma_wait3A = arith.constant 0 : i32
      %dma_wait3A_167 = tpu.memref_slice %arg5[%add3A_67, %dma_wait3A] : memref<40960x64xf32, #tpu.memory_space<hbm>> -> memref<128x64xf32, #tpu.memory_space<hbm>>
      %dma_wait3A_168 = arith.constant 0 : i32
      %dma_wait3A_169 = tpu.memref_slice %arg5[%add3A_67, %dma_wait3A_168] : memref<40960x64xf32, #tpu.memory_space<hbm>> -> memref<128x64xf32, #tpu.memory_space<hbm>>
      tpu.wait_dma2 semaphore(%run_scoped3A : memref<!tpu.dma_semaphore, #tpu.memory_space<semaphore_mem>>) src(%arg8 : memref<128x64xf32, #tpu.memory_space<vmem>>) dst(%dma_wait3A_169 : memref<128x64xf32, #tpu.memory_space<hbm>>)
      tpu.yield
    }) : () -> ()
    %add3A_68 = arith.constant 256 : i32
    %add3A_69 = arith.addi %mul3A_0, %add3A_68 : i32
    "tpu.region"() ({
      %run_scoped3A = tpu.sem_alloc : memref<!tpu.dma_semaphore, #tpu.memory_space<semaphore_mem>>
      %dma_start3A_163 = arith.constant 0 : i32
      %dma_start3A_164 = tpu.memref_slice %arg32[%add3A_69, %dma_start3A_163] : memref<10240x64xf32, #tpu.memory_space<vmem_shared>> -> memref<128x64xf32, #tpu.memory_space<vmem_shared>>
      %dma_start3A_165 = arith.constant 0 : i32
      %dma_start3A_166 = tpu.memref_slice %arg32[%add3A_69, %dma_start3A_165] : memref<10240x64xf32, #tpu.memory_space<vmem_shared>> -> memref<128x64xf32, #tpu.memory_space<vmem_shared>>
      tpu.enqueue_dma source(%dma_start3A_166 : memref<128x64xf32, #tpu.memory_space<vmem_shared>>) target(%arg8 : memref<128x64xf32, #tpu.memory_space<vmem>>) target_semaphore(%run_scoped3A : memref<!tpu.dma_semaphore, #tpu.memory_space<semaphore_mem>>)
      %dma_wait3A = arith.constant 0 : i32
      %dma_wait3A_167 = tpu.memref_slice %arg32[%add3A_69, %dma_wait3A] : memref<10240x64xf32, #tpu.memory_space<vmem_shared>> -> memref<128x64xf32, #tpu.memory_space<vmem_shared>>
      %dma_wait3A_168 = arith.constant 0 : i32
      %dma_wait3A_169 = tpu.memref_slice %arg32[%add3A_69, %dma_wait3A_168] : memref<10240x64xf32, #tpu.memory_space<vmem_shared>> -> memref<128x64xf32, #tpu.memory_space<vmem_shared>>
      tpu.wait_dma2 semaphore(%run_scoped3A : memref<!tpu.dma_semaphore, #tpu.memory_space<semaphore_mem>>) src(%dma_wait3A_169 : memref<128x64xf32, #tpu.memory_space<vmem_shared>>) dst(%arg8 : memref<128x64xf32, #tpu.memory_space<vmem>>)
      tpu.yield
    }) : () -> ()
    %add3A_70 = arith.constant 256 : i32
    %add3A_71 = arith.addi %add3A_6, %add3A_70 : i32
    "tpu.region"() ({
      %run_scoped3A = tpu.sem_alloc : memref<!tpu.dma_semaphore, #tpu.memory_space<semaphore_mem>>
      %dma_start3A_163 = arith.constant 0 : i32
      %dma_start3A_164 = tpu.memref_slice %arg5[%add3A_71, %dma_start3A_163] : memref<40960x64xf32, #tpu.memory_space<hbm>> -> memref<128x64xf32, #tpu.memory_space<hbm>>
      %dma_start3A_165 = arith.constant 0 : i32
      %dma_start3A_166 = tpu.memref_slice %arg5[%add3A_71, %dma_start3A_165] : memref<40960x64xf32, #tpu.memory_space<hbm>> -> memref<128x64xf32, #tpu.memory_space<hbm>>
      tpu.enqueue_dma source(%arg8 : memref<128x64xf32, #tpu.memory_space<vmem>>) target(%dma_start3A_166 : memref<128x64xf32, #tpu.memory_space<hbm>>) target_semaphore(%run_scoped3A : memref<!tpu.dma_semaphore, #tpu.memory_space<semaphore_mem>>)
      %dma_wait3A = arith.constant 0 : i32
      %dma_wait3A_167 = tpu.memref_slice %arg5[%add3A_71, %dma_wait3A] : memref<40960x64xf32, #tpu.memory_space<hbm>> -> memref<128x64xf32, #tpu.memory_space<hbm>>
      %dma_wait3A_168 = arith.constant 0 : i32
      %dma_wait3A_169 = tpu.memref_slice %arg5[%add3A_71, %dma_wait3A_168] : memref<40960x64xf32, #tpu.memory_space<hbm>> -> memref<128x64xf32, #tpu.memory_space<hbm>>
      tpu.wait_dma2 semaphore(%run_scoped3A : memref<!tpu.dma_semaphore, #tpu.memory_space<semaphore_mem>>) src(%arg8 : memref<128x64xf32, #tpu.memory_space<vmem>>) dst(%dma_wait3A_169 : memref<128x64xf32, #tpu.memory_space<hbm>>)
      tpu.yield
    }) : () -> ()
    %add3A_72 = arith.constant 384 : i32
    %add3A_73 = arith.addi %mul3A_0, %add3A_72 : i32
    "tpu.region"() ({
      %run_scoped3A = tpu.sem_alloc : memref<!tpu.dma_semaphore, #tpu.memory_space<semaphore_mem>>
      %dma_start3A_163 = arith.constant 0 : i32
      %dma_start3A_164 = tpu.memref_slice %arg32[%add3A_73, %dma_start3A_163] : memref<10240x64xf32, #tpu.memory_space<vmem_shared>> -> memref<128x64xf32, #tpu.memory_space<vmem_shared>>
      %dma_start3A_165 = arith.constant 0 : i32
      %dma_start3A_166 = tpu.memref_slice %arg32[%add3A_73, %dma_start3A_165] : memref<10240x64xf32, #tpu.memory_space<vmem_shared>> -> memref<128x64xf32, #tpu.memory_space<vmem_shared>>
      tpu.enqueue_dma source(%dma_start3A_166 : memref<128x64xf32, #tpu.memory_space<vmem_shared>>) target(%arg8 : memref<128x64xf32, #tpu.memory_space<vmem>>) target_semaphore(%run_scoped3A : memref<!tpu.dma_semaphore, #tpu.memory_space<semaphore_mem>>)
      %dma_wait3A = arith.constant 0 : i32
      %dma_wait3A_167 = tpu.memref_slice %arg32[%add3A_73, %dma_wait3A] : memref<10240x64xf32, #tpu.memory_space<vmem_shared>> -> memref<128x64xf32, #tpu.memory_space<vmem_shared>>
      %dma_wait3A_168 = arith.constant 0 : i32
      %dma_wait3A_169 = tpu.memref_slice %arg32[%add3A_73, %dma_wait3A_168] : memref<10240x64xf32, #tpu.memory_space<vmem_shared>> -> memref<128x64xf32, #tpu.memory_space<vmem_shared>>
      tpu.wait_dma2 semaphore(%run_scoped3A : memref<!tpu.dma_semaphore, #tpu.memory_space<semaphore_mem>>) src(%dma_wait3A_169 : memref<128x64xf32, #tpu.memory_space<vmem_shared>>) dst(%arg8 : memref<128x64xf32, #tpu.memory_space<vmem>>)
      tpu.yield
    }) : () -> ()
    %add3A_74 = arith.constant 384 : i32
    %add3A_75 = arith.addi %add3A_6, %add3A_74 : i32
    "tpu.region"() ({
      %run_scoped3A = tpu.sem_alloc : memref<!tpu.dma_semaphore, #tpu.memory_space<semaphore_mem>>
      %dma_start3A_163 = arith.constant 0 : i32
      %dma_start3A_164 = tpu.memref_slice %arg5[%add3A_75, %dma_start3A_163] : memref<40960x64xf32, #tpu.memory_space<hbm>> -> memref<128x64xf32, #tpu.memory_space<hbm>>
      %dma_start3A_165 = arith.constant 0 : i32
      %dma_start3A_166 = tpu.memref_slice %arg5[%add3A_75, %dma_start3A_165] : memref<40960x64xf32, #tpu.memory_space<hbm>> -> memref<128x64xf32, #tpu.memory_space<hbm>>
      tpu.enqueue_dma source(%arg8 : memref<128x64xf32, #tpu.memory_space<vmem>>) target(%dma_start3A_166 : memref<128x64xf32, #tpu.memory_space<hbm>>) target_semaphore(%run_scoped3A : memref<!tpu.dma_semaphore, #tpu.memory_space<semaphore_mem>>)
      %dma_wait3A = arith.constant 0 : i32
      %dma_wait3A_167 = tpu.memref_slice %arg5[%add3A_75, %dma_wait3A] : memref<40960x64xf32, #tpu.memory_space<hbm>> -> memref<128x64xf32, #tpu.memory_space<hbm>>
      %dma_wait3A_168 = arith.constant 0 : i32
      %dma_wait3A_169 = tpu.memref_slice %arg5[%add3A_75, %dma_wait3A_168] : memref<40960x64xf32, #tpu.memory_space<hbm>> -> memref<128x64xf32, #tpu.memory_space<hbm>>
      tpu.wait_dma2 semaphore(%run_scoped3A : memref<!tpu.dma_semaphore, #tpu.memory_space<semaphore_mem>>) src(%arg8 : memref<128x64xf32, #tpu.memory_space<vmem>>) dst(%dma_wait3A_169 : memref<128x64xf32, #tpu.memory_space<hbm>>)
      tpu.yield
    }) : () -> ()
    %add3A_76 = arith.constant 512 : i32
    %add3A_77 = arith.addi %mul3A_0, %add3A_76 : i32
    "tpu.region"() ({
      %run_scoped3A = tpu.sem_alloc : memref<!tpu.dma_semaphore, #tpu.memory_space<semaphore_mem>>
      %dma_start3A_163 = arith.constant 0 : i32
      %dma_start3A_164 = tpu.memref_slice %arg32[%add3A_77, %dma_start3A_163] : memref<10240x64xf32, #tpu.memory_space<vmem_shared>> -> memref<128x64xf32, #tpu.memory_space<vmem_shared>>
      %dma_start3A_165 = arith.constant 0 : i32
      %dma_start3A_166 = tpu.memref_slice %arg32[%add3A_77, %dma_start3A_165] : memref<10240x64xf32, #tpu.memory_space<vmem_shared>> -> memref<128x64xf32, #tpu.memory_space<vmem_shared>>
      tpu.enqueue_dma source(%dma_start3A_166 : memref<128x64xf32, #tpu.memory_space<vmem_shared>>) target(%arg8 : memref<128x64xf32, #tpu.memory_space<vmem>>) target_semaphore(%run_scoped3A : memref<!tpu.dma_semaphore, #tpu.memory_space<semaphore_mem>>)
      %dma_wait3A = arith.constant 0 : i32
      %dma_wait3A_167 = tpu.memref_slice %arg32[%add3A_77, %dma_wait3A] : memref<10240x64xf32, #tpu.memory_space<vmem_shared>> -> memref<128x64xf32, #tpu.memory_space<vmem_shared>>
      %dma_wait3A_168 = arith.constant 0 : i32
      %dma_wait3A_169 = tpu.memref_slice %arg32[%add3A_77, %dma_wait3A_168] : memref<10240x64xf32, #tpu.memory_space<vmem_shared>> -> memref<128x64xf32, #tpu.memory_space<vmem_shared>>
      tpu.wait_dma2 semaphore(%run_scoped3A : memref<!tpu.dma_semaphore, #tpu.memory_space<semaphore_mem>>) src(%dma_wait3A_169 : memref<128x64xf32, #tpu.memory_space<vmem_shared>>) dst(%arg8 : memref<128x64xf32, #tpu.memory_space<vmem>>)
      tpu.yield
    }) : () -> ()
    %add3A_78 = arith.constant 512 : i32
    %add3A_79 = arith.addi %add3A_6, %add3A_78 : i32
    "tpu.region"() ({
      %run_scoped3A = tpu.sem_alloc : memref<!tpu.dma_semaphore, #tpu.memory_space<semaphore_mem>>
      %dma_start3A_163 = arith.constant 0 : i32
      %dma_start3A_164 = tpu.memref_slice %arg5[%add3A_79, %dma_start3A_163] : memref<40960x64xf32, #tpu.memory_space<hbm>> -> memref<128x64xf32, #tpu.memory_space<hbm>>
      %dma_start3A_165 = arith.constant 0 : i32
      %dma_start3A_166 = tpu.memref_slice %arg5[%add3A_79, %dma_start3A_165] : memref<40960x64xf32, #tpu.memory_space<hbm>> -> memref<128x64xf32, #tpu.memory_space<hbm>>
      tpu.enqueue_dma source(%arg8 : memref<128x64xf32, #tpu.memory_space<vmem>>) target(%dma_start3A_166 : memref<128x64xf32, #tpu.memory_space<hbm>>) target_semaphore(%run_scoped3A : memref<!tpu.dma_semaphore, #tpu.memory_space<semaphore_mem>>)
      %dma_wait3A = arith.constant 0 : i32
      %dma_wait3A_167 = tpu.memref_slice %arg5[%add3A_79, %dma_wait3A] : memref<40960x64xf32, #tpu.memory_space<hbm>> -> memref<128x64xf32, #tpu.memory_space<hbm>>
      %dma_wait3A_168 = arith.constant 0 : i32
      %dma_wait3A_169 = tpu.memref_slice %arg5[%add3A_79, %dma_wait3A_168] : memref<40960x64xf32, #tpu.memory_space<hbm>> -> memref<128x64xf32, #tpu.memory_space<hbm>>
      tpu.wait_dma2 semaphore(%run_scoped3A : memref<!tpu.dma_semaphore, #tpu.memory_space<semaphore_mem>>) src(%arg8 : memref<128x64xf32, #tpu.memory_space<vmem>>) dst(%dma_wait3A_169 : memref<128x64xf32, #tpu.memory_space<hbm>>)
      tpu.yield
    }) : () -> ()
    %mul3A_80 = arith.constant 2 : i32
    %mul3A_81 = arith.muli %mul3A_80, %arg0 : i32
    %add3A_82 = arith.constant 1 : i32
    %add3A_83 = arith.addi %mul3A_81, %add3A_82 : i32
    %mul3A_84 = arith.constant 10240 : i32
    %mul3A_85 = arith.muli %add3A_83, %mul3A_84 : i32
    %add3A_86 = arith.addi %mul3A_85, %mul3A_0 : i32
    %add3A_87 = arith.constant 0 : i32
    %add3A_88 = arith.addi %add3A_86, %add3A_87 : i32
    "tpu.region"() ({
      %run_scoped3A = tpu.sem_alloc : memref<!tpu.dma_semaphore, #tpu.memory_space<semaphore_mem>>
      %dma_start3A_163 = arith.constant 0 : i32
      %dma_start3A_164 = tpu.memref_slice %arg2[%add3A_88, %dma_start3A_163] : memref<40960x64xf32, #tpu.memory_space<hbm>> -> memref<128x64xf32, #tpu.memory_space<hbm>>
      %dma_start3A_165 = arith.constant 0 : i32
      %dma_start3A_166 = tpu.memref_slice %arg2[%add3A_88, %dma_start3A_165] : memref<40960x64xf32, #tpu.memory_space<hbm>> -> memref<128x64xf32, #tpu.memory_space<hbm>>
      tpu.enqueue_dma source(%dma_start3A_166 : memref<128x64xf32, #tpu.memory_space<hbm>>) target(%arg8 : memref<128x64xf32, #tpu.memory_space<vmem>>) target_semaphore(%run_scoped3A : memref<!tpu.dma_semaphore, #tpu.memory_space<semaphore_mem>>)
      %dma_wait3A = arith.constant 0 : i32
      %dma_wait3A_167 = tpu.memref_slice %arg2[%add3A_88, %dma_wait3A] : memref<40960x64xf32, #tpu.memory_space<hbm>> -> memref<128x64xf32, #tpu.memory_space<hbm>>
      %dma_wait3A_168 = arith.constant 0 : i32
      %dma_wait3A_169 = tpu.memref_slice %arg2[%add3A_88, %dma_wait3A_168] : memref<40960x64xf32, #tpu.memory_space<hbm>> -> memref<128x64xf32, #tpu.memory_space<hbm>>
      tpu.wait_dma2 semaphore(%run_scoped3A : memref<!tpu.dma_semaphore, #tpu.memory_space<semaphore_mem>>) src(%dma_wait3A_169 : memref<128x64xf32, #tpu.memory_space<hbm>>) dst(%arg8 : memref<128x64xf32, #tpu.memory_space<vmem>>)
      tpu.yield
    }) : () -> ()
    %add3A_89 = arith.constant 0 : i32
    %add3A_90 = arith.addi %mul3A_0, %add3A_89 : i32
    "tpu.region"() ({
      %run_scoped3A = tpu.sem_alloc : memref<!tpu.dma_semaphore, #tpu.memory_space<semaphore_mem>>
      %dma_start3A_163 = arith.constant 0 : i32
      %dma_start3A_164 = tpu.memref_slice %arg32[%add3A_90, %dma_start3A_163] : memref<10240x64xf32, #tpu.memory_space<vmem_shared>> -> memref<128x64xf32, #tpu.memory_space<vmem_shared>>
      %dma_start3A_165 = arith.constant 0 : i32
      %dma_start3A_166 = tpu.memref_slice %arg32[%add3A_90, %dma_start3A_165] : memref<10240x64xf32, #tpu.memory_space<vmem_shared>> -> memref<128x64xf32, #tpu.memory_space<vmem_shared>>
      tpu.enqueue_dma source(%arg8 : memref<128x64xf32, #tpu.memory_space<vmem>>) target(%dma_start3A_166 : memref<128x64xf32, #tpu.memory_space<vmem_shared>>) target_semaphore(%run_scoped3A : memref<!tpu.dma_semaphore, #tpu.memory_space<semaphore_mem>>)
      %dma_wait3A = arith.constant 0 : i32
      %dma_wait3A_167 = tpu.memref_slice %arg32[%add3A_90, %dma_wait3A] : memref<10240x64xf32, #tpu.memory_space<vmem_shared>> -> memref<128x64xf32, #tpu.memory_space<vmem_shared>>
      %dma_wait3A_168 = arith.constant 0 : i32
      %dma_wait3A_169 = tpu.memref_slice %arg32[%add3A_90, %dma_wait3A_168] : memref<10240x64xf32, #tpu.memory_space<vmem_shared>> -> memref<128x64xf32, #tpu.memory_space<vmem_shared>>
      tpu.wait_dma2 semaphore(%run_scoped3A : memref<!tpu.dma_semaphore, #tpu.memory_space<semaphore_mem>>) src(%arg8 : memref<128x64xf32, #tpu.memory_space<vmem>>) dst(%dma_wait3A_169 : memref<128x64xf32, #tpu.memory_space<vmem_shared>>)
      tpu.yield
    }) : () -> ()
    %add3A_91 = arith.constant 128 : i32
    %add3A_92 = arith.addi %add3A_86, %add3A_91 : i32
    "tpu.region"() ({
      %run_scoped3A = tpu.sem_alloc : memref<!tpu.dma_semaphore, #tpu.memory_space<semaphore_mem>>
      %dma_start3A_163 = arith.constant 0 : i32
      %dma_start3A_164 = tpu.memref_slice %arg2[%add3A_92, %dma_start3A_163] : memref<40960x64xf32, #tpu.memory_space<hbm>> -> memref<128x64xf32, #tpu.memory_space<hbm>>
      %dma_start3A_165 = arith.constant 0 : i32
      %dma_start3A_166 = tpu.memref_slice %arg2[%add3A_92, %dma_start3A_165] : memref<40960x64xf32, #tpu.memory_space<hbm>> -> memref<128x64xf32, #tpu.memory_space<hbm>>
      tpu.enqueue_dma source(%dma_start3A_166 : memref<128x64xf32, #tpu.memory_space<hbm>>) target(%arg8 : memref<128x64xf32, #tpu.memory_space<vmem>>) target_semaphore(%run_scoped3A : memref<!tpu.dma_semaphore, #tpu.memory_space<semaphore_mem>>)
      %dma_wait3A = arith.constant 0 : i32
      %dma_wait3A_167 = tpu.memref_slice %arg2[%add3A_92, %dma_wait3A] : memref<40960x64xf32, #tpu.memory_space<hbm>> -> memref<128x64xf32, #tpu.memory_space<hbm>>
      %dma_wait3A_168 = arith.constant 0 : i32
      %dma_wait3A_169 = tpu.memref_slice %arg2[%add3A_92, %dma_wait3A_168] : memref<40960x64xf32, #tpu.memory_space<hbm>> -> memref<128x64xf32, #tpu.memory_space<hbm>>
      tpu.wait_dma2 semaphore(%run_scoped3A : memref<!tpu.dma_semaphore, #tpu.memory_space<semaphore_mem>>) src(%dma_wait3A_169 : memref<128x64xf32, #tpu.memory_space<hbm>>) dst(%arg8 : memref<128x64xf32, #tpu.memory_space<vmem>>)
      tpu.yield
    }) : () -> ()
    %add3A_93 = arith.constant 128 : i32
    %add3A_94 = arith.addi %mul3A_0, %add3A_93 : i32
    "tpu.region"() ({
      %run_scoped3A = tpu.sem_alloc : memref<!tpu.dma_semaphore, #tpu.memory_space<semaphore_mem>>
      %dma_start3A_163 = arith.constant 0 : i32
      %dma_start3A_164 = tpu.memref_slice %arg32[%add3A_94, %dma_start3A_163] : memref<10240x64xf32, #tpu.memory_space<vmem_shared>> -> memref<128x64xf32, #tpu.memory_space<vmem_shared>>
      %dma_start3A_165 = arith.constant 0 : i32
      %dma_start3A_166 = tpu.memref_slice %arg32[%add3A_94, %dma_start3A_165] : memref<10240x64xf32, #tpu.memory_space<vmem_shared>> -> memref<128x64xf32, #tpu.memory_space<vmem_shared>>
      tpu.enqueue_dma source(%arg8 : memref<128x64xf32, #tpu.memory_space<vmem>>) target(%dma_start3A_166 : memref<128x64xf32, #tpu.memory_space<vmem_shared>>) target_semaphore(%run_scoped3A : memref<!tpu.dma_semaphore, #tpu.memory_space<semaphore_mem>>)
      %dma_wait3A = arith.constant 0 : i32
      %dma_wait3A_167 = tpu.memref_slice %arg32[%add3A_94, %dma_wait3A] : memref<10240x64xf32, #tpu.memory_space<vmem_shared>> -> memref<128x64xf32, #tpu.memory_space<vmem_shared>>
      %dma_wait3A_168 = arith.constant 0 : i32
      %dma_wait3A_169 = tpu.memref_slice %arg32[%add3A_94, %dma_wait3A_168] : memref<10240x64xf32, #tpu.memory_space<vmem_shared>> -> memref<128x64xf32, #tpu.memory_space<vmem_shared>>
      tpu.wait_dma2 semaphore(%run_scoped3A : memref<!tpu.dma_semaphore, #tpu.memory_space<semaphore_mem>>) src(%arg8 : memref<128x64xf32, #tpu.memory_space<vmem>>) dst(%dma_wait3A_169 : memref<128x64xf32, #tpu.memory_space<vmem_shared>>)
      tpu.yield
    }) : () -> ()
    %add3A_95 = arith.constant 256 : i32
    %add3A_96 = arith.addi %add3A_86, %add3A_95 : i32
    "tpu.region"() ({
      %run_scoped3A = tpu.sem_alloc : memref<!tpu.dma_semaphore, #tpu.memory_space<semaphore_mem>>
      %dma_start3A_163 = arith.constant 0 : i32
      %dma_start3A_164 = tpu.memref_slice %arg2[%add3A_96, %dma_start3A_163] : memref<40960x64xf32, #tpu.memory_space<hbm>> -> memref<128x64xf32, #tpu.memory_space<hbm>>
      %dma_start3A_165 = arith.constant 0 : i32
      %dma_start3A_166 = tpu.memref_slice %arg2[%add3A_96, %dma_start3A_165] : memref<40960x64xf32, #tpu.memory_space<hbm>> -> memref<128x64xf32, #tpu.memory_space<hbm>>
      tpu.enqueue_dma source(%dma_start3A_166 : memref<128x64xf32, #tpu.memory_space<hbm>>) target(%arg8 : memref<128x64xf32, #tpu.memory_space<vmem>>) target_semaphore(%run_scoped3A : memref<!tpu.dma_semaphore, #tpu.memory_space<semaphore_mem>>)
      %dma_wait3A = arith.constant 0 : i32
      %dma_wait3A_167 = tpu.memref_slice %arg2[%add3A_96, %dma_wait3A] : memref<40960x64xf32, #tpu.memory_space<hbm>> -> memref<128x64xf32, #tpu.memory_space<hbm>>
      %dma_wait3A_168 = arith.constant 0 : i32
      %dma_wait3A_169 = tpu.memref_slice %arg2[%add3A_96, %dma_wait3A_168] : memref<40960x64xf32, #tpu.memory_space<hbm>> -> memref<128x64xf32, #tpu.memory_space<hbm>>
      tpu.wait_dma2 semaphore(%run_scoped3A : memref<!tpu.dma_semaphore, #tpu.memory_space<semaphore_mem>>) src(%dma_wait3A_169 : memref<128x64xf32, #tpu.memory_space<hbm>>) dst(%arg8 : memref<128x64xf32, #tpu.memory_space<vmem>>)
      tpu.yield
    }) : () -> ()
    %add3A_97 = arith.constant 256 : i32
    %add3A_98 = arith.addi %mul3A_0, %add3A_97 : i32
    "tpu.region"() ({
      %run_scoped3A = tpu.sem_alloc : memref<!tpu.dma_semaphore, #tpu.memory_space<semaphore_mem>>
      %dma_start3A_163 = arith.constant 0 : i32
      %dma_start3A_164 = tpu.memref_slice %arg32[%add3A_98, %dma_start3A_163] : memref<10240x64xf32, #tpu.memory_space<vmem_shared>> -> memref<128x64xf32, #tpu.memory_space<vmem_shared>>
      %dma_start3A_165 = arith.constant 0 : i32
      %dma_start3A_166 = tpu.memref_slice %arg32[%add3A_98, %dma_start3A_165] : memref<10240x64xf32, #tpu.memory_space<vmem_shared>> -> memref<128x64xf32, #tpu.memory_space<vmem_shared>>
      tpu.enqueue_dma source(%arg8 : memref<128x64xf32, #tpu.memory_space<vmem>>) target(%dma_start3A_166 : memref<128x64xf32, #tpu.memory_space<vmem_shared>>) target_semaphore(%run_scoped3A : memref<!tpu.dma_semaphore, #tpu.memory_space<semaphore_mem>>)
      %dma_wait3A = arith.constant 0 : i32
      %dma_wait3A_167 = tpu.memref_slice %arg32[%add3A_98, %dma_wait3A] : memref<10240x64xf32, #tpu.memory_space<vmem_shared>> -> memref<128x64xf32, #tpu.memory_space<vmem_shared>>
      %dma_wait3A_168 = arith.constant 0 : i32
      %dma_wait3A_169 = tpu.memref_slice %arg32[%add3A_98, %dma_wait3A_168] : memref<10240x64xf32, #tpu.memory_space<vmem_shared>> -> memref<128x64xf32, #tpu.memory_space<vmem_shared>>
      tpu.wait_dma2 semaphore(%run_scoped3A : memref<!tpu.dma_semaphore, #tpu.memory_space<semaphore_mem>>) src(%arg8 : memref<128x64xf32, #tpu.memory_space<vmem>>) dst(%dma_wait3A_169 : memref<128x64xf32, #tpu.memory_space<vmem_shared>>)
      tpu.yield
    }) : () -> ()
    %add3A_99 = arith.constant 384 : i32
    %add3A_100 = arith.addi %add3A_86, %add3A_99 : i32
    "tpu.region"() ({
      %run_scoped3A = tpu.sem_alloc : memref<!tpu.dma_semaphore, #tpu.memory_space<semaphore_mem>>
      %dma_start3A_163 = arith.constant 0 : i32
      %dma_start3A_164 = tpu.memref_slice %arg2[%add3A_100, %dma_start3A_163] : memref<40960x64xf32, #tpu.memory_space<hbm>> -> memref<128x64xf32, #tpu.memory_space<hbm>>
      %dma_start3A_165 = arith.constant 0 : i32
      %dma_start3A_166 = tpu.memref_slice %arg2[%add3A_100, %dma_start3A_165] : memref<40960x64xf32, #tpu.memory_space<hbm>> -> memref<128x64xf32, #tpu.memory_space<hbm>>
      tpu.enqueue_dma source(%dma_start3A_166 : memref<128x64xf32, #tpu.memory_space<hbm>>) target(%arg8 : memref<128x64xf32, #tpu.memory_space<vmem>>) target_semaphore(%run_scoped3A : memref<!tpu.dma_semaphore, #tpu.memory_space<semaphore_mem>>)
      %dma_wait3A = arith.constant 0 : i32
      %dma_wait3A_167 = tpu.memref_slice %arg2[%add3A_100, %dma_wait3A] : memref<40960x64xf32, #tpu.memory_space<hbm>> -> memref<128x64xf32, #tpu.memory_space<hbm>>
      %dma_wait3A_168 = arith.constant 0 : i32
      %dma_wait3A_169 = tpu.memref_slice %arg2[%add3A_100, %dma_wait3A_168] : memref<40960x64xf32, #tpu.memory_space<hbm>> -> memref<128x64xf32, #tpu.memory_space<hbm>>
      tpu.wait_dma2 semaphore(%run_scoped3A : memref<!tpu.dma_semaphore, #tpu.memory_space<semaphore_mem>>) src(%dma_wait3A_169 : memref<128x64xf32, #tpu.memory_space<hbm>>) dst(%arg8 : memref<128x64xf32, #tpu.memory_space<vmem>>)
      tpu.yield
    }) : () -> ()
    %add3A_101 = arith.constant 384 : i32
    %add3A_102 = arith.addi %mul3A_0, %add3A_101 : i32
    "tpu.region"() ({
      %run_scoped3A = tpu.sem_alloc : memref<!tpu.dma_semaphore, #tpu.memory_space<semaphore_mem>>
      %dma_start3A_163 = arith.constant 0 : i32
      %dma_start3A_164 = tpu.memref_slice %arg32[%add3A_102, %dma_start3A_163] : memref<10240x64xf32, #tpu.memory_space<vmem_shared>> -> memref<128x64xf32, #tpu.memory_space<vmem_shared>>
      %dma_start3A_165 = arith.constant 0 : i32
      %dma_start3A_166 = tpu.memref_slice %arg32[%add3A_102, %dma_start3A_165] : memref<10240x64xf32, #tpu.memory_space<vmem_shared>> -> memref<128x64xf32, #tpu.memory_space<vmem_shared>>
      tpu.enqueue_dma source(%arg8 : memref<128x64xf32, #tpu.memory_space<vmem>>) target(%dma_start3A_166 : memref<128x64xf32, #tpu.memory_space<vmem_shared>>) target_semaphore(%run_scoped3A : memref<!tpu.dma_semaphore, #tpu.memory_space<semaphore_mem>>)
      %dma_wait3A = arith.constant 0 : i32
      %dma_wait3A_167 = tpu.memref_slice %arg32[%add3A_102, %dma_wait3A] : memref<10240x64xf32, #tpu.memory_space<vmem_shared>> -> memref<128x64xf32, #tpu.memory_space<vmem_shared>>
      %dma_wait3A_168 = arith.constant 0 : i32
      %dma_wait3A_169 = tpu.memref_slice %arg32[%add3A_102, %dma_wait3A_168] : memref<10240x64xf32, #tpu.memory_space<vmem_shared>> -> memref<128x64xf32, #tpu.memory_space<vmem_shared>>
      tpu.wait_dma2 semaphore(%run_scoped3A : memref<!tpu.dma_semaphore, #tpu.memory_space<semaphore_mem>>) src(%arg8 : memref<128x64xf32, #tpu.memory_space<vmem>>) dst(%dma_wait3A_169 : memref<128x64xf32, #tpu.memory_space<vmem_shared>>)
      tpu.yield
    }) : () -> ()
    %add3A_103 = arith.constant 512 : i32
    %add3A_104 = arith.addi %add3A_86, %add3A_103 : i32
    "tpu.region"() ({
      %run_scoped3A = tpu.sem_alloc : memref<!tpu.dma_semaphore, #tpu.memory_space<semaphore_mem>>
      %dma_start3A_163 = arith.constant 0 : i32
      %dma_start3A_164 = tpu.memref_slice %arg2[%add3A_104, %dma_start3A_163] : memref<40960x64xf32, #tpu.memory_space<hbm>> -> memref<128x64xf32, #tpu.memory_space<hbm>>
      %dma_start3A_165 = arith.constant 0 : i32
      %dma_start3A_166 = tpu.memref_slice %arg2[%add3A_104, %dma_start3A_165] : memref<40960x64xf32, #tpu.memory_space<hbm>> -> memref<128x64xf32, #tpu.memory_space<hbm>>
      tpu.enqueue_dma source(%dma_start3A_166 : memref<128x64xf32, #tpu.memory_space<hbm>>) target(%arg8 : memref<128x64xf32, #tpu.memory_space<vmem>>) target_semaphore(%run_scoped3A : memref<!tpu.dma_semaphore, #tpu.memory_space<semaphore_mem>>)
      %dma_wait3A = arith.constant 0 : i32
      %dma_wait3A_167 = tpu.memref_slice %arg2[%add3A_104, %dma_wait3A] : memref<40960x64xf32, #tpu.memory_space<hbm>> -> memref<128x64xf32, #tpu.memory_space<hbm>>
      %dma_wait3A_168 = arith.constant 0 : i32
      %dma_wait3A_169 = tpu.memref_slice %arg2[%add3A_104, %dma_wait3A_168] : memref<40960x64xf32, #tpu.memory_space<hbm>> -> memref<128x64xf32, #tpu.memory_space<hbm>>
      tpu.wait_dma2 semaphore(%run_scoped3A : memref<!tpu.dma_semaphore, #tpu.memory_space<semaphore_mem>>) src(%dma_wait3A_169 : memref<128x64xf32, #tpu.memory_space<hbm>>) dst(%arg8 : memref<128x64xf32, #tpu.memory_space<vmem>>)
      tpu.yield
    }) : () -> ()
    %add3A_105 = arith.constant 512 : i32
    %add3A_106 = arith.addi %mul3A_0, %add3A_105 : i32
    "tpu.region"() ({
      %run_scoped3A = tpu.sem_alloc : memref<!tpu.dma_semaphore, #tpu.memory_space<semaphore_mem>>
      %dma_start3A_163 = arith.constant 0 : i32
      %dma_start3A_164 = tpu.memref_slice %arg32[%add3A_106, %dma_start3A_163] : memref<10240x64xf32, #tpu.memory_space<vmem_shared>> -> memref<128x64xf32, #tpu.memory_space<vmem_shared>>
      %dma_start3A_165 = arith.constant 0 : i32
      %dma_start3A_166 = tpu.memref_slice %arg32[%add3A_106, %dma_start3A_165] : memref<10240x64xf32, #tpu.memory_space<vmem_shared>> -> memref<128x64xf32, #tpu.memory_space<vmem_shared>>
      tpu.enqueue_dma source(%arg8 : memref<128x64xf32, #tpu.memory_space<vmem>>) target(%dma_start3A_166 : memref<128x64xf32, #tpu.memory_space<vmem_shared>>) target_semaphore(%run_scoped3A : memref<!tpu.dma_semaphore, #tpu.memory_space<semaphore_mem>>)
      %dma_wait3A = arith.constant 0 : i32
      %dma_wait3A_167 = tpu.memref_slice %arg32[%add3A_106, %dma_wait3A] : memref<10240x64xf32, #tpu.memory_space<vmem_shared>> -> memref<128x64xf32, #tpu.memory_space<vmem_shared>>
      %dma_wait3A_168 = arith.constant 0 : i32
      %dma_wait3A_169 = tpu.memref_slice %arg32[%add3A_106, %dma_wait3A_168] : memref<10240x64xf32, #tpu.memory_space<vmem_shared>> -> memref<128x64xf32, #tpu.memory_space<vmem_shared>>
      tpu.wait_dma2 semaphore(%run_scoped3A : memref<!tpu.dma_semaphore, #tpu.memory_space<semaphore_mem>>) src(%arg8 : memref<128x64xf32, #tpu.memory_space<vmem>>) dst(%dma_wait3A_169 : memref<128x64xf32, #tpu.memory_space<vmem_shared>>)
      tpu.yield
    }) : () -> ()
    "tpu.region"() ({
      %run_scoped3A = tpu.sem_alloc : memref<!tpu.dma_semaphore, #tpu.memory_space<semaphore_mem>>
      %dma_start3A_163 = arith.constant 0 : i32
      %dma_start3A_164 = arith.constant 0 : i32
      %dma_start3A_165 = tpu.memref_slice %arg3[%add3A_83, %arg1, %dma_start3A_163, %dma_start3A_164] : memref<4x16x80x128xi32, #tpu.memory_space<hbm>> -> memref<1x1x80x128xi32, #tpu.memory_space<hbm>>
      %dma_start3A_166 = tpu.memref_squeeze %dma_start3A_165 : memref<1x1x80x128xi32, #tpu.memory_space<hbm>> -> memref<80x128xi32, #tpu.memory_space<hbm>>
      %dma_start3A_167 = arith.constant 0 : i32
      %dma_start3A_168 = arith.constant 0 : i32
      %dma_start3A_169 = tpu.memref_slice %arg3[%add3A_83, %arg1, %dma_start3A_167, %dma_start3A_168] : memref<4x16x80x128xi32, #tpu.memory_space<hbm>> -> memref<1x1x80x128xi32, #tpu.memory_space<hbm>>
      %dma_start3A_170 = tpu.memref_squeeze %dma_start3A_169 : memref<1x1x80x128xi32, #tpu.memory_space<hbm>> -> memref<80x128xi32, #tpu.memory_space<hbm>>
      tpu.enqueue_dma source(%dma_start3A_170 : memref<80x128xi32, #tpu.memory_space<hbm>>) target(%arg6 : memref<80x128xi32, #tpu.memory_space<vmem>>) target_semaphore(%run_scoped3A : memref<!tpu.dma_semaphore, #tpu.memory_space<semaphore_mem>>)
      %dma_wait3A = arith.constant 0 : i32
      %dma_wait3A_171 = arith.constant 0 : i32
      %dma_wait3A_172 = tpu.memref_slice %arg3[%add3A_83, %arg1, %dma_wait3A, %dma_wait3A_171] : memref<4x16x80x128xi32, #tpu.memory_space<hbm>> -> memref<1x1x80x128xi32, #tpu.memory_space<hbm>>
      %dma_wait3A_173 = tpu.memref_squeeze %dma_wait3A_172 : memref<1x1x80x128xi32, #tpu.memory_space<hbm>> -> memref<80x128xi32, #tpu.memory_space<hbm>>
      %dma_wait3A_174 = arith.constant 0 : i32
      %dma_wait3A_175 = arith.constant 0 : i32
      %dma_wait3A_176 = tpu.memref_slice %arg3[%add3A_83, %arg1, %dma_wait3A_174, %dma_wait3A_175] : memref<4x16x80x128xi32, #tpu.memory_space<hbm>> -> memref<1x1x80x128xi32, #tpu.memory_space<hbm>>
      %dma_wait3A_177 = tpu.memref_squeeze %dma_wait3A_176 : memref<1x1x80x128xi32, #tpu.memory_space<hbm>> -> memref<80x128xi32, #tpu.memory_space<hbm>>
      tpu.wait_dma2 semaphore(%run_scoped3A : memref<!tpu.dma_semaphore, #tpu.memory_space<semaphore_mem>>) src(%dma_wait3A_177 : memref<80x128xi32, #tpu.memory_space<hbm>>) dst(%arg6 : memref<80x128xi32, #tpu.memory_space<vmem>>)
      tpu.yield
    }) : () -> ()
    %barrier3A_107 = arith.constant 0 : index
    tpu.barrier barrier_id(%barrier3A_107)
    %dma_start3A_108 = arith.constant 0 : i32
    %dma_start3A_109 = arith.constant 0 : i32
    %dma_start3A_110 = tpu.memref_slice %arg6[%dma_start3A_108, %dma_start3A_109] : memref<80x128xi32, #tpu.memory_space<vmem>> -> memref<1x128xi32, #tpu.memory_space<vmem>>
    %dma_start3A_111 = tpu.memref_squeeze %dma_start3A_110 : memref<1x128xi32, #tpu.memory_space<vmem>> -> memref<128xi32, #tpu.memory_space<vmem>>
    %dma_start3A_112 = arith.constant 0 : i32
    %dma_start3A_113 = arith.constant 0 : i32
    %dma_start3A_114 = tpu.memref_slice %arg2[%dma_start3A_112, %dma_start3A_113] : memref<40960x64xf32, #tpu.memory_space<hbm>> -> memref<40960x64xf32, #tpu.memory_space<hbm>>
    tpu.enqueue_indirect_dma source(%dma_start3A_114 : memref<40960x64xf32, #tpu.memory_space<hbm>>) target(%arg8 : memref<128x64xf32, #tpu.memory_space<vmem>>) offsets(%dma_start3A_111 : memref<128xi32, #tpu.memory_space<vmem>>) semaphore(%arg16 : memref<!tpu.dma_semaphore, #tpu.memory_space<semaphore_mem>>)
    %dma_start3A_115 = arith.constant 1 : i32
    %dma_start3A_116 = arith.constant 0 : i32
    %dma_start3A_117 = tpu.memref_slice %arg6[%dma_start3A_115, %dma_start3A_116] : memref<80x128xi32, #tpu.memory_space<vmem>> -> memref<1x128xi32, #tpu.memory_space<vmem>>
    %dma_start3A_118 = tpu.memref_squeeze %dma_start3A_117 : memref<1x128xi32, #tpu.memory_space<vmem>> -> memref<128xi32, #tpu.memory_space<vmem>>
    %dma_start3A_119 = arith.constant 0 : i32
    %dma_start3A_120 = arith.constant 0 : i32
    %dma_start3A_121 = tpu.memref_slice %arg2[%dma_start3A_119, %dma_start3A_120] : memref<40960x64xf32, #tpu.memory_space<hbm>> -> memref<40960x64xf32, #tpu.memory_space<hbm>>
    tpu.enqueue_indirect_dma source(%dma_start3A_121 : memref<40960x64xf32, #tpu.memory_space<hbm>>) target(%arg9 : memref<128x64xf32, #tpu.memory_space<vmem>>) offsets(%dma_start3A_118 : memref<128xi32, #tpu.memory_space<vmem>>) semaphore(%arg17 : memref<!tpu.dma_semaphore, #tpu.memory_space<semaphore_mem>>)
    %dma_start3A_122 = arith.constant 2 : i32
    %dma_start3A_123 = arith.constant 0 : i32
    %dma_start3A_124 = tpu.memref_slice %arg6[%dma_start3A_122, %dma_start3A_123] : memref<80x128xi32, #tpu.memory_space<vmem>> -> memref<1x128xi32, #tpu.memory_space<vmem>>
    %dma_start3A_125 = tpu.memref_squeeze %dma_start3A_124 : memref<1x128xi32, #tpu.memory_space<vmem>> -> memref<128xi32, #tpu.memory_space<vmem>>
    %dma_start3A_126 = arith.constant 0 : i32
    %dma_start3A_127 = arith.constant 0 : i32
    %dma_start3A_128 = tpu.memref_slice %arg2[%dma_start3A_126, %dma_start3A_127] : memref<40960x64xf32, #tpu.memory_space<hbm>> -> memref<40960x64xf32, #tpu.memory_space<hbm>>
    tpu.enqueue_indirect_dma source(%dma_start3A_128 : memref<40960x64xf32, #tpu.memory_space<hbm>>) target(%arg10 : memref<128x64xf32, #tpu.memory_space<vmem>>) offsets(%dma_start3A_125 : memref<128xi32, #tpu.memory_space<vmem>>) semaphore(%arg18 : memref<!tpu.dma_semaphore, #tpu.memory_space<semaphore_mem>>)
    %dma_start3A_129 = arith.constant 3 : i32
    %dma_start3A_130 = arith.constant 0 : i32
    %dma_start3A_131 = tpu.memref_slice %arg6[%dma_start3A_129, %dma_start3A_130] : memref<80x128xi32, #tpu.memory_space<vmem>> -> memref<1x128xi32, #tpu.memory_space<vmem>>
    %dma_start3A_132 = tpu.memref_squeeze %dma_start3A_131 : memref<1x128xi32, #tpu.memory_space<vmem>> -> memref<128xi32, #tpu.memory_space<vmem>>
    %dma_start3A_133 = arith.constant 0 : i32
    %dma_start3A_134 = arith.constant 0 : i32
    %dma_start3A_135 = tpu.memref_slice %arg2[%dma_start3A_133, %dma_start3A_134] : memref<40960x64xf32, #tpu.memory_space<hbm>> -> memref<40960x64xf32, #tpu.memory_space<hbm>>
    tpu.enqueue_indirect_dma source(%dma_start3A_135 : memref<40960x64xf32, #tpu.memory_space<hbm>>) target(%arg11 : memref<128x64xf32, #tpu.memory_space<vmem>>) offsets(%dma_start3A_132 : memref<128xi32, #tpu.memory_space<vmem>>) semaphore(%arg19 : memref<!tpu.dma_semaphore, #tpu.memory_space<semaphore_mem>>)
    %scan3A_136 = arith.constant 0 : i32
    %scan3A_137 = arith.constant 0 : i32
    %scan3A_138 = arith.constant 10 : i32
    %scan3A_139 = arith.addi %scan3A_137, %scan3A_138 : i32
    %scan3A_140 = arith.constant 1 : i32
    scf.for %scan3A_163 = %scan3A_137 to %scan3A_139 step %scan3A_140  : i32 {
      %mul3A_164 = arith.constant 8 : i32
      %mul3A_165 = arith.muli %scan3A_163, %mul3A_164 : i32
      %add3A_166 = arith.constant 4 : i32
      %add3A_167 = arith.addi %mul3A_165, %add3A_166 : i32
      %add3A_168 = arith.constant 0 : i32
      %add3A_169 = arith.addi %add3A_167, %add3A_168 : i32
      %dma_start3A_170 = arith.constant 0 : i32
      %dma_start3A_171 = tpu.memref_slice %arg6[%add3A_169, %dma_start3A_170] : memref<80x128xi32, #tpu.memory_space<vmem>> -> memref<1x128xi32, #tpu.memory_space<vmem>>
      %dma_start3A_172 = tpu.memref_squeeze %dma_start3A_171 : memref<1x128xi32, #tpu.memory_space<vmem>> -> memref<128xi32, #tpu.memory_space<vmem>>
      %dma_start3A_173 = arith.constant 0 : i32
      %dma_start3A_174 = arith.constant 0 : i32
      %dma_start3A_175 = tpu.memref_slice %arg2[%dma_start3A_173, %dma_start3A_174] : memref<40960x64xf32, #tpu.memory_space<hbm>> -> memref<40960x64xf32, #tpu.memory_space<hbm>>
      tpu.enqueue_indirect_dma source(%dma_start3A_175 : memref<40960x64xf32, #tpu.memory_space<hbm>>) target(%arg12 : memref<128x64xf32, #tpu.memory_space<vmem>>) offsets(%dma_start3A_172 : memref<128xi32, #tpu.memory_space<vmem>>) semaphore(%arg20 : memref<!tpu.dma_semaphore, #tpu.memory_space<semaphore_mem>>)
      %add3A_176 = arith.constant 1 : i32
      %add3A_177 = arith.addi %add3A_167, %add3A_176 : i32
      %dma_start3A_178 = arith.constant 0 : i32
      %dma_start3A_179 = tpu.memref_slice %arg6[%add3A_177, %dma_start3A_178] : memref<80x128xi32, #tpu.memory_space<vmem>> -> memref<1x128xi32, #tpu.memory_space<vmem>>
      %dma_start3A_180 = tpu.memref_squeeze %dma_start3A_179 : memref<1x128xi32, #tpu.memory_space<vmem>> -> memref<128xi32, #tpu.memory_space<vmem>>
      %dma_start3A_181 = arith.constant 0 : i32
      %dma_start3A_182 = arith.constant 0 : i32
      %dma_start3A_183 = tpu.memref_slice %arg2[%dma_start3A_181, %dma_start3A_182] : memref<40960x64xf32, #tpu.memory_space<hbm>> -> memref<40960x64xf32, #tpu.memory_space<hbm>>
      tpu.enqueue_indirect_dma source(%dma_start3A_183 : memref<40960x64xf32, #tpu.memory_space<hbm>>) target(%arg13 : memref<128x64xf32, #tpu.memory_space<vmem>>) offsets(%dma_start3A_180 : memref<128xi32, #tpu.memory_space<vmem>>) semaphore(%arg21 : memref<!tpu.dma_semaphore, #tpu.memory_space<semaphore_mem>>)
      %add3A_184 = arith.constant 2 : i32
      %add3A_185 = arith.addi %add3A_167, %add3A_184 : i32
      %dma_start3A_186 = arith.constant 0 : i32
      %dma_start3A_187 = tpu.memref_slice %arg6[%add3A_185, %dma_start3A_186] : memref<80x128xi32, #tpu.memory_space<vmem>> -> memref<1x128xi32, #tpu.memory_space<vmem>>
      %dma_start3A_188 = tpu.memref_squeeze %dma_start3A_187 : memref<1x128xi32, #tpu.memory_space<vmem>> -> memref<128xi32, #tpu.memory_space<vmem>>
      %dma_start3A_189 = arith.constant 0 : i32
      %dma_start3A_190 = arith.constant 0 : i32
      %dma_start3A_191 = tpu.memref_slice %arg2[%dma_start3A_189, %dma_start3A_190] : memref<40960x64xf32, #tpu.memory_space<hbm>> -> memref<40960x64xf32, #tpu.memory_space<hbm>>
      tpu.enqueue_indirect_dma source(%dma_start3A_191 : memref<40960x64xf32, #tpu.memory_space<hbm>>) target(%arg14 : memref<128x64xf32, #tpu.memory_space<vmem>>) offsets(%dma_start3A_188 : memref<128xi32, #tpu.memory_space<vmem>>) semaphore(%arg22 : memref<!tpu.dma_semaphore, #tpu.memory_space<semaphore_mem>>)
      %add3A_192 = arith.constant 3 : i32
      %add3A_193 = arith.addi %add3A_167, %add3A_192 : i32
      %dma_start3A_194 = arith.constant 0 : i32
      %dma_start3A_195 = tpu.memref_slice %arg6[%add3A_193, %dma_start3A_194] : memref<80x128xi32, #tpu.memory_space<vmem>> -> memref<1x128xi32, #tpu.memory_space<vmem>>
      %dma_start3A_196 = tpu.memref_squeeze %dma_start3A_195 : memref<1x128xi32, #tpu.memory_space<vmem>> -> memref<128xi32, #tpu.memory_space<vmem>>
      %dma_start3A_197 = arith.constant 0 : i32
      %dma_start3A_198 = arith.constant 0 : i32
      %dma_start3A_199 = tpu.memref_slice %arg2[%dma_start3A_197, %dma_start3A_198] : memref<40960x64xf32, #tpu.memory_space<hbm>> -> memref<40960x64xf32, #tpu.memory_space<hbm>>
      tpu.enqueue_indirect_dma source(%dma_start3A_199 : memref<40960x64xf32, #tpu.memory_space<hbm>>) target(%arg15 : memref<128x64xf32, #tpu.memory_space<vmem>>) offsets(%dma_start3A_196 : memref<128xi32, #tpu.memory_space<vmem>>) semaphore(%arg23 : memref<!tpu.dma_semaphore, #tpu.memory_space<semaphore_mem>>)
      %add3A_200 = arith.constant 0 : i32
      %add3A_201 = arith.addi %mul3A_165, %add3A_200 : i32
      %dma_wait3A = arith.constant 0 : i32
      %dma_wait3A_202 = tpu.memref_slice %arg6[%add3A_201, %dma_wait3A] : memref<80x128xi32, #tpu.memory_space<vmem>> -> memref<1x128xi32, #tpu.memory_space<vmem>>
      %dma_wait3A_203 = tpu.memref_squeeze %dma_wait3A_202 : memref<1x128xi32, #tpu.memory_space<vmem>> -> memref<128xi32, #tpu.memory_space<vmem>>
      %dma_wait3A_204 = arith.constant 0 : i32
      %dma_wait3A_205 = arith.constant 0 : i32
      %dma_wait3A_206 = tpu.memref_slice %arg2[%dma_wait3A_204, %dma_wait3A_205] : memref<40960x64xf32, #tpu.memory_space<hbm>> -> memref<40960x64xf32, #tpu.memory_space<hbm>>
      tpu.wait_indirect_dma semaphore(%arg16 : memref<!tpu.dma_semaphore, #tpu.memory_space<semaphore_mem>>) src(%dma_wait3A_206 : memref<40960x64xf32, #tpu.memory_space<hbm>>) dst(%arg8 : memref<128x64xf32, #tpu.memory_space<vmem>>)
      %add3A_207 = arith.constant 0 : i32
      %add3A_208 = arith.addi %mul3A_165, %add3A_207 : i32
      %dma_start3A_209 = arith.constant 0 : i32
      %dma_start3A_210 = tpu.memref_slice %arg7[%add3A_208, %dma_start3A_209] : memref<80x128xi32, #tpu.memory_space<vmem>> -> memref<1x128xi32, #tpu.memory_space<vmem>>
      %dma_start3A_211 = tpu.memref_squeeze %dma_start3A_210 : memref<1x128xi32, #tpu.memory_space<vmem>> -> memref<128xi32, #tpu.memory_space<vmem>>
      %dma_start3A_212 = arith.constant 0 : i32
      %dma_start3A_213 = arith.constant 0 : i32
      %dma_start3A_214 = tpu.memref_slice %arg32[%dma_start3A_212, %dma_start3A_213] : memref<10240x64xf32, #tpu.memory_space<vmem_shared>> -> memref<10240x64xf32, #tpu.memory_space<vmem_shared>>
      tpu.enqueue_indirect_dma source(%arg8 : memref<128x64xf32, #tpu.memory_space<vmem>>) target(%dma_start3A_214 : memref<10240x64xf32, #tpu.memory_space<vmem_shared>>) offsets(%dma_start3A_211 : memref<128xi32, #tpu.memory_space<vmem>>) semaphore(%arg24 : memref<!tpu.dma_semaphore, #tpu.memory_space<semaphore_mem>>) {add = true}
      %add3A_215 = arith.constant 1 : i32
      %add3A_216 = arith.addi %mul3A_165, %add3A_215 : i32
      %dma_wait3A_217 = arith.constant 0 : i32
      %dma_wait3A_218 = tpu.memref_slice %arg6[%add3A_216, %dma_wait3A_217] : memref<80x128xi32, #tpu.memory_space<vmem>> -> memref<1x128xi32, #tpu.memory_space<vmem>>
      %dma_wait3A_219 = tpu.memref_squeeze %dma_wait3A_218 : memref<1x128xi32, #tpu.memory_space<vmem>> -> memref<128xi32, #tpu.memory_space<vmem>>
      %dma_wait3A_220 = arith.constant 0 : i32
      %dma_wait3A_221 = arith.constant 0 : i32
      %dma_wait3A_222 = tpu.memref_slice %arg2[%dma_wait3A_220, %dma_wait3A_221] : memref<40960x64xf32, #tpu.memory_space<hbm>> -> memref<40960x64xf32, #tpu.memory_space<hbm>>
      tpu.wait_indirect_dma semaphore(%arg17 : memref<!tpu.dma_semaphore, #tpu.memory_space<semaphore_mem>>) src(%dma_wait3A_222 : memref<40960x64xf32, #tpu.memory_space<hbm>>) dst(%arg9 : memref<128x64xf32, #tpu.memory_space<vmem>>)
      %add3A_223 = arith.constant 1 : i32
      %add3A_224 = arith.addi %mul3A_165, %add3A_223 : i32
      %dma_start3A_225 = arith.constant 0 : i32
      %dma_start3A_226 = tpu.memref_slice %arg7[%add3A_224, %dma_start3A_225] : memref<80x128xi32, #tpu.memory_space<vmem>> -> memref<1x128xi32, #tpu.memory_space<vmem>>
      %dma_start3A_227 = tpu.memref_squeeze %dma_start3A_226 : memref<1x128xi32, #tpu.memory_space<vmem>> -> memref<128xi32, #tpu.memory_space<vmem>>
      %dma_start3A_228 = arith.constant 0 : i32
      %dma_start3A_229 = arith.constant 0 : i32
      %dma_start3A_230 = tpu.memref_slice %arg32[%dma_start3A_228, %dma_start3A_229] : memref<10240x64xf32, #tpu.memory_space<vmem_shared>> -> memref<10240x64xf32, #tpu.memory_space<vmem_shared>>
      tpu.enqueue_indirect_dma source(%arg9 : memref<128x64xf32, #tpu.memory_space<vmem>>) target(%dma_start3A_230 : memref<10240x64xf32, #tpu.memory_space<vmem_shared>>) offsets(%dma_start3A_227 : memref<128xi32, #tpu.memory_space<vmem>>) semaphore(%arg25 : memref<!tpu.dma_semaphore, #tpu.memory_space<semaphore_mem>>) {add = true}
      %add3A_231 = arith.constant 2 : i32
      %add3A_232 = arith.addi %mul3A_165, %add3A_231 : i32
      %dma_wait3A_233 = arith.constant 0 : i32
      %dma_wait3A_234 = tpu.memref_slice %arg6[%add3A_232, %dma_wait3A_233] : memref<80x128xi32, #tpu.memory_space<vmem>> -> memref<1x128xi32, #tpu.memory_space<vmem>>
      %dma_wait3A_235 = tpu.memref_squeeze %dma_wait3A_234 : memref<1x128xi32, #tpu.memory_space<vmem>> -> memref<128xi32, #tpu.memory_space<vmem>>
      %dma_wait3A_236 = arith.constant 0 : i32
      %dma_wait3A_237 = arith.constant 0 : i32
      %dma_wait3A_238 = tpu.memref_slice %arg2[%dma_wait3A_236, %dma_wait3A_237] : memref<40960x64xf32, #tpu.memory_space<hbm>> -> memref<40960x64xf32, #tpu.memory_space<hbm>>
      tpu.wait_indirect_dma semaphore(%arg18 : memref<!tpu.dma_semaphore, #tpu.memory_space<semaphore_mem>>) src(%dma_wait3A_238 : memref<40960x64xf32, #tpu.memory_space<hbm>>) dst(%arg10 : memref<128x64xf32, #tpu.memory_space<vmem>>)
      %add3A_239 = arith.constant 2 : i32
      %add3A_240 = arith.addi %mul3A_165, %add3A_239 : i32
      %dma_start3A_241 = arith.constant 0 : i32
      %dma_start3A_242 = tpu.memref_slice %arg7[%add3A_240, %dma_start3A_241] : memref<80x128xi32, #tpu.memory_space<vmem>> -> memref<1x128xi32, #tpu.memory_space<vmem>>
      %dma_start3A_243 = tpu.memref_squeeze %dma_start3A_242 : memref<1x128xi32, #tpu.memory_space<vmem>> -> memref<128xi32, #tpu.memory_space<vmem>>
      %dma_start3A_244 = arith.constant 0 : i32
      %dma_start3A_245 = arith.constant 0 : i32
      %dma_start3A_246 = tpu.memref_slice %arg32[%dma_start3A_244, %dma_start3A_245] : memref<10240x64xf32, #tpu.memory_space<vmem_shared>> -> memref<10240x64xf32, #tpu.memory_space<vmem_shared>>
      tpu.enqueue_indirect_dma source(%arg10 : memref<128x64xf32, #tpu.memory_space<vmem>>) target(%dma_start3A_246 : memref<10240x64xf32, #tpu.memory_space<vmem_shared>>) offsets(%dma_start3A_243 : memref<128xi32, #tpu.memory_space<vmem>>) semaphore(%arg26 : memref<!tpu.dma_semaphore, #tpu.memory_space<semaphore_mem>>) {add = true}
      %add3A_247 = arith.constant 3 : i32
      %add3A_248 = arith.addi %mul3A_165, %add3A_247 : i32
      %dma_wait3A_249 = arith.constant 0 : i32
      %dma_wait3A_250 = tpu.memref_slice %arg6[%add3A_248, %dma_wait3A_249] : memref<80x128xi32, #tpu.memory_space<vmem>> -> memref<1x128xi32, #tpu.memory_space<vmem>>
      %dma_wait3A_251 = tpu.memref_squeeze %dma_wait3A_250 : memref<1x128xi32, #tpu.memory_space<vmem>> -> memref<128xi32, #tpu.memory_space<vmem>>
      %dma_wait3A_252 = arith.constant 0 : i32
      %dma_wait3A_253 = arith.constant 0 : i32
      %dma_wait3A_254 = tpu.memref_slice %arg2[%dma_wait3A_252, %dma_wait3A_253] : memref<40960x64xf32, #tpu.memory_space<hbm>> -> memref<40960x64xf32, #tpu.memory_space<hbm>>
      tpu.wait_indirect_dma semaphore(%arg19 : memref<!tpu.dma_semaphore, #tpu.memory_space<semaphore_mem>>) src(%dma_wait3A_254 : memref<40960x64xf32, #tpu.memory_space<hbm>>) dst(%arg11 : memref<128x64xf32, #tpu.memory_space<vmem>>)
      %add3A_255 = arith.constant 3 : i32
      %add3A_256 = arith.addi %mul3A_165, %add3A_255 : i32
      %dma_start3A_257 = arith.constant 0 : i32
      %dma_start3A_258 = tpu.memref_slice %arg7[%add3A_256, %dma_start3A_257] : memref<80x128xi32, #tpu.memory_space<vmem>> -> memref<1x128xi32, #tpu.memory_space<vmem>>
      %dma_start3A_259 = tpu.memref_squeeze %dma_start3A_258 : memref<1x128xi32, #tpu.memory_space<vmem>> -> memref<128xi32, #tpu.memory_space<vmem>>
      %dma_start3A_260 = arith.constant 0 : i32
      %dma_start3A_261 = arith.constant 0 : i32
      %dma_start3A_262 = tpu.memref_slice %arg32[%dma_start3A_260, %dma_start3A_261] : memref<10240x64xf32, #tpu.memory_space<vmem_shared>> -> memref<10240x64xf32, #tpu.memory_space<vmem_shared>>
      tpu.enqueue_indirect_dma source(%arg11 : memref<128x64xf32, #tpu.memory_space<vmem>>) target(%dma_start3A_262 : memref<10240x64xf32, #tpu.memory_space<vmem_shared>>) offsets(%dma_start3A_259 : memref<128xi32, #tpu.memory_space<vmem>>) semaphore(%arg27 : memref<!tpu.dma_semaphore, #tpu.memory_space<semaphore_mem>>) {add = true}
      %dma_wait3A_263 = arith.constant 0 : i32
      %dma_wait3A_264 = tpu.memref_slice %arg7[%add3A_208, %dma_wait3A_263] : memref<80x128xi32, #tpu.memory_space<vmem>> -> memref<1x128xi32, #tpu.memory_space<vmem>>
      %dma_wait3A_265 = tpu.memref_squeeze %dma_wait3A_264 : memref<1x128xi32, #tpu.memory_space<vmem>> -> memref<128xi32, #tpu.memory_space<vmem>>
      %dma_wait3A_266 = arith.constant 0 : i32
      %dma_wait3A_267 = arith.constant 0 : i32
      %dma_wait3A_268 = tpu.memref_slice %arg32[%dma_wait3A_266, %dma_wait3A_267] : memref<10240x64xf32, #tpu.memory_space<vmem_shared>> -> memref<10240x64xf32, #tpu.memory_space<vmem_shared>>
      tpu.wait_indirect_dma semaphore(%arg24 : memref<!tpu.dma_semaphore, #tpu.memory_space<semaphore_mem>>) src(%arg8 : memref<128x64xf32, #tpu.memory_space<vmem>>) dst(%dma_wait3A_268 : memref<10240x64xf32, #tpu.memory_space<vmem_shared>>)
      %dma_wait3A_269 = arith.constant 0 : i32
      %dma_wait3A_270 = tpu.memref_slice %arg7[%add3A_224, %dma_wait3A_269] : memref<80x128xi32, #tpu.memory_space<vmem>> -> memref<1x128xi32, #tpu.memory_space<vmem>>
      %dma_wait3A_271 = tpu.memref_squeeze %dma_wait3A_270 : memref<1x128xi32, #tpu.memory_space<vmem>> -> memref<128xi32, #tpu.memory_space<vmem>>
      %dma_wait3A_272 = arith.constant 0 : i32
      %dma_wait3A_273 = arith.constant 0 : i32
      %dma_wait3A_274 = tpu.memref_slice %arg32[%dma_wait3A_272, %dma_wait3A_273] : memref<10240x64xf32, #tpu.memory_space<vmem_shared>> -> memref<10240x64xf32, #tpu.memory_space<vmem_shared>>
      tpu.wait_indirect_dma semaphore(%arg25 : memref<!tpu.dma_semaphore, #tpu.memory_space<semaphore_mem>>) src(%arg9 : memref<128x64xf32, #tpu.memory_space<vmem>>) dst(%dma_wait3A_274 : memref<10240x64xf32, #tpu.memory_space<vmem_shared>>)
      %dma_wait3A_275 = arith.constant 0 : i32
      %dma_wait3A_276 = tpu.memref_slice %arg7[%add3A_240, %dma_wait3A_275] : memref<80x128xi32, #tpu.memory_space<vmem>> -> memref<1x128xi32, #tpu.memory_space<vmem>>
      %dma_wait3A_277 = tpu.memref_squeeze %dma_wait3A_276 : memref<1x128xi32, #tpu.memory_space<vmem>> -> memref<128xi32, #tpu.memory_space<vmem>>
      %dma_wait3A_278 = arith.constant 0 : i32
      %dma_wait3A_279 = arith.constant 0 : i32
      %dma_wait3A_280 = tpu.memref_slice %arg32[%dma_wait3A_278, %dma_wait3A_279] : memref<10240x64xf32, #tpu.memory_space<vmem_shared>> -> memref<10240x64xf32, #tpu.memory_space<vmem_shared>>
      tpu.wait_indirect_dma semaphore(%arg26 : memref<!tpu.dma_semaphore, #tpu.memory_space<semaphore_mem>>) src(%arg10 : memref<128x64xf32, #tpu.memory_space<vmem>>) dst(%dma_wait3A_280 : memref<10240x64xf32, #tpu.memory_space<vmem_shared>>)
      %dma_wait3A_281 = arith.constant 0 : i32
      %dma_wait3A_282 = tpu.memref_slice %arg7[%add3A_256, %dma_wait3A_281] : memref<80x128xi32, #tpu.memory_space<vmem>> -> memref<1x128xi32, #tpu.memory_space<vmem>>
      %dma_wait3A_283 = tpu.memref_squeeze %dma_wait3A_282 : memref<1x128xi32, #tpu.memory_space<vmem>> -> memref<128xi32, #tpu.memory_space<vmem>>
      %dma_wait3A_284 = arith.constant 0 : i32
      %dma_wait3A_285 = arith.constant 0 : i32
      %dma_wait3A_286 = tpu.memref_slice %arg32[%dma_wait3A_284, %dma_wait3A_285] : memref<10240x64xf32, #tpu.memory_space<vmem_shared>> -> memref<10240x64xf32, #tpu.memory_space<vmem_shared>>
      tpu.wait_indirect_dma semaphore(%arg27 : memref<!tpu.dma_semaphore, #tpu.memory_space<semaphore_mem>>) src(%arg11 : memref<128x64xf32, #tpu.memory_space<vmem>>) dst(%dma_wait3A_286 : memref<10240x64xf32, #tpu.memory_space<vmem_shared>>)
      %lt3A = arith.constant 9 : i32
      %lt3A_287 = arith.cmpi slt, %scan3A_163, %lt3A : i32
      %convert_element_type3A = arith.extui %lt3A_287 : i1 to i32
      %cond3A = arith.constant 0 : i32
      %cond3A_288 = arith.cmpi ne, %convert_element_type3A, %cond3A : i32
      scf.if %cond3A_288 {
        %add3A_377 = arith.constant 8 : i32
        %add3A_378 = arith.addi %mul3A_165, %add3A_377 : i32
        %add3A_379 = arith.constant 0 : i32
        %add3A_380 = arith.addi %add3A_378, %add3A_379 : i32
        %dma_start3A_381 = arith.constant 0 : i32
        %dma_start3A_382 = tpu.memref_slice %arg6[%add3A_380, %dma_start3A_381] : memref<80x128xi32, #tpu.memory_space<vmem>> -> memref<1x128xi32, #tpu.memory_space<vmem>>
        %dma_start3A_383 = tpu.memref_squeeze %dma_start3A_382 : memref<1x128xi32, #tpu.memory_space<vmem>> -> memref<128xi32, #tpu.memory_space<vmem>>
        %dma_start3A_384 = arith.constant 0 : i32
        %dma_start3A_385 = arith.constant 0 : i32
        %dma_start3A_386 = tpu.memref_slice %arg2[%dma_start3A_384, %dma_start3A_385] : memref<40960x64xf32, #tpu.memory_space<hbm>> -> memref<40960x64xf32, #tpu.memory_space<hbm>>
        tpu.enqueue_indirect_dma source(%dma_start3A_386 : memref<40960x64xf32, #tpu.memory_space<hbm>>) target(%arg8 : memref<128x64xf32, #tpu.memory_space<vmem>>) offsets(%dma_start3A_383 : memref<128xi32, #tpu.memory_space<vmem>>) semaphore(%arg16 : memref<!tpu.dma_semaphore, #tpu.memory_space<semaphore_mem>>)
        %add3A_387 = arith.constant 1 : i32
        %add3A_388 = arith.addi %add3A_378, %add3A_387 : i32
        %dma_start3A_389 = arith.constant 0 : i32
        %dma_start3A_390 = tpu.memref_slice %arg6[%add3A_388, %dma_start3A_389] : memref<80x128xi32, #tpu.memory_space<vmem>> -> memref<1x128xi32, #tpu.memory_space<vmem>>
        %dma_start3A_391 = tpu.memref_squeeze %dma_start3A_390 : memref<1x128xi32, #tpu.memory_space<vmem>> -> memref<128xi32, #tpu.memory_space<vmem>>
        %dma_start3A_392 = arith.constant 0 : i32
        %dma_start3A_393 = arith.constant 0 : i32
        %dma_start3A_394 = tpu.memref_slice %arg2[%dma_start3A_392, %dma_start3A_393] : memref<40960x64xf32, #tpu.memory_space<hbm>> -> memref<40960x64xf32, #tpu.memory_space<hbm>>
        tpu.enqueue_indirect_dma source(%dma_start3A_394 : memref<40960x64xf32, #tpu.memory_space<hbm>>) target(%arg9 : memref<128x64xf32, #tpu.memory_space<vmem>>) offsets(%dma_start3A_391 : memref<128xi32, #tpu.memory_space<vmem>>) semaphore(%arg17 : memref<!tpu.dma_semaphore, #tpu.memory_space<semaphore_mem>>)
        %add3A_395 = arith.constant 2 : i32
        %add3A_396 = arith.addi %add3A_378, %add3A_395 : i32
        %dma_start3A_397 = arith.constant 0 : i32
        %dma_start3A_398 = tpu.memref_slice %arg6[%add3A_396, %dma_start3A_397] : memref<80x128xi32, #tpu.memory_space<vmem>> -> memref<1x128xi32, #tpu.memory_space<vmem>>
        %dma_start3A_399 = tpu.memref_squeeze %dma_start3A_398 : memref<1x128xi32, #tpu.memory_space<vmem>> -> memref<128xi32, #tpu.memory_space<vmem>>
        %dma_start3A_400 = arith.constant 0 : i32
        %dma_start3A_401 = arith.constant 0 : i32
        %dma_start3A_402 = tpu.memref_slice %arg2[%dma_start3A_400, %dma_start3A_401] : memref<40960x64xf32, #tpu.memory_space<hbm>> -> memref<40960x64xf32, #tpu.memory_space<hbm>>
        tpu.enqueue_indirect_dma source(%dma_start3A_402 : memref<40960x64xf32, #tpu.memory_space<hbm>>) target(%arg10 : memref<128x64xf32, #tpu.memory_space<vmem>>) offsets(%dma_start3A_399 : memref<128xi32, #tpu.memory_space<vmem>>) semaphore(%arg18 : memref<!tpu.dma_semaphore, #tpu.memory_space<semaphore_mem>>)
        %add3A_403 = arith.constant 3 : i32
        %add3A_404 = arith.addi %add3A_378, %add3A_403 : i32
        %dma_start3A_405 = arith.constant 0 : i32
        %dma_start3A_406 = tpu.memref_slice %arg6[%add3A_404, %dma_start3A_405] : memref<80x128xi32, #tpu.memory_space<vmem>> -> memref<1x128xi32, #tpu.memory_space<vmem>>
        %dma_start3A_407 = tpu.memref_squeeze %dma_start3A_406 : memref<1x128xi32, #tpu.memory_space<vmem>> -> memref<128xi32, #tpu.memory_space<vmem>>
        %dma_start3A_408 = arith.constant 0 : i32
        %dma_start3A_409 = arith.constant 0 : i32
        %dma_start3A_410 = tpu.memref_slice %arg2[%dma_start3A_408, %dma_start3A_409] : memref<40960x64xf32, #tpu.memory_space<hbm>> -> memref<40960x64xf32, #tpu.memory_space<hbm>>
        tpu.enqueue_indirect_dma source(%dma_start3A_410 : memref<40960x64xf32, #tpu.memory_space<hbm>>) target(%arg11 : memref<128x64xf32, #tpu.memory_space<vmem>>) offsets(%dma_start3A_407 : memref<128xi32, #tpu.memory_space<vmem>>) semaphore(%arg19 : memref<!tpu.dma_semaphore, #tpu.memory_space<semaphore_mem>>)
      } else {
      }
      %add3A_289 = arith.constant 0 : i32
      %add3A_290 = arith.addi %add3A_167, %add3A_289 : i32
      %dma_wait3A_291 = arith.constant 0 : i32
      %dma_wait3A_292 = tpu.memref_slice %arg6[%add3A_290, %dma_wait3A_291] : memref<80x128xi32, #tpu.memory_space<vmem>> -> memref<1x128xi32, #tpu.memory_space<vmem>>
      %dma_wait3A_293 = tpu.memref_squeeze %dma_wait3A_292 : memref<1x128xi32, #tpu.memory_space<vmem>> -> memref<128xi32, #tpu.memory_space<vmem>>
      %dma_wait3A_294 = arith.constant 0 : i32
      %dma_wait3A_295 = arith.constant 0 : i32
      %dma_wait3A_296 = tpu.memref_slice %arg2[%dma_wait3A_294, %dma_wait3A_295] : memref<40960x64xf32, #tpu.memory_space<hbm>> -> memref<40960x64xf32, #tpu.memory_space<hbm>>
      tpu.wait_indirect_dma semaphore(%arg20 : memref<!tpu.dma_semaphore, #tpu.memory_space<semaphore_mem>>) src(%dma_wait3A_296 : memref<40960x64xf32, #tpu.memory_space<hbm>>) dst(%arg12 : memref<128x64xf32, #tpu.memory_space<vmem>>)
      %add3A_297 = arith.constant 0 : i32
      %add3A_298 = arith.addi %add3A_167, %add3A_297 : i32
      %dma_start3A_299 = arith.constant 0 : i32
      %dma_start3A_300 = tpu.memref_slice %arg7[%add3A_298, %dma_start3A_299] : memref<80x128xi32, #tpu.memory_space<vmem>> -> memref<1x128xi32, #tpu.memory_space<vmem>>
      %dma_start3A_301 = tpu.memref_squeeze %dma_start3A_300 : memref<1x128xi32, #tpu.memory_space<vmem>> -> memref<128xi32, #tpu.memory_space<vmem>>
      %dma_start3A_302 = arith.constant 0 : i32
      %dma_start3A_303 = arith.constant 0 : i32
      %dma_start3A_304 = tpu.memref_slice %arg32[%dma_start3A_302, %dma_start3A_303] : memref<10240x64xf32, #tpu.memory_space<vmem_shared>> -> memref<10240x64xf32, #tpu.memory_space<vmem_shared>>
      tpu.enqueue_indirect_dma source(%arg12 : memref<128x64xf32, #tpu.memory_space<vmem>>) target(%dma_start3A_304 : memref<10240x64xf32, #tpu.memory_space<vmem_shared>>) offsets(%dma_start3A_301 : memref<128xi32, #tpu.memory_space<vmem>>) semaphore(%arg28 : memref<!tpu.dma_semaphore, #tpu.memory_space<semaphore_mem>>) {add = true}
      %add3A_305 = arith.constant 1 : i32
      %add3A_306 = arith.addi %add3A_167, %add3A_305 : i32
      %dma_wait3A_307 = arith.constant 0 : i32
      %dma_wait3A_308 = tpu.memref_slice %arg6[%add3A_306, %dma_wait3A_307] : memref<80x128xi32, #tpu.memory_space<vmem>> -> memref<1x128xi32, #tpu.memory_space<vmem>>
      %dma_wait3A_309 = tpu.memref_squeeze %dma_wait3A_308 : memref<1x128xi32, #tpu.memory_space<vmem>> -> memref<128xi32, #tpu.memory_space<vmem>>
      %dma_wait3A_310 = arith.constant 0 : i32
      %dma_wait3A_311 = arith.constant 0 : i32
      %dma_wait3A_312 = tpu.memref_slice %arg2[%dma_wait3A_310, %dma_wait3A_311] : memref<40960x64xf32, #tpu.memory_space<hbm>> -> memref<40960x64xf32, #tpu.memory_space<hbm>>
      tpu.wait_indirect_dma semaphore(%arg21 : memref<!tpu.dma_semaphore, #tpu.memory_space<semaphore_mem>>) src(%dma_wait3A_312 : memref<40960x64xf32, #tpu.memory_space<hbm>>) dst(%arg13 : memref<128x64xf32, #tpu.memory_space<vmem>>)
      %add3A_313 = arith.constant 1 : i32
      %add3A_314 = arith.addi %add3A_167, %add3A_313 : i32
      %dma_start3A_315 = arith.constant 0 : i32
      %dma_start3A_316 = tpu.memref_slice %arg7[%add3A_314, %dma_start3A_315] : memref<80x128xi32, #tpu.memory_space<vmem>> -> memref<1x128xi32, #tpu.memory_space<vmem>>
      %dma_start3A_317 = tpu.memref_squeeze %dma_start3A_316 : memref<1x128xi32, #tpu.memory_space<vmem>> -> memref<128xi32, #tpu.memory_space<vmem>>
      %dma_start3A_318 = arith.constant 0 : i32
      %dma_start3A_319 = arith.constant 0 : i32
      %dma_start3A_320 = tpu.memref_slice %arg32[%dma_start3A_318, %dma_start3A_319] : memref<10240x64xf32, #tpu.memory_space<vmem_shared>> -> memref<10240x64xf32, #tpu.memory_space<vmem_shared>>
      tpu.enqueue_indirect_dma source(%arg13 : memref<128x64xf32, #tpu.memory_space<vmem>>) target(%dma_start3A_320 : memref<10240x64xf32, #tpu.memory_space<vmem_shared>>) offsets(%dma_start3A_317 : memref<128xi32, #tpu.memory_space<vmem>>) semaphore(%arg29 : memref<!tpu.dma_semaphore, #tpu.memory_space<semaphore_mem>>) {add = true}
      %add3A_321 = arith.constant 2 : i32
      %add3A_322 = arith.addi %add3A_167, %add3A_321 : i32
      %dma_wait3A_323 = arith.constant 0 : i32
      %dma_wait3A_324 = tpu.memref_slice %arg6[%add3A_322, %dma_wait3A_323] : memref<80x128xi32, #tpu.memory_space<vmem>> -> memref<1x128xi32, #tpu.memory_space<vmem>>
      %dma_wait3A_325 = tpu.memref_squeeze %dma_wait3A_324 : memref<1x128xi32, #tpu.memory_space<vmem>> -> memref<128xi32, #tpu.memory_space<vmem>>
      %dma_wait3A_326 = arith.constant 0 : i32
      %dma_wait3A_327 = arith.constant 0 : i32
      %dma_wait3A_328 = tpu.memref_slice %arg2[%dma_wait3A_326, %dma_wait3A_327] : memref<40960x64xf32, #tpu.memory_space<hbm>> -> memref<40960x64xf32, #tpu.memory_space<hbm>>
      tpu.wait_indirect_dma semaphore(%arg22 : memref<!tpu.dma_semaphore, #tpu.memory_space<semaphore_mem>>) src(%dma_wait3A_328 : memref<40960x64xf32, #tpu.memory_space<hbm>>) dst(%arg14 : memref<128x64xf32, #tpu.memory_space<vmem>>)
      %add3A_329 = arith.constant 2 : i32
      %add3A_330 = arith.addi %add3A_167, %add3A_329 : i32
      %dma_start3A_331 = arith.constant 0 : i32
      %dma_start3A_332 = tpu.memref_slice %arg7[%add3A_330, %dma_start3A_331] : memref<80x128xi32, #tpu.memory_space<vmem>> -> memref<1x128xi32, #tpu.memory_space<vmem>>
      %dma_start3A_333 = tpu.memref_squeeze %dma_start3A_332 : memref<1x128xi32, #tpu.memory_space<vmem>> -> memref<128xi32, #tpu.memory_space<vmem>>
      %dma_start3A_334 = arith.constant 0 : i32
      %dma_start3A_335 = arith.constant 0 : i32
      %dma_start3A_336 = tpu.memref_slice %arg32[%dma_start3A_334, %dma_start3A_335] : memref<10240x64xf32, #tpu.memory_space<vmem_shared>> -> memref<10240x64xf32, #tpu.memory_space<vmem_shared>>
      tpu.enqueue_indirect_dma source(%arg14 : memref<128x64xf32, #tpu.memory_space<vmem>>) target(%dma_start3A_336 : memref<10240x64xf32, #tpu.memory_space<vmem_shared>>) offsets(%dma_start3A_333 : memref<128xi32, #tpu.memory_space<vmem>>) semaphore(%arg30 : memref<!tpu.dma_semaphore, #tpu.memory_space<semaphore_mem>>) {add = true}
      %add3A_337 = arith.constant 3 : i32
      %add3A_338 = arith.addi %add3A_167, %add3A_337 : i32
      %dma_wait3A_339 = arith.constant 0 : i32
      %dma_wait3A_340 = tpu.memref_slice %arg6[%add3A_338, %dma_wait3A_339] : memref<80x128xi32, #tpu.memory_space<vmem>> -> memref<1x128xi32, #tpu.memory_space<vmem>>
      %dma_wait3A_341 = tpu.memref_squeeze %dma_wait3A_340 : memref<1x128xi32, #tpu.memory_space<vmem>> -> memref<128xi32, #tpu.memory_space<vmem>>
      %dma_wait3A_342 = arith.constant 0 : i32
      %dma_wait3A_343 = arith.constant 0 : i32
      %dma_wait3A_344 = tpu.memref_slice %arg2[%dma_wait3A_342, %dma_wait3A_343] : memref<40960x64xf32, #tpu.memory_space<hbm>> -> memref<40960x64xf32, #tpu.memory_space<hbm>>
      tpu.wait_indirect_dma semaphore(%arg23 : memref<!tpu.dma_semaphore, #tpu.memory_space<semaphore_mem>>) src(%dma_wait3A_344 : memref<40960x64xf32, #tpu.memory_space<hbm>>) dst(%arg15 : memref<128x64xf32, #tpu.memory_space<vmem>>)
      %add3A_345 = arith.constant 3 : i32
      %add3A_346 = arith.addi %add3A_167, %add3A_345 : i32
      %dma_start3A_347 = arith.constant 0 : i32
      %dma_start3A_348 = tpu.memref_slice %arg7[%add3A_346, %dma_start3A_347] : memref<80x128xi32, #tpu.memory_space<vmem>> -> memref<1x128xi32, #tpu.memory_space<vmem>>
      %dma_start3A_349 = tpu.memref_squeeze %dma_start3A_348 : memref<1x128xi32, #tpu.memory_space<vmem>> -> memref<128xi32, #tpu.memory_space<vmem>>
      %dma_start3A_350 = arith.constant 0 : i32
      %dma_start3A_351 = arith.constant 0 : i32
      %dma_start3A_352 = tpu.memref_slice %arg32[%dma_start3A_350, %dma_start3A_351] : memref<10240x64xf32, #tpu.memory_space<vmem_shared>> -> memref<10240x64xf32, #tpu.memory_space<vmem_shared>>
      tpu.enqueue_indirect_dma source(%arg15 : memref<128x64xf32, #tpu.memory_space<vmem>>) target(%dma_start3A_352 : memref<10240x64xf32, #tpu.memory_space<vmem_shared>>) offsets(%dma_start3A_349 : memref<128xi32, #tpu.memory_space<vmem>>) semaphore(%arg31 : memref<!tpu.dma_semaphore, #tpu.memory_space<semaphore_mem>>) {add = true}
      %dma_wait3A_353 = arith.constant 0 : i32
      %dma_wait3A_354 = tpu.memref_slice %arg7[%add3A_298, %dma_wait3A_353] : memref<80x128xi32, #tpu.memory_space<vmem>> -> memref<1x128xi32, #tpu.memory_space<vmem>>
      %dma_wait3A_355 = tpu.memref_squeeze %dma_wait3A_354 : memref<1x128xi32, #tpu.memory_space<vmem>> -> memref<128xi32, #tpu.memory_space<vmem>>
      %dma_wait3A_356 = arith.constant 0 : i32
      %dma_wait3A_357 = arith.constant 0 : i32
      %dma_wait3A_358 = tpu.memref_slice %arg32[%dma_wait3A_356, %dma_wait3A_357] : memref<10240x64xf32, #tpu.memory_space<vmem_shared>> -> memref<10240x64xf32, #tpu.memory_space<vmem_shared>>
      tpu.wait_indirect_dma semaphore(%arg28 : memref<!tpu.dma_semaphore, #tpu.memory_space<semaphore_mem>>) src(%arg12 : memref<128x64xf32, #tpu.memory_space<vmem>>) dst(%dma_wait3A_358 : memref<10240x64xf32, #tpu.memory_space<vmem_shared>>)
      %dma_wait3A_359 = arith.constant 0 : i32
      %dma_wait3A_360 = tpu.memref_slice %arg7[%add3A_314, %dma_wait3A_359] : memref<80x128xi32, #tpu.memory_space<vmem>> -> memref<1x128xi32, #tpu.memory_space<vmem>>
      %dma_wait3A_361 = tpu.memref_squeeze %dma_wait3A_360 : memref<1x128xi32, #tpu.memory_space<vmem>> -> memref<128xi32, #tpu.memory_space<vmem>>
      %dma_wait3A_362 = arith.constant 0 : i32
      %dma_wait3A_363 = arith.constant 0 : i32
      %dma_wait3A_364 = tpu.memref_slice %arg32[%dma_wait3A_362, %dma_wait3A_363] : memref<10240x64xf32, #tpu.memory_space<vmem_shared>> -> memref<10240x64xf32, #tpu.memory_space<vmem_shared>>
      tpu.wait_indirect_dma semaphore(%arg29 : memref<!tpu.dma_semaphore, #tpu.memory_space<semaphore_mem>>) src(%arg13 : memref<128x64xf32, #tpu.memory_space<vmem>>) dst(%dma_wait3A_364 : memref<10240x64xf32, #tpu.memory_space<vmem_shared>>)
      %dma_wait3A_365 = arith.constant 0 : i32
      %dma_wait3A_366 = tpu.memref_slice %arg7[%add3A_330, %dma_wait3A_365] : memref<80x128xi32, #tpu.memory_space<vmem>> -> memref<1x128xi32, #tpu.memory_space<vmem>>
      %dma_wait3A_367 = tpu.memref_squeeze %dma_wait3A_366 : memref<1x128xi32, #tpu.memory_space<vmem>> -> memref<128xi32, #tpu.memory_space<vmem>>
      %dma_wait3A_368 = arith.constant 0 : i32
      %dma_wait3A_369 = arith.constant 0 : i32
      %dma_wait3A_370 = tpu.memref_slice %arg32[%dma_wait3A_368, %dma_wait3A_369] : memref<10240x64xf32, #tpu.memory_space<vmem_shared>> -> memref<10240x64xf32, #tpu.memory_space<vmem_shared>>
      tpu.wait_indirect_dma semaphore(%arg30 : memref<!tpu.dma_semaphore, #tpu.memory_space<semaphore_mem>>) src(%arg14 : memref<128x64xf32, #tpu.memory_space<vmem>>) dst(%dma_wait3A_370 : memref<10240x64xf32, #tpu.memory_space<vmem_shared>>)
      %dma_wait3A_371 = arith.constant 0 : i32
      %dma_wait3A_372 = tpu.memref_slice %arg7[%add3A_346, %dma_wait3A_371] : memref<80x128xi32, #tpu.memory_space<vmem>> -> memref<1x128xi32, #tpu.memory_space<vmem>>
      %dma_wait3A_373 = tpu.memref_squeeze %dma_wait3A_372 : memref<1x128xi32, #tpu.memory_space<vmem>> -> memref<128xi32, #tpu.memory_space<vmem>>
      %dma_wait3A_374 = arith.constant 0 : i32
      %dma_wait3A_375 = arith.constant 0 : i32
      %dma_wait3A_376 = tpu.memref_slice %arg32[%dma_wait3A_374, %dma_wait3A_375] : memref<10240x64xf32, #tpu.memory_space<vmem_shared>> -> memref<10240x64xf32, #tpu.memory_space<vmem_shared>>
      tpu.wait_indirect_dma semaphore(%arg31 : memref<!tpu.dma_semaphore, #tpu.memory_space<semaphore_mem>>) src(%arg15 : memref<128x64xf32, #tpu.memory_space<vmem>>) dst(%dma_wait3A_376 : memref<10240x64xf32, #tpu.memory_space<vmem_shared>>)
    }
    %scan3A_141 = arith.constant 10 : i32
    %barrier3A_142 = arith.constant 0 : index
    tpu.barrier barrier_id(%barrier3A_142)
    %add3A_143 = arith.constant 0 : i32
    %add3A_144 = arith.addi %mul3A_0, %add3A_143 : i32
    "tpu.region"() ({
      %run_scoped3A = tpu.sem_alloc : memref<!tpu.dma_semaphore, #tpu.memory_space<semaphore_mem>>
      %dma_start3A_163 = arith.constant 0 : i32
      %dma_start3A_164 = tpu.memref_slice %arg32[%add3A_144, %dma_start3A_163] : memref<10240x64xf32, #tpu.memory_space<vmem_shared>> -> memref<128x64xf32, #tpu.memory_space<vmem_shared>>
      %dma_start3A_165 = arith.constant 0 : i32
      %dma_start3A_166 = tpu.memref_slice %arg32[%add3A_144, %dma_start3A_165] : memref<10240x64xf32, #tpu.memory_space<vmem_shared>> -> memref<128x64xf32, #tpu.memory_space<vmem_shared>>
      tpu.enqueue_dma source(%dma_start3A_166 : memref<128x64xf32, #tpu.memory_space<vmem_shared>>) target(%arg8 : memref<128x64xf32, #tpu.memory_space<vmem>>) target_semaphore(%run_scoped3A : memref<!tpu.dma_semaphore, #tpu.memory_space<semaphore_mem>>)
      %dma_wait3A = arith.constant 0 : i32
      %dma_wait3A_167 = tpu.memref_slice %arg32[%add3A_144, %dma_wait3A] : memref<10240x64xf32, #tpu.memory_space<vmem_shared>> -> memref<128x64xf32, #tpu.memory_space<vmem_shared>>
      %dma_wait3A_168 = arith.constant 0 : i32
      %dma_wait3A_169 = tpu.memref_slice %arg32[%add3A_144, %dma_wait3A_168] : memref<10240x64xf32, #tpu.memory_space<vmem_shared>> -> memref<128x64xf32, #tpu.memory_space<vmem_shared>>
      tpu.wait_dma2 semaphore(%run_scoped3A : memref<!tpu.dma_semaphore, #tpu.memory_space<semaphore_mem>>) src(%dma_wait3A_169 : memref<128x64xf32, #tpu.memory_space<vmem_shared>>) dst(%arg8 : memref<128x64xf32, #tpu.memory_space<vmem>>)
      tpu.yield
    }) : () -> ()
    %add3A_145 = arith.constant 0 : i32
    %add3A_146 = arith.addi %add3A_86, %add3A_145 : i32
    "tpu.region"() ({
      %run_scoped3A = tpu.sem_alloc : memref<!tpu.dma_semaphore, #tpu.memory_space<semaphore_mem>>
      %dma_start3A_163 = arith.constant 0 : i32
      %dma_start3A_164 = tpu.memref_slice %arg5[%add3A_146, %dma_start3A_163] : memref<40960x64xf32, #tpu.memory_space<hbm>> -> memref<128x64xf32, #tpu.memory_space<hbm>>
      %dma_start3A_165 = arith.constant 0 : i32
      %dma_start3A_166 = tpu.memref_slice %arg5[%add3A_146, %dma_start3A_165] : memref<40960x64xf32, #tpu.memory_space<hbm>> -> memref<128x64xf32, #tpu.memory_space<hbm>>
      tpu.enqueue_dma source(%arg8 : memref<128x64xf32, #tpu.memory_space<vmem>>) target(%dma_start3A_166 : memref<128x64xf32, #tpu.memory_space<hbm>>) target_semaphore(%run_scoped3A : memref<!tpu.dma_semaphore, #tpu.memory_space<semaphore_mem>>)
      %dma_wait3A = arith.constant 0 : i32
      %dma_wait3A_167 = tpu.memref_slice %arg5[%add3A_146, %dma_wait3A] : memref<40960x64xf32, #tpu.memory_space<hbm>> -> memref<128x64xf32, #tpu.memory_space<hbm>>
      %dma_wait3A_168 = arith.constant 0 : i32
      %dma_wait3A_169 = tpu.memref_slice %arg5[%add3A_146, %dma_wait3A_168] : memref<40960x64xf32, #tpu.memory_space<hbm>> -> memref<128x64xf32, #tpu.memory_space<hbm>>
      tpu.wait_dma2 semaphore(%run_scoped3A : memref<!tpu.dma_semaphore, #tpu.memory_space<semaphore_mem>>) src(%arg8 : memref<128x64xf32, #tpu.memory_space<vmem>>) dst(%dma_wait3A_169 : memref<128x64xf32, #tpu.memory_space<hbm>>)
      tpu.yield
    }) : () -> ()
    %add3A_147 = arith.constant 128 : i32
    %add3A_148 = arith.addi %mul3A_0, %add3A_147 : i32
    "tpu.region"() ({
      %run_scoped3A = tpu.sem_alloc : memref<!tpu.dma_semaphore, #tpu.memory_space<semaphore_mem>>
      %dma_start3A_163 = arith.constant 0 : i32
      %dma_start3A_164 = tpu.memref_slice %arg32[%add3A_148, %dma_start3A_163] : memref<10240x64xf32, #tpu.memory_space<vmem_shared>> -> memref<128x64xf32, #tpu.memory_space<vmem_shared>>
      %dma_start3A_165 = arith.constant 0 : i32
      %dma_start3A_166 = tpu.memref_slice %arg32[%add3A_148, %dma_start3A_165] : memref<10240x64xf32, #tpu.memory_space<vmem_shared>> -> memref<128x64xf32, #tpu.memory_space<vmem_shared>>
      tpu.enqueue_dma source(%dma_start3A_166 : memref<128x64xf32, #tpu.memory_space<vmem_shared>>) target(%arg8 : memref<128x64xf32, #tpu.memory_space<vmem>>) target_semaphore(%run_scoped3A : memref<!tpu.dma_semaphore, #tpu.memory_space<semaphore_mem>>)
      %dma_wait3A = arith.constant 0 : i32
      %dma_wait3A_167 = tpu.memref_slice %arg32[%add3A_148, %dma_wait3A] : memref<10240x64xf32, #tpu.memory_space<vmem_shared>> -> memref<128x64xf32, #tpu.memory_space<vmem_shared>>
      %dma_wait3A_168 = arith.constant 0 : i32
      %dma_wait3A_169 = tpu.memref_slice %arg32[%add3A_148, %dma_wait3A_168] : memref<10240x64xf32, #tpu.memory_space<vmem_shared>> -> memref<128x64xf32, #tpu.memory_space<vmem_shared>>
      tpu.wait_dma2 semaphore(%run_scoped3A : memref<!tpu.dma_semaphore, #tpu.memory_space<semaphore_mem>>) src(%dma_wait3A_169 : memref<128x64xf32, #tpu.memory_space<vmem_shared>>) dst(%arg8 : memref<128x64xf32, #tpu.memory_space<vmem>>)
      tpu.yield
    }) : () -> ()
    %add3A_149 = arith.constant 128 : i32
    %add3A_150 = arith.addi %add3A_86, %add3A_149 : i32
    "tpu.region"() ({
      %run_scoped3A = tpu.sem_alloc : memref<!tpu.dma_semaphore, #tpu.memory_space<semaphore_mem>>
      %dma_start3A_163 = arith.constant 0 : i32
      %dma_start3A_164 = tpu.memref_slice %arg5[%add3A_150, %dma_start3A_163] : memref<40960x64xf32, #tpu.memory_space<hbm>> -> memref<128x64xf32, #tpu.memory_space<hbm>>
      %dma_start3A_165 = arith.constant 0 : i32
      %dma_start3A_166 = tpu.memref_slice %arg5[%add3A_150, %dma_start3A_165] : memref<40960x64xf32, #tpu.memory_space<hbm>> -> memref<128x64xf32, #tpu.memory_space<hbm>>
      tpu.enqueue_dma source(%arg8 : memref<128x64xf32, #tpu.memory_space<vmem>>) target(%dma_start3A_166 : memref<128x64xf32, #tpu.memory_space<hbm>>) target_semaphore(%run_scoped3A : memref<!tpu.dma_semaphore, #tpu.memory_space<semaphore_mem>>)
      %dma_wait3A = arith.constant 0 : i32
      %dma_wait3A_167 = tpu.memref_slice %arg5[%add3A_150, %dma_wait3A] : memref<40960x64xf32, #tpu.memory_space<hbm>> -> memref<128x64xf32, #tpu.memory_space<hbm>>
      %dma_wait3A_168 = arith.constant 0 : i32
      %dma_wait3A_169 = tpu.memref_slice %arg5[%add3A_150, %dma_wait3A_168] : memref<40960x64xf32, #tpu.memory_space<hbm>> -> memref<128x64xf32, #tpu.memory_space<hbm>>
      tpu.wait_dma2 semaphore(%run_scoped3A : memref<!tpu.dma_semaphore, #tpu.memory_space<semaphore_mem>>) src(%arg8 : memref<128x64xf32, #tpu.memory_space<vmem>>) dst(%dma_wait3A_169 : memref<128x64xf32, #tpu.memory_space<hbm>>)
      tpu.yield
    }) : () -> ()
    %add3A_151 = arith.constant 256 : i32
    %add3A_152 = arith.addi %mul3A_0, %add3A_151 : i32
    "tpu.region"() ({
      %run_scoped3A = tpu.sem_alloc : memref<!tpu.dma_semaphore, #tpu.memory_space<semaphore_mem>>
      %dma_start3A_163 = arith.constant 0 : i32
      %dma_start3A_164 = tpu.memref_slice %arg32[%add3A_152, %dma_start3A_163] : memref<10240x64xf32, #tpu.memory_space<vmem_shared>> -> memref<128x64xf32, #tpu.memory_space<vmem_shared>>
      %dma_start3A_165 = arith.constant 0 : i32
      %dma_start3A_166 = tpu.memref_slice %arg32[%add3A_152, %dma_start3A_165] : memref<10240x64xf32, #tpu.memory_space<vmem_shared>> -> memref<128x64xf32, #tpu.memory_space<vmem_shared>>
      tpu.enqueue_dma source(%dma_start3A_166 : memref<128x64xf32, #tpu.memory_space<vmem_shared>>) target(%arg8 : memref<128x64xf32, #tpu.memory_space<vmem>>) target_semaphore(%run_scoped3A : memref<!tpu.dma_semaphore, #tpu.memory_space<semaphore_mem>>)
      %dma_wait3A = arith.constant 0 : i32
      %dma_wait3A_167 = tpu.memref_slice %arg32[%add3A_152, %dma_wait3A] : memref<10240x64xf32, #tpu.memory_space<vmem_shared>> -> memref<128x64xf32, #tpu.memory_space<vmem_shared>>
      %dma_wait3A_168 = arith.constant 0 : i32
      %dma_wait3A_169 = tpu.memref_slice %arg32[%add3A_152, %dma_wait3A_168] : memref<10240x64xf32, #tpu.memory_space<vmem_shared>> -> memref<128x64xf32, #tpu.memory_space<vmem_shared>>
      tpu.wait_dma2 semaphore(%run_scoped3A : memref<!tpu.dma_semaphore, #tpu.memory_space<semaphore_mem>>) src(%dma_wait3A_169 : memref<128x64xf32, #tpu.memory_space<vmem_shared>>) dst(%arg8 : memref<128x64xf32, #tpu.memory_space<vmem>>)
      tpu.yield
    }) : () -> ()
    %add3A_153 = arith.constant 256 : i32
    %add3A_154 = arith.addi %add3A_86, %add3A_153 : i32
    "tpu.region"() ({
      %run_scoped3A = tpu.sem_alloc : memref<!tpu.dma_semaphore, #tpu.memory_space<semaphore_mem>>
      %dma_start3A_163 = arith.constant 0 : i32
      %dma_start3A_164 = tpu.memref_slice %arg5[%add3A_154, %dma_start3A_163] : memref<40960x64xf32, #tpu.memory_space<hbm>> -> memref<128x64xf32, #tpu.memory_space<hbm>>
      %dma_start3A_165 = arith.constant 0 : i32
      %dma_start3A_166 = tpu.memref_slice %arg5[%add3A_154, %dma_start3A_165] : memref<40960x64xf32, #tpu.memory_space<hbm>> -> memref<128x64xf32, #tpu.memory_space<hbm>>
      tpu.enqueue_dma source(%arg8 : memref<128x64xf32, #tpu.memory_space<vmem>>) target(%dma_start3A_166 : memref<128x64xf32, #tpu.memory_space<hbm>>) target_semaphore(%run_scoped3A : memref<!tpu.dma_semaphore, #tpu.memory_space<semaphore_mem>>)
      %dma_wait3A = arith.constant 0 : i32
      %dma_wait3A_167 = tpu.memref_slice %arg5[%add3A_154, %dma_wait3A] : memref<40960x64xf32, #tpu.memory_space<hbm>> -> memref<128x64xf32, #tpu.memory_space<hbm>>
      %dma_wait3A_168 = arith.constant 0 : i32
      %dma_wait3A_169 = tpu.memref_slice %arg5[%add3A_154, %dma_wait3A_168] : memref<40960x64xf32, #tpu.memory_space<hbm>> -> memref<128x64xf32, #tpu.memory_space<hbm>>
      tpu.wait_dma2 semaphore(%run_scoped3A : memref<!tpu.dma_semaphore, #tpu.memory_space<semaphore_mem>>) src(%arg8 : memref<128x64xf32, #tpu.memory_space<vmem>>) dst(%dma_wait3A_169 : memref<128x64xf32, #tpu.memory_space<hbm>>)
      tpu.yield
    }) : () -> ()
    %add3A_155 = arith.constant 384 : i32
    %add3A_156 = arith.addi %mul3A_0, %add3A_155 : i32
    "tpu.region"() ({
      %run_scoped3A = tpu.sem_alloc : memref<!tpu.dma_semaphore, #tpu.memory_space<semaphore_mem>>
      %dma_start3A_163 = arith.constant 0 : i32
      %dma_start3A_164 = tpu.memref_slice %arg32[%add3A_156, %dma_start3A_163] : memref<10240x64xf32, #tpu.memory_space<vmem_shared>> -> memref<128x64xf32, #tpu.memory_space<vmem_shared>>
      %dma_start3A_165 = arith.constant 0 : i32
      %dma_start3A_166 = tpu.memref_slice %arg32[%add3A_156, %dma_start3A_165] : memref<10240x64xf32, #tpu.memory_space<vmem_shared>> -> memref<128x64xf32, #tpu.memory_space<vmem_shared>>
      tpu.enqueue_dma source(%dma_start3A_166 : memref<128x64xf32, #tpu.memory_space<vmem_shared>>) target(%arg8 : memref<128x64xf32, #tpu.memory_space<vmem>>) target_semaphore(%run_scoped3A : memref<!tpu.dma_semaphore, #tpu.memory_space<semaphore_mem>>)
      %dma_wait3A = arith.constant 0 : i32
      %dma_wait3A_167 = tpu.memref_slice %arg32[%add3A_156, %dma_wait3A] : memref<10240x64xf32, #tpu.memory_space<vmem_shared>> -> memref<128x64xf32, #tpu.memory_space<vmem_shared>>
      %dma_wait3A_168 = arith.constant 0 : i32
      %dma_wait3A_169 = tpu.memref_slice %arg32[%add3A_156, %dma_wait3A_168] : memref<10240x64xf32, #tpu.memory_space<vmem_shared>> -> memref<128x64xf32, #tpu.memory_space<vmem_shared>>
      tpu.wait_dma2 semaphore(%run_scoped3A : memref<!tpu.dma_semaphore, #tpu.memory_space<semaphore_mem>>) src(%dma_wait3A_169 : memref<128x64xf32, #tpu.memory_space<vmem_shared>>) dst(%arg8 : memref<128x64xf32, #tpu.memory_space<vmem>>)
      tpu.yield
    }) : () -> ()
    %add3A_157 = arith.constant 384 : i32
    %add3A_158 = arith.addi %add3A_86, %add3A_157 : i32
    "tpu.region"() ({
      %run_scoped3A = tpu.sem_alloc : memref<!tpu.dma_semaphore, #tpu.memory_space<semaphore_mem>>
      %dma_start3A_163 = arith.constant 0 : i32
      %dma_start3A_164 = tpu.memref_slice %arg5[%add3A_158, %dma_start3A_163] : memref<40960x64xf32, #tpu.memory_space<hbm>> -> memref<128x64xf32, #tpu.memory_space<hbm>>
      %dma_start3A_165 = arith.constant 0 : i32
      %dma_start3A_166 = tpu.memref_slice %arg5[%add3A_158, %dma_start3A_165] : memref<40960x64xf32, #tpu.memory_space<hbm>> -> memref<128x64xf32, #tpu.memory_space<hbm>>
      tpu.enqueue_dma source(%arg8 : memref<128x64xf32, #tpu.memory_space<vmem>>) target(%dma_start3A_166 : memref<128x64xf32, #tpu.memory_space<hbm>>) target_semaphore(%run_scoped3A : memref<!tpu.dma_semaphore, #tpu.memory_space<semaphore_mem>>)
      %dma_wait3A = arith.constant 0 : i32
      %dma_wait3A_167 = tpu.memref_slice %arg5[%add3A_158, %dma_wait3A] : memref<40960x64xf32, #tpu.memory_space<hbm>> -> memref<128x64xf32, #tpu.memory_space<hbm>>
      %dma_wait3A_168 = arith.constant 0 : i32
      %dma_wait3A_169 = tpu.memref_slice %arg5[%add3A_158, %dma_wait3A_168] : memref<40960x64xf32, #tpu.memory_space<hbm>> -> memref<128x64xf32, #tpu.memory_space<hbm>>
      tpu.wait_dma2 semaphore(%run_scoped3A : memref<!tpu.dma_semaphore, #tpu.memory_space<semaphore_mem>>) src(%arg8 : memref<128x64xf32, #tpu.memory_space<vmem>>) dst(%dma_wait3A_169 : memref<128x64xf32, #tpu.memory_space<hbm>>)
      tpu.yield
    }) : () -> ()
    %add3A_159 = arith.constant 512 : i32
    %add3A_160 = arith.addi %mul3A_0, %add3A_159 : i32
    "tpu.region"() ({
      %run_scoped3A = tpu.sem_alloc : memref<!tpu.dma_semaphore, #tpu.memory_space<semaphore_mem>>
      %dma_start3A_163 = arith.constant 0 : i32
      %dma_start3A_164 = tpu.memref_slice %arg32[%add3A_160, %dma_start3A_163] : memref<10240x64xf32, #tpu.memory_space<vmem_shared>> -> memref<128x64xf32, #tpu.memory_space<vmem_shared>>
      %dma_start3A_165 = arith.constant 0 : i32
      %dma_start3A_166 = tpu.memref_slice %arg32[%add3A_160, %dma_start3A_165] : memref<10240x64xf32, #tpu.memory_space<vmem_shared>> -> memref<128x64xf32, #tpu.memory_space<vmem_shared>>
      tpu.enqueue_dma source(%dma_start3A_166 : memref<128x64xf32, #tpu.memory_space<vmem_shared>>) target(%arg8 : memref<128x64xf32, #tpu.memory_space<vmem>>) target_semaphore(%run_scoped3A : memref<!tpu.dma_semaphore, #tpu.memory_space<semaphore_mem>>)
      %dma_wait3A = arith.constant 0 : i32
      %dma_wait3A_167 = tpu.memref_slice %arg32[%add3A_160, %dma_wait3A] : memref<10240x64xf32, #tpu.memory_space<vmem_shared>> -> memref<128x64xf32, #tpu.memory_space<vmem_shared>>
      %dma_wait3A_168 = arith.constant 0 : i32
      %dma_wait3A_169 = tpu.memref_slice %arg32[%add3A_160, %dma_wait3A_168] : memref<10240x64xf32, #tpu.memory_space<vmem_shared>> -> memref<128x64xf32, #tpu.memory_space<vmem_shared>>
      tpu.wait_dma2 semaphore(%run_scoped3A : memref<!tpu.dma_semaphore, #tpu.memory_space<semaphore_mem>>) src(%dma_wait3A_169 : memref<128x64xf32, #tpu.memory_space<vmem_shared>>) dst(%arg8 : memref<128x64xf32, #tpu.memory_space<vmem>>)
      tpu.yield
    }) : () -> ()
    %add3A_161 = arith.constant 512 : i32
    %add3A_162 = arith.addi %add3A_86, %add3A_161 : i32
    "tpu.region"() ({
      %run_scoped3A = tpu.sem_alloc : memref<!tpu.dma_semaphore, #tpu.memory_space<semaphore_mem>>
      %dma_start3A_163 = arith.constant 0 : i32
      %dma_start3A_164 = tpu.memref_slice %arg5[%add3A_162, %dma_start3A_163] : memref<40960x64xf32, #tpu.memory_space<hbm>> -> memref<128x64xf32, #tpu.memory_space<hbm>>
      %dma_start3A_165 = arith.constant 0 : i32
      %dma_start3A_166 = tpu.memref_slice %arg5[%add3A_162, %dma_start3A_165] : memref<40960x64xf32, #tpu.memory_space<hbm>> -> memref<128x64xf32, #tpu.memory_space<hbm>>
      tpu.enqueue_dma source(%arg8 : memref<128x64xf32, #tpu.memory_space<vmem>>) target(%dma_start3A_166 : memref<128x64xf32, #tpu.memory_space<hbm>>) target_semaphore(%run_scoped3A : memref<!tpu.dma_semaphore, #tpu.memory_space<semaphore_mem>>)
      %dma_wait3A = arith.constant 0 : i32
      %dma_wait3A_167 = tpu.memref_slice %arg5[%add3A_162, %dma_wait3A] : memref<40960x64xf32, #tpu.memory_space<hbm>> -> memref<128x64xf32, #tpu.memory_space<hbm>>
      %dma_wait3A_168 = arith.constant 0 : i32
      %dma_wait3A_169 = tpu.memref_slice %arg5[%add3A_162, %dma_wait3A_168] : memref<40960x64xf32, #tpu.memory_space<hbm>> -> memref<128x64xf32, #tpu.memory_space<hbm>>
      tpu.wait_dma2 semaphore(%run_scoped3A : memref<!tpu.dma_semaphore, #tpu.memory_space<semaphore_mem>>) src(%arg8 : memref<128x64xf32, #tpu.memory_space<vmem>>) dst(%dma_wait3A_169 : memref<128x64xf32, #tpu.memory_space<hbm>>)
      tpu.yield
    }) : () -> ()
    return
  }
}

module attributes {stable_mosaic.version = 14 : i64} {
  func.func @_tca_body(%arg0: i32, %arg1: memref<1280x256xf32, #tpu.memory_space<vmem>>, %arg2: memref<256x256xf32, #tpu.memory_space<vmem>>, %arg3: memref<1x256xf32, #tpu.memory_space<vmem>>, %arg4: memref<256x256xf32, #tpu.memory_space<vmem>>, %arg5: memref<1280x1xf32, #tpu.memory_space<vmem>>, %arg6: memref<4x1280x64xf32, #tpu.memory_space<vmem>>) attributes {dimension_semantics = [#tpu.dimension_semantics<arbitrary>], iteration_bounds = array<i64: 8>, scalar_prefetch = 0 : i64, scratch_operands = 0 : i64, tpu.core_type = #tpu.core_type<tc>, window_params = [{transform_indices = @transform_0, window_bounds = array<i64: 1280, 256>}, {pipeline_mode = #tpu.pipeline_mode<synchronous>, transform_indices = @transform_1, window_bounds = array<i64: 256, 256>}, {pipeline_mode = #tpu.pipeline_mode<synchronous>, transform_indices = @transform_2, window_bounds = array<i64: 1, 256>}, {pipeline_mode = #tpu.pipeline_mode<synchronous>, transform_indices = @transform_3, window_bounds = array<i64: 256, 256>}, {transform_indices = @transform_4, window_bounds = array<i64: 1280, 1>}, {transform_indices = @transform_5, window_bounds = array<i64: 4, 1280, 64>}]} {
    %get3A = arith.constant 0 : index
    %get3A_0 = arith.constant 0 : index
    %get3A_1 = vector.load %arg1[%get3A, %get3A_0] : memref<1280x256xf32, #tpu.memory_space<vmem>>, vector<1280x256xf32>
    %get3A_2 = arith.constant 0 : index
    %get3A_3 = arith.constant 0 : index
    %get3A_4 = vector.load %arg2[%get3A_2, %get3A_3] : memref<256x256xf32, #tpu.memory_space<vmem>>, vector<256x256xf32>
    %dot_general3A = arith.constant dense<0.000000e+00> : vector<1280x256xf32>
    %dot_general3A_5 = tpu.matmul %get3A_1, %get3A_4, %dot_general3A {dimension_numbers = #tpu.dot_dimension_numbers<[1], [0], [0], [1], [0, 0, 1, 1], [], []>, transpose_lhs_hint = false} : vector<1280x256xf32>, vector<256x256xf32>, vector<1280x256xf32> -> vector<1280x256xf32>
    %get3A_6 = arith.constant 0 : index
    %get3A_7 = arith.constant 0 : index
    %get3A_8 = vector.load %arg3[%get3A_6, %get3A_7] : memref<1x256xf32, #tpu.memory_space<vmem>>, vector<1x256xf32>
    %add3A = vector.broadcast %get3A_8 : vector<1x256xf32> to vector<1280x256xf32>
    %add3A_9 = arith.addf %dot_general3A_5, %add3A : vector<1280x256xf32>
    %get3A_10 = arith.constant 0 : index
    %get3A_11 = arith.constant 0 : index
    %get3A_12 = vector.load %arg4[%get3A_10, %get3A_11] : memref<256x256xf32, #tpu.memory_space<vmem>>, vector<256x256xf32>
    %dot_general3A_13 = arith.constant dense<0.000000e+00> : vector<1280x256xf32>
    %dot_general3A_14 = tpu.matmul %add3A_9, %get3A_12, %dot_general3A_13 {dimension_numbers = #tpu.dot_dimension_numbers<[1], [0], [0], [1], [0, 0, 1, 1], [], []>, transpose_lhs_hint = false} : vector<1280x256xf32>, vector<256x256xf32>, vector<1280x256xf32> -> vector<1280x256xf32>
    %get3A_15 = arith.constant 0 : index
    %get3A_16 = arith.constant 0 : index
    %get3A_17 = vector.load %arg5[%get3A_15, %get3A_16] : memref<1280x1xf32, #tpu.memory_space<vmem>>, vector<1280x1xf32>
    %add3A_18 = arith.constant 1.000000e+00 : f32
    %add3A_19 = vector.broadcast %add3A_18 : f32 to vector<1280x1xf32>
    %add3A_20 = arith.addf %get3A_17, %add3A_19 : vector<1280x1xf32>
    %rsqrt3A = math.rsqrt %add3A_20 : vector<1280x1xf32>
    %mul3A = vector.broadcast %rsqrt3A : vector<1280x1xf32> to vector<1280x256xf32>
    %mul3A_21 = arith.mulf %dot_general3A_14, %mul3A : vector<1280x256xf32>
    %iota3A = tpu.iota {dimensions = array<i32: 0>} : vector<1280x1xi32>
    %mul3A_22 = arith.constant 1280 : i32
    %mul3A_23 = arith.muli %arg0, %mul3A_22 : i32
    %add3A_24 = vector.broadcast %mul3A_23 : i32 to vector<1280x1xi32>
    %add3A_25 = arith.addi %iota3A, %add3A_24 : vector<1280x1xi32>
    %lt3A = arith.constant 10000 : i32
    %lt3A_26 = vector.broadcast %lt3A : i32 to vector<1280x1xi32>
    %lt3A_27 = arith.cmpi slt, %add3A_25, %lt3A_26 : vector<1280x1xi32>
    %jit3A = arith.constant 0.000000e+00 : f32
    %broadcast_in_dim3A = vector.shape_cast %lt3A_27 : vector<1280x1xi1> to vector<1280x1xi1>
    %broadcast_in_dim3A_28 = vector.broadcast %broadcast_in_dim3A : vector<1280x1xi1> to vector<1280x256xi1>
    %broadcast_in_dim3A_29 = vector.broadcast %jit3A : f32 to vector<1280x256xf32>
    %select_n3A = arith.select %broadcast_in_dim3A_28, %mul3A_21, %broadcast_in_dim3A_29 : vector<1280x256xi1>, vector<1280x256xf32>
    %slice3A = vector.extract_strided_slice %select_n3A {offsets = [0, 0], sizes = [1280, 64], strides = [1, 1]} : vector<1280x256xf32> to vector<1280x64xf32>
    %swap3A = arith.constant 0 : index
    %swap3A_30 = arith.constant 0 : index
    %swap3A_31 = arith.constant 0 : index
    %swap3A_32 = vector.load %arg6[%swap3A, %swap3A_30, %swap3A_31] : memref<4x1280x64xf32, #tpu.memory_space<vmem>>, vector<1x1280x64xf32>
    %swap3A_33 = vector.shape_cast %swap3A_32 : vector<1x1280x64xf32> to vector<1280x64xf32>
    %swap3A_34 = vector.shape_cast %slice3A : vector<1280x64xf32> to vector<1x1280x64xf32>
    tpu.vector_store %arg6[%swap3A, %swap3A_30, %swap3A_31], %swap3A_34 {strides = array<i32>} : memref<4x1280x64xf32, #tpu.memory_space<vmem>>, vector<1x1280x64xf32>,
    %slice3A_35 = vector.extract_strided_slice %select_n3A {offsets = [0, 64], sizes = [1280, 64], strides = [1, 1]} : vector<1280x256xf32> to vector<1280x64xf32>
    %swap3A_36 = arith.constant 1 : index
    %swap3A_37 = arith.constant 0 : index
    %swap3A_38 = arith.constant 0 : index
    %swap3A_39 = vector.load %arg6[%swap3A_36, %swap3A_37, %swap3A_38] : memref<4x1280x64xf32, #tpu.memory_space<vmem>>, vector<1x1280x64xf32>
    %swap3A_40 = vector.shape_cast %swap3A_39 : vector<1x1280x64xf32> to vector<1280x64xf32>
    %swap3A_41 = vector.shape_cast %slice3A_35 : vector<1280x64xf32> to vector<1x1280x64xf32>
    tpu.vector_store %arg6[%swap3A_36, %swap3A_37, %swap3A_38], %swap3A_41 {strides = array<i32>} : memref<4x1280x64xf32, #tpu.memory_space<vmem>>, vector<1x1280x64xf32>,
    %slice3A_42 = vector.extract_strided_slice %select_n3A {offsets = [0, 128], sizes = [1280, 64], strides = [1, 1]} : vector<1280x256xf32> to vector<1280x64xf32>
    %swap3A_43 = arith.constant 2 : index
    %swap3A_44 = arith.constant 0 : index
    %swap3A_45 = arith.constant 0 : index
    %swap3A_46 = vector.load %arg6[%swap3A_43, %swap3A_44, %swap3A_45] : memref<4x1280x64xf32, #tpu.memory_space<vmem>>, vector<1x1280x64xf32>
    %swap3A_47 = vector.shape_cast %swap3A_46 : vector<1x1280x64xf32> to vector<1280x64xf32>
    %swap3A_48 = vector.shape_cast %slice3A_42 : vector<1280x64xf32> to vector<1x1280x64xf32>
    tpu.vector_store %arg6[%swap3A_43, %swap3A_44, %swap3A_45], %swap3A_48 {strides = array<i32>} : memref<4x1280x64xf32, #tpu.memory_space<vmem>>, vector<1x1280x64xf32>,
    %slice3A_49 = vector.extract_strided_slice %select_n3A {offsets = [0, 192], sizes = [1280, 64], strides = [1, 1]} : vector<1280x256xf32> to vector<1280x64xf32>
    %swap3A_50 = arith.constant 3 : index
    %swap3A_51 = arith.constant 0 : index
    %swap3A_52 = arith.constant 0 : index
    %swap3A_53 = vector.load %arg6[%swap3A_50, %swap3A_51, %swap3A_52] : memref<4x1280x64xf32, #tpu.memory_space<vmem>>, vector<1x1280x64xf32>
    %swap3A_54 = vector.shape_cast %swap3A_53 : vector<1x1280x64xf32> to vector<1280x64xf32>
    %swap3A_55 = vector.shape_cast %slice3A_49 : vector<1280x64xf32> to vector<1x1280x64xf32>
    tpu.vector_store %arg6[%swap3A_50, %swap3A_51, %swap3A_52], %swap3A_55 {strides = array<i32>} : memref<4x1280x64xf32, #tpu.memory_space<vmem>>, vector<1x1280x64xf32>,
    return
  }
  func.func @transform_0(%arg0: i32) -> (i32, i32) {
    %c0_i32 = arith.constant 0 : i32
    %c0_i32_0 = arith.constant 0 : i32
    return %arg0, %c0_i32 : i32, i32
  }
  func.func @transform_1(%arg0: i32) -> (i32, i32) {
    %c0_i32 = arith.constant 0 : i32
    %c0_i32_0 = arith.constant 0 : i32
    %c0_i32_1 = arith.constant 0 : i32
    return %c0_i32, %c0_i32_0 : i32, i32
  }
  func.func @transform_2(%arg0: i32) -> (i32, i32) {
    %c0_i32 = arith.constant 0 : i32
    %c0_i32_0 = arith.constant 0 : i32
    %c0_i32_1 = arith.constant 0 : i32
    return %c0_i32, %c0_i32_0 : i32, i32
  }
  func.func @transform_3(%arg0: i32) -> (i32, i32) {
    %c0_i32 = arith.constant 0 : i32
    %c0_i32_0 = arith.constant 0 : i32
    %c0_i32_1 = arith.constant 0 : i32
    return %c0_i32, %c0_i32_0 : i32, i32
  }
  func.func @transform_4(%arg0: i32) -> (i32, i32) {
    %c0_i32 = arith.constant 0 : i32
    %c0_i32_0 = arith.constant 0 : i32
    return %arg0, %c0_i32 : i32, i32
  }
  func.func @transform_5(%arg0: i32) -> (i32, i32, i32) {
    %c0_i32 = arith.constant 0 : i32
    %c0_i32_0 = arith.constant 0 : i32
    %c0_i32_1 = arith.constant 0 : i32
    return %c0_i32, %arg0, %c0_i32_0 : i32, i32, i32
  }
}

module attributes {stable_mosaic.version = 14 : i64} {
  func.func @_tcb_body(%arg0: i32, %arg1: memref<4x1280x64xf32, #tpu.memory_space<vmem>>, %arg2: memref<1280x1xf32, #tpu.memory_space<vmem>>, %arg3: memref<1x256xf32, #tpu.memory_space<vmem>>, %arg4: memref<256x256xf32, #tpu.memory_space<vmem>>, %arg5: memref<4x1280x64xf32, #tpu.memory_space<vmem>>) attributes {dimension_semantics = [#tpu.dimension_semantics<arbitrary>], iteration_bounds = array<i64: 8>, scalar_prefetch = 0 : i64, scratch_operands = 0 : i64, tpu.core_type = #tpu.core_type<tc>, window_params = [{transform_indices = @transform_0, window_bounds = array<i64: 4, 1280, 64>}, {transform_indices = @transform_1, window_bounds = array<i64: 1280, 1>}, {pipeline_mode = #tpu.pipeline_mode<synchronous>, transform_indices = @transform_2, window_bounds = array<i64: 1, 256>}, {pipeline_mode = #tpu.pipeline_mode<synchronous>, transform_indices = @transform_3, window_bounds = array<i64: 256, 256>}, {transform_indices = @transform_4, window_bounds = array<i64: 4, 1280, 64>}]} {
    %get3A = arith.constant 0 : index
    %get3A_0 = arith.constant 0 : index
    %get3A_1 = arith.constant 0 : index
    %get3A_2 = vector.load %arg1[%get3A, %get3A_0, %get3A_1] : memref<4x1280x64xf32, #tpu.memory_space<vmem>>, vector<1x1280x64xf32>
    %get3A_3 = vector.shape_cast %get3A_2 : vector<1x1280x64xf32> to vector<1280x64xf32>
    %get3A_4 = arith.constant 1 : index
    %get3A_5 = arith.constant 0 : index
    %get3A_6 = arith.constant 0 : index
    %get3A_7 = vector.load %arg1[%get3A_4, %get3A_5, %get3A_6] : memref<4x1280x64xf32, #tpu.memory_space<vmem>>, vector<1x1280x64xf32>
    %get3A_8 = vector.shape_cast %get3A_7 : vector<1x1280x64xf32> to vector<1280x64xf32>
    %get3A_9 = arith.constant 2 : index
    %get3A_10 = arith.constant 0 : index
    %get3A_11 = arith.constant 0 : index
    %get3A_12 = vector.load %arg1[%get3A_9, %get3A_10, %get3A_11] : memref<4x1280x64xf32, #tpu.memory_space<vmem>>, vector<1x1280x64xf32>
    %get3A_13 = vector.shape_cast %get3A_12 : vector<1x1280x64xf32> to vector<1280x64xf32>
    %get3A_14 = arith.constant 3 : index
    %get3A_15 = arith.constant 0 : index
    %get3A_16 = arith.constant 0 : index
    %get3A_17 = vector.load %arg1[%get3A_14, %get3A_15, %get3A_16] : memref<4x1280x64xf32, #tpu.memory_space<vmem>>, vector<1x1280x64xf32>
    %get3A_18 = vector.shape_cast %get3A_17 : vector<1x1280x64xf32> to vector<1280x64xf32>
    %concatenate3A = tpu.concatenate %get3A_3, %get3A_8, %get3A_13, %get3A_18 in 1 : vector<1280x64xf32>, vector<1280x64xf32>, vector<1280x64xf32>, vector<1280x64xf32> -> vector<1280x256xf32>
    %get3A_19 = arith.constant 0 : index
    %get3A_20 = arith.constant 0 : index
    %get3A_21 = vector.load %arg2[%get3A_19, %get3A_20] : memref<1280x1xf32, #tpu.memory_space<vmem>>, vector<1280x1xf32>
    %add3A = arith.constant 1.000000e+00 : f32
    %add3A_22 = vector.broadcast %add3A : f32 to vector<1280x1xf32>
    %add3A_23 = arith.addf %get3A_21, %add3A_22 : vector<1280x1xf32>
    %rsqrt3A = math.rsqrt %add3A_23 : vector<1280x1xf32>
    %mul3A = vector.broadcast %rsqrt3A : vector<1280x1xf32> to vector<1280x256xf32>
    %mul3A_24 = arith.mulf %concatenate3A, %mul3A : vector<1280x256xf32>
    %get3A_25 = arith.constant 0 : index
    %get3A_26 = arith.constant 0 : index
    %get3A_27 = vector.load %arg3[%get3A_25, %get3A_26] : memref<1x256xf32, #tpu.memory_space<vmem>>, vector<1x256xf32>
    %add3A_28 = vector.broadcast %get3A_27 : vector<1x256xf32> to vector<1280x256xf32>
    %add3A_29 = arith.addf %mul3A_24, %add3A_28 : vector<1280x256xf32>
    %max3A = arith.constant 0.000000e+00 : f32
    %max3A_30 = vector.broadcast %max3A : f32 to vector<1280x256xf32>
    %max3A_31 = arith.maximumf %add3A_29, %max3A_30 : vector<1280x256xf32>
    %get3A_32 = arith.constant 0 : index
    %get3A_33 = arith.constant 0 : index
    %get3A_34 = vector.load %arg4[%get3A_32, %get3A_33] : memref<256x256xf32, #tpu.memory_space<vmem>>, vector<256x256xf32>
    %dot_general3A = arith.constant dense<0.000000e+00> : vector<1280x256xf32>
    %dot_general3A_35 = tpu.matmul %max3A_31, %get3A_34, %dot_general3A {dimension_numbers = #tpu.dot_dimension_numbers<[1], [0], [0], [1], [0, 0, 1, 1], [], []>, transpose_lhs_hint = false} : vector<1280x256xf32>, vector<256x256xf32>, vector<1280x256xf32> -> vector<1280x256xf32>
    %mul3A_36 = vector.broadcast %rsqrt3A : vector<1280x1xf32> to vector<1280x256xf32>
    %mul3A_37 = arith.mulf %dot_general3A_35, %mul3A_36 : vector<1280x256xf32>
    %iota3A = tpu.iota {dimensions = array<i32: 0>} : vector<1280x1xi32>
    %mul3A_38 = arith.constant 1280 : i32
    %mul3A_39 = arith.muli %arg0, %mul3A_38 : i32
    %add3A_40 = vector.broadcast %mul3A_39 : i32 to vector<1280x1xi32>
    %add3A_41 = arith.addi %iota3A, %add3A_40 : vector<1280x1xi32>
    %lt3A = arith.constant 10000 : i32
    %lt3A_42 = vector.broadcast %lt3A : i32 to vector<1280x1xi32>
    %lt3A_43 = arith.cmpi slt, %add3A_41, %lt3A_42 : vector<1280x1xi32>
    %jit3A = arith.constant 0.000000e+00 : f32
    %broadcast_in_dim3A = vector.shape_cast %lt3A_43 : vector<1280x1xi1> to vector<1280x1xi1>
    %broadcast_in_dim3A_44 = vector.broadcast %broadcast_in_dim3A : vector<1280x1xi1> to vector<1280x256xi1>
    %broadcast_in_dim3A_45 = vector.broadcast %jit3A : f32 to vector<1280x256xf32>
    %select_n3A = arith.select %broadcast_in_dim3A_44, %mul3A_37, %broadcast_in_dim3A_45 : vector<1280x256xi1>, vector<1280x256xf32>
    %slice3A = vector.extract_strided_slice %select_n3A {offsets = [0, 0], sizes = [1280, 64], strides = [1, 1]} : vector<1280x256xf32> to vector<1280x64xf32>
    %swap3A = arith.constant 0 : index
    %swap3A_46 = arith.constant 0 : index
    %swap3A_47 = arith.constant 0 : index
    %swap3A_48 = vector.load %arg5[%swap3A, %swap3A_46, %swap3A_47] : memref<4x1280x64xf32, #tpu.memory_space<vmem>>, vector<1x1280x64xf32>
    %swap3A_49 = vector.shape_cast %swap3A_48 : vector<1x1280x64xf32> to vector<1280x64xf32>
    %swap3A_50 = vector.shape_cast %slice3A : vector<1280x64xf32> to vector<1x1280x64xf32>
    tpu.vector_store %arg5[%swap3A, %swap3A_46, %swap3A_47], %swap3A_50 {strides = array<i32>} : memref<4x1280x64xf32, #tpu.memory_space<vmem>>, vector<1x1280x64xf32>,
    %slice3A_51 = vector.extract_strided_slice %select_n3A {offsets = [0, 64], sizes = [1280, 64], strides = [1, 1]} : vector<1280x256xf32> to vector<1280x64xf32>
    %swap3A_52 = arith.constant 1 : index
    %swap3A_53 = arith.constant 0 : index
    %swap3A_54 = arith.constant 0 : index
    %swap3A_55 = vector.load %arg5[%swap3A_52, %swap3A_53, %swap3A_54] : memref<4x1280x64xf32, #tpu.memory_space<vmem>>, vector<1x1280x64xf32>
    %swap3A_56 = vector.shape_cast %swap3A_55 : vector<1x1280x64xf32> to vector<1280x64xf32>
    %swap3A_57 = vector.shape_cast %slice3A_51 : vector<1280x64xf32> to vector<1x1280x64xf32>
    tpu.vector_store %arg5[%swap3A_52, %swap3A_53, %swap3A_54], %swap3A_57 {strides = array<i32>} : memref<4x1280x64xf32, #tpu.memory_space<vmem>>, vector<1x1280x64xf32>,
    %slice3A_58 = vector.extract_strided_slice %select_n3A {offsets = [0, 128], sizes = [1280, 64], strides = [1, 1]} : vector<1280x256xf32> to vector<1280x64xf32>
    %swap3A_59 = arith.constant 2 : index
    %swap3A_60 = arith.constant 0 : index
    %swap3A_61 = arith.constant 0 : index
    %swap3A_62 = vector.load %arg5[%swap3A_59, %swap3A_60, %swap3A_61] : memref<4x1280x64xf32, #tpu.memory_space<vmem>>, vector<1x1280x64xf32>
    %swap3A_63 = vector.shape_cast %swap3A_62 : vector<1x1280x64xf32> to vector<1280x64xf32>
    %swap3A_64 = vector.shape_cast %slice3A_58 : vector<1280x64xf32> to vector<1x1280x64xf32>
    tpu.vector_store %arg5[%swap3A_59, %swap3A_60, %swap3A_61], %swap3A_64 {strides = array<i32>} : memref<4x1280x64xf32, #tpu.memory_space<vmem>>, vector<1x1280x64xf32>,
    %slice3A_65 = vector.extract_strided_slice %select_n3A {offsets = [0, 192], sizes = [1280, 64], strides = [1, 1]} : vector<1280x256xf32> to vector<1280x64xf32>
    %swap3A_66 = arith.constant 3 : index
    %swap3A_67 = arith.constant 0 : index
    %swap3A_68 = arith.constant 0 : index
    %swap3A_69 = vector.load %arg5[%swap3A_66, %swap3A_67, %swap3A_68] : memref<4x1280x64xf32, #tpu.memory_space<vmem>>, vector<1x1280x64xf32>
    %swap3A_70 = vector.shape_cast %swap3A_69 : vector<1x1280x64xf32> to vector<1280x64xf32>
    %swap3A_71 = vector.shape_cast %slice3A_65 : vector<1280x64xf32> to vector<1x1280x64xf32>
    tpu.vector_store %arg5[%swap3A_66, %swap3A_67, %swap3A_68], %swap3A_71 {strides = array<i32>} : memref<4x1280x64xf32, #tpu.memory_space<vmem>>, vector<1x1280x64xf32>,
    return
  }
  func.func @transform_0(%arg0: i32) -> (i32, i32, i32) {
    %c0_i32 = arith.constant 0 : i32
    %c0_i32_0 = arith.constant 0 : i32
    %c0_i32_1 = arith.constant 0 : i32
    return %c0_i32, %arg0, %c0_i32_0 : i32, i32, i32
  }
  func.func @transform_1(%arg0: i32) -> (i32, i32) {
    %c0_i32 = arith.constant 0 : i32
    %c0_i32_0 = arith.constant 0 : i32
    return %arg0, %c0_i32 : i32, i32
  }
  func.func @transform_2(%arg0: i32) -> (i32, i32) {
    %c0_i32 = arith.constant 0 : i32
    %c0_i32_0 = arith.constant 0 : i32
    %c0_i32_1 = arith.constant 0 : i32
    return %c0_i32, %c0_i32_0 : i32, i32
  }
  func.func @transform_3(%arg0: i32) -> (i32, i32) {
    %c0_i32 = arith.constant 0 : i32
    %c0_i32_0 = arith.constant 0 : i32
    %c0_i32_1 = arith.constant 0 : i32
    return %c0_i32, %c0_i32_0 : i32, i32
  }
  func.func @transform_4(%arg0: i32) -> (i32, i32, i32) {
    %c0_i32 = arith.constant 0 : i32
    %c0_i32_0 = arith.constant 0 : i32
    %c0_i32_1 = arith.constant 0 : i32
    return %c0_i32, %arg0, %c0_i32_0 : i32, i32, i32
  }
}

module attributes {stable_mosaic.version = 14 : i64} {
  func.func @_tcc_body(%arg0: i32, %arg1: memref<4x1000x64xf32, #tpu.memory_space<vmem>>, %arg2: memref<1000x1xf32, #tpu.memory_space<vmem>>, %arg3: memref<1x256xf32, #tpu.memory_space<vmem>>, %arg4: memref<1x1x1000xi32, #tpu.memory_space<vmem>>, %arg5: memref<256x64xf32, #tpu.memory_space<vmem>>, %arg6: memref<1x64xf32, #tpu.memory_space<vmem>>, %arg7: memref<64x64xf32, #tpu.memory_space<vmem>>, %arg8: memref<64x256xf32, #tpu.memory_space<vmem>>, %arg9: memref<64x128xf32, #tpu.memory_space<vmem>>) attributes {dimension_semantics = [#tpu.dimension_semantics<arbitrary>], iteration_bounds = array<i64: 10>, scalar_prefetch = 0 : i64, scratch_operands = 2 : i64, tpu.core_type = #tpu.core_type<tc>, window_params = [{transform_indices = @transform_0, window_bounds = array<i64: 4, 1000, 64>}, {transform_indices = @transform_1, window_bounds = array<i64: 1000, 1>}, {pipeline_mode = #tpu.pipeline_mode<synchronous>, transform_indices = @transform_2, window_bounds = array<i64: 1, 256>}, {transform_indices = @transform_3, window_bounds = array<i64: 1, 1, 1000>}, {pipeline_mode = #tpu.pipeline_mode<synchronous>, transform_indices = @transform_4, window_bounds = array<i64: 256, 64>}, {pipeline_mode = #tpu.pipeline_mode<synchronous>, transform_indices = @transform_5, window_bounds = array<i64: 1, 64>}, {pipeline_mode = #tpu.pipeline_mode<synchronous>, transform_indices = @transform_6, window_bounds = array<i64: 64, 64>}]} {
    %eq3A = arith.constant 0 : i32
    %eq3A_0 = arith.cmpi eq, %arg0, %eq3A : i32
    %convert_element_type3A = arith.extui %eq3A_0 : i1 to i32
    %cond3A = arith.constant 0 : i32
    %cond3A_1 = arith.cmpi ne, %convert_element_type3A, %cond3A : i32
    scf.if %cond3A_1 {
      %broadcast_in_dim3A_66 = arith.constant 0.000000e+00 : f32
      %broadcast_in_dim3A_67 = vector.broadcast %broadcast_in_dim3A_66 : f32 to vector<64x256xf32>
      %swap3A_68 = arith.constant 0 : index
      %swap3A_69 = arith.constant 0 : index
      %swap3A_70 = vector.load %arg8[%swap3A_68, %swap3A_69] : memref<64x256xf32, #tpu.memory_space<vmem>>, vector<64x256xf32>
      tpu.vector_store %arg8[%swap3A_68, %swap3A_69], %broadcast_in_dim3A_67 {strides = array<i32>} : memref<64x256xf32, #tpu.memory_space<vmem>>, vector<64x256xf32>,
      %broadcast_in_dim3A_71 = arith.constant 0.000000e+00 : f32
      %broadcast_in_dim3A_72 = vector.broadcast %broadcast_in_dim3A_71 : f32 to vector<64x128xf32>
      %swap3A_73 = arith.constant 0 : index
      %swap3A_74 = arith.constant 0 : index
      %swap3A_75 = vector.load %arg9[%swap3A_73, %swap3A_74] : memref<64x128xf32, #tpu.memory_space<vmem>>, vector<64x128xf32>
      tpu.vector_store %arg9[%swap3A_73, %swap3A_74], %broadcast_in_dim3A_72 {strides = array<i32>} : memref<64x128xf32, #tpu.memory_space<vmem>>, vector<64x128xf32>,
    } else {
    }
    %get3A = arith.constant 0 : index
    %get3A_2 = arith.constant 0 : index
    %get3A_3 = arith.constant 0 : index
    %get3A_4 = vector.load %arg1[%get3A, %get3A_2, %get3A_3] : memref<4x1000x64xf32, #tpu.memory_space<vmem>>, vector<1x1000x64xf32>
    %get3A_5 = vector.shape_cast %get3A_4 : vector<1x1000x64xf32> to vector<1000x64xf32>
    %get3A_6 = arith.constant 1 : index
    %get3A_7 = arith.constant 0 : index
    %get3A_8 = arith.constant 0 : index
    %get3A_9 = vector.load %arg1[%get3A_6, %get3A_7, %get3A_8] : memref<4x1000x64xf32, #tpu.memory_space<vmem>>, vector<1x1000x64xf32>
    %get3A_10 = vector.shape_cast %get3A_9 : vector<1x1000x64xf32> to vector<1000x64xf32>
    %get3A_11 = arith.constant 2 : index
    %get3A_12 = arith.constant 0 : index
    %get3A_13 = arith.constant 0 : index
    %get3A_14 = vector.load %arg1[%get3A_11, %get3A_12, %get3A_13] : memref<4x1000x64xf32, #tpu.memory_space<vmem>>, vector<1x1000x64xf32>
    %get3A_15 = vector.shape_cast %get3A_14 : vector<1x1000x64xf32> to vector<1000x64xf32>
    %get3A_16 = arith.constant 3 : index
    %get3A_17 = arith.constant 0 : index
    %get3A_18 = arith.constant 0 : index
    %get3A_19 = vector.load %arg1[%get3A_16, %get3A_17, %get3A_18] : memref<4x1000x64xf32, #tpu.memory_space<vmem>>, vector<1x1000x64xf32>
    %get3A_20 = vector.shape_cast %get3A_19 : vector<1x1000x64xf32> to vector<1000x64xf32>
    %concatenate3A = tpu.concatenate %get3A_5, %get3A_10, %get3A_15, %get3A_20 in 1 : vector<1000x64xf32>, vector<1000x64xf32>, vector<1000x64xf32>, vector<1000x64xf32> -> vector<1000x256xf32>
    %get3A_21 = arith.constant 0 : index
    %get3A_22 = arith.constant 0 : index
    %get3A_23 = vector.load %arg2[%get3A_21, %get3A_22] : memref<1000x1xf32, #tpu.memory_space<vmem>>, vector<1000x1xf32>
    %add3A = arith.constant 1.000000e+00 : f32
    %add3A_24 = vector.broadcast %add3A : f32 to vector<1000x1xf32>
    %add3A_25 = arith.addf %get3A_23, %add3A_24 : vector<1000x1xf32>
    %rsqrt3A = math.rsqrt %add3A_25 : vector<1000x1xf32>
    %mul3A = vector.broadcast %rsqrt3A : vector<1000x1xf32> to vector<1000x256xf32>
    %mul3A_26 = arith.mulf %concatenate3A, %mul3A : vector<1000x256xf32>
    %get3A_27 = arith.constant 0 : index
    %get3A_28 = arith.constant 0 : index
    %get3A_29 = vector.load %arg3[%get3A_27, %get3A_28] : memref<1x256xf32, #tpu.memory_space<vmem>>, vector<1x256xf32>
    %add3A_30 = vector.broadcast %get3A_29 : vector<1x256xf32> to vector<1000x256xf32>
    %add3A_31 = arith.addf %mul3A_26, %add3A_30 : vector<1000x256xf32>
    %get3A_32 = arith.constant 0 : index
    %get3A_33 = arith.constant 0 : index
    %get3A_34 = arith.constant 0 : index
    %get3A_35 = vector.load %arg4[%get3A_32, %get3A_33, %get3A_34] : memref<1x1x1000xi32, #tpu.memory_space<vmem>>, vector<1x1x1000xi32>
    %get3A_36 = vector.shape_cast %get3A_35 : vector<1x1x1000xi32> to vector<1000xi32>
    %iota3A = tpu.iota {dimensions = array<i32: 0>} : vector<64x1000xi32>
    %broadcast_in_dim3A = vector.shape_cast %get3A_36 : vector<1000xi32> to vector<1x1000xi32>
    %broadcast_in_dim3A_37 = vector.broadcast %broadcast_in_dim3A : vector<1x1000xi32> to vector<64x1000xi32>
    %eq3A_38 = arith.cmpi eq, %broadcast_in_dim3A_37, %iota3A : vector<64x1000xi32>
    %convert_element_type3A_39 = arith.extui %eq3A_38 : vector<64x1000xi1> to vector<64x1000xi32>
    %convert_element_type3A_40 = arith.sitofp %convert_element_type3A_39 : vector<64x1000xi32> to vector<64x1000xf32>
    %get3A_41 = arith.constant 0 : index
    %get3A_42 = arith.constant 0 : index
    %get3A_43 = vector.load %arg8[%get3A_41, %get3A_42] : memref<64x256xf32, #tpu.memory_space<vmem>>, vector<64x256xf32>
    %dot_general3A = arith.constant dense<0.000000e+00> : vector<64x256xf32>
    %dot_general3A_44 = tpu.matmul %convert_element_type3A_40, %add3A_31, %dot_general3A {dimension_numbers = #tpu.dot_dimension_numbers<[1], [0], [0], [1], [0, 0, 1, 1], [], []>, transpose_lhs_hint = false} : vector<64x1000xf32>, vector<1000x256xf32>, vector<64x256xf32> -> vector<64x256xf32>
    %add3A_45 = arith.addf %get3A_43, %dot_general3A_44 : vector<64x256xf32>
    %swap3A = arith.constant 0 : index
    %swap3A_46 = arith.constant 0 : index
    %swap3A_47 = vector.load %arg8[%swap3A, %swap3A_46] : memref<64x256xf32, #tpu.memory_space<vmem>>, vector<64x256xf32>
    tpu.vector_store %arg8[%swap3A, %swap3A_46], %add3A_45 {strides = array<i32>} : memref<64x256xf32, #tpu.memory_space<vmem>>, vector<64x256xf32>,
    %get3A_48 = arith.constant 0 : index
    %get3A_49 = arith.constant 0 : index
    %get3A_50 = vector.load %arg9[%get3A_48, %get3A_49] : memref<64x128xf32, #tpu.memory_space<vmem>>, vector<64x128xf32>
    %reduce_sum3A = arith.constant dense<0.000000e+00> : vector<64xf32>
    %reduce_sum3A_51 = vector.multi_reduction <add>, %convert_element_type3A_40, %reduce_sum3A [1] : vector<64x1000xf32> to vector<64xf32>
    %broadcast_in_dim3A_52 = vector.shape_cast %reduce_sum3A_51 : vector<64xf32> to vector<64x1xf32>
    %broadcast_in_dim3A_53 = arith.constant 1.000000e+00 : f32
    %broadcast_in_dim3A_54 = vector.broadcast %broadcast_in_dim3A_53 : f32 to vector<64x128xf32>
    %mul3A_55 = vector.broadcast %broadcast_in_dim3A_52 : vector<64x1xf32> to vector<64x128xf32>
    %mul3A_56 = arith.mulf %mul3A_55, %broadcast_in_dim3A_54 : vector<64x128xf32>
    %add3A_57 = arith.addf %get3A_50, %mul3A_56 : vector<64x128xf32>
    %swap3A_58 = arith.constant 0 : index
    %swap3A_59 = arith.constant 0 : index
    %swap3A_60 = vector.load %arg9[%swap3A_58, %swap3A_59] : memref<64x128xf32, #tpu.memory_space<vmem>>, vector<64x128xf32>
    tpu.vector_store %arg9[%swap3A_58, %swap3A_59], %add3A_57 {strides = array<i32>} : memref<64x128xf32, #tpu.memory_space<vmem>>, vector<64x128xf32>,
    %eq3A_61 = arith.constant 9 : i32
    %eq3A_62 = arith.cmpi eq, %arg0, %eq3A_61 : i32
    %convert_element_type3A_63 = arith.extui %eq3A_62 : i1 to i32
    %cond3A_64 = arith.constant 0 : i32
    %cond3A_65 = arith.cmpi ne, %convert_element_type3A_63, %cond3A_64 : i32
    scf.if %cond3A_65 {
      %get3A_66 = arith.constant 0 : index
      %get3A_67 = arith.constant 0 : index
      %get3A_68 = vector.load %arg8[%get3A_66, %get3A_67] : memref<64x256xf32, #tpu.memory_space<vmem>>, vector<64x256xf32>
      %get3A_69 = arith.constant 0 : index
      %get3A_70 = arith.constant 0 : index
      %get3A_71 = vector.load %arg9[%get3A_69, %get3A_70] : memref<64x128xf32, #tpu.memory_space<vmem>>, vector<64x1xf32>
      %max3A = arith.constant 1.000000e+00 : f32
      %max3A_72 = vector.broadcast %max3A : f32 to vector<64x1xf32>
      %max3A_73 = arith.maximumf %get3A_71, %max3A_72 : vector<64x1xf32>
      %div3A = vector.broadcast %max3A_73 : vector<64x1xf32> to vector<64x256xf32>
      %div3A_74 = arith.divf %get3A_68, %div3A : vector<64x256xf32>
      %get3A_75 = arith.constant 0 : index
      %get3A_76 = arith.constant 0 : index
      %get3A_77 = vector.load %arg5[%get3A_75, %get3A_76] : memref<256x64xf32, #tpu.memory_space<vmem>>, vector<256x64xf32>
      %dot_general3A_78 = arith.constant dense<0.000000e+00> : vector<64x64xf32>
      %dot_general3A_79 = tpu.matmul %div3A_74, %get3A_77, %dot_general3A_78 {dimension_numbers = #tpu.dot_dimension_numbers<[1], [0], [0], [1], [0, 0, 1, 1], [], []>, transpose_lhs_hint = false} : vector<64x256xf32>, vector<256x64xf32>, vector<64x64xf32> -> vector<64x64xf32>
      %get3A_80 = arith.constant 0 : index
      %get3A_81 = arith.constant 0 : index
      %get3A_82 = vector.load %arg6[%get3A_80, %get3A_81] : memref<1x64xf32, #tpu.memory_space<vmem>>, vector<1x64xf32>
      %add3A_83 = vector.broadcast %get3A_82 : vector<1x64xf32> to vector<64x64xf32>
      %add3A_84 = arith.addf %dot_general3A_79, %add3A_83 : vector<64x64xf32>
      %reduce_max3A = arith.constant dense<0xFF800000> : vector<64xf32>
      %reduce_max3A_85 = vector.multi_reduction <maximumf>, %add3A_84, %reduce_max3A [1] : vector<64x64xf32> to vector<64xf32>
      %broadcast_in_dim3A_86 = vector.shape_cast %reduce_max3A_85 : vector<64xf32> to vector<64x1xf32>
      %sub3A = vector.broadcast %broadcast_in_dim3A_86 : vector<64x1xf32> to vector<64x64xf32>
      %sub3A_87 = arith.subf %add3A_84, %sub3A : vector<64x64xf32>
      %exp3A = math.exp %sub3A_87 : vector<64x64xf32>
      %reduce_sum3A_88 = arith.constant dense<0.000000e+00> : vector<64xf32>
      %reduce_sum3A_89 = vector.multi_reduction <add>, %exp3A, %reduce_sum3A_88 [1] : vector<64x64xf32> to vector<64xf32>
      %broadcast_in_dim3A_90 = vector.shape_cast %reduce_sum3A_89 : vector<64xf32> to vector<64x1xf32>
      %div3A_91 = vector.broadcast %broadcast_in_dim3A_90 : vector<64x1xf32> to vector<64x64xf32>
      %div3A_92 = arith.divf %exp3A, %div3A_91 : vector<64x64xf32>
      %swap3A_93 = arith.constant 0 : index
      %swap3A_94 = arith.constant 0 : index
      %swap3A_95 = vector.load %arg7[%swap3A_93, %swap3A_94] : memref<64x64xf32, #tpu.memory_space<vmem>>, vector<64x64xf32>
      tpu.vector_store %arg7[%swap3A_93, %swap3A_94], %div3A_92 {strides = array<i32>} : memref<64x64xf32, #tpu.memory_space<vmem>>, vector<64x64xf32>,
    } else {
    }
    return
  }
  func.func @transform_0(%arg0: i32) -> (i32, i32, i32) {
    %c0_i32 = arith.constant 0 : i32
    %c0_i32_0 = arith.constant 0 : i32
    %c0_i32_1 = arith.constant 0 : i32
    return %c0_i32, %arg0, %c0_i32_0 : i32, i32, i32
  }
  func.func @transform_1(%arg0: i32) -> (i32, i32) {
    %c0_i32 = arith.constant 0 : i32
    %c0_i32_0 = arith.constant 0 : i32
    return %arg0, %c0_i32 : i32, i32
  }
  func.func @transform_2(%arg0: i32) -> (i32, i32) {
    %c0_i32 = arith.constant 0 : i32
    %c0_i32_0 = arith.constant 0 : i32
    %c0_i32_1 = arith.constant 0 : i32
    return %c0_i32, %c0_i32_0 : i32, i32
  }
  func.func @transform_3(%arg0: i32) -> (i32, i32, i32) {
    %c0_i32 = arith.constant 0 : i32
    %c0_i32_0 = arith.constant 0 : i32
    %c0_i32_1 = arith.constant 0 : i32
    return %arg0, %c0_i32, %c0_i32_0 : i32, i32, i32
  }
  func.func @transform_4(%arg0: i32) -> (i32, i32) {
    %c0_i32 = arith.constant 0 : i32
    %c0_i32_0 = arith.constant 0 : i32
    %c0_i32_1 = arith.constant 0 : i32
    return %c0_i32, %c0_i32_0 : i32, i32
  }
  func.func @transform_5(%arg0: i32) -> (i32, i32) {
    %c0_i32 = arith.constant 0 : i32
    %c0_i32_0 = arith.constant 0 : i32
    %c0_i32_1 = arith.constant 0 : i32
    return %c0_i32, %c0_i32_0 : i32, i32
  }
  func.func @transform_6(%arg0: i32) -> (i32, i32) {
    %c0_i32 = arith.constant 0 : i32
    %c0_i32_0 = arith.constant 0 : i32
    %c0_i32_1 = arith.constant 0 : i32
    return %c0_i32, %c0_i32_0 : i32, i32
  }
}

</mosaic_0001>

<sc_bundles>
// kernel: kernel.11.cloned.1.call-start
scs
__scs_entry_jumppad:
0x0: {  	(pc) =	sbr.rel $0x88, $3  }
0x1: {  	(tag) =	ssettag $0x0;
	lr =	simm.s32 $0x1  }
0x2: {  	[smem:$0x3F96] =	sst lr;
	_ =	strace $0xD0000000  }
0x3: {  	_ = 	snop  }
0x4: {  	_ = 	snop  }
0x5: {  	_ = 	snop  }
0x6: {  	_ = 	snop  }
0x7: {  	_ = 	snop  }
__scs_overlays_trampoline_lowered:
0x8: {  	[smem:$0x3FA5] =	sst s0  }
0x9: {  	[smem:$0x3FA6] =	sst s1  }
0xa: {  	[smem:$0x3FA7] =	sst s2  }
0xb: {  	[smem:$0x3FA8] =	sst s3  }
0xc: {  	[smem:$0x3FA9] =	sst s4  }
0xd: {  	[smem:$0x3FAA] =	sst s5  }
0xe: {  	[smem:$0x3FAB] =	sst s6  }
0xf: {  	[smem:$0x3FAC] =	sst s7  }
0x10: {  	[smem:$0x3FAD] =	sst s8  }
0x11: {  	[smem:$0x3FAE] =	sst s9;
	s0 =	simm.s32 @!p0 $0x0  }
0x12: {  	s1 =	sld [smem:$0x3F94];
	s0 =	simm.s32 @p0 $0x1  }
0x13: {  	[smem:$0x3FAF] =	sst s0;
	s0 =	simm.s32 @!p1 $0x0  }
0x14: {  	s2 =	sld [smem:$0x3F93];
	s0 =	simm.s32 @p1 $0x1  }
0x15: {  	[smem:$0x3FB0] =	sst s0;
	s0 =	simm.s32 @!p2 $0x0  }
0x16: {  	s3 =	sld [smem:$0x3FDB];
	s0 =	simm.s32 @p2 $0x1  }
0x17: {  	s4 =	simm.s32 $0x1BF5;
	[smem:$0x3FB2] =	sst s0  }
0x18: {  	s0 =	sld [smem:$0x3F95];
	_ =	swait.ge [sflag:s4], $0x0  }
0x19: {  	s7 =	sld [smem:$0x3F96]  }
0x1a: {  	s8 =	sadd.s32 $0xFFFFE003, lr  }
0x1b: {  	s9 =	sadd.s32 $0xFFFFFEF7, lr;
	s5 =	simm.s32 $0xFFFFFFFF;
	p2 =	slt.u32 s8, $0xFFFFF086  }
0x1c: {  	p1 =	slt.u32 s9, $0xF7A;
	s5 =	simm.s32 @!p2 $0x0  }
0x1d: {  	s5 =	simm.s32 @p1 $0x1;
	p0 =	seq.s32 s7, s2  }
0x1e: {  	s7 =	smul.u32 @!p0 $0xF7A, s2;
	p2 =	seq.s32 @!p0 s5, $0x0  }
0x1f: {  	s9 =	smul.u32 $0xF7A, s1;
	s8 =	simm.s32 @!p0 $0x1BF5;
	p2 =	por !p2, p0  }
0x20: {  	[sflag:s8] =	ssyncset.s32 @!p0 $0xFFFFF086;
	s6 =	sadd.s32 @!p0 s3, s7;
	s7 =	simm.s32 @!p0 $0x108  }
0x21: {  	s3 =	sadd.s32 s3, s9;
	s6 =	sadd.s32 @!p0 $0x88, s6;
	s7 =	simm.s32 @p2 $0x1082  }
0x22: {  	[simem:s7], [sflag:s8] =	dma.local @!p0 [hbm:s6], $0xF7A  }
0x23: {  	s9 =	sor.u32 $0xD0000000, s2;
	s6 =	simm.s32 $0x108;
	_ =	swait.ge @!p0 [sflag:s8], $0x0  }
0x24: {  	s3 =	sadd.s32 $0x88, s3;
	s6 =	simm.s32 @!p1 $0x1082;
	[sflag:s4] =	ssyncset.s32 $0xFFFFF086  }
0x25: {  	[simem:s6], [sflag:s4] =	dma.local [hbm:s3], $0xF7A  }
0x26: {  	[smem:$0x3F96] =	sst s1;
	(tag) =	ssettag s2;
	_ =	strace s9  }
0x27: {  	s1 =	sld [smem:$0x3FA6]  }
0x28: {  	s2 =	sld [smem:$0x3FA7]  }
0x29: {  	s4 =	sld [smem:$0x3FA9]  }
0x2a: {  	p0 =	seq.s32 s5, $0x0;
	s5 =	sld [smem:$0x3FAA]  }
0x2b: {  	s6 =	sld [smem:$0x3FAB]  }
0x2c: {  	s7 =	sld [smem:$0x3FAC]  }
0x2d: {  	s3 =	simm.s32 $0x108;
	s8 =	sld [smem:$0x3FAD]  }
0x2e: {  	s3 =	simm.s32 @!p0 $0x1082;
	s9 =	sld [smem:$0x3FAE]  }
0x2f: {  	lr =	sadd.s32 s0, s3;
	s0 =	sld [smem:$0x3FA5]  }
0x30: {  	s3 =	sld [smem:$0x3FA8]  }
0x31: {  	[smem:$0x3FB1] =	sst s10  }
0x32: {  	s10 =	sld [smem:$0x3FAF];
	_ =	sdelay $0x3  }
0x33: {  	p0 =	seq.s32 s10, $0x1;
	s10 =	sld [smem:$0x3FB1];
	_ =	sdelay $0x3  }
0x34: {  	[smem:$0x3FB1] =	sst s10  }
0x35: {  	s10 =	sld [smem:$0x3FB0];
	_ =	sdelay $0x3  }
0x36: {  	p1 =	seq.s32 s10, $0x1;
	s10 =	sld [smem:$0x3FB1];
	_ =	sdelay $0x3  }
0x37: {  	[smem:$0x3FB1] =	sst s10  }
0x38: {  	s10 =	sld [smem:$0x3FB2]  }
0x39: {  	_ = 	snop;
	(pc) =	sbr.ind lr, $3  }
0x3a: {  	_ = 	snop  }
0x3b: {  	_ = 	snop  }
0x3c: {  	p2 =	seq.s32 s10, $0x1;
	s10 =	sld [smem:$0x3FB1]  }
0x3d: {  	_ =	shalt  }
0x3e: {  	_ =	shalt  }
0x3f: {  	_ =	shalt  }
0x40: {  	_ =	shalt  }
0x41: {  	_ =	shalt  }
0x42: {  	_ =	shalt  }
0x43: {  	_ =	shalt  }
0x44: {  	_ =	shalt  }
0x45: {  	_ =	shalt  }
0x46: {  	_ =	shalt  }
0x47: {  	_ =	shalt  }
0x48: {  	_ =	shalt  }
0x49: {  	_ =	shalt  }
0x4a: {  	_ =	shalt  }
0x4b: {  	_ =	shalt  }
0x4c: {  	_ =	shalt  }
0x4d: {  	_ =	shalt  }
0x4e: {  	_ =	shalt  }
0x4f: {  	_ =	shalt  }
0x50: {  	_ =	shalt  }
0x51: {  	_ =	shalt  }
0x52: {  	_ =	shalt  }
0x53: {  	_ =	shalt  }
0x54: {  	_ =	shalt  }
0x55: {  	_ =	shalt  }
0x56: {  	_ =	shalt  }
0x57: {  	_ =	shalt  }
0x58: {  	_ =	shalt  }
0x59: {  	_ =	shalt  }
0x5a: {  	_ =	shalt  }
0x5b: {  	_ =	shalt  }
0x5c: {  	_ =	shalt  }
0x5d: {  	_ =	shalt  }
0x5e: {  	_ =	shalt  }
0x5f: {  	_ =	shalt  }
0x60: {  	_ =	shalt  }
0x61: {  	_ =	shalt  }
0x62: {  	_ =	shalt  }
0x63: {  	_ =	shalt  }
0x64: {  	_ =	shalt  }
0x65: {  	_ =	shalt  }
0x66: {  	_ =	shalt  }
0x67: {  	_ =	shalt  }
0x68: {  	_ =	shalt  }
0x69: {  	_ =	shalt  }
0x6a: {  	_ =	shalt  }
0x6b: {  	_ =	shalt  }
0x6c: {  	_ =	shalt  }
0x6d: {  	_ =	shalt  }
0x6e: {  	_ =	shalt  }
0x6f: {  	_ =	shalt  }
0x70: {  	_ =	shalt  }
0x71: {  	_ =	shalt  }
0x72: {  	_ =	shalt  }
0x73: {  	_ =	shalt  }
0x74: {  	_ =	shalt  }
0x75: {  	_ =	shalt  }
0x76: {  	_ =	shalt  }
0x77: {  	_ =	shalt  }
0x78: {  	_ =	shalt  }
0x79: {  	_ =	shalt  }
0x7a: {  	_ =	shalt  }
0x7b: {  	_ =	shalt  }
0x7c: {  	_ =	shalt  }
0x7d: {  	_ =	shalt  }
0x7e: {  	_ =	shalt  }
0x7f: {  	_ =	shalt  }
0x80: {  	_ =	shalt  }
0x81: {  	_ =	shalt  }
0x82: {  	_ =	shalt  }
0x83: {  	_ =	shalt  }
0x84: {  	_ =	shalt  }
0x85: {  	_ =	shalt  }
0x86: {  	_ =	shalt  }
0x87: {  	_ =	shalt  }
.Lfunc_end0:
.L_simem_size_0:
called_computation.1_lowered:
.L_overlay_start_0:
0x88: {  	s2 =	sld [smem:$0x3FD9]  }
0x89: {  	s3 =	sld [smem:$0x3FFE];
	_ =	sdelay $0x1  }
0x8a: {  	s1 =	srdreg.scid  }
0x8b: {  	s0 =	sand.u32 $0x1, s1  }
0x8c: {  	s16 =	sshll.u32 s0, $0xA;
	s2 =	sadd.s32 s3, s2  }
0x8d: {  	s2 =	sadd.s32 s2, s16  }
0x8e: {  	[smem:$0x3FBD] =	sst s2  }
0x8f: {  	_ = 	snop  }
0x90: {  	(tm) =	ssettm $0x1  }
0x91: {  	s17 =	sld [smem:$0x3FFB];
	_ =	sdelay $0x3  }
0x92: {  	_ =	strace s17  }
0x93: {  	s2 =	sld [smem:$0x3FFC];
	_ =	sdelay $0x3  }
0x94: {  	_ =	strace s2  }
0x95: {  	s2 =	sld [smem:$0x3FFD];
	_ =	sdelay $0x3  }
0x96: {  	_ =	strace s2  }
0x97: {  	_ =	strace $0x8FFFFFFF  }
0x98: {  	s18 =	sld [smem:$0x3FDB];
	_ =	sdelay $0x1  }
0x99: {  	s19 =	simm.s32 $_scs_section_size  }
0x9a: {  	s4 =	simm.s32 $_size__tile_overlayer_lowered;
	s5 =	simm.s32 $_tile_overlayer_lowered  }
0x9b: {  	s22 =	simm.s32 $0x1BFF;
	s21 =	sshll.u32 s5, $0x1;
	s2 =	sadd.s32 s19, s18  }
0x9c: {  	s6 =	simm.s32 $0x0;
	s20 =	sshll.u32 s4, $0x1;
	s4 =	sadd.s32 s21, s2  }
0x9d: {  	[timem:s6], [sflag:s22] =	dma.local [hbm:s4], s20  }
0x9e: {  	_ =	swait.ge [sflag:s22], s20  }
0x9f: {  	s3 =	ssub.s32 $0x0, s20;
	[sflag:s22] =	ssyncset.done $0x0  }
0xa0: {  	[sflag:s22] =	ssyncadd.s32 s3;
	_ =	sdelay $0x1  }
0xa1: {  	s23 =	simm.s32 $0x1B8B  }
0xa2: {  	_ =	swait.ge [sflag:s23], $0x1  }
0xa3: {  	[sflag:s23] =	ssyncset.done $0x0  }
0xa4: {  	s25 =	simm.s32 $0x1B8E;
	s24 =	sld [smem:$0x3FFE];
	[sflag:s23] =	ssyncadd.s32 $0xFFFFFFFF  }
0xa5: {  	s26 =	simm.s32 $execute0_lowered;
	[smem:$0x3FD2] =	sst s25  }
0xa6: {  	s4 =	sshll.u32 s26, $0x1;
	_ =	strace $0x80000049;
	[dreg:$0x1] =	wrdreg $0xFFFFFFFF  }
0xa7: {  	s28 =	simm.s32 $_size_execute0_lowered;
	s2 =	sadd.s32 s2, s4;
	[dreg:$0x0] =	wrdreg $0x0  }
0xa8: {  	s4 =	sshll.u32 s28, $0x1;
	[dreg:$0x2] =	wrdreg s2  }
0xa9: {  	[dreg:$0x3] =	wrdreg s4  }
0xaa: {  	[dreg:$0x4] =	wrdreg $0xC0  }
0xab: {  	_ =	task [dreg:s6], $0x5FFFF  }
0xac: {  	[dreg:$0x1] =	wrdreg $0xFFFFFFFF  }
0xad: {  	[dreg:$0x0] =	wrdreg $0x60  }
0xae: {  	[dreg:$0x2] =	wrdreg s24  }
0xaf: {  	[dreg:$0x3] =	wrdreg $0x150000  }
0xb0: {  	[dreg:$0x4] =	wrdreg $0x9  }
0xb1: {  	_ =	task.clear_ibuf [dreg:s6], $0x5FFFF;
	_ =	strace $0x90000049  }
0xb2: {  	s29 =	simm.s32 $0x9;
	_ =	strace $0x8000004B  }
0xb3: {  	_ =	swait.ge [sflag:s29], $0x1  }
0xb4: {  	[sflag:s29] =	ssyncadd.s32 $0xFFFFFFFF  }
0xb5: {  	_ =	strace $0x9000004B  }
0xb6: {  	_ =	sfence  }
0xb7: {  	s30 =	sld [smem:$0x0];
	_ =	sdelay $0x2  }
0xb8: {  	s31 =	sshll.u32 s1, $0xD;
	s1 =	sshrl.u32 s1, $0x2  }
0xb9: {  	s3 =	sand.u32 $0x4000, s31;
	s1 =	sadd.s32 s1, s30  }
0xba: {  	s0 =	sor.u32 s3, s0;
	s1 =	sshll.u32 s1, $0x11  }
0xbb: {  	s0 =	sor.u32 s1, s0  }
0xbc: {  	s0 =	sadd.s32 $0x8F2B, s0  }
0xbd: {  	[sflag:s0] =	ssyncadd.remote.s32 $0x1  }
0xbe: {  	_ =	sfence.sel $0xFFFF  }
0xbf: {  	[dreg:$0x0] =	wrdreg $0xFFFFFFFF;
	(pc) =	sbr.abs _section_cstart, $3  }
0xc0: {  	[dreg:$0x1] =	wrdreg $0xFFFFFFFF  }
0xc1: {  	_ =	task.clear_ibuf [dreg:s6], $0x2FFFF;
	_ =	strace $0x9FFFFFFF  }
0xc2: {  	(tm) =	ssettm $0x7FFFFFFF  }
0xc3: {  	_ =	shalt  }
tec
execute0_lowered:
.L_overlay_start_1:
0x0: {  	(tag) =	ssettag $0x1  }
0x1: {  	s0 =	rddreg [dreg:$0x0]  }
0x2: {  	s2 =	rddreg [dreg:$0x1];
	s11 =	stileid.u32  }
0x3: {  	s14 =	simm.s32 $0x0;
	s3 =	srdreg.scid;
	s1 =	smul.u32 $0x2800, s11  }
0x4: {  	[smem:$0x7FF] =	sst s14;
	s5 =	smul.u32 $0x280, s11  }
0x5: {  	s3 =	sand.u32 $0x1, s3;
	s4 =	sadd.s32 $0xBFE00, s0;
	s11 =	smul.u32 $0x28000, s11  }
0x6: {  	s8 =	sadd.s32 $0xBE00, s0;
	_ =	strace $0x8000004A;
	s7 =	smul.u32 $0x5000, s3  }
0x7: {  	s9 =	ssub.s32 $0x2, s3;
	s21 =	smul.u32 $0x50000, s3;
	s3 =	sshllo.u32 s3, $0x1  }
0x8: {  	s6 =	sshrl.u32 s1, $0x3;
	s10 =	sshrl.u32 s9, $0x1;
	s19 =	sshrl.u32 s11, $0x2  }
0x9: {  	s26 =	smul.u32 $0x2800, s3;
	s6 =	sadd.s32 s6, s0;
	s7 =	sadd.s32 s5, s7  }
0xa: {  	s0 =	sadd.s32 $0x1FE00, s0;
	s9 =	ssub.s32 s9, s10;
	s15 =	sadd.s32 s19, s2  }
0xb: {  	s10 =	sadd.s32 s1, s21;
	s7 =	sshll.u32 s7, $0x3;
	s6 =	sadd.s32 $0x1800, s6  }
0xc: {  	s10 =	sshrl.u32 s10, $0x3;
	s5 =	sadd.s32 s5, s26;
	[dreg:$0x5] =	wrdreg s15  }
0xd: {  	s26 =	smax.u32 s9, $0x1;
	[dreg:$0x3] =	wrdreg s6;
	s18 =	sadd.s32 s4, s7  }
0xe: {  	s20 =	sadd.s32 $0x400, s7;
	s23 =	sadd.s32 $0x800, s7;
	[dreg:$0x1b] =	wrdreg s26  }
0xf: {  	s12 =	sadd.s32 $0xC00, s7;
	s10 =	sadd.s32 s8, s10;
	[dreg:$0x4] =	wrdreg s18  }
0x10: {  	s25 =	sadd.s32 $0x1000, s7;
	s7 =	sadd.s32 s0, s7;
	[dreg:$0xa] =	wrdreg s10  }
0x11: {  	s22 =	sadd.s32 s4, s20;
	[dreg:$0xb] =	wrdreg s7  }
0x12: {  	s28 =	simm.s32 $0x7;
	s13 =	sadd.s32 s4, s23;
	[dreg:$0x6] =	wrdreg s22  }
0x13: {  	s29 =	simm.s32 $0x8;
	s24 =	sadd.s32 s4, s12;
	[dreg:$0x7] =	wrdreg s13  }
0x14: {  	s3 =	smul.u32 $0x28000, s3;
	s16 =	sadd.s32 s4, s25;
	[dreg:$0x8] =	wrdreg s24  }
0x15: {  	s30 =	simm.s32 $0xD;
	s6 =	sadd.s32 s0, s20;
	[dreg:$0x9] =	wrdreg s16  }
0x16: {  	s1 =	sadd.s32 s1, s3;
	s11 =	sadd.s32 s0, s23;
	[dreg:$0xc] =	wrdreg s6  }
0x17: {  	s1 =	sshrl.u32 s1, $0x3;
	s12 =	sadd.s32 s0, s12;
	[dreg:$0xd] =	wrdreg s11  }
0x18: {  	s31 =	simm.s32 $0xF;
	s1 =	sadd.s32 s8, s1;
	[dreg:$0xe] =	wrdreg s12  }
0x19: {  	s5 =	sshll.u32 s5, $0x3;
	s8 =	sadd.s32 $0x6000, s15;
	[dreg:$0x11] =	wrdreg s1  }
0x1a: {  	s17 =	sadd.s32 $0x400, s5;
	s10 =	sadd.s32 $0x8000, s15;
	[dreg:$0x1e] =	wrdreg s8  }
0x1b: {  	s18 =	sadd.s32 $0x800, s5;
	s13 =	sadd.s32 s0, s25;
	[dreg:$0x1f] =	wrdreg s10  }
0x1c: {  	s19 =	sadd.s32 $0xC00, s5;
	s16 =	sadd.s32 s4, s5;
	[dreg:$0xf] =	wrdreg s13  }
0x1d: {  	s20 =	sadd.s32 $0x1000, s5;
	s5 =	sadd.s32 s0, s5;
	[dreg:$0x10] =	wrdreg s16  }
0x1e: {  	s9 =	simm.s32 $0x80;
	s21 =	sadd.s32 s4, s17;
	[dreg:$0x12] =	wrdreg s5  }
0x1f: {  	s26 =	simm.s32 $0x5;
	s3 =	sadd.s32 s0, s17;
	[dreg:$0x13] =	wrdreg s21  }
0x20: {  	s7 =	simm.s32 $0xE;
	s22 =	sadd.s32 s4, s18;
	[dreg:$0x14] =	wrdreg s3  }
0x21: {  	s23 =	sadd.s32 s0, s18;
	s24 =	sadd.s32 s4, s19;
	[dreg:$0x15] =	wrdreg s22  }
0x22: {  	s1 =	sadd.s32 s0, s19;
	s0 =	sadd.s32 s0, s20;
	[dreg:$0x16] =	wrdreg s23  }
0x23: {  	s25 =	sadd.s32 s4, s20;
	s6 =	sadd.s32 $0x4000, s15;
	[dreg:$0x17] =	wrdreg s24  }
0x24: {  	s17 =	simm.s32 $0x11000;
	s18 =	simm.s32 $0x13000;
	[dreg:$0x18] =	wrdreg s1  }
0x25: {  	s19 =	simm.s32 $0x1;
	s20 =	simm.s32 $0x2;
	[dreg:$0x19] =	wrdreg s0  }
0x26: {  	s11 =	simm.s32 $0xB;
	s12 =	simm.s32 $0x0;
	[dreg:$0x1a] =	wrdreg s25  }
0x27: {  	s5 =	sadd.s32 $0x2000, s15;
	s15 =	simm.s32 $0xD000;
	s16 =	simm.s32 $0xF000  }
0x28: {  	s21 =	simm.s32 $0x3;
	s22 =	simm.s32 $0x4;
	s23 =	simm.s32 $0x9  }
0x29: {  	s24 =	simm.s32 $0xA;
	s25 =	simm.s32 $0xC;
	[dreg:$0x1d] =	wrdreg s6  }
0x2a: {  	s13 =	simm.s32 $0x6;
	s0 =	simm.s32 $0x10;
	[dreg:$0x1c] =	wrdreg s5  }
.LBB2_1:
0x2b: {  	[smem:$0x7FD] =	sst s12  }
0x2c: {  	s3 =	simm.s32 $0x11;
	s1 =	rddreg [dreg:$0x3];
	s12 =	simm.s32 $0x2800  }
0x2d: {  	[tilespmem:s12], [sflag:$0x11] =	stream.linear.gather [hbm4b:s1+s14], $0x2800, $0x38;
	[tilespmem:$0x1F000] =	vst v63  }
0x2e: {  	_ =	swait.ge [sflag:s3], $0x2800  }
0x2f: {  	[sflag:s3] =	ssyncset.done $0x0  }
0x30: {  	s12 =	simm.s32 $0x5000;
	s1 =	rddreg [dreg:$0x4];
	[sflag:s3] =	ssyncadd.s32 $0xFFFFD800  }
0x31: {  	[tilespmem:s12], [sflag:$0x11] =	stream.linear.gather [hbm4b:s1+s14], $0x2000, $0x38;
	[tilespmem:$0x1F000] =	vst v63  }
0x32: {  	_ =	swait.ge [sflag:s3], $0x2000  }
0x33: {  	[sflag:s3] =	ssyncset.done $0x0  }
0x34: {  	s1 =	rddreg [dreg:$0x5];
	[sflag:s3] =	ssyncadd.s32 $0xFFFFE000  }
0x35: {  	[spmem:s1] =	stream.linear.scatter [tilespmem:s12], [sflag:$0x11], $0x2000, $0x38;
	[tilespmem:$0x1F000] =	vst v63  }
0x36: {  	_ =	swait.ge [sflag:s3], $0x2000  }
0x37: {  	[sflag:s3] =	ssyncset.done $0x0  }
0x38: {  	s1 =	rddreg [dreg:$0x6];
	[sflag:s3] =	ssyncadd.s32 $0xFFFFE000  }
0x39: {  	[tilespmem:s12], [sflag:$0x11] =	stream.linear.gather [hbm4b:s1+s14], $0x2000, $0x38;
	[tilespmem:$0x1F000] =	vst v63  }
0x3a: {  	_ =	swait.ge [sflag:s3], $0x2000  }
0x3b: {  	[sflag:s3] =	ssyncset.done $0x0  }
0x3c: {  	[sflag:s3] =	ssyncadd.s32 $0xFFFFE000  }
0x3d: {  	[spmem:s5] =	stream.linear.scatter [tilespmem:s12], [sflag:$0x11], $0x2000, $0x38;
	[tilespmem:$0x1F000] =	vst v63  }
0x3e: {  	_ =	swait.ge [sflag:s3], $0x2000  }
0x3f: {  	[sflag:s3] =	ssyncset.done $0x0  }
0x40: {  	s5 =	rddreg [dreg:$0x7];
	[sflag:s3] =	ssyncadd.s32 $0xFFFFE000  }
0x41: {  	[tilespmem:s12], [sflag:$0x11] =	stream.linear.gather [hbm4b:s5+s14], $0x2000, $0x38;
	[tilespmem:$0x1F000] =	vst v63  }
0x42: {  	_ =	swait.ge [sflag:s3], $0x2000  }
0x43: {  	[sflag:s3] =	ssyncset.done $0x0  }
0x44: {  	[sflag:s3] =	ssyncadd.s32 $0xFFFFE000  }
0x45: {  	[spmem:s6] =	stream.linear.scatter [tilespmem:s12], [sflag:$0x11], $0x2000, $0x38;
	[tilespmem:$0x1F000] =	vst v63  }
0x46: {  	_ =	swait.ge [sflag:s3], $0x2000  }
0x47: {  	[sflag:s3] =	ssyncset.done $0x0  }
0x48: {  	s5 =	rddreg [dreg:$0x8];
	[sflag:s3] =	ssyncadd.s32 $0xFFFFE000  }
0x49: {  	[tilespmem:s12], [sflag:$0x11] =	stream.linear.gather [hbm4b:s5+s14], $0x2000, $0x38;
	[tilespmem:$0x1F000] =	vst v63  }
0x4a: {  	_ =	swait.ge [sflag:s3], $0x2000  }
0x4b: {  	[sflag:s3] =	ssyncset.done $0x0  }
0x4c: {  	[sflag:s3] =	ssyncadd.s32 $0xFFFFE000  }
0x4d: {  	[spmem:s8] =	stream.linear.scatter [tilespmem:s12], [sflag:$0x11], $0x2000, $0x38;
	[tilespmem:$0x1F000] =	vst v63  }
0x4e: {  	_ =	swait.ge [sflag:s3], $0x2000  }
0x4f: {  	[sflag:s3] =	ssyncset.done $0x0  }
0x50: {  	s6 =	rddreg [dreg:$0x9];
	[sflag:s3] =	ssyncadd.s32 $0xFFFFE000  }
0x51: {  	[tilespmem:s12], [sflag:$0x11] =	stream.linear.gather [hbm4b:s6+s14], $0x2000, $0x38;
	[tilespmem:$0x1F000] =	vst v63  }
0x52: {  	_ =	swait.ge [sflag:s3], $0x2000  }
0x53: {  	[sflag:s3] =	ssyncset.done $0x0  }
0x54: {  	[sflag:s3] =	ssyncadd.s32 $0xFFFFE000  }
0x55: {  	[spmem:s10] =	stream.linear.scatter [tilespmem:s12], [sflag:$0x11], $0x2000, $0x38;
	[tilespmem:$0x1F000] =	vst v63  }
0x56: {  	_ =	swait.ge [sflag:s3], $0x2000  }
0x57: {  	[sflag:s3] =	ssyncset.done $0x0  }
0x58: {  	s8 =	rddreg [dreg:$0xa];
	[sflag:s3] =	ssyncadd.s32 $0xFFFFE000  }
0x59: {  	[tilespmem:s14], [sflag:$0x11] =	stream.linear.gather [hbm4b:s8+s14], $0x2800, $0x38;
	[tilespmem:$0x1F000] =	vst v63  }
0x5a: {  	_ =	swait.ge [sflag:s3], $0x2800  }
0x5b: {  	[sflag:s3] =	ssyncset.done $0x0  }
0x5c: {  	[sflag:s3] =	ssyncadd.s32 $0xFFFFD800  }
0x5d: {  	[bflag:$0x0] =	sbarrier.arrive $0xFFFF  }
0x5e: {  	[tilespmem:s12], [sflag:$0x1] =	stream.indirect.gather [hbm4b:s4+s9], $0x40, s14, s9, $0xb8;
	[tilespmem:$0x1F000] =	vst v63  }
0x5f: {  	s3 =	simm.s32 $0x7000  }
0x60: {  	[tilespmem:s3], [sflag:$0x2] =	stream.indirect.gather [hbm4b:s4+s9], $0x40, s9, s9, $0xb8;
	[tilespmem:$0x1F000] =	vst v63  }
0x61: {  	s5 =	simm.s32 $0x9000;
	s10 =	simm.s32 $0x100  }
0x62: {  	[tilespmem:s5], [sflag:$0x3] =	stream.indirect.gather [hbm4b:s4+s9], $0x40, s10, s9, $0xb8;
	[tilespmem:$0x1F000] =	vst v63  }
0x63: {  	s6 =	simm.s32 $0xB000;
	s14 =	simm.s32 $0x180  }
0x64: {  	[tilespmem:s6], [sflag:$0x4] =	stream.indirect.gather [hbm4b:s4+s9], $0x40, s14, s9, $0xb8;
	[tilespmem:$0x1F000] =	vst v63  }
0x65: {  	s8 =	simm.s32 $0x200  }
0x66: {  	[tilespmem:s15], [sflag:$0x5] =	stream.indirect.gather [hbm4b:s4+s9], $0x40, s8, s9, $0xb8;
	[tilespmem:$0x1F000] =	vst v63  }
0x67: {  	s10 =	simm.s32 $0x280  }
0x68: {  	[tilespmem:s16], [sflag:$0x6] =	stream.indirect.gather [hbm4b:s4+s9], $0x40, s10, s9, $0xb8;
	[tilespmem:$0x1F000] =	vst v63  }
0x69: {  	s14 =	simm.s32 $0x300  }
0x6a: {  	[tilespmem:s17], [sflag:$0x7] =	stream.indirect.gather [hbm4b:s4+s9], $0x40, s14, s9, $0xb8;
	[tilespmem:$0x1F000] =	vst v63  }
0x6b: {  	s8 =	simm.s32 $0x380  }
0x6c: {  	[tilespmem:s18], [sflag:$0x8] =	stream.indirect.gather [hbm4b:s4+s9], $0x40, s8, s9, $0xb8;
	[tilespmem:$0x1F000] =	vst v63  }
0x6d: {  	_ =	swait.ge [sflag:s19], $0x2000  }
0x6e: {  	[sflag:s19] =	ssyncset.done $0x0  }
0x6f: {  	s10 =	simm.s32 $0x2800;
	[sflag:s19] =	ssyncadd.s32 $0xFFFFE000  }
0x70: {  	[spmem:s2] =	stream.indirect.scatter.add.f32 [tilespmem:s12], [sflag:$0x9], $0x40, s10, s9, $0xb8;
	[tilespmem:$0x1F000] =	vst v63  }
0x71: {  	_ =	swait.ge [sflag:s20], $0x2000  }
0x72: {  	[sflag:s20] =	ssyncset.done $0x0  }
0x73: {  	s14 =	simm.s32 $0x2880;
	[sflag:s20] =	ssyncadd.s32 $0xFFFFE000  }
0x74: {  	[spmem:s2] =	stream.indirect.scatter.add.f32 [tilespmem:s3], [sflag:$0xA], $0x40, s14, s9, $0xb8;
	[tilespmem:$0x1F000] =	vst v63  }
0x75: {  	_ =	swait.ge [sflag:s21], $0x2000  }
0x76: {  	[sflag:s21] =	ssyncset.done $0x0  }
0x77: {  	s3 =	simm.s32 $0x2900;
	[sflag:s21] =	ssyncadd.s32 $0xFFFFE000  }
0x78: {  	[spmem:s2] =	stream.indirect.scatter.add.f32 [tilespmem:s5], [sflag:$0xB], $0x40, s3, s9, $0xb8;
	[tilespmem:$0x1F000] =	vst v63  }
0x79: {  	_ =	swait.ge [sflag:s22], $0x2000  }
0x7a: {  	[sflag:s22] =	ssyncset.done $0x0  }
0x7b: {  	s5 =	simm.s32 $0x2980;
	[sflag:s22] =	ssyncadd.s32 $0xFFFFE000  }
0x7c: {  	[spmem:s2] =	stream.indirect.scatter.add.f32 [tilespmem:s6], [sflag:$0xC], $0x40, s5, s9, $0xb8;
	[tilespmem:$0x1F000] =	vst v63  }
0x7d: {  	_ =	swait.ge [sflag:s23], $0x2000  }
0x7e: {  	[sflag:s23] =	ssyncset.done $0x0  }
0x7f: {  	[sflag:s23] =	ssyncadd.s32 $0xFFFFE000  }
0x80: {  	_ =	swait.ge [sflag:s24], $0x2000  }
0x81: {  	[sflag:s24] =	ssyncset.done $0x0  }
0x82: {  	[sflag:s24] =	ssyncadd.s32 $0xFFFFE000  }
0x83: {  	_ =	swait.ge [sflag:s11], $0x2000  }
0x84: {  	[sflag:s11] =	ssyncset.done $0x0  }
0x85: {  	[sflag:s11] =	ssyncadd.s32 $0xFFFFE000  }
0x86: {  	p0 =	por $0x0, $0x0;
	_ =	swait.ge [sflag:s25], $0x2000  }
0x87: {  	s1 =	simm.s32 @!p0 $0x5000;
	[sflag:s25] =	ssyncset.done $0x0  }
0x88: {  	s3 =	simm.s32 @!p0 $0x400;
	s5 =	simm.s32 @!p0 $0x80;
	[sflag:s25] =	ssyncadd.s32 $0xFFFFE000  }
0x89: {  	[tilespmem:s1], [sflag:$0x1] =	stream.indirect.gather @!p0 [hbm4b:s4+s5], $0x40, s3, s5, $0xb8;
	[tilespmem:$0x1F000] =	vst v63  }
0x8a: {  	s1 =	simm.s32 @!p0 $0x480;
	s3 =	simm.s32 @!p0 $0x7000  }
0x8b: {  	[tilespmem:s3], [sflag:$0x2] =	stream.indirect.gather @!p0 [hbm4b:s4+s5], $0x40, s1, s5, $0xb8;
	[tilespmem:$0x1F000] =	vst v63  }
0x8c: {  	s1 =	simm.s32 @!p0 $0x500;
	s3 =	simm.s32 @!p0 $0x9000  }
0x8d: {  	[tilespmem:s3], [sflag:$0x3] =	stream.indirect.gather @!p0 [hbm4b:s4+s5], $0x40, s1, s5, $0xb8;
	[tilespmem:$0x1F000] =	vst v63  }
0x8e: {  	s1 =	simm.s32 @!p0 $0x580;
	s3 =	simm.s32 @!p0 $0xB000  }
0x8f: {  	[tilespmem:s3], [sflag:$0x4] =	stream.indirect.gather @!p0 [hbm4b:s4+s5], $0x40, s1, s5, $0xb8;
	[tilespmem:$0x1F000] =	vst v63  }
0x90: {  	_ =	swait.ge [sflag:s26], $0x2000  }
0x91: {  	[sflag:s26] =	ssyncset.done $0x0  }
0x92: {  	s8 =	simm.s32 $0x2A00;
	[sflag:s26] =	ssyncadd.s32 $0xFFFFE000  }
0x93: {  	[spmem:s2] =	stream.indirect.scatter.add.f32 [tilespmem:s15], [sflag:$0xD], $0x40, s8, s9, $0xb8;
	[tilespmem:$0x1F000] =	vst v63  }
0x94: {  	_ =	swait.ge [sflag:s13], $0x2000  }
0x95: {  	[sflag:s13] =	ssyncset.done $0x0  }
0x96: {  	s10 =	simm.s32 $0x2A80;
	[sflag:s13] =	ssyncadd.s32 $0xFFFFE000  }
0x97: {  	[spmem:s2] =	stream.indirect.scatter.add.f32 [tilespmem:s16], [sflag:$0xE], $0x40, s10, s9, $0xb8;
	[tilespmem:$0x1F000] =	vst v63  }
0x98: {  	_ =	swait.ge [sflag:s28], $0x2000  }
0x99: {  	[sflag:s28] =	ssyncset.done $0x0  }
0x9a: {  	s12 =	simm.s32 $0x2B00;
	[sflag:s28] =	ssyncadd.s32 $0xFFFFE000  }
0x9b: {  	[spmem:s2] =	stream.indirect.scatter.add.f32 [tilespmem:s17], [sflag:$0xF], $0x40, s12, s9, $0xb8;
	[tilespmem:$0x1F000] =	vst v63  }
0x9c: {  	_ =	swait.ge [sflag:s29], $0x2000  }
0x9d: {  	[sflag:s29] =	ssyncset.done $0x0  }
0x9e: {  	s14 =	simm.s32 $0x2B80;
	[sflag:s29] =	ssyncadd.s32 $0xFFFFE000  }
0x9f: {  	[spmem:s2] =	stream.indirect.scatter.add.f32 [tilespmem:s18], [sflag:$0x10], $0x40, s14, s9, $0xb8;
	[tilespmem:$0x1F000] =	vst v63  }
0xa0: {  	_ =	swait.ge [sflag:s30], $0x2000  }
0xa1: {  	[sflag:s30] =	ssyncset.done $0x0  }
0xa2: {  	[sflag:s30] =	ssyncadd.s32 $0xFFFFE000  }
0xa3: {  	_ =	swait.ge [sflag:s7], $0x2000  }
0xa4: {  	[sflag:s7] =	ssyncset.done $0x0  }
0xa5: {  	[sflag:s7] =	ssyncadd.s32 $0xFFFFE000  }
0xa6: {  	_ =	swait.ge [sflag:s31], $0x2000  }
0xa7: {  	[sflag:s31] =	ssyncset.done $0x0  }
0xa8: {  	[sflag:s31] =	ssyncadd.s32 $0xFFFFE000  }
0xa9: {  	s3 =	simm.s32 $0x1000;
	_ =	swait.ge [sflag:s0], $0x2000  }
0xaa: {  	s1 =	simm.s32 $0x2000;
	s5 =	simm.s32 $0x400;
	[sflag:s0] =	ssyncset.done $0x0  }
.LBB2_2:
0xab: {  	s10 =	sadd.s32 $0x200, s5  }
0xac: {  	[sflag:s0] =	ssyncadd.s32 $0xFFFFE000;
	s6 =	smov.u32 s1;
	s1 =	sadd.s32 $0x1000, s1  }
0xad: {  	[tilespmem:s15], [sflag:$0x5] =	stream.indirect.gather [hbm4b:s4+s9], $0x40, s10, s9, $0xb8;
	[tilespmem:$0x1F000] =	vst v63  }
0xae: {  	p0 =	sne.s32 s1, $0xA000;
	s10 =	sadd.s32 $0x280, s5  }
0xaf: {  	[tilespmem:s16], [sflag:$0x6] =	stream.indirect.gather [hbm4b:s4+s9], $0x40, s10, s9, $0xb8;
	[tilespmem:$0x1F000] =	vst v63  }
0xb0: {  	s10 =	sadd.s32 $0x300, s5  }
0xb1: {  	[tilespmem:s17], [sflag:$0x7] =	stream.indirect.gather [hbm4b:s4+s9], $0x40, s10, s9, $0xb8;
	[tilespmem:$0x1F000] =	vst v63  }
0xb2: {  	s10 =	sadd.s32 $0x380, s5  }
0xb3: {  	[tilespmem:s18], [sflag:$0x8] =	stream.indirect.gather [hbm4b:s4+s9], $0x40, s10, s9, $0xb8;
	[tilespmem:$0x1F000] =	vst v63  }
0xb4: {  	_ =	swait.ge [sflag:s19], $0x2000  }
0xb5: {  	[sflag:s19] =	ssyncset.done $0x0  }
0xb6: {  	s8 =	simm.s32 $0x5000;
	s10 =	sadd.s32 $0x2800, s5;
	[sflag:s19] =	ssyncadd.s32 $0xFFFFE000  }
0xb7: {  	[spmem:s2] =	stream.indirect.scatter.add.f32 [tilespmem:s8], [sflag:$0x9], $0x40, s10, s9, $0xb8;
	[tilespmem:$0x1F000] =	vst v63  }
0xb8: {  	_ =	swait.ge [sflag:s20], $0x2000  }
0xb9: {  	[sflag:s20] =	ssyncset.done $0x0  }
0xba: {  	s10 =	sadd.s32 $0x2880, s5;
	s8 =	simm.s32 $0x7000;
	[sflag:s20] =	ssyncadd.s32 $0xFFFFE000  }
0xbb: {  	[spmem:s2] =	stream.indirect.scatter.add.f32 [tilespmem:s8], [sflag:$0xA], $0x40, s10, s9, $0xb8;
	[tilespmem:$0x1F000] =	vst v63  }
0xbc: {  	_ =	swait.ge [sflag:s21], $0x2000  }
0xbd: {  	[sflag:s21] =	ssyncset.done $0x0  }
0xbe: {  	s10 =	sadd.s32 $0x2900, s5;
	s8 =	simm.s32 $0x9000;
	[sflag:s21] =	ssyncadd.s32 $0xFFFFE000  }
0xbf: {  	[spmem:s2] =	stream.indirect.scatter.add.f32 [tilespmem:s8], [sflag:$0xB], $0x40, s10, s9, $0xb8;
	[tilespmem:$0x1F000] =	vst v63  }
0xc0: {  	_ =	swait.ge [sflag:s22], $0x2000  }
0xc1: {  	[sflag:s22] =	ssyncset.done $0x0  }
0xc2: {  	s10 =	sadd.s32 $0x2980, s5;
	s8 =	simm.s32 $0xB000;
	[sflag:s22] =	ssyncadd.s32 $0xFFFFE000  }
0xc3: {  	[spmem:s2] =	stream.indirect.scatter.add.f32 [tilespmem:s8], [sflag:$0xC], $0x40, s10, s9, $0xb8;
	[tilespmem:$0x1F000] =	vst v63  }
0xc4: {  	_ =	swait.ge [sflag:s23], $0x2000  }
0xc5: {  	[sflag:s23] =	ssyncset.done $0x0  }
0xc6: {  	[sflag:s23] =	ssyncadd.s32 $0xFFFFE000  }
0xc7: {  	_ =	swait.ge [sflag:s24], $0x2000  }
0xc8: {  	[sflag:s24] =	ssyncset.done $0x0  }
0xc9: {  	[sflag:s24] =	ssyncadd.s32 $0xFFFFE000  }
0xca: {  	_ =	swait.ge [sflag:s11], $0x2000  }
0xcb: {  	[sflag:s11] =	ssyncset.done $0x0  }
0xcc: {  	[sflag:s11] =	ssyncadd.s32 $0xFFFFE000  }
0xcd: {  	p1 =	seq.s32 s3, $0x9000;
	_ =	swait.ge [sflag:s25], $0x2000  }
0xce: {  	s3 =	sshra.s32 @!p1 s3, $0x2;
	s10 =	simm.s32 @!p1 $0x5000;
	[sflag:s25] =	ssyncset.done $0x0  }
0xcf: {  	s14 =	simm.s32 @!p1 $0x80;
	s12 =	sadd.s32 @!p1 $0x400, s3;
	[sflag:s25] =	ssyncadd.s32 $0xFFFFE000  }
0xd0: {  	[tilespmem:s10], [sflag:$0x1] =	stream.indirect.gather @!p1 [hbm4b:s4+s14], $0x40, s12, s14, $0xb8;
	[tilespmem:$0x1F000] =	vst v63  }
0xd1: {  	s8 =	sadd.s32 @!p1 $0x500, s3;
	s10 =	sadd.s32 @!p1 $0x480, s3;
	s12 =	simm.s32 @!p1 $0x7000  }
0xd2: {  	[tilespmem:s12], [sflag:$0x2] =	stream.indirect.gather @!p1 [hbm4b:s4+s14], $0x40, s10, s14, $0xb8;
	[tilespmem:$0x1F000] =	vst v63  }
0xd3: {  	s10 =	simm.s32 @!p1 $0x9000;
	s12 =	sadd.s32 @!p1 $0x580, s3;
	s3 =	smov.u32 s6  }
0xd4: {  	[tilespmem:s10], [sflag:$0x3] =	stream.indirect.gather @!p1 [hbm4b:s4+s14], $0x40, s8, s14, $0xb8;
	[tilespmem:$0x1F000] =	vst v63  }
0xd5: {  	s6 =	simm.s32 @!p1 $0xB000  }
0xd6: {  	[tilespmem:s6], [sflag:$0x4] =	stream.indirect.gather @!p1 [hbm4b:s4+s14], $0x40, s12, s14, $0xb8;
	[tilespmem:$0x1F000] =	vst v63  }
0xd7: {  	_ =	swait.ge [sflag:s26], $0x2000  }
0xd8: {  	[sflag:s26] =	ssyncset.done $0x0  }
0xd9: {  	s6 =	sadd.s32 $0x2A00, s5;
	[sflag:s26] =	ssyncadd.s32 $0xFFFFE000  }
0xda: {  	[spmem:s2] =	stream.indirect.scatter.add.f32 [tilespmem:s15], [sflag:$0xD], $0x40, s6, s9, $0xb8;
	[tilespmem:$0x1F000] =	vst v63  }
0xdb: {  	_ =	swait.ge [sflag:s13], $0x2000  }
0xdc: {  	[sflag:s13] =	ssyncset.done $0x0  }
0xdd: {  	s6 =	sadd.s32 $0x2A80, s5;
	[sflag:s13] =	ssyncadd.s32 $0xFFFFE000  }
0xde: {  	[spmem:s2] =	stream.indirect.scatter.add.f32 [tilespmem:s16], [sflag:$0xE], $0x40, s6, s9, $0xb8;
	[tilespmem:$0x1F000] =	vst v63  }
0xdf: {  	_ =	swait.ge [sflag:s28], $0x2000  }
0xe0: {  	[sflag:s28] =	ssyncset.done $0x0  }
0xe1: {  	s6 =	sadd.s32 $0x2B00, s5;
	[sflag:s28] =	ssyncadd.s32 $0xFFFFE000  }
0xe2: {  	[spmem:s2] =	stream.indirect.scatter.add.f32 [tilespmem:s17], [sflag:$0xF], $0x40, s6, s9, $0xb8;
	[tilespmem:$0x1F000] =	vst v63  }
0xe3: {  	_ =	swait.ge [sflag:s29], $0x2000  }
0xe4: {  	[sflag:s29] =	ssyncset.done $0x0  }
0xe5: {  	s5 =	sadd.s32 $0x2B80, s5;
	[sflag:s29] =	ssyncadd.s32 $0xFFFFE000  }
0xe6: {  	[spmem:s2] =	stream.indirect.scatter.add.f32 [tilespmem:s18], [sflag:$0x10], $0x40, s5, s9, $0xb8;
	[tilespmem:$0x1F000] =	vst v63  }
0xe7: {  	_ =	swait.ge [sflag:s30], $0x2000  }
0xe8: {  	[sflag:s30] =	ssyncset.done $0x0  }
0xe9: {  	[sflag:s30] =	ssyncadd.s32 $0xFFFFE000  }
0xea: {  	_ =	swait.ge [sflag:s7], $0x2000  }
0xeb: {  	[sflag:s7] =	ssyncset.done $0x0  }
0xec: {  	[sflag:s7] =	ssyncadd.s32 $0xFFFFE000  }
.Ltmp0:
0xed: {  	_ =	swait.ge [sflag:s31], $0x2000;
	(pc) =	sbr.rel @p0 .LBB2_2-.Ltmp0, $4  }
0xee: {  	[sflag:s31] =	ssyncset.done $0x0  }
0xef: {  	[sflag:s31] =	ssyncadd.s32 $0xFFFFE000  }
0xf0: {  	_ =	swait.ge [sflag:s0], $0x2000  }
0xf1: {  	s5 =	sshra.s32 s3, $0x2;
	[sflag:s0] =	ssyncset.done $0x0  }
0xf2: {  	s1 =	sadd.s32 $0x200, s5;
	[sflag:s0] =	ssyncadd.s32 $0xFFFFE000  }
0xf3: {  	[tilespmem:s15], [sflag:$0x5] =	stream.indirect.gather [hbm4b:s4+s9], $0x40, s1, s9, $0xb8;
	[tilespmem:$0x1F000] =	vst v63  }
0xf4: {  	s10 =	sadd.s32 $0x280, s5  }
0xf5: {  	[tilespmem:s16], [sflag:$0x6] =	stream.indirect.gather [hbm4b:s4+s9], $0x40, s10, s9, $0xb8;
	[tilespmem:$0x1F000] =	vst v63  }
0xf6: {  	s12 =	sadd.s32 $0x300, s5  }
0xf7: {  	[tilespmem:s17], [sflag:$0x7] =	stream.indirect.gather [hbm4b:s4+s9], $0x40, s12, s9, $0xb8;
	[tilespmem:$0x1F000] =	vst v63  }
0xf8: {  	s14 =	sadd.s32 $0x380, s5  }
0xf9: {  	[tilespmem:s18], [sflag:$0x8] =	stream.indirect.gather [hbm4b:s4+s9], $0x40, s14, s9, $0xb8;
	[tilespmem:$0x1F000] =	vst v63  }
0xfa: {  	_ =	swait.ge [sflag:s19], $0x2000  }
0xfb: {  	[sflag:s19] =	ssyncset.done $0x0  }
0xfc: {  	s6 =	sadd.s32 $0x2800, s5;
	s10 =	simm.s32 $0x5000;
	[sflag:s19] =	ssyncadd.s32 $0xFFFFE000  }
0xfd: {  	[spmem:s2] =	stream.indirect.scatter.add.f32 [tilespmem:s10], [sflag:$0x9], $0x40, s6, s9, $0xb8;
	[tilespmem:$0x1F000] =	vst v63  }
0xfe: {  	_ =	swait.ge [sflag:s20], $0x2000  }
0xff: {  	[sflag:s20] =	ssyncset.done $0x0  }
0x100: {  	s8 =	sadd.s32 $0x2880, s5;
	s6 =	simm.s32 $0x7000;
	[sflag:s20] =	ssyncadd.s32 $0xFFFFE000  }
0x101: {  	[spmem:s2] =	stream.indirect.scatter.add.f32 [tilespmem:s6], [sflag:$0xA], $0x40, s8, s9, $0xb8;
	[tilespmem:$0x1F000] =	vst v63  }
0x102: {  	_ =	swait.ge [sflag:s21], $0x2000  }
0x103: {  	[sflag:s21] =	ssyncset.done $0x0  }
0x104: {  	s12 =	sadd.s32 $0x2900, s5;
	s14 =	simm.s32 $0x9000;
	[sflag:s21] =	ssyncadd.s32 $0xFFFFE000  }
0x105: {  	[spmem:s2] =	stream.indirect.scatter.add.f32 [tilespmem:s14], [sflag:$0xB], $0x40, s12, s9, $0xb8;
	[tilespmem:$0x1F000] =	vst v63  }
0x106: {  	_ =	swait.ge [sflag:s22], $0x2000  }
0x107: {  	[sflag:s22] =	ssyncset.done $0x0  }
0x108: {  	s6 =	sadd.s32 $0x2980, s5;
	s8 =	simm.s32 $0xB000;
	[sflag:s22] =	ssyncadd.s32 $0xFFFFE000  }
0x109: {  	[spmem:s2] =	stream.indirect.scatter.add.f32 [tilespmem:s8], [sflag:$0xC], $0x40, s6, s9, $0xb8;
	[tilespmem:$0x1F000] =	vst v63  }
0x10a: {  	_ =	swait.ge [sflag:s23], $0x2000  }
0x10b: {  	[sflag:s23] =	ssyncset.done $0x0  }
0x10c: {  	[sflag:s23] =	ssyncadd.s32 $0xFFFFE000  }
0x10d: {  	_ =	swait.ge [sflag:s24], $0x2000  }
0x10e: {  	[sflag:s24] =	ssyncset.done $0x0  }
0x10f: {  	[sflag:s24] =	ssyncadd.s32 $0xFFFFE000  }
0x110: {  	_ =	swait.ge [sflag:s11], $0x2000  }
0x111: {  	[sflag:s11] =	ssyncset.done $0x0  }
0x112: {  	[sflag:s11] =	ssyncadd.s32 $0xFFFFE000  }
0x113: {  	p0 =	seq.s32 s3, $0x9000;
	_ =	swait.ge [sflag:s25], $0x2000  }
0x114: {  	s1 =	sshra.s32 @!p0 s3, $0x2;
	s3 =	simm.s32 @!p0 $0x5000;
	[sflag:s25] =	ssyncset.done $0x0  }
0x115: {  	s6 =	sadd.s32 @!p0 $0x400, s1;
	s8 =	simm.s32 @!p0 $0x80;
	[sflag:s25] =	ssyncadd.s32 $0xFFFFE000  }
0x116: {  	[tilespmem:s3], [sflag:$0x1] =	stream.indirect.gather @!p0 [hbm4b:s4+s8], $0x40, s6, s8, $0xb8;
	[tilespmem:$0x1F000] =	vst v63  }
0x117: {  	s3 =	sadd.s32 @!p0 $0x480, s1;
	s6 =	simm.s32 @!p0 $0x7000  }
0x118: {  	[tilespmem:s6], [sflag:$0x2] =	stream.indirect.gather @!p0 [hbm4b:s4+s8], $0x40, s3, s8, $0xb8;
	[tilespmem:$0x1F000] =	vst v63  }
0x119: {  	s3 =	sadd.s32 @!p0 $0x500, s1;
	s6 =	simm.s32 @!p0 $0x9000  }
0x11a: {  	[tilespmem:s6], [sflag:$0x3] =	stream.indirect.gather @!p0 [hbm4b:s4+s8], $0x40, s3, s8, $0xb8;
	[tilespmem:$0x1F000] =	vst v63  }
0x11b: {  	s1 =	sadd.s32 @!p0 $0x580, s1;
	s3 =	simm.s32 @!p0 $0xB000  }
0x11c: {  	[tilespmem:s3], [sflag:$0x4] =	stream.indirect.gather @!p0 [hbm4b:s4+s8], $0x40, s1, s8, $0xb8;
	[tilespmem:$0x1F000] =	vst v63  }
0x11d: {  	_ =	swait.ge [sflag:s26], $0x2000  }
0x11e: {  	[sflag:s26] =	ssyncset.done $0x0  }
0x11f: {  	s12 =	sadd.s32 $0x2A00, s5;
	[sflag:s26] =	ssyncadd.s32 $0xFFFFE000  }
0x120: {  	[spmem:s2] =	stream.indirect.scatter.add.f32 [tilespmem:s15], [sflag:$0xD], $0x40, s12, s9, $0xb8;
	[tilespmem:$0x1F000] =	vst v63  }
0x121: {  	_ =	swait.ge [sflag:s13], $0x2000  }
0x122: {  	[sflag:s13] =	ssyncset.done $0x0  }
0x123: {  	s14 =	sadd.s32 $0x2A80, s5;
	[sflag:s13] =	ssyncadd.s32 $0xFFFFE000  }
0x124: {  	[spmem:s2] =	stream.indirect.scatter.add.f32 [tilespmem:s16], [sflag:$0xE], $0x40, s14, s9, $0xb8;
	[tilespmem:$0x1F000] =	vst v63  }
0x125: {  	_ =	swait.ge [sflag:s28], $0x2000  }
0x126: {  	[sflag:s28] =	ssyncset.done $0x0  }
0x127: {  	s3 =	sadd.s32 $0x2B00, s5;
	[sflag:s28] =	ssyncadd.s32 $0xFFFFE000  }
0x128: {  	[spmem:s2] =	stream.indirect.scatter.add.f32 [tilespmem:s17], [sflag:$0xF], $0x40, s3, s9, $0xb8;
	[tilespmem:$0x1F000] =	vst v63  }
0x129: {  	_ =	swait.ge [sflag:s29], $0x2000  }
0x12a: {  	[sflag:s29] =	ssyncset.done $0x0  }
0x12b: {  	s5 =	sadd.s32 $0x2B80, s5;
	[sflag:s29] =	ssyncadd.s32 $0xFFFFE000  }
0x12c: {  	[spmem:s2] =	stream.indirect.scatter.add.f32 [tilespmem:s18], [sflag:$0x10], $0x40, s5, s9, $0xb8;
	[tilespmem:$0x1F000] =	vst v63  }
0x12d: {  	_ =	swait.ge [sflag:s30], $0x2000  }
0x12e: {  	[sflag:s30] =	ssyncset.done $0x0  }
0x12f: {  	[sflag:s30] =	ssyncadd.s32 $0xFFFFE000  }
0x130: {  	_ =	swait.ge [sflag:s7], $0x2000  }
0x131: {  	[sflag:s7] =	ssyncset.done $0x0  }
0x132: {  	[sflag:s7] =	ssyncadd.s32 $0xFFFFE000  }
0x133: {  	_ =	swait.ge [sflag:s31], $0x2000  }
0x134: {  	[sflag:s31] =	ssyncset.done $0x0  }
0x135: {  	[sflag:s31] =	ssyncadd.s32 $0xFFFFE000  }
0x136: {  	_ =	swait.ge [sflag:s0], $0x2000  }
0x137: {  	[sflag:s0] =	ssyncset.done $0x0  }
0x138: {  	[sflag:s0] =	ssyncadd.s32 $0xFFFFE000  }
0x139: {  	[bflag:$0x0] =	sbarrier.arrive $0xFFFF  }
0x13a: {  	s14 =	simm.s32 $0x11;
	s3 =	rddreg [dreg:$0x5]  }
0x13b: {  	[tilespmem:s10], [sflag:$0x11] =	stream.linear.gather [spmem:s3], $0x2000, $0x38;
	[tilespmem:$0x1F000] =	vst v63  }
0x13c: {  	_ =	swait.ge [sflag:s14], $0x2000  }
0x13d: {  	[sflag:s14] =	ssyncset.done $0x0  }
0x13e: {  	s1 =	simm.s32 $0x0;
	s6 =	rddreg [dreg:$0xb];
	[sflag:s14] =	ssyncadd.s32 $0xFFFFE000  }
0x13f: {  	[hbm4b:s6+s1] =	stream.linear.scatter [tilespmem:s10], [sflag:$0x11], $0x2000, $0x38;
	[tilespmem:$0x1F000] =	vst v63  }
0x140: {  	_ =	swait.ge [sflag:s14], $0x2000  }
0x141: {  	[sflag:s14] =	ssyncset.done $0x0  }
0x142: {  	s6 =	rddreg [dreg:$0x1c];
	[sflag:s14] =	ssyncadd.s32 $0xFFFFE000  }
0x143: {  	[tilespmem:s10], [sflag:$0x11] =	stream.linear.gather [spmem:s6], $0x2000, $0x38;
	[tilespmem:$0x1F000] =	vst v63  }
0x144: {  	_ =	swait.ge [sflag:s14], $0x2000  }
0x145: {  	[sflag:s14] =	ssyncset.done $0x0  }
0x146: {  	s8 =	rddreg [dreg:$0xc];
	[sflag:s14] =	ssyncadd.s32 $0xFFFFE000  }
0x147: {  	[hbm4b:s8+s1] =	stream.linear.scatter [tilespmem:s10], [sflag:$0x11], $0x2000, $0x38;
	[tilespmem:$0x1F000] =	vst v63  }
0x148: {  	_ =	swait.ge [sflag:s14], $0x2000  }
0x149: {  	[sflag:s14] =	ssyncset.done $0x0  }
0x14a: {  	s8 =	rddreg [dreg:$0x1d];
	[sflag:s14] =	ssyncadd.s32 $0xFFFFE000  }
0x14b: {  	[tilespmem:s10], [sflag:$0x11] =	stream.linear.gather [spmem:s8], $0x2000, $0x38;
	[tilespmem:$0x1F000] =	vst v63  }
0x14c: {  	_ =	swait.ge [sflag:s14], $0x2000  }
0x14d: {  	[sflag:s14] =	ssyncset.done $0x0  }
0x14e: {  	s12 =	rddreg [dreg:$0xd];
	[sflag:s14] =	ssyncadd.s32 $0xFFFFE000  }
0x14f: {  	[hbm4b:s12+s1] =	stream.linear.scatter [tilespmem:s10], [sflag:$0x11], $0x2000, $0x38;
	[tilespmem:$0x1F000] =	vst v63  }
0x150: {  	_ =	swait.ge [sflag:s14], $0x2000  }
0x151: {  	[sflag:s14] =	ssyncset.done $0x0  }
0x152: {  	s12 =	rddreg [dreg:$0x1e];
	[sflag:s14] =	ssyncadd.s32 $0xFFFFE000  }
0x153: {  	[tilespmem:s10], [sflag:$0x11] =	stream.linear.gather [spmem:s12], $0x2000, $0x38;
	[tilespmem:$0x1F000] =	vst v63  }
0x154: {  	_ =	swait.ge [sflag:s14], $0x2000  }
0x155: {  	[sflag:s14] =	ssyncset.done $0x0  }
0x156: {  	s12 =	rddreg [dreg:$0xe];
	[sflag:s14] =	ssyncadd.s32 $0xFFFFE000  }
0x157: {  	[hbm4b:s12+s1] =	stream.linear.scatter [tilespmem:s10], [sflag:$0x11], $0x2000, $0x38;
	[tilespmem:$0x1F000] =	vst v63  }
0x158: {  	_ =	swait.ge [sflag:s14], $0x2000  }
0x159: {  	[sflag:s14] =	ssyncset.done $0x0  }
0x15a: {  	s12 =	rddreg [dreg:$0x1f];
	[sflag:s14] =	ssyncadd.s32 $0xFFFFE000  }
0x15b: {  	[tilespmem:s10], [sflag:$0x11] =	stream.linear.gather [spmem:s12], $0x2000, $0x38;
	[tilespmem:$0x1F000] =	vst v63  }
0x15c: {  	_ =	swait.ge [sflag:s14], $0x2000  }
0x15d: {  	[sflag:s14] =	ssyncset.done $0x0  }
0x15e: {  	s5 =	rddreg [dreg:$0xf];
	[sflag:s14] =	ssyncadd.s32 $0xFFFFE000  }
0x15f: {  	[hbm4b:s5+s1] =	stream.linear.scatter [tilespmem:s10], [sflag:$0x11], $0x2000, $0x38;
	[tilespmem:$0x1F000] =	vst v63  }
0x160: {  	_ =	swait.ge [sflag:s14], $0x2000  }
0x161: {  	[sflag:s14] =	ssyncset.done $0x0  }
0x162: {  	s5 =	rddreg [dreg:$0x10];
	[sflag:s14] =	ssyncadd.s32 $0xFFFFE000  }
0x163: {  	[tilespmem:s10], [sflag:$0x11] =	stream.linear.gather [hbm4b:s5+s1], $0x2000, $0x38;
	[tilespmem:$0x1F000] =	vst v63  }
0x164: {  	_ =	swait.ge [sflag:s14], $0x2000  }
0x165: {  	[sflag:s14] =	ssyncset.done $0x0  }
0x166: {  	[sflag:s14] =	ssyncadd.s32 $0xFFFFE000  }
0x167: {  	[spmem:s3] =	stream.linear.scatter [tilespmem:s10], [sflag:$0x11], $0x2000, $0x38;
	[tilespmem:$0x1F000] =	vst v63  }
0x168: {  	_ =	swait.ge [sflag:s14], $0x2000  }
0x169: {  	[sflag:s14] =	ssyncset.done $0x0  }
0x16a: {  	s5 =	rddreg [dreg:$0x13];
	[sflag:s14] =	ssyncadd.s32 $0xFFFFE000  }
0x16b: {  	[tilespmem:s10], [sflag:$0x11] =	stream.linear.gather [hbm4b:s5+s1], $0x2000, $0x38;
	[tilespmem:$0x1F000] =	vst v63  }
0x16c: {  	_ =	swait.ge [sflag:s14], $0x2000  }
0x16d: {  	[sflag:s14] =	ssyncset.done $0x0  }
0x16e: {  	[sflag:s14] =	ssyncadd.s32 $0xFFFFE000  }
0x16f: {  	[spmem:s6] =	stream.linear.scatter [tilespmem:s10], [sflag:$0x11], $0x2000, $0x38;
	[tilespmem:$0x1F000] =	vst v63  }
0x170: {  	_ =	swait.ge [sflag:s14], $0x2000  }
0x171: {  	[sflag:s14] =	ssyncset.done $0x0  }
0x172: {  	s6 =	rddreg [dreg:$0x15];
	[sflag:s14] =	ssyncadd.s32 $0xFFFFE000  }
0x173: {  	[tilespmem:s10], [sflag:$0x11] =	stream.linear.gather [hbm4b:s6+s1], $0x2000, $0x38;
	[tilespmem:$0x1F000] =	vst v63  }
0x174: {  	_ =	swait.ge [sflag:s14], $0x2000  }
0x175: {  	[sflag:s14] =	ssyncset.done $0x0  }
0x176: {  	[sflag:s14] =	ssyncadd.s32 $0xFFFFE000  }
0x177: {  	[spmem:s8] =	stream.linear.scatter [tilespmem:s10], [sflag:$0x11], $0x2000, $0x38;
	[tilespmem:$0x1F000] =	vst v63  }
0x178: {  	_ =	swait.ge [sflag:s14], $0x2000  }
0x179: {  	[sflag:s14] =	ssyncset.done $0x0  }
0x17a: {  	s8 =	rddreg [dreg:$0x17];
	[sflag:s14] =	ssyncadd.s32 $0xFFFFE000  }
0x17b: {  	[tilespmem:s10], [sflag:$0x11] =	stream.linear.gather [hbm4b:s8+s1], $0x2000, $0x38;
	[tilespmem:$0x1F000] =	vst v63  }
0x17c: {  	_ =	swait.ge [sflag:s14], $0x2000  }
0x17d: {  	[sflag:s14] =	ssyncset.done $0x0  }
0x17e: {  	s5 =	rddreg [dreg:$0x1e];
	[sflag:s14] =	ssyncadd.s32 $0xFFFFE000  }
0x17f: {  	[spmem:s5] =	stream.linear.scatter [tilespmem:s10], [sflag:$0x11], $0x2000, $0x38;
	[tilespmem:$0x1F000] =	vst v63  }
0x180: {  	_ =	swait.ge [sflag:s14], $0x2000  }
0x181: {  	[sflag:s14] =	ssyncset.done $0x0  }
0x182: {  	s6 =	rddreg [dreg:$0x1a];
	[sflag:s14] =	ssyncadd.s32 $0xFFFFE000  }
0x183: {  	[tilespmem:s10], [sflag:$0x11] =	stream.linear.gather [hbm4b:s6+s1], $0x2000, $0x38;
	[tilespmem:$0x1F000] =	vst v63  }
0x184: {  	_ =	swait.ge [sflag:s14], $0x2000  }
0x185: {  	[sflag:s14] =	ssyncset.done $0x0  }
0x186: {  	[sflag:s14] =	ssyncadd.s32 $0xFFFFE000  }
0x187: {  	[spmem:s12] =	stream.linear.scatter [tilespmem:s10], [sflag:$0x11], $0x2000, $0x38;
	[tilespmem:$0x1F000] =	vst v63  }
0x188: {  	_ =	swait.ge [sflag:s14], $0x2000  }
0x189: {  	[sflag:s14] =	ssyncset.done $0x0  }
0x18a: {  	s8 =	rddreg [dreg:$0x11];
	[sflag:s14] =	ssyncadd.s32 $0xFFFFE000  }
0x18b: {  	[tilespmem:s1], [sflag:$0x11] =	stream.linear.gather [hbm4b:s8+s1], $0x2800, $0x38;
	[tilespmem:$0x1F000] =	vst v63  }
0x18c: {  	_ =	swait.ge [sflag:s14], $0x2800  }
0x18d: {  	[sflag:s14] =	ssyncset.done $0x0  }
0x18e: {  	[sflag:s14] =	ssyncadd.s32 $0xFFFFD800  }
0x18f: {  	[bflag:$0x0] =	sbarrier.arrive $0xFFFF  }
0x190: {  	[tilespmem:s10], [sflag:$0x1] =	stream.indirect.gather [hbm4b:s4+s9], $0x40, s1, s9, $0xb8;
	[tilespmem:$0x1F000] =	vst v63  }
0x191: {  	s3 =	simm.s32 $0x7000  }
0x192: {  	[tilespmem:s3], [sflag:$0x2] =	stream.indirect.gather [hbm4b:s4+s9], $0x40, s9, s9, $0xb8;
	[tilespmem:$0x1F000] =	vst v63  }
0x193: {  	s5 =	simm.s32 $0x9000;
	s12 =	simm.s32 $0x100  }
0x194: {  	[tilespmem:s5], [sflag:$0x3] =	stream.indirect.gather [hbm4b:s4+s9], $0x40, s12, s9, $0xb8;
	[tilespmem:$0x1F000] =	vst v63  }
0x195: {  	s6 =	simm.s32 $0xB000;
	s14 =	simm.s32 $0x180  }
0x196: {  	[tilespmem:s6], [sflag:$0x4] =	stream.indirect.gather [hbm4b:s4+s9], $0x40, s14, s9, $0xb8;
	[tilespmem:$0x1F000] =	vst v63  }
0x197: {  	s8 =	simm.s32 $0x200  }
0x198: {  	[tilespmem:s15], [sflag:$0x5] =	stream.indirect.gather [hbm4b:s4+s9], $0x40, s8, s9, $0xb8;
	[tilespmem:$0x1F000] =	vst v63  }
0x199: {  	s12 =	simm.s32 $0x280  }
0x19a: {  	[tilespmem:s16], [sflag:$0x6] =	stream.indirect.gather [hbm4b:s4+s9], $0x40, s12, s9, $0xb8;
	[tilespmem:$0x1F000] =	vst v63  }
0x19b: {  	s14 =	simm.s32 $0x300  }
0x19c: {  	[tilespmem:s17], [sflag:$0x7] =	stream.indirect.gather [hbm4b:s4+s9], $0x40, s14, s9, $0xb8;
	[tilespmem:$0x1F000] =	vst v63  }
0x19d: {  	s8 =	simm.s32 $0x380  }
0x19e: {  	[tilespmem:s18], [sflag:$0x8] =	stream.indirect.gather [hbm4b:s4+s9], $0x40, s8, s9, $0xb8;
	[tilespmem:$0x1F000] =	vst v63  }
0x19f: {  	_ =	swait.ge [sflag:s19], $0x2000  }
0x1a0: {  	[sflag:s19] =	ssyncset.done $0x0  }
0x1a1: {  	s12 =	simm.s32 $0x2800;
	[sflag:s19] =	ssyncadd.s32 $0xFFFFE000  }
0x1a2: {  	[spmem:s2] =	stream.indirect.scatter.add.f32 [tilespmem:s10], [sflag:$0x9], $0x40, s12, s9, $0xb8;
	[tilespmem:$0x1F000] =	vst v63  }
0x1a3: {  	_ =	swait.ge [sflag:s20], $0x2000  }
0x1a4: {  	[sflag:s20] =	ssyncset.done $0x0  }
0x1a5: {  	s14 =	simm.s32 $0x2880;
	[sflag:s20] =	ssyncadd.s32 $0xFFFFE000  }
0x1a6: {  	[spmem:s2] =	stream.indirect.scatter.add.f32 [tilespmem:s3], [sflag:$0xA], $0x40, s14, s9, $0xb8;
	[tilespmem:$0x1F000] =	vst v63  }
0x1a7: {  	_ =	swait.ge [sflag:s21], $0x2000  }
0x1a8: {  	[sflag:s21] =	ssyncset.done $0x0  }
0x1a9: {  	s3 =	simm.s32 $0x2900;
	[sflag:s21] =	ssyncadd.s32 $0xFFFFE000  }
0x1aa: {  	[spmem:s2] =	stream.indirect.scatter.add.f32 [tilespmem:s5], [sflag:$0xB], $0x40, s3, s9, $0xb8;
	[tilespmem:$0x1F000] =	vst v63  }
0x1ab: {  	_ =	swait.ge [sflag:s22], $0x2000  }
0x1ac: {  	[sflag:s22] =	ssyncset.done $0x0  }
0x1ad: {  	s5 =	simm.s32 $0x2980;
	[sflag:s22] =	ssyncadd.s32 $0xFFFFE000  }
0x1ae: {  	[spmem:s2] =	stream.indirect.scatter.add.f32 [tilespmem:s6], [sflag:$0xC], $0x40, s5, s9, $0xb8;
	[tilespmem:$0x1F000] =	vst v63  }
0x1af: {  	_ =	swait.ge [sflag:s23], $0x2000  }
0x1b0: {  	[sflag:s23] =	ssyncset.done $0x0  }
0x1b1: {  	[sflag:s23] =	ssyncadd.s32 $0xFFFFE000  }
0x1b2: {  	_ =	swait.ge [sflag:s24], $0x2000  }
0x1b3: {  	[sflag:s24] =	ssyncset.done $0x0  }
0x1b4: {  	[sflag:s24] =	ssyncadd.s32 $0xFFFFE000  }
0x1b5: {  	_ =	swait.ge [sflag:s11], $0x2000  }
0x1b6: {  	[sflag:s11] =	ssyncset.done $0x0  }
0x1b7: {  	[sflag:s11] =	ssyncadd.s32 $0xFFFFE000  }
0x1b8: {  	p0 =	por $0x0, $0x0;
	_ =	swait.ge [sflag:s25], $0x2000  }
0x1b9: {  	s1 =	simm.s32 @!p0 $0x5000;
	[sflag:s25] =	ssyncset.done $0x0  }
0x1ba: {  	s3 =	simm.s32 @!p0 $0x400;
	s5 =	simm.s32 @!p0 $0x80;
	[sflag:s25] =	ssyncadd.s32 $0xFFFFE000  }
0x1bb: {  	[tilespmem:s1], [sflag:$0x1] =	stream.indirect.gather @!p0 [hbm4b:s4+s5], $0x40, s3, s5, $0xb8;
	[tilespmem:$0x1F000] =	vst v63  }
0x1bc: {  	s1 =	simm.s32 @!p0 $0x480;
	s3 =	simm.s32 @!p0 $0x7000  }
0x1bd: {  	[tilespmem:s3], [sflag:$0x2] =	stream.indirect.gather @!p0 [hbm4b:s4+s5], $0x40, s1, s5, $0xb8;
	[tilespmem:$0x1F000] =	vst v63  }
0x1be: {  	s1 =	simm.s32 @!p0 $0x500;
	s3 =	simm.s32 @!p0 $0x9000  }
0x1bf: {  	[tilespmem:s3], [sflag:$0x3] =	stream.indirect.gather @!p0 [hbm4b:s4+s5], $0x40, s1, s5, $0xb8;
	[tilespmem:$0x1F000] =	vst v63  }
0x1c0: {  	s1 =	simm.s32 @!p0 $0x580;
	s3 =	simm.s32 @!p0 $0xB000  }
0x1c1: {  	[tilespmem:s3], [sflag:$0x4] =	stream.indirect.gather @!p0 [hbm4b:s4+s5], $0x40, s1, s5, $0xb8;
	[tilespmem:$0x1F000] =	vst v63  }
0x1c2: {  	_ =	swait.ge [sflag:s26], $0x2000  }
0x1c3: {  	[sflag:s26] =	ssyncset.done $0x0  }
0x1c4: {  	s8 =	simm.s32 $0x2A00;
	[sflag:s26] =	ssyncadd.s32 $0xFFFFE000  }
0x1c5: {  	[spmem:s2] =	stream.indirect.scatter.add.f32 [tilespmem:s15], [sflag:$0xD], $0x40, s8, s9, $0xb8;
	[tilespmem:$0x1F000] =	vst v63  }
0x1c6: {  	_ =	swait.ge [sflag:s13], $0x2000  }
0x1c7: {  	[sflag:s13] =	ssyncset.done $0x0  }
0x1c8: {  	s10 =	simm.s32 $0x2A80;
	[sflag:s13] =	ssyncadd.s32 $0xFFFFE000  }
0x1c9: {  	[spmem:s2] =	stream.indirect.scatter.add.f32 [tilespmem:s16], [sflag:$0xE], $0x40, s10, s9, $0xb8;
	[tilespmem:$0x1F000] =	vst v63  }
0x1ca: {  	_ =	swait.ge [sflag:s28], $0x2000  }
0x1cb: {  	[sflag:s28] =	ssyncset.done $0x0  }
0x1cc: {  	s12 =	simm.s32 $0x2B00;
	[sflag:s28] =	ssyncadd.s32 $0xFFFFE000  }
0x1cd: {  	[spmem:s2] =	stream.indirect.scatter.add.f32 [tilespmem:s17], [sflag:$0xF], $0x40, s12, s9, $0xb8;
	[tilespmem:$0x1F000] =	vst v63  }
0x1ce: {  	_ =	swait.ge [sflag:s29], $0x2000  }
0x1cf: {  	[sflag:s29] =	ssyncset.done $0x0  }
0x1d0: {  	s14 =	simm.s32 $0x2B80;
	[sflag:s29] =	ssyncadd.s32 $0xFFFFE000  }
0x1d1: {  	[spmem:s2] =	stream.indirect.scatter.add.f32 [tilespmem:s18], [sflag:$0x10], $0x40, s14, s9, $0xb8;
	[tilespmem:$0x1F000] =	vst v63  }
0x1d2: {  	_ =	swait.ge [sflag:s30], $0x2000  }
0x1d3: {  	[sflag:s30] =	ssyncset.done $0x0  }
0x1d4: {  	[sflag:s30] =	ssyncadd.s32 $0xFFFFE000  }
0x1d5: {  	_ =	swait.ge [sflag:s7], $0x2000  }
0x1d6: {  	[sflag:s7] =	ssyncset.done $0x0  }
0x1d7: {  	[sflag:s7] =	ssyncadd.s32 $0xFFFFE000  }
0x1d8: {  	_ =	swait.ge [sflag:s31], $0x2000  }
0x1d9: {  	[sflag:s31] =	ssyncset.done $0x0  }
0x1da: {  	[sflag:s31] =	ssyncadd.s32 $0xFFFFE000  }
0x1db: {  	s3 =	simm.s32 $0x1000;
	_ =	swait.ge [sflag:s0], $0x2000  }
0x1dc: {  	s1 =	simm.s32 $0x2000;
	s5 =	simm.s32 $0x400;
	[sflag:s0] =	ssyncset.done $0x0  }
.LBB2_4:
0x1dd: {  	s8 =	sadd.s32 $0x200, s5  }
0x1de: {  	[sflag:s0] =	ssyncadd.s32 $0xFFFFE000;
	s6 =	smov.u32 s1;
	s1 =	sadd.s32 $0x1000, s1  }
0x1df: {  	[tilespmem:s15], [sflag:$0x5] =	stream.indirect.gather [hbm4b:s4+s9], $0x40, s8, s9, $0xb8;
	[tilespmem:$0x1F000] =	vst v63  }
0x1e0: {  	p0 =	sne.s32 s1, $0xA000;
	s8 =	sadd.s32 $0x280, s5  }
0x1e1: {  	[tilespmem:s16], [sflag:$0x6] =	stream.indirect.gather [hbm4b:s4+s9], $0x40, s8, s9, $0xb8;
	[tilespmem:$0x1F000] =	vst v63  }
0x1e2: {  	s8 =	sadd.s32 $0x300, s5  }
0x1e3: {  	[tilespmem:s17], [sflag:$0x7] =	stream.indirect.gather [hbm4b:s4+s9], $0x40, s8, s9, $0xb8;
	[tilespmem:$0x1F000] =	vst v63  }
0x1e4: {  	s8 =	sadd.s32 $0x380, s5  }
0x1e5: {  	[tilespmem:s18], [sflag:$0x8] =	stream.indirect.gather [hbm4b:s4+s9], $0x40, s8, s9, $0xb8;
	[tilespmem:$0x1F000] =	vst v63  }
0x1e6: {  	_ =	swait.ge [sflag:s19], $0x2000  }
0x1e7: {  	[sflag:s19] =	ssyncset.done $0x0  }
0x1e8: {  	s10 =	simm.s32 $0x5000;
	s8 =	sadd.s32 $0x2800, s5;
	[sflag:s19] =	ssyncadd.s32 $0xFFFFE000  }
0x1e9: {  	[spmem:s2] =	stream.indirect.scatter.add.f32 [tilespmem:s10], [sflag:$0x9], $0x40, s8, s9, $0xb8;
	[tilespmem:$0x1F000] =	vst v63  }
0x1ea: {  	_ =	swait.ge [sflag:s20], $0x2000  }
0x1eb: {  	[sflag:s20] =	ssyncset.done $0x0  }
0x1ec: {  	s8 =	sadd.s32 $0x2880, s5;
	s10 =	simm.s32 $0x7000;
	[sflag:s20] =	ssyncadd.s32 $0xFFFFE000  }
0x1ed: {  	[spmem:s2] =	stream.indirect.scatter.add.f32 [tilespmem:s10], [sflag:$0xA], $0x40, s8, s9, $0xb8;
	[tilespmem:$0x1F000] =	vst v63  }
0x1ee: {  	_ =	swait.ge [sflag:s21], $0x2000  }
0x1ef: {  	[sflag:s21] =	ssyncset.done $0x0  }
0x1f0: {  	s8 =	sadd.s32 $0x2900, s5;
	s10 =	simm.s32 $0x9000;
	[sflag:s21] =	ssyncadd.s32 $0xFFFFE000  }
0x1f1: {  	[spmem:s2] =	stream.indirect.scatter.add.f32 [tilespmem:s10], [sflag:$0xB], $0x40, s8, s9, $0xb8;
	[tilespmem:$0x1F000] =	vst v63  }
0x1f2: {  	_ =	swait.ge [sflag:s22], $0x2000  }
0x1f3: {  	[sflag:s22] =	ssyncset.done $0x0  }
0x1f4: {  	s8 =	sadd.s32 $0x2980, s5;
	s10 =	simm.s32 $0xB000;
	[sflag:s22] =	ssyncadd.s32 $0xFFFFE000  }
0x1f5: {  	[spmem:s2] =	stream.indirect.scatter.add.f32 [tilespmem:s10], [sflag:$0xC], $0x40, s8, s9, $0xb8;
	[tilespmem:$0x1F000] =	vst v63  }
0x1f6: {  	_ =	swait.ge [sflag:s23], $0x2000  }
0x1f7: {  	[sflag:s23] =	ssyncset.done $0x0  }
0x1f8: {  	[sflag:s23] =	ssyncadd.s32 $0xFFFFE000  }
0x1f9: {  	_ =	swait.ge [sflag:s24], $0x2000  }
0x1fa: {  	[sflag:s24] =	ssyncset.done $0x0  }
0x1fb: {  	[sflag:s24] =	ssyncadd.s32 $0xFFFFE000  }
0x1fc: {  	_ =	swait.ge [sflag:s11], $0x2000  }
0x1fd: {  	[sflag:s11] =	ssyncset.done $0x0  }
0x1fe: {  	[sflag:s11] =	ssyncadd.s32 $0xFFFFE000  }
0x1ff: {  	p1 =	seq.s32 s3, $0x9000;
	_ =	swait.ge [sflag:s25], $0x2000  }
0x200: {  	s3 =	sshra.s32 @!p1 s3, $0x2;
	s8 =	simm.s32 @!p1 $0x5000;
	[sflag:s25] =	ssyncset.done $0x0  }
0x201: {  	s12 =	simm.s32 @!p1 $0x80;
	s10 =	sadd.s32 @!p1 $0x400, s3;
	[sflag:s25] =	ssyncadd.s32 $0xFFFFE000  }
0x202: {  	[tilespmem:s8], [sflag:$0x1] =	stream.indirect.gather @!p1 [hbm4b:s4+s12], $0x40, s10, s12, $0xb8;
	[tilespmem:$0x1F000] =	vst v63  }
0x203: {  	s14 =	sadd.s32 @!p1 $0x500, s3;
	s8 =	sadd.s32 @!p1 $0x480, s3;
	s10 =	simm.s32 @!p1 $0x7000  }
0x204: {  	[tilespmem:s10], [sflag:$0x2] =	stream.indirect.gather @!p1 [hbm4b:s4+s12], $0x40, s8, s12, $0xb8;
	[tilespmem:$0x1F000] =	vst v63  }
0x205: {  	s8 =	simm.s32 @!p1 $0x9000;
	s10 =	sadd.s32 @!p1 $0x580, s3;
	s3 =	smov.u32 s6  }
0x206: {  	[tilespmem:s8], [sflag:$0x3] =	stream.indirect.gather @!p1 [hbm4b:s4+s12], $0x40, s14, s12, $0xb8;
	[tilespmem:$0x1F000] =	vst v63  }
0x207: {  	s6 =	simm.s32 @!p1 $0xB000  }
0x208: {  	[tilespmem:s6], [sflag:$0x4] =	stream.indirect.gather @!p1 [hbm4b:s4+s12], $0x40, s10, s12, $0xb8;
	[tilespmem:$0x1F000] =	vst v63  }
0x209: {  	_ =	swait.ge [sflag:s26], $0x2000  }
0x20a: {  	[sflag:s26] =	ssyncset.done $0x0  }
0x20b: {  	s6 =	sadd.s32 $0x2A00, s5;
	[sflag:s26] =	ssyncadd.s32 $0xFFFFE000  }
0x20c: {  	[spmem:s2] =	stream.indirect.scatter.add.f32 [tilespmem:s15], [sflag:$0xD], $0x40, s6, s9, $0xb8;
	[tilespmem:$0x1F000] =	vst v63  }
0x20d: {  	_ =	swait.ge [sflag:s13], $0x2000  }
0x20e: {  	[sflag:s13] =	ssyncset.done $0x0  }
0x20f: {  	s6 =	sadd.s32 $0x2A80, s5;
	[sflag:s13] =	ssyncadd.s32 $0xFFFFE000  }
0x210: {  	[spmem:s2] =	stream.indirect.scatter.add.f32 [tilespmem:s16], [sflag:$0xE], $0x40, s6, s9, $0xb8;
	[tilespmem:$0x1F000] =	vst v63  }
0x211: {  	_ =	swait.ge [sflag:s28], $0x2000  }
0x212: {  	[sflag:s28] =	ssyncset.done $0x0  }
0x213: {  	s6 =	sadd.s32 $0x2B00, s5;
	[sflag:s28] =	ssyncadd.s32 $0xFFFFE000  }
0x214: {  	[spmem:s2] =	stream.indirect.scatter.add.f32 [tilespmem:s17], [sflag:$0xF], $0x40, s6, s9, $0xb8;
	[tilespmem:$0x1F000] =	vst v63  }
0x215: {  	_ =	swait.ge [sflag:s29], $0x2000  }
0x216: {  	[sflag:s29] =	ssyncset.done $0x0  }
0x217: {  	s5 =	sadd.s32 $0x2B80, s5;
	[sflag:s29] =	ssyncadd.s32 $0xFFFFE000  }
0x218: {  	[spmem:s2] =	stream.indirect.scatter.add.f32 [tilespmem:s18], [sflag:$0x10], $0x40, s5, s9, $0xb8;
	[tilespmem:$0x1F000] =	vst v63  }
0x219: {  	_ =	swait.ge [sflag:s30], $0x2000  }
0x21a: {  	[sflag:s30] =	ssyncset.done $0x0  }
0x21b: {  	[sflag:s30] =	ssyncadd.s32 $0xFFFFE000  }
0x21c: {  	_ =	swait.ge [sflag:s7], $0x2000  }
0x21d: {  	[sflag:s7] =	ssyncset.done $0x0  }
0x21e: {  	[sflag:s7] =	ssyncadd.s32 $0xFFFFE000  }
.Ltmp1:
0x21f: {  	_ =	swait.ge [sflag:s31], $0x2000;
	(pc) =	sbr.rel @p0 .LBB2_4-.Ltmp1, $4  }
0x220: {  	[sflag:s31] =	ssyncset.done $0x0  }
0x221: {  	[sflag:s31] =	ssyncadd.s32 $0xFFFFE000  }
0x222: {  	_ =	swait.ge [sflag:s0], $0x2000  }
0x223: {  	s5 =	sshra.s32 s3, $0x2;
	[sflag:s0] =	ssyncset.done $0x0  }
0x224: {  	s1 =	sadd.s32 $0x200, s5;
	[sflag:s0] =	ssyncadd.s32 $0xFFFFE000  }
0x225: {  	[tilespmem:s15], [sflag:$0x5] =	stream.indirect.gather [hbm4b:s4+s9], $0x40, s1, s9, $0xb8;
	[tilespmem:$0x1F000] =	vst v63  }
0x226: {  	s14 =	sadd.s32 $0x280, s5  }
0x227: {  	[tilespmem:s16], [sflag:$0x6] =	stream.indirect.gather [hbm4b:s4+s9], $0x40, s14, s9, $0xb8;
	[tilespmem:$0x1F000] =	vst v63  }
0x228: {  	s6 =	sadd.s32 $0x300, s5  }
0x229: {  	[tilespmem:s17], [sflag:$0x7] =	stream.indirect.gather [hbm4b:s4+s9], $0x40, s6, s9, $0xb8;
	[tilespmem:$0x1F000] =	vst v63  }
0x22a: {  	s8 =	sadd.s32 $0x380, s5  }
0x22b: {  	[tilespmem:s18], [sflag:$0x8] =	stream.indirect.gather [hbm4b:s4+s9], $0x40, s8, s9, $0xb8;
	[tilespmem:$0x1F000] =	vst v63  }
0x22c: {  	_ =	swait.ge [sflag:s19], $0x2000  }
0x22d: {  	[sflag:s19] =	ssyncset.done $0x0  }
0x22e: {  	s10 =	sadd.s32 $0x2800, s5;
	s12 =	simm.s32 $0x5000;
	[sflag:s19] =	ssyncadd.s32 $0xFFFFE000  }
0x22f: {  	[spmem:s2] =	stream.indirect.scatter.add.f32 [tilespmem:s12], [sflag:$0x9], $0x40, s10, s9, $0xb8;
	[tilespmem:$0x1F000] =	vst v63  }
0x230: {  	_ =	swait.ge [sflag:s20], $0x2000  }
0x231: {  	[sflag:s20] =	ssyncset.done $0x0  }
0x232: {  	s14 =	sadd.s32 $0x2880, s5;
	s6 =	simm.s32 $0x7000;
	[sflag:s20] =	ssyncadd.s32 $0xFFFFE000  }
0x233: {  	[spmem:s2] =	stream.indirect.scatter.add.f32 [tilespmem:s6], [sflag:$0xA], $0x40, s14, s9, $0xb8;
	[tilespmem:$0x1F000] =	vst v63  }
0x234: {  	_ =	swait.ge [sflag:s21], $0x2000  }
0x235: {  	[sflag:s21] =	ssyncset.done $0x0  }
0x236: {  	s8 =	simm.s32 $0x9000;
	s6 =	sadd.s32 $0x2900, s5;
	[sflag:s21] =	ssyncadd.s32 $0xFFFFE000  }
0x237: {  	[spmem:s2] =	stream.indirect.scatter.add.f32 [tilespmem:s8], [sflag:$0xB], $0x40, s6, s9, $0xb8;
	[tilespmem:$0x1F000] =	vst v63  }
0x238: {  	_ =	swait.ge [sflag:s22], $0x2000  }
0x239: {  	[sflag:s22] =	ssyncset.done $0x0  }
0x23a: {  	s10 =	sadd.s32 $0x2980, s5;
	s14 =	simm.s32 $0xB000;
	[sflag:s22] =	ssyncadd.s32 $0xFFFFE000  }
0x23b: {  	[spmem:s2] =	stream.indirect.scatter.add.f32 [tilespmem:s14], [sflag:$0xC], $0x40, s10, s9, $0xb8;
	[tilespmem:$0x1F000] =	vst v63  }
0x23c: {  	_ =	swait.ge [sflag:s23], $0x2000  }
0x23d: {  	[sflag:s23] =	ssyncset.done $0x0  }
0x23e: {  	[sflag:s23] =	ssyncadd.s32 $0xFFFFE000  }
0x23f: {  	_ =	swait.ge [sflag:s24], $0x2000  }
0x240: {  	[sflag:s24] =	ssyncset.done $0x0  }
0x241: {  	[sflag:s24] =	ssyncadd.s32 $0xFFFFE000  }
0x242: {  	_ =	swait.ge [sflag:s11], $0x2000  }
0x243: {  	[sflag:s11] =	ssyncset.done $0x0  }
0x244: {  	[sflag:s11] =	ssyncadd.s32 $0xFFFFE000  }
0x245: {  	p0 =	seq.s32 s3, $0x9000;
	_ =	swait.ge [sflag:s25], $0x2000  }
0x246: {  	s1 =	sshra.s32 @!p0 s3, $0x2;
	s3 =	simm.s32 @!p0 $0x5000;
	[sflag:s25] =	ssyncset.done $0x0  }
0x247: {  	s6 =	sadd.s32 @!p0 $0x400, s1;
	s8 =	simm.s32 @!p0 $0x80;
	[sflag:s25] =	ssyncadd.s32 $0xFFFFE000  }
0x248: {  	[tilespmem:s3], [sflag:$0x1] =	stream.indirect.gather @!p0 [hbm4b:s4+s8], $0x40, s6, s8, $0xb8;
	[tilespmem:$0x1F000] =	vst v63  }
0x249: {  	s3 =	sadd.s32 @!p0 $0x480, s1;
	s6 =	simm.s32 @!p0 $0x7000  }
0x24a: {  	[tilespmem:s6], [sflag:$0x2] =	stream.indirect.gather @!p0 [hbm4b:s4+s8], $0x40, s3, s8, $0xb8;
	[tilespmem:$0x1F000] =	vst v63  }
0x24b: {  	s3 =	sadd.s32 @!p0 $0x500, s1;
	s6 =	simm.s32 @!p0 $0x9000  }
0x24c: {  	[tilespmem:s6], [sflag:$0x3] =	stream.indirect.gather @!p0 [hbm4b:s4+s8], $0x40, s3, s8, $0xb8;
	[tilespmem:$0x1F000] =	vst v63  }
0x24d: {  	s1 =	sadd.s32 @!p0 $0x580, s1;
	s3 =	simm.s32 @!p0 $0xB000  }
0x24e: {  	[tilespmem:s3], [sflag:$0x4] =	stream.indirect.gather @!p0 [hbm4b:s4+s8], $0x40, s1, s8, $0xb8;
	[tilespmem:$0x1F000] =	vst v63  }
0x24f: {  	_ =	swait.ge [sflag:s26], $0x2000  }
0x250: {  	[sflag:s26] =	ssyncset.done $0x0  }
0x251: {  	s6 =	sadd.s32 $0x2A00, s5;
	[sflag:s26] =	ssyncadd.s32 $0xFFFFE000  }
0x252: {  	[spmem:s2] =	stream.indirect.scatter.add.f32 [tilespmem:s15], [sflag:$0xD], $0x40, s6, s9, $0xb8;
	[tilespmem:$0x1F000] =	vst v63  }
0x253: {  	_ =	swait.ge [sflag:s13], $0x2000  }
0x254: {  	[sflag:s13] =	ssyncset.done $0x0  }
0x255: {  	s8 =	sadd.s32 $0x2A80, s5;
	[sflag:s13] =	ssyncadd.s32 $0xFFFFE000  }
0x256: {  	[spmem:s2] =	stream.indirect.scatter.add.f32 [tilespmem:s16], [sflag:$0xE], $0x40, s8, s9, $0xb8;
	[tilespmem:$0x1F000] =	vst v63  }
0x257: {  	_ =	swait.ge [sflag:s28], $0x2000  }
0x258: {  	[sflag:s28] =	ssyncset.done $0x0  }
0x259: {  	s10 =	sadd.s32 $0x2B00, s5;
	[sflag:s28] =	ssyncadd.s32 $0xFFFFE000  }
0x25a: {  	[spmem:s2] =	stream.indirect.scatter.add.f32 [tilespmem:s17], [sflag:$0xF], $0x40, s10, s9, $0xb8;
	[tilespmem:$0x1F000] =	vst v63  }
0x25b: {  	_ =	swait.ge [sflag:s29], $0x2000  }
0x25c: {  	[sflag:s29] =	ssyncset.done $0x0  }
0x25d: {  	s14 =	sadd.s32 $0x2B80, s5;
	[sflag:s29] =	ssyncadd.s32 $0xFFFFE000  }
0x25e: {  	[spmem:s2] =	stream.indirect.scatter.add.f32 [tilespmem:s18], [sflag:$0x10], $0x40, s14, s9, $0xb8;
	[tilespmem:$0x1F000] =	vst v63  }
0x25f: {  	_ =	swait.ge [sflag:s30], $0x2000  }
0x260: {  	[sflag:s30] =	ssyncset.done $0x0  }
0x261: {  	[sflag:s30] =	ssyncadd.s32 $0xFFFFE000  }
0x262: {  	_ =	swait.ge [sflag:s7], $0x2000  }
0x263: {  	[sflag:s7] =	ssyncset.done $0x0  }
0x264: {  	[sflag:s7] =	ssyncadd.s32 $0xFFFFE000  }
0x265: {  	_ =	swait.ge [sflag:s31], $0x2000  }
0x266: {  	[sflag:s31] =	ssyncset.done $0x0  }
0x267: {  	[sflag:s31] =	ssyncadd.s32 $0xFFFFE000  }
0x268: {  	_ =	swait.ge [sflag:s0], $0x2000  }
0x269: {  	[sflag:s0] =	ssyncset.done $0x0  }
0x26a: {  	[sflag:s0] =	ssyncadd.s32 $0xFFFFE000  }
0x26b: {  	[bflag:$0x0] =	sbarrier.arrive $0xFFFF  }
0x26c: {  	s3 =	rddreg [dreg:$0x5]  }
0x26d: {  	[tilespmem:s12], [sflag:$0x11] =	stream.linear.gather [spmem:s3], $0x2000, $0x38;
	[tilespmem:$0x1F000] =	vst v63  }
0x26e: {  	s3 =	simm.s32 $0x11  }
0x26f: {  	_ =	swait.ge [sflag:s3], $0x2000  }
0x270: {  	[sflag:s3] =	ssyncset.done $0x0  }
0x271: {  	s14 =	simm.s32 $0x0;
	s5 =	rddreg [dreg:$0x12];
	[sflag:s3] =	ssyncadd.s32 $0xFFFFE000  }
0x272: {  	[hbm4b:s5+s14] =	stream.linear.scatter [tilespmem:s12], [sflag:$0x11], $0x2000, $0x38;
	[tilespmem:$0x1F000] =	vst v63  }
0x273: {  	_ =	swait.ge [sflag:s3], $0x2000  }
0x274: {  	[sflag:s3] =	ssyncset.done $0x0  }
0x275: {  	s5 =	rddreg [dreg:$0x1c];
	[sflag:s3] =	ssyncadd.s32 $0xFFFFE000  }
0x276: {  	[tilespmem:s12], [sflag:$0x11] =	stream.linear.gather [spmem:s5], $0x2000, $0x38;
	[tilespmem:$0x1F000] =	vst v63  }
0x277: {  	_ =	swait.ge [sflag:s3], $0x2000  }
0x278: {  	[sflag:s3] =	ssyncset.done $0x0  }
0x279: {  	s6 =	rddreg [dreg:$0x14];
	[sflag:s3] =	ssyncadd.s32 $0xFFFFE000  }
0x27a: {  	[hbm4b:s6+s14] =	stream.linear.scatter [tilespmem:s12], [sflag:$0x11], $0x2000, $0x38;
	[tilespmem:$0x1F000] =	vst v63  }
0x27b: {  	_ =	swait.ge [sflag:s3], $0x2000  }
0x27c: {  	[sflag:s3] =	ssyncset.done $0x0  }
0x27d: {  	s6 =	rddreg [dreg:$0x1d];
	[sflag:s3] =	ssyncadd.s32 $0xFFFFE000  }
0x27e: {  	[tilespmem:s12], [sflag:$0x11] =	stream.linear.gather [spmem:s6], $0x2000, $0x38;
	[tilespmem:$0x1F000] =	vst v63  }
0x27f: {  	_ =	swait.ge [sflag:s3], $0x2000  }
0x280: {  	[sflag:s3] =	ssyncset.done $0x0  }
0x281: {  	s8 =	rddreg [dreg:$0x16];
	[sflag:s3] =	ssyncadd.s32 $0xFFFFE000  }
0x282: {  	[hbm4b:s8+s14] =	stream.linear.scatter [tilespmem:s12], [sflag:$0x11], $0x2000, $0x38;
	[tilespmem:$0x1F000] =	vst v63  }
0x283: {  	_ =	swait.ge [sflag:s3], $0x2000  }
0x284: {  	[sflag:s3] =	ssyncset.done $0x0  }
0x285: {  	s8 =	rddreg [dreg:$0x1e];
	[sflag:s3] =	ssyncadd.s32 $0xFFFFE000  }
0x286: {  	[tilespmem:s12], [sflag:$0x11] =	stream.linear.gather [spmem:s8], $0x2000, $0x38;
	[tilespmem:$0x1F000] =	vst v63  }
0x287: {  	_ =	swait.ge [sflag:s3], $0x2000  }
0x288: {  	[sflag:s3] =	ssyncset.done $0x0  }
0x289: {  	s10 =	rddreg [dreg:$0x18];
	[sflag:s3] =	ssyncadd.s32 $0xFFFFE000  }
0x28a: {  	[hbm4b:s10+s14] =	stream.linear.scatter [tilespmem:s12], [sflag:$0x11], $0x2000, $0x38;
	[tilespmem:$0x1F000] =	vst v63  }
0x28b: {  	_ =	swait.ge [sflag:s3], $0x2000  }
0x28c: {  	[sflag:s3] =	ssyncset.done $0x0  }
0x28d: {  	s10 =	rddreg [dreg:$0x1f];
	[sflag:s3] =	ssyncadd.s32 $0xFFFFE000  }
0x28e: {  	[tilespmem:s12], [sflag:$0x11] =	stream.linear.gather [spmem:s10], $0x2000, $0x38;
	[tilespmem:$0x1F000] =	vst v63  }
0x28f: {  	_ =	swait.ge [sflag:s3], $0x2000  }
0x290: {  	[sflag:s3] =	ssyncset.done $0x0  }
0x291: {  	s1 =	rddreg [dreg:$0x19];
	[sflag:s3] =	ssyncadd.s32 $0xFFFFE000  }
0x292: {  	[hbm4b:s1+s14] =	stream.linear.scatter [tilespmem:s12], [sflag:$0x11], $0x2000, $0x38;
	[tilespmem:$0x1F000] =	vst v63  }
0x293: {  	_ =	swait.ge [sflag:s3], $0x2000  }
0x294: {  	s1 =	sld [smem:$0x7FD];
	_ =	sdelay $0x2  }
0x295: {  	[sflag:s3] =	ssyncset.done $0x0;
	s3 =	rddreg [dreg:$0x1b];
	s12 =	sadd.s32 $0x1, s1  }
0x296: {  	p0 =	sne.s32 s12, s3  }
.Ltmp2:
0x297: {  	_ = 	snop;
	(pc) =	sbr.rel @p0 .LBB2_1-.Ltmp2, $3  }
0x298: {  	_ =	sdelay $0x1  }
0x299: {  	s3 =	simm.s32 $0x11  }
0x29a: {  	[sflag:s3] =	ssyncadd.s32 $0xFFFFE000  }
0x29b: {  	_ =	sfence.sel $0x180000  }
0x29c: {  	[bflag:$0x0] =	sbarrier.arrive $0xFFFF  }
0x29d: {  	_ =	strace $0x9000004A  }
0x29e: {  	s0 =	stileid.u32;
	[bflag:$0x2] =	sbarrier.arrive $0xFFFF  }
0x29f: {  	p0 =	sne.s32 s0, $0x0;
	s0 =	rddreg [dreg:$0x2]  }
0x2a0: {  	s0 =	sadd.s32 @!p0 $0x100000, s0  }
0x2a1: {  	[sflag:s0] =	ssyncadd.tile.s32 @!p0 $0x1;
	_ =	shalt  }
.Lfunc_end2:
_tile_overlayer_lowered:
.L_overlay_start_2:
0x2a2: {  	(tag) =	ssettag $0x2  }
0x2a3: {  	s0 =	rddreg [dreg:$0x0];
	s2 =	stileid.u32  }
0x2a4: {  	s1 =	rddreg [dreg:$0x1];
	p0 =	sne.s32 s2, $0x0  }
0x2a5: {  	s3 =	rddreg [dreg:$0x2];
	[bflag:$0x3] =	sbarrier.arrive $0xFFFF;
	s2 =	simm.s32 @!p0 $0x1C11  }
0x2a6: {  	[timem:s3], [sflag:s2] =	dma.local @!p0 [hbm:s0], s1  }
0x2a7: {  	s0 =	simm.s32 @!p0 $0x11  }
0x2a8: {  	_ =	swait.ge @!p0 [sflag:s0], s1  }
0x2a9: {  	s1 =	ssub.s32 @!p0 $0x0, s1;
	[sflag:s0] =	ssyncset.done @!p0 $0x0  }
0x2aa: {  	[sflag:s0] =	ssyncadd.s32 @!p0 s1  }
0x2ab: {  	[bflag:$0x3] =	sbarrier.arrive $0xFFFF  }
0x2ac: {  	_ =	shalt  }

// kernel: kernel.14.cloned.1.call-start
scs
__scs_entry_jumppad:
0x0: {  	(pc) =	sbr.rel $0x88, $3  }
0x1: {  	(tag) =	ssettag $0x0;
	lr =	simm.s32 $0x1  }
0x2: {  	[smem:$0x3F96] =	sst lr;
	_ =	strace $0xD0000000  }
0x3: {  	_ = 	snop  }
0x4: {  	_ = 	snop  }
0x5: {  	_ = 	snop  }
0x6: {  	_ = 	snop  }
0x7: {  	_ = 	snop  }
__scs_overlays_trampoline_lowered:
0x8: {  	[smem:$0x3FA5] =	sst s0  }
0x9: {  	[smem:$0x3FA6] =	sst s1  }
0xa: {  	[smem:$0x3FA7] =	sst s2  }
0xb: {  	[smem:$0x3FA8] =	sst s3  }
0xc: {  	[smem:$0x3FA9] =	sst s4  }
0xd: {  	[smem:$0x3FAA] =	sst s5  }
0xe: {  	[smem:$0x3FAB] =	sst s6  }
0xf: {  	[smem:$0x3FAC] =	sst s7  }
0x10: {  	[smem:$0x3FAD] =	sst s8  }
0x11: {  	[smem:$0x3FAE] =	sst s9;
	s0 =	simm.s32 @!p0 $0x0  }
0x12: {  	s1 =	sld [smem:$0x3F94];
	s0 =	simm.s32 @p0 $0x1  }
0x13: {  	[smem:$0x3FAF] =	sst s0;
	s0 =	simm.s32 @!p1 $0x0  }
0x14: {  	s2 =	sld [smem:$0x3F93];
	s0 =	simm.s32 @p1 $0x1  }
0x15: {  	[smem:$0x3FB0] =	sst s0;
	s0 =	simm.s32 @!p2 $0x0  }
0x16: {  	s3 =	sld [smem:$0x3FDB];
	s0 =	simm.s32 @p2 $0x1  }
0x17: {  	s4 =	simm.s32 $0x1BF5;
	[smem:$0x3FB2] =	sst s0  }
0x18: {  	s0 =	sld [smem:$0x3F95];
	_ =	swait.ge [sflag:s4], $0x0  }
0x19: {  	s7 =	sld [smem:$0x3F96]  }
0x1a: {  	s8 =	sadd.s32 $0xFFFFE003, lr  }
0x1b: {  	s9 =	sadd.s32 $0xFFFFFEF7, lr;
	s5 =	simm.s32 $0xFFFFFFFF;
	p2 =	slt.u32 s8, $0xFFFFF086  }
0x1c: {  	p1 =	slt.u32 s9, $0xF7A;
	s5 =	simm.s32 @!p2 $0x0  }
0x1d: {  	s5 =	simm.s32 @p1 $0x1;
	p0 =	seq.s32 s7, s2  }
0x1e: {  	s7 =	smul.u32 @!p0 $0xF7A, s2;
	p2 =	seq.s32 @!p0 s5, $0x0  }
0x1f: {  	s9 =	smul.u32 $0xF7A, s1;
	s8 =	simm.s32 @!p0 $0x1BF5;
	p2 =	por !p2, p0  }
0x20: {  	[sflag:s8] =	ssyncset.s32 @!p0 $0xFFFFF086;
	s6 =	sadd.s32 @!p0 s3, s7;
	s7 =	simm.s32 @!p0 $0x108  }
0x21: {  	s3 =	sadd.s32 s3, s9;
	s6 =	sadd.s32 @!p0 $0x88, s6;
	s7 =	simm.s32 @p2 $0x1082  }
0x22: {  	[simem:s7], [sflag:s8] =	dma.local @!p0 [hbm:s6], $0xF7A  }
0x23: {  	s9 =	sor.u32 $0xD0000000, s2;
	s6 =	simm.s32 $0x108;
	_ =	swait.ge @!p0 [sflag:s8], $0x0  }
0x24: {  	s3 =	sadd.s32 $0x88, s3;
	s6 =	simm.s32 @!p1 $0x1082;
	[sflag:s4] =	ssyncset.s32 $0xFFFFF086  }
0x25: {  	[simem:s6], [sflag:s4] =	dma.local [hbm:s3], $0xF7A  }
0x26: {  	[smem:$0x3F96] =	sst s1;
	(tag) =	ssettag s2;
	_ =	strace s9  }
0x27: {  	s1 =	sld [smem:$0x3FA6]  }
0x28: {  	s2 =	sld [smem:$0x3FA7]  }
0x29: {  	s4 =	sld [smem:$0x3FA9]  }
0x2a: {  	p0 =	seq.s32 s5, $0x0;
	s5 =	sld [smem:$0x3FAA]  }
0x2b: {  	s6 =	sld [smem:$0x3FAB]  }
0x2c: {  	s7 =	sld [smem:$0x3FAC]  }
0x2d: {  	s3 =	simm.s32 $0x108;
	s8 =	sld [smem:$0x3FAD]  }
0x2e: {  	s3 =	simm.s32 @!p0 $0x1082;
	s9 =	sld [smem:$0x3FAE]  }
0x2f: {  	lr =	sadd.s32 s0, s3;
	s0 =	sld [smem:$0x3FA5]  }
0x30: {  	s3 =	sld [smem:$0x3FA8]  }
0x31: {  	[smem:$0x3FB1] =	sst s10  }
0x32: {  	s10 =	sld [smem:$0x3FAF];
	_ =	sdelay $0x3  }
0x33: {  	p0 =	seq.s32 s10, $0x1;
	s10 =	sld [smem:$0x3FB1];
	_ =	sdelay $0x3  }
0x34: {  	[smem:$0x3FB1] =	sst s10  }
0x35: {  	s10 =	sld [smem:$0x3FB0];
	_ =	sdelay $0x3  }
0x36: {  	p1 =	seq.s32 s10, $0x1;
	s10 =	sld [smem:$0x3FB1];
	_ =	sdelay $0x3  }
0x37: {  	[smem:$0x3FB1] =	sst s10  }
0x38: {  	s10 =	sld [smem:$0x3FB2]  }
0x39: {  	_ = 	snop;
	(pc) =	sbr.ind lr, $3  }
0x3a: {  	_ = 	snop  }
0x3b: {  	_ = 	snop  }
0x3c: {  	p2 =	seq.s32 s10, $0x1;
	s10 =	sld [smem:$0x3FB1]  }
0x3d: {  	_ =	shalt  }
0x3e: {  	_ =	shalt  }
0x3f: {  	_ =	shalt  }
0x40: {  	_ =	shalt  }
0x41: {  	_ =	shalt  }
0x42: {  	_ =	shalt  }
0x43: {  	_ =	shalt  }
0x44: {  	_ =	shalt  }
0x45: {  	_ =	shalt  }
0x46: {  	_ =	shalt  }
0x47: {  	_ =	shalt  }
0x48: {  	_ =	shalt  }
0x49: {  	_ =	shalt  }
0x4a: {  	_ =	shalt  }
0x4b: {  	_ =	shalt  }
0x4c: {  	_ =	shalt  }
0x4d: {  	_ =	shalt  }
0x4e: {  	_ =	shalt  }
0x4f: {  	_ =	shalt  }
0x50: {  	_ =	shalt  }
0x51: {  	_ =	shalt  }
0x52: {  	_ =	shalt  }
0x53: {  	_ =	shalt  }
0x54: {  	_ =	shalt  }
0x55: {  	_ =	shalt  }
0x56: {  	_ =	shalt  }
0x57: {  	_ =	shalt  }
0x58: {  	_ =	shalt  }
0x59: {  	_ =	shalt  }
0x5a: {  	_ =	shalt  }
0x5b: {  	_ =	shalt  }
0x5c: {  	_ =	shalt  }
0x5d: {  	_ =	shalt  }
0x5e: {  	_ =	shalt  }
0x5f: {  	_ =	shalt  }
0x60: {  	_ =	shalt  }
0x61: {  	_ =	shalt  }
0x62: {  	_ =	shalt  }
0x63: {  	_ =	shalt  }
0x64: {  	_ =	shalt  }
0x65: {  	_ =	shalt  }
0x66: {  	_ =	shalt  }
0x67: {  	_ =	shalt  }
0x68: {  	_ =	shalt  }
0x69: {  	_ =	shalt  }
0x6a: {  	_ =	shalt  }
0x6b: {  	_ =	shalt  }
0x6c: {  	_ =	shalt  }
0x6d: {  	_ =	shalt  }
0x6e: {  	_ =	shalt  }
0x6f: {  	_ =	shalt  }
0x70: {  	_ =	shalt  }
0x71: {  	_ =	shalt  }
0x72: {  	_ =	shalt  }
0x73: {  	_ =	shalt  }
0x74: {  	_ =	shalt  }
0x75: {  	_ =	shalt  }
0x76: {  	_ =	shalt  }
0x77: {  	_ =	shalt  }
0x78: {  	_ =	shalt  }
0x79: {  	_ =	shalt  }
0x7a: {  	_ =	shalt  }
0x7b: {  	_ =	shalt  }
0x7c: {  	_ =	shalt  }
0x7d: {  	_ =	shalt  }
0x7e: {  	_ =	shalt  }
0x7f: {  	_ =	shalt  }
0x80: {  	_ =	shalt  }
0x81: {  	_ =	shalt  }
0x82: {  	_ =	shalt  }
0x83: {  	_ =	shalt  }
0x84: {  	_ =	shalt  }
0x85: {  	_ =	shalt  }
0x86: {  	_ =	shalt  }
0x87: {  	_ =	shalt  }
.Lfunc_end0:
.L_simem_size_0:
called_computation.2_lowered:
.L_overlay_start_0:
0x88: {  	s2 =	sld [smem:$0x3FD9]  }
0x89: {  	s3 =	sld [smem:$0x3FFE];
	_ =	sdelay $0x1  }
0x8a: {  	s1 =	srdreg.scid  }
0x8b: {  	s0 =	sand.u32 $0x1, s1  }
0x8c: {  	s16 =	sshll.u32 s0, $0xA;
	s2 =	sadd.s32 s3, s2  }
0x8d: {  	s2 =	sadd.s32 s2, s16  }
0x8e: {  	[smem:$0x3FBD] =	sst s2  }
0x8f: {  	_ = 	snop  }
0x90: {  	(tm) =	ssettm $0x1  }
0x91: {  	s17 =	sld [smem:$0x3FFB];
	_ =	sdelay $0x3  }
0x92: {  	_ =	strace s17  }
0x93: {  	s2 =	sld [smem:$0x3FFC];
	_ =	sdelay $0x3  }
0x94: {  	_ =	strace s2  }
0x95: {  	s2 =	sld [smem:$0x3FFD];
	_ =	sdelay $0x3  }
0x96: {  	_ =	strace s2  }
0x97: {  	_ =	strace $0x8FFFFFFF  }
0x98: {  	s18 =	sld [smem:$0x3FDB];
	_ =	sdelay $0x1  }
0x99: {  	s19 =	simm.s32 $_scs_section_size  }
0x9a: {  	s4 =	simm.s32 $_size__tile_overlayer_lowered;
	s5 =	simm.s32 $_tile_overlayer_lowered  }
0x9b: {  	s22 =	simm.s32 $0x1BFF;
	s21 =	sshll.u32 s5, $0x1;
	s2 =	sadd.s32 s19, s18  }
0x9c: {  	s6 =	simm.s32 $0x0;
	s20 =	sshll.u32 s4, $0x1;
	s4 =	sadd.s32 s21, s2  }
0x9d: {  	[timem:s6], [sflag:s22] =	dma.local [hbm:s4], s20  }
0x9e: {  	_ =	swait.ge [sflag:s22], s20  }
0x9f: {  	s3 =	ssub.s32 $0x0, s20;
	[sflag:s22] =	ssyncset.done $0x0  }
0xa0: {  	[sflag:s22] =	ssyncadd.s32 s3;
	_ =	sdelay $0x1  }
0xa1: {  	s23 =	simm.s32 $0x1B8B  }
0xa2: {  	_ =	swait.ge [sflag:s23], $0x1  }
0xa3: {  	[sflag:s23] =	ssyncset.done $0x0  }
0xa4: {  	s25 =	simm.s32 $0x1B8E;
	s24 =	sld [smem:$0x3FFE];
	[sflag:s23] =	ssyncadd.s32 $0xFFFFFFFF  }
0xa5: {  	s26 =	simm.s32 $execute0_lowered;
	[smem:$0x3FD2] =	sst s25  }
0xa6: {  	s4 =	sshll.u32 s26, $0x1;
	_ =	strace $0x8000004C;
	[dreg:$0x1] =	wrdreg $0xFFFFFFFF  }
0xa7: {  	s28 =	simm.s32 $_size_execute0_lowered;
	s2 =	sadd.s32 s2, s4;
	[dreg:$0x0] =	wrdreg $0x0  }
0xa8: {  	s4 =	sshll.u32 s28, $0x1;
	[dreg:$0x2] =	wrdreg s2  }
0xa9: {  	[dreg:$0x3] =	wrdreg s4  }
0xaa: {  	[dreg:$0x4] =	wrdreg $0xC0  }
0xab: {  	_ =	task [dreg:s6], $0x5FFFF  }
0xac: {  	[dreg:$0x1] =	wrdreg $0xFFFFFFFF  }
0xad: {  	[dreg:$0x0] =	wrdreg $0x60  }
0xae: {  	[dreg:$0x2] =	wrdreg s24  }
0xaf: {  	[dreg:$0x3] =	wrdreg $0x150000  }
0xb0: {  	[dreg:$0x4] =	wrdreg $0x9  }
0xb1: {  	_ =	task.clear_ibuf [dreg:s6], $0x5FFFF;
	_ =	strace $0x9000004C  }
0xb2: {  	s29 =	simm.s32 $0x9;
	_ =	strace $0x8000004E  }
0xb3: {  	_ =	swait.ge [sflag:s29], $0x1  }
0xb4: {  	[sflag:s29] =	ssyncadd.s32 $0xFFFFFFFF  }
0xb5: {  	_ =	strace $0x9000004E  }
0xb6: {  	_ =	sfence  }
0xb7: {  	s30 =	sld [smem:$0x0];
	_ =	sdelay $0x2  }
0xb8: {  	s31 =	sshll.u32 s1, $0xD;
	s1 =	sshrl.u32 s1, $0x2  }
0xb9: {  	s3 =	sand.u32 $0x4000, s31;
	s1 =	sadd.s32 s1, s30  }
0xba: {  	s0 =	sor.u32 s3, s0;
	s1 =	sshll.u32 s1, $0x11  }
0xbb: {  	s0 =	sor.u32 s1, s0  }
0xbc: {  	s0 =	sadd.s32 $0x8F2B, s0  }
0xbd: {  	[sflag:s0] =	ssyncadd.remote.s32 $0x1  }
0xbe: {  	_ =	sfence.sel $0xFFFF  }
0xbf: {  	[dreg:$0x0] =	wrdreg $0xFFFFFFFF;
	(pc) =	sbr.abs _section_cstart, $3  }
0xc0: {  	[dreg:$0x1] =	wrdreg $0xFFFFFFFF  }
0xc1: {  	_ =	task.clear_ibuf [dreg:s6], $0x2FFFF;
	_ =	strace $0x9FFFFFFF  }
0xc2: {  	(tm) =	ssettm $0x7FFFFFFF  }
0xc3: {  	_ =	shalt  }
tec
execute0_lowered:
.L_overlay_start_1:
0x0: {  	(tag) =	ssettag $0x1  }
0x1: {  	s0 =	rddreg [dreg:$0x0]  }
0x2: {  	s2 =	rddreg [dreg:$0x1];
	s11 =	stileid.u32  }
0x3: {  	s14 =	simm.s32 $0x0;
	s3 =	srdreg.scid;
	s1 =	smul.u32 $0x2800, s11  }
0x4: {  	[smem:$0x7FF] =	sst s14;
	s5 =	smul.u32 $0x280, s11  }
0x5: {  	s3 =	sand.u32 $0x1, s3;
	s4 =	sadd.s32 $0x1FE00, s0;
	s11 =	smul.u32 $0x28000, s11  }
0x6: {  	s8 =	sadd.s32 $0xBE00, s0;
	_ =	strace $0x8000004D;
	s7 =	smul.u32 $0x5000, s3  }
0x7: {  	s9 =	ssub.s32 $0x2, s3;
	s21 =	smul.u32 $0x50000, s3;
	s3 =	sshllo.u32 s3, $0x1  }
0x8: {  	s6 =	sshrl.u32 s1, $0x3;
	s10 =	sshrl.u32 s9, $0x1;
	s19 =	sshrl.u32 s11, $0x2  }
0x9: {  	s26 =	smul.u32 $0x2800, s3;
	s6 =	sadd.s32 s6, s0;
	s7 =	sadd.s32 s5, s7  }
0xa: {  	s0 =	sadd.s32 $0x6FE00, s0;
	s9 =	ssub.s32 s9, s10;
	s15 =	sadd.s32 s19, s2  }
0xb: {  	s10 =	sadd.s32 s1, s21;
	s7 =	sshll.u32 s7, $0x3;
	s6 =	sadd.s32 $0x1800, s6  }
0xc: {  	s10 =	sshrl.u32 s10, $0x3;
	s5 =	sadd.s32 s5, s26;
	[dreg:$0x5] =	wrdreg s15  }
0xd: {  	s26 =	smax.u32 s9, $0x1;
	[dreg:$0x3] =	wrdreg s6;
	s18 =	sadd.s32 s4, s7  }
0xe: {  	s20 =	sadd.s32 $0x400, s7;
	s23 =	sadd.s32 $0x800, s7;
	[dreg:$0x1b] =	wrdreg s26  }
0xf: {  	s12 =	sadd.s32 $0xC00, s7;
	s10 =	sadd.s32 s8, s10;
	[dreg:$0x4] =	wrdreg s18  }
0x10: {  	s25 =	sadd.s32 $0x1000, s7;
	s7 =	sadd.s32 s0, s7;
	[dreg:$0xa] =	wrdreg s10  }
0x11: {  	s22 =	sadd.s32 s4, s20;
	[dreg:$0xb] =	wrdreg s7  }
0x12: {  	s28 =	simm.s32 $0x7;
	s13 =	sadd.s32 s4, s23;
	[dreg:$0x6] =	wrdreg s22  }
0x13: {  	s29 =	simm.s32 $0x8;
	s24 =	sadd.s32 s4, s12;
	[dreg:$0x7] =	wrdreg s13  }
0x14: {  	s3 =	smul.u32 $0x28000, s3;
	s16 =	sadd.s32 s4, s25;
	[dreg:$0x8] =	wrdreg s24  }
0x15: {  	s30 =	simm.s32 $0xD;
	s6 =	sadd.s32 s0, s20;
	[dreg:$0x9] =	wrdreg s16  }
0x16: {  	s1 =	sadd.s32 s1, s3;
	s11 =	sadd.s32 s0, s23;
	[dreg:$0xc] =	wrdreg s6  }
0x17: {  	s1 =	sshrl.u32 s1, $0x3;
	s12 =	sadd.s32 s0, s12;
	[dreg:$0xd] =	wrdreg s11  }
0x18: {  	s31 =	simm.s32 $0xF;
	s1 =	sadd.s32 s8, s1;
	[dreg:$0xe] =	wrdreg s12  }
0x19: {  	s5 =	sshll.u32 s5, $0x3;
	s8 =	sadd.s32 $0x6000, s15;
	[dreg:$0x11] =	wrdreg s1  }
0x1a: {  	s17 =	sadd.s32 $0x400, s5;
	s10 =	sadd.s32 $0x8000, s15;
	[dreg:$0x1e] =	wrdreg s8  }
0x1b: {  	s18 =	sadd.s32 $0x800, s5;
	s13 =	sadd.s32 s0, s25;
	[dreg:$0x1f] =	wrdreg s10  }
0x1c: {  	s19 =	sadd.s32 $0xC00, s5;
	s16 =	sadd.s32 s4, s5;
	[dreg:$0xf] =	wrdreg s13  }
0x1d: {  	s20 =	sadd.s32 $0x1000, s5;
	s5 =	sadd.s32 s0, s5;
	[dreg:$0x10] =	wrdreg s16  }
0x1e: {  	s9 =	simm.s32 $0x80;
	s21 =	sadd.s32 s4, s17;
	[dreg:$0x12] =	wrdreg s5  }
0x1f: {  	s26 =	simm.s32 $0x5;
	s3 =	sadd.s32 s0, s17;
	[dreg:$0x13] =	wrdreg s21  }
0x20: {  	s7 =	simm.s32 $0xE;
	s22 =	sadd.s32 s4, s18;
	[dreg:$0x14] =	wrdreg s3  }
0x21: {  	s23 =	sadd.s32 s0, s18;
	s24 =	sadd.s32 s4, s19;
	[dreg:$0x15] =	wrdreg s22  }
0x22: {  	s1 =	sadd.s32 s0, s19;
	s0 =	sadd.s32 s0, s20;
	[dreg:$0x16] =	wrdreg s23  }
0x23: {  	s25 =	sadd.s32 s4, s20;
	s6 =	sadd.s32 $0x4000, s15;
	[dreg:$0x17] =	wrdreg s24  }
0x24: {  	s17 =	simm.s32 $0x11000;
	s18 =	simm.s32 $0x13000;
	[dreg:$0x18] =	wrdreg s1  }
0x25: {  	s19 =	simm.s32 $0x1;
	s20 =	simm.s32 $0x2;
	[dreg:$0x19] =	wrdreg s0  }
0x26: {  	s11 =	simm.s32 $0xB;
	s12 =	simm.s32 $0x0;
	[dreg:$0x1a] =	wrdreg s25  }
0x27: {  	s5 =	sadd.s32 $0x2000, s15;
	s15 =	simm.s32 $0xD000;
	s16 =	simm.s32 $0xF000  }
0x28: {  	s21 =	simm.s32 $0x3;
	s22 =	simm.s32 $0x4;
	s23 =	simm.s32 $0x9  }
0x29: {  	s24 =	simm.s32 $0xA;
	s25 =	simm.s32 $0xC;
	[dreg:$0x1d] =	wrdreg s6  }
0x2a: {  	s13 =	simm.s32 $0x6;
	s0 =	simm.s32 $0x10;
	[dreg:$0x1c] =	wrdreg s5  }
.LBB2_1:
0x2b: {  	[smem:$0x7FD] =	sst s12  }
0x2c: {  	s3 =	simm.s32 $0x11;
	s1 =	rddreg [dreg:$0x3];
	s12 =	simm.s32 $0x2800  }
0x2d: {  	[tilespmem:s12], [sflag:$0x11] =	stream.linear.gather [hbm4b:s1+s14], $0x2800, $0x38;
	[tilespmem:$0x1F000] =	vst v63  }
0x2e: {  	_ =	swait.ge [sflag:s3], $0x2800  }
0x2f: {  	[sflag:s3] =	ssyncset.done $0x0  }
0x30: {  	s12 =	simm.s32 $0x5000;
	s1 =	rddreg [dreg:$0x4];
	[sflag:s3] =	ssyncadd.s32 $0xFFFFD800  }
0x31: {  	[tilespmem:s12], [sflag:$0x11] =	stream.linear.gather [hbm4b:s1+s14], $0x2000, $0x38;
	[tilespmem:$0x1F000] =	vst v63  }
0x32: {  	_ =	swait.ge [sflag:s3], $0x2000  }
0x33: {  	[sflag:s3] =	ssyncset.done $0x0  }
0x34: {  	s1 =	rddreg [dreg:$0x5];
	[sflag:s3] =	ssyncadd.s32 $0xFFFFE000  }
0x35: {  	[spmem:s1] =	stream.linear.scatter [tilespmem:s12], [sflag:$0x11], $0x2000, $0x38;
	[tilespmem:$0x1F000] =	vst v63  }
0x36: {  	_ =	swait.ge [sflag:s3], $0x2000  }
0x37: {  	[sflag:s3] =	ssyncset.done $0x0  }
0x38: {  	s1 =	rddreg [dreg:$0x6];
	[sflag:s3] =	ssyncadd.s32 $0xFFFFE000  }
0x39: {  	[tilespmem:s12], [sflag:$0x11] =	stream.linear.gather [hbm4b:s1+s14], $0x2000, $0x38;
	[tilespmem:$0x1F000] =	vst v63  }
0x3a: {  	_ =	swait.ge [sflag:s3], $0x2000  }
0x3b: {  	[sflag:s3] =	ssyncset.done $0x0  }
0x3c: {  	[sflag:s3] =	ssyncadd.s32 $0xFFFFE000  }
0x3d: {  	[spmem:s5] =	stream.linear.scatter [tilespmem:s12], [sflag:$0x11], $0x2000, $0x38;
	[tilespmem:$0x1F000] =	vst v63  }
0x3e: {  	_ =	swait.ge [sflag:s3], $0x2000  }
0x3f: {  	[sflag:s3] =	ssyncset.done $0x0  }
0x40: {  	s5 =	rddreg [dreg:$0x7];
	[sflag:s3] =	ssyncadd.s32 $0xFFFFE000  }
0x41: {  	[tilespmem:s12], [sflag:$0x11] =	stream.linear.gather [hbm4b:s5+s14], $0x2000, $0x38;
	[tilespmem:$0x1F000] =	vst v63  }
0x42: {  	_ =	swait.ge [sflag:s3], $0x2000  }
0x43: {  	[sflag:s3] =	ssyncset.done $0x0  }
0x44: {  	[sflag:s3] =	ssyncadd.s32 $0xFFFFE000  }
0x45: {  	[spmem:s6] =	stream.linear.scatter [tilespmem:s12], [sflag:$0x11], $0x2000, $0x38;
	[tilespmem:$0x1F000] =	vst v63  }
0x46: {  	_ =	swait.ge [sflag:s3], $0x2000  }
0x47: {  	[sflag:s3] =	ssyncset.done $0x0  }
0x48: {  	s5 =	rddreg [dreg:$0x8];
	[sflag:s3] =	ssyncadd.s32 $0xFFFFE000  }
0x49: {  	[tilespmem:s12], [sflag:$0x11] =	stream.linear.gather [hbm4b:s5+s14], $0x2000, $0x38;
	[tilespmem:$0x1F000] =	vst v63  }
0x4a: {  	_ =	swait.ge [sflag:s3], $0x2000  }
0x4b: {  	[sflag:s3] =	ssyncset.done $0x0  }
0x4c: {  	[sflag:s3] =	ssyncadd.s32 $0xFFFFE000  }
0x4d: {  	[spmem:s8] =	stream.linear.scatter [tilespmem:s12], [sflag:$0x11], $0x2000, $0x38;
	[tilespmem:$0x1F000] =	vst v63  }
0x4e: {  	_ =	swait.ge [sflag:s3], $0x2000  }
0x4f: {  	[sflag:s3] =	ssyncset.done $0x0  }
0x50: {  	s6 =	rddreg [dreg:$0x9];
	[sflag:s3] =	ssyncadd.s32 $0xFFFFE000  }
0x51: {  	[tilespmem:s12], [sflag:$0x11] =	stream.linear.gather [hbm4b:s6+s14], $0x2000, $0x38;
	[tilespmem:$0x1F000] =	vst v63  }
0x52: {  	_ =	swait.ge [sflag:s3], $0x2000  }
0x53: {  	[sflag:s3] =	ssyncset.done $0x0  }
0x54: {  	[sflag:s3] =	ssyncadd.s32 $0xFFFFE000  }
0x55: {  	[spmem:s10] =	stream.linear.scatter [tilespmem:s12], [sflag:$0x11], $0x2000, $0x38;
	[tilespmem:$0x1F000] =	vst v63  }
0x56: {  	_ =	swait.ge [sflag:s3], $0x2000  }
0x57: {  	[sflag:s3] =	ssyncset.done $0x0  }
0x58: {  	s8 =	rddreg [dreg:$0xa];
	[sflag:s3] =	ssyncadd.s32 $0xFFFFE000  }
0x59: {  	[tilespmem:s14], [sflag:$0x11] =	stream.linear.gather [hbm4b:s8+s14], $0x2800, $0x38;
	[tilespmem:$0x1F000] =	vst v63  }
0x5a: {  	_ =	swait.ge [sflag:s3], $0x2800  }
0x5b: {  	[sflag:s3] =	ssyncset.done $0x0  }
0x5c: {  	[sflag:s3] =	ssyncadd.s32 $0xFFFFD800  }
0x5d: {  	[bflag:$0x0] =	sbarrier.arrive $0xFFFF  }
0x5e: {  	[tilespmem:s12], [sflag:$0x1] =	stream.indirect.gather [hbm4b:s4+s9], $0x40, s14, s9, $0xb8;
	[tilespmem:$0x1F000] =	vst v63  }
0x5f: {  	s3 =	simm.s32 $0x7000  }
0x60: {  	[tilespmem:s3], [sflag:$0x2] =	stream.indirect.gather [hbm4b:s4+s9], $0x40, s9, s9, $0xb8;
	[tilespmem:$0x1F000] =	vst v63  }
0x61: {  	s5 =	simm.s32 $0x9000;
	s10 =	simm.s32 $0x100  }
0x62: {  	[tilespmem:s5], [sflag:$0x3] =	stream.indirect.gather [hbm4b:s4+s9], $0x40, s10, s9, $0xb8;
	[tilespmem:$0x1F000] =	vst v63  }
0x63: {  	s6 =	simm.s32 $0xB000;
	s14 =	simm.s32 $0x180  }
0x64: {  	[tilespmem:s6], [sflag:$0x4] =	stream.indirect.gather [hbm4b:s4+s9], $0x40, s14, s9, $0xb8;
	[tilespmem:$0x1F000] =	vst v63  }
0x65: {  	s8 =	simm.s32 $0x200  }
0x66: {  	[tilespmem:s15], [sflag:$0x5] =	stream.indirect.gather [hbm4b:s4+s9], $0x40, s8, s9, $0xb8;
	[tilespmem:$0x1F000] =	vst v63  }
0x67: {  	s10 =	simm.s32 $0x280  }
0x68: {  	[tilespmem:s16], [sflag:$0x6] =	stream.indirect.gather [hbm4b:s4+s9], $0x40, s10, s9, $0xb8;
	[tilespmem:$0x1F000] =	vst v63  }
0x69: {  	s14 =	simm.s32 $0x300  }
0x6a: {  	[tilespmem:s17], [sflag:$0x7] =	stream.indirect.gather [hbm4b:s4+s9], $0x40, s14, s9, $0xb8;
	[tilespmem:$0x1F000] =	vst v63  }
0x6b: {  	s8 =	simm.s32 $0x380  }
0x6c: {  	[tilespmem:s18], [sflag:$0x8] =	stream.indirect.gather [hbm4b:s4+s9], $0x40, s8, s9, $0xb8;
	[tilespmem:$0x1F000] =	vst v63  }
0x6d: {  	_ =	swait.ge [sflag:s19], $0x2000  }
0x6e: {  	[sflag:s19] =	ssyncset.done $0x0  }
0x6f: {  	s10 =	simm.s32 $0x2800;
	[sflag:s19] =	ssyncadd.s32 $0xFFFFE000  }
0x70: {  	[spmem:s2] =	stream.indirect.scatter.add.f32 [tilespmem:s12], [sflag:$0x9], $0x40, s10, s9, $0xb8;
	[tilespmem:$0x1F000] =	vst v63  }
0x71: {  	_ =	swait.ge [sflag:s20], $0x2000  }
0x72: {  	[sflag:s20] =	ssyncset.done $0x0  }
0x73: {  	s14 =	simm.s32 $0x2880;
	[sflag:s20] =	ssyncadd.s32 $0xFFFFE000  }
0x74: {  	[spmem:s2] =	stream.indirect.scatter.add.f32 [tilespmem:s3], [sflag:$0xA], $0x40, s14, s9, $0xb8;
	[tilespmem:$0x1F000] =	vst v63  }
0x75: {  	_ =	swait.ge [sflag:s21], $0x2000  }
0x76: {  	[sflag:s21] =	ssyncset.done $0x0  }
0x77: {  	s3 =	simm.s32 $0x2900;
	[sflag:s21] =	ssyncadd.s32 $0xFFFFE000  }
0x78: {  	[spmem:s2] =	stream.indirect.scatter.add.f32 [tilespmem:s5], [sflag:$0xB], $0x40, s3, s9, $0xb8;
	[tilespmem:$0x1F000] =	vst v63  }
0x79: {  	_ =	swait.ge [sflag:s22], $0x2000  }
0x7a: {  	[sflag:s22] =	ssyncset.done $0x0  }
0x7b: {  	s5 =	simm.s32 $0x2980;
	[sflag:s22] =	ssyncadd.s32 $0xFFFFE000  }
0x7c: {  	[spmem:s2] =	stream.indirect.scatter.add.f32 [tilespmem:s6], [sflag:$0xC], $0x40, s5, s9, $0xb8;
	[tilespmem:$0x1F000] =	vst v63  }
0x7d: {  	_ =	swait.ge [sflag:s23], $0x2000  }
0x7e: {  	[sflag:s23] =	ssyncset.done $0x0  }
0x7f: {  	[sflag:s23] =	ssyncadd.s32 $0xFFFFE000  }
0x80: {  	_ =	swait.ge [sflag:s24], $0x2000  }
0x81: {  	[sflag:s24] =	ssyncset.done $0x0  }
0x82: {  	[sflag:s24] =	ssyncadd.s32 $0xFFFFE000  }
0x83: {  	_ =	swait.ge [sflag:s11], $0x2000  }
0x84: {  	[sflag:s11] =	ssyncset.done $0x0  }
0x85: {  	[sflag:s11] =	ssyncadd.s32 $0xFFFFE000  }
0x86: {  	p0 =	por $0x0, $0x0;
	_ =	swait.ge [sflag:s25], $0x2000  }
0x87: {  	s1 =	simm.s32 @!p0 $0x5000;
	[sflag:s25] =	ssyncset.done $0x0  }
0x88: {  	s3 =	simm.s32 @!p0 $0x400;
	s5 =	simm.s32 @!p0 $0x80;
	[sflag:s25] =	ssyncadd.s32 $0xFFFFE000  }
0x89: {  	[tilespmem:s1], [sflag:$0x1] =	stream.indirect.gather @!p0 [hbm4b:s4+s5], $0x40, s3, s5, $0xb8;
	[tilespmem:$0x1F000] =	vst v63  }
0x8a: {  	s1 =	simm.s32 @!p0 $0x480;
	s3 =	simm.s32 @!p0 $0x7000  }
0x8b: {  	[tilespmem:s3], [sflag:$0x2] =	stream.indirect.gather @!p0 [hbm4b:s4+s5], $0x40, s1, s5, $0xb8;
	[tilespmem:$0x1F000] =	vst v63  }
0x8c: {  	s1 =	simm.s32 @!p0 $0x500;
	s3 =	simm.s32 @!p0 $0x9000  }
0x8d: {  	[tilespmem:s3], [sflag:$0x3] =	stream.indirect.gather @!p0 [hbm4b:s4+s5], $0x40, s1, s5, $0xb8;
	[tilespmem:$0x1F000] =	vst v63  }
0x8e: {  	s1 =	simm.s32 @!p0 $0x580;
	s3 =	simm.s32 @!p0 $0xB000  }
0x8f: {  	[tilespmem:s3], [sflag:$0x4] =	stream.indirect.gather @!p0 [hbm4b:s4+s5], $0x40, s1, s5, $0xb8;
	[tilespmem:$0x1F000] =	vst v63  }
0x90: {  	_ =	swait.ge [sflag:s26], $0x2000  }
0x91: {  	[sflag:s26] =	ssyncset.done $0x0  }
0x92: {  	s8 =	simm.s32 $0x2A00;
	[sflag:s26] =	ssyncadd.s32 $0xFFFFE000  }
0x93: {  	[spmem:s2] =	stream.indirect.scatter.add.f32 [tilespmem:s15], [sflag:$0xD], $0x40, s8, s9, $0xb8;
	[tilespmem:$0x1F000] =	vst v63  }
0x94: {  	_ =	swait.ge [sflag:s13], $0x2000  }
0x95: {  	[sflag:s13] =	ssyncset.done $0x0  }
0x96: {  	s10 =	simm.s32 $0x2A80;
	[sflag:s13] =	ssyncadd.s32 $0xFFFFE000  }
0x97: {  	[spmem:s2] =	stream.indirect.scatter.add.f32 [tilespmem:s16], [sflag:$0xE], $0x40, s10, s9, $0xb8;
	[tilespmem:$0x1F000] =	vst v63  }
0x98: {  	_ =	swait.ge [sflag:s28], $0x2000  }
0x99: {  	[sflag:s28] =	ssyncset.done $0x0  }
0x9a: {  	s12 =	simm.s32 $0x2B00;
	[sflag:s28] =	ssyncadd.s32 $0xFFFFE000  }
0x9b: {  	[spmem:s2] =	stream.indirect.scatter.add.f32 [tilespmem:s17], [sflag:$0xF], $0x40, s12, s9, $0xb8;
	[tilespmem:$0x1F000] =	vst v63  }
0x9c: {  	_ =	swait.ge [sflag:s29], $0x2000  }
0x9d: {  	[sflag:s29] =	ssyncset.done $0x0  }
0x9e: {  	s14 =	simm.s32 $0x2B80;
	[sflag:s29] =	ssyncadd.s32 $0xFFFFE000  }
0x9f: {  	[spmem:s2] =	stream.indirect.scatter.add.f32 [tilespmem:s18], [sflag:$0x10], $0x40, s14, s9, $0xb8;
	[tilespmem:$0x1F000] =	vst v63  }
0xa0: {  	_ =	swait.ge [sflag:s30], $0x2000  }
0xa1: {  	[sflag:s30] =	ssyncset.done $0x0  }
0xa2: {  	[sflag:s30] =	ssyncadd.s32 $0xFFFFE000  }
0xa3: {  	_ =	swait.ge [sflag:s7], $0x2000  }
0xa4: {  	[sflag:s7] =	ssyncset.done $0x0  }
0xa5: {  	[sflag:s7] =	ssyncadd.s32 $0xFFFFE000  }
0xa6: {  	_ =	swait.ge [sflag:s31], $0x2000  }
0xa7: {  	[sflag:s31] =	ssyncset.done $0x0  }
0xa8: {  	[sflag:s31] =	ssyncadd.s32 $0xFFFFE000  }
0xa9: {  	s3 =	simm.s32 $0x1000;
	_ =	swait.ge [sflag:s0], $0x2000  }
0xaa: {  	s1 =	simm.s32 $0x2000;
	s5 =	simm.s32 $0x400;
	[sflag:s0] =	ssyncset.done $0x0  }
.LBB2_2:
0xab: {  	s10 =	sadd.s32 $0x200, s5  }
0xac: {  	[sflag:s0] =	ssyncadd.s32 $0xFFFFE000;
	s6 =	smov.u32 s1;
	s1 =	sadd.s32 $0x1000, s1  }
0xad: {  	[tilespmem:s15], [sflag:$0x5] =	stream.indirect.gather [hbm4b:s4+s9], $0x40, s10, s9, $0xb8;
	[tilespmem:$0x1F000] =	vst v63  }
0xae: {  	p0 =	sne.s32 s1, $0xA000;
	s10 =	sadd.s32 $0x280, s5  }
0xaf: {  	[tilespmem:s16], [sflag:$0x6] =	stream.indirect.gather [hbm4b:s4+s9], $0x40, s10, s9, $0xb8;
	[tilespmem:$0x1F000] =	vst v63  }
0xb0: {  	s10 =	sadd.s32 $0x300, s5  }
0xb1: {  	[tilespmem:s17], [sflag:$0x7] =	stream.indirect.gather [hbm4b:s4+s9], $0x40, s10, s9, $0xb8;
	[tilespmem:$0x1F000] =	vst v63  }
0xb2: {  	s10 =	sadd.s32 $0x380, s5  }
0xb3: {  	[tilespmem:s18], [sflag:$0x8] =	stream.indirect.gather [hbm4b:s4+s9], $0x40, s10, s9, $0xb8;
	[tilespmem:$0x1F000] =	vst v63  }
0xb4: {  	_ =	swait.ge [sflag:s19], $0x2000  }
0xb5: {  	[sflag:s19] =	ssyncset.done $0x0  }
0xb6: {  	s8 =	simm.s32 $0x5000;
	s10 =	sadd.s32 $0x2800, s5;
	[sflag:s19] =	ssyncadd.s32 $0xFFFFE000  }
0xb7: {  	[spmem:s2] =	stream.indirect.scatter.add.f32 [tilespmem:s8], [sflag:$0x9], $0x40, s10, s9, $0xb8;
	[tilespmem:$0x1F000] =	vst v63  }
0xb8: {  	_ =	swait.ge [sflag:s20], $0x2000  }
0xb9: {  	[sflag:s20] =	ssyncset.done $0x0  }
0xba: {  	s10 =	sadd.s32 $0x2880, s5;
	s8 =	simm.s32 $0x7000;
	[sflag:s20] =	ssyncadd.s32 $0xFFFFE000  }
0xbb: {  	[spmem:s2] =	stream.indirect.scatter.add.f32 [tilespmem:s8], [sflag:$0xA], $0x40, s10, s9, $0xb8;
	[tilespmem:$0x1F000] =	vst v63  }
0xbc: {  	_ =	swait.ge [sflag:s21], $0x2000  }
0xbd: {  	[sflag:s21] =	ssyncset.done $0x0  }
0xbe: {  	s10 =	sadd.s32 $0x2900, s5;
	s8 =	simm.s32 $0x9000;
	[sflag:s21] =	ssyncadd.s32 $0xFFFFE000  }
0xbf: {  	[spmem:s2] =	stream.indirect.scatter.add.f32 [tilespmem:s8], [sflag:$0xB], $0x40, s10, s9, $0xb8;
	[tilespmem:$0x1F000] =	vst v63  }
0xc0: {  	_ =	swait.ge [sflag:s22], $0x2000  }
0xc1: {  	[sflag:s22] =	ssyncset.done $0x0  }
0xc2: {  	s10 =	sadd.s32 $0x2980, s5;
	s8 =	simm.s32 $0xB000;
	[sflag:s22] =	ssyncadd.s32 $0xFFFFE000  }
0xc3: {  	[spmem:s2] =	stream.indirect.scatter.add.f32 [tilespmem:s8], [sflag:$0xC], $0x40, s10, s9, $0xb8;
	[tilespmem:$0x1F000] =	vst v63  }
0xc4: {  	_ =	swait.ge [sflag:s23], $0x2000  }
0xc5: {  	[sflag:s23] =	ssyncset.done $0x0  }
0xc6: {  	[sflag:s23] =	ssyncadd.s32 $0xFFFFE000  }
0xc7: {  	_ =	swait.ge [sflag:s24], $0x2000  }
0xc8: {  	[sflag:s24] =	ssyncset.done $0x0  }
0xc9: {  	[sflag:s24] =	ssyncadd.s32 $0xFFFFE000  }
0xca: {  	_ =	swait.ge [sflag:s11], $0x2000  }
0xcb: {  	[sflag:s11] =	ssyncset.done $0x0  }
0xcc: {  	[sflag:s11] =	ssyncadd.s32 $0xFFFFE000  }
0xcd: {  	p1 =	seq.s32 s3, $0x9000;
	_ =	swait.ge [sflag:s25], $0x2000  }
0xce: {  	s3 =	sshra.s32 @!p1 s3, $0x2;
	s10 =	simm.s32 @!p1 $0x5000;
	[sflag:s25] =	ssyncset.done $0x0  }
0xcf: {  	s14 =	simm.s32 @!p1 $0x80;
	s12 =	sadd.s32 @!p1 $0x400, s3;
	[sflag:s25] =	ssyncadd.s32 $0xFFFFE000  }
0xd0: {  	[tilespmem:s10], [sflag:$0x1] =	stream.indirect.gather @!p1 [hbm4b:s4+s14], $0x40, s12, s14, $0xb8;
	[tilespmem:$0x1F000] =	vst v63  }
0xd1: {  	s8 =	sadd.s32 @!p1 $0x500, s3;
	s10 =	sadd.s32 @!p1 $0x480, s3;
	s12 =	simm.s32 @!p1 $0x7000  }
0xd2: {  	[tilespmem:s12], [sflag:$0x2] =	stream.indirect.gather @!p1 [hbm4b:s4+s14], $0x40, s10, s14, $0xb8;
	[tilespmem:$0x1F000] =	vst v63  }
0xd3: {  	s10 =	simm.s32 @!p1 $0x9000;
	s12 =	sadd.s32 @!p1 $0x580, s3;
	s3 =	smov.u32 s6  }
0xd4: {  	[tilespmem:s10], [sflag:$0x3] =	stream.indirect.gather @!p1 [hbm4b:s4+s14], $0x40, s8, s14, $0xb8;
	[tilespmem:$0x1F000] =	vst v63  }
0xd5: {  	s6 =	simm.s32 @!p1 $0xB000  }
0xd6: {  	[tilespmem:s6], [sflag:$0x4] =	stream.indirect.gather @!p1 [hbm4b:s4+s14], $0x40, s12, s14, $0xb8;
	[tilespmem:$0x1F000] =	vst v63  }
0xd7: {  	_ =	swait.ge [sflag:s26], $0x2000  }
0xd8: {  	[sflag:s26] =	ssyncset.done $0x0  }
0xd9: {  	s6 =	sadd.s32 $0x2A00, s5;
	[sflag:s26] =	ssyncadd.s32 $0xFFFFE000  }
0xda: {  	[spmem:s2] =	stream.indirect.scatter.add.f32 [tilespmem:s15], [sflag:$0xD], $0x40, s6, s9, $0xb8;
	[tilespmem:$0x1F000] =	vst v63  }
0xdb: {  	_ =	swait.ge [sflag:s13], $0x2000  }
0xdc: {  	[sflag:s13] =	ssyncset.done $0x0  }
0xdd: {  	s6 =	sadd.s32 $0x2A80, s5;
	[sflag:s13] =	ssyncadd.s32 $0xFFFFE000  }
0xde: {  	[spmem:s2] =	stream.indirect.scatter.add.f32 [tilespmem:s16], [sflag:$0xE], $0x40, s6, s9, $0xb8;
	[tilespmem:$0x1F000] =	vst v63  }
0xdf: {  	_ =	swait.ge [sflag:s28], $0x2000  }
0xe0: {  	[sflag:s28] =	ssyncset.done $0x0  }
0xe1: {  	s6 =	sadd.s32 $0x2B00, s5;
	[sflag:s28] =	ssyncadd.s32 $0xFFFFE000  }
0xe2: {  	[spmem:s2] =	stream.indirect.scatter.add.f32 [tilespmem:s17], [sflag:$0xF], $0x40, s6, s9, $0xb8;
	[tilespmem:$0x1F000] =	vst v63  }
0xe3: {  	_ =	swait.ge [sflag:s29], $0x2000  }
0xe4: {  	[sflag:s29] =	ssyncset.done $0x0  }
0xe5: {  	s5 =	sadd.s32 $0x2B80, s5;
	[sflag:s29] =	ssyncadd.s32 $0xFFFFE000  }
0xe6: {  	[spmem:s2] =	stream.indirect.scatter.add.f32 [tilespmem:s18], [sflag:$0x10], $0x40, s5, s9, $0xb8;
	[tilespmem:$0x1F000] =	vst v63  }
0xe7: {  	_ =	swait.ge [sflag:s30], $0x2000  }
0xe8: {  	[sflag:s30] =	ssyncset.done $0x0  }
0xe9: {  	[sflag:s30] =	ssyncadd.s32 $0xFFFFE000  }
0xea: {  	_ =	swait.ge [sflag:s7], $0x2000  }
0xeb: {  	[sflag:s7] =	ssyncset.done $0x0  }
0xec: {  	[sflag:s7] =	ssyncadd.s32 $0xFFFFE000  }
.Ltmp0:
0xed: {  	_ =	swait.ge [sflag:s31], $0x2000;
	(pc) =	sbr.rel @p0 .LBB2_2-.Ltmp0, $4  }
0xee: {  	[sflag:s31] =	ssyncset.done $0x0  }
0xef: {  	[sflag:s31] =	ssyncadd.s32 $0xFFFFE000  }
0xf0: {  	_ =	swait.ge [sflag:s0], $0x2000  }
0xf1: {  	s5 =	sshra.s32 s3, $0x2;
	[sflag:s0] =	ssyncset.done $0x0  }
0xf2: {  	s1 =	sadd.s32 $0x200, s5;
	[sflag:s0] =	ssyncadd.s32 $0xFFFFE000  }
0xf3: {  	[tilespmem:s15], [sflag:$0x5] =	stream.indirect.gather [hbm4b:s4+s9], $0x40, s1, s9, $0xb8;
	[tilespmem:$0x1F000] =	vst v63  }
0xf4: {  	s10 =	sadd.s32 $0x280, s5  }
0xf5: {  	[tilespmem:s16], [sflag:$0x6] =	stream.indirect.gather [hbm4b:s4+s9], $0x40, s10, s9, $0xb8;
	[tilespmem:$0x1F000] =	vst v63  }
0xf6: {  	s12 =	sadd.s32 $0x300, s5  }
0xf7: {  	[tilespmem:s17], [sflag:$0x7] =	stream.indirect.gather [hbm4b:s4+s9], $0x40, s12, s9, $0xb8;
	[tilespmem:$0x1F000] =	vst v63  }
0xf8: {  	s14 =	sadd.s32 $0x380, s5  }
0xf9: {  	[tilespmem:s18], [sflag:$0x8] =	stream.indirect.gather [hbm4b:s4+s9], $0x40, s14, s9, $0xb8;
	[tilespmem:$0x1F000] =	vst v63  }
0xfa: {  	_ =	swait.ge [sflag:s19], $0x2000  }
0xfb: {  	[sflag:s19] =	ssyncset.done $0x0  }
0xfc: {  	s6 =	sadd.s32 $0x2800, s5;
	s10 =	simm.s32 $0x5000;
	[sflag:s19] =	ssyncadd.s32 $0xFFFFE000  }
0xfd: {  	[spmem:s2] =	stream.indirect.scatter.add.f32 [tilespmem:s10], [sflag:$0x9], $0x40, s6, s9, $0xb8;
	[tilespmem:$0x1F000] =	vst v63  }
0xfe: {  	_ =	swait.ge [sflag:s20], $0x2000  }
0xff: {  	[sflag:s20] =	ssyncset.done $0x0  }
0x100: {  	s8 =	sadd.s32 $0x2880, s5;
	s6 =	simm.s32 $0x7000;
	[sflag:s20] =	ssyncadd.s32 $0xFFFFE000  }
0x101: {  	[spmem:s2] =	stream.indirect.scatter.add.f32 [tilespmem:s6], [sflag:$0xA], $0x40, s8, s9, $0xb8;
	[tilespmem:$0x1F000] =	vst v63  }
0x102: {  	_ =	swait.ge [sflag:s21], $0x2000  }
0x103: {  	[sflag:s21] =	ssyncset.done $0x0  }
0x104: {  	s12 =	sadd.s32 $0x2900, s5;
	s14 =	simm.s32 $0x9000;
	[sflag:s21] =	ssyncadd.s32 $0xFFFFE000  }
0x105: {  	[spmem:s2] =	stream.indirect.scatter.add.f32 [tilespmem:s14], [sflag:$0xB], $0x40, s12, s9, $0xb8;
	[tilespmem:$0x1F000] =	vst v63  }
0x106: {  	_ =	swait.ge [sflag:s22], $0x2000  }
0x107: {  	[sflag:s22] =	ssyncset.done $0x0  }
0x108: {  	s6 =	sadd.s32 $0x2980, s5;
	s8 =	simm.s32 $0xB000;
	[sflag:s22] =	ssyncadd.s32 $0xFFFFE000  }
0x109: {  	[spmem:s2] =	stream.indirect.scatter.add.f32 [tilespmem:s8], [sflag:$0xC], $0x40, s6, s9, $0xb8;
	[tilespmem:$0x1F000] =	vst v63  }
0x10a: {  	_ =	swait.ge [sflag:s23], $0x2000  }
0x10b: {  	[sflag:s23] =	ssyncset.done $0x0  }
0x10c: {  	[sflag:s23] =	ssyncadd.s32 $0xFFFFE000  }
0x10d: {  	_ =	swait.ge [sflag:s24], $0x2000  }
0x10e: {  	[sflag:s24] =	ssyncset.done $0x0  }
0x10f: {  	[sflag:s24] =	ssyncadd.s32 $0xFFFFE000  }
0x110: {  	_ =	swait.ge [sflag:s11], $0x2000  }
0x111: {  	[sflag:s11] =	ssyncset.done $0x0  }
0x112: {  	[sflag:s11] =	ssyncadd.s32 $0xFFFFE000  }
0x113: {  	p0 =	seq.s32 s3, $0x9000;
	_ =	swait.ge [sflag:s25], $0x2000  }
0x114: {  	s1 =	sshra.s32 @!p0 s3, $0x2;
	s3 =	simm.s32 @!p0 $0x5000;
	[sflag:s25] =	ssyncset.done $0x0  }
0x115: {  	s6 =	sadd.s32 @!p0 $0x400, s1;
	s8 =	simm.s32 @!p0 $0x80;
	[sflag:s25] =	ssyncadd.s32 $0xFFFFE000  }
0x116: {  	[tilespmem:s3], [sflag:$0x1] =	stream.indirect.gather @!p0 [hbm4b:s4+s8], $0x40, s6, s8, $0xb8;
	[tilespmem:$0x1F000] =	vst v63  }
0x117: {  	s3 =	sadd.s32 @!p0 $0x480, s1;
	s6 =	simm.s32 @!p0 $0x7000  }
0x118: {  	[tilespmem:s6], [sflag:$0x2] =	stream.indirect.gather @!p0 [hbm4b:s4+s8], $0x40, s3, s8, $0xb8;
	[tilespmem:$0x1F000] =	vst v63  }
0x119: {  	s3 =	sadd.s32 @!p0 $0x500, s1;
	s6 =	simm.s32 @!p0 $0x9000  }
0x11a: {  	[tilespmem:s6], [sflag:$0x3] =	stream.indirect.gather @!p0 [hbm4b:s4+s8], $0x40, s3, s8, $0xb8;
	[tilespmem:$0x1F000] =	vst v63  }
0x11b: {  	s1 =	sadd.s32 @!p0 $0x580, s1;
	s3 =	simm.s32 @!p0 $0xB000  }
0x11c: {  	[tilespmem:s3], [sflag:$0x4] =	stream.indirect.gather @!p0 [hbm4b:s4+s8], $0x40, s1, s8, $0xb8;
	[tilespmem:$0x1F000] =	vst v63  }
0x11d: {  	_ =	swait.ge [sflag:s26], $0x2000  }
0x11e: {  	[sflag:s26] =	ssyncset.done $0x0  }
0x11f: {  	s12 =	sadd.s32 $0x2A00, s5;
	[sflag:s26] =	ssyncadd.s32 $0xFFFFE000  }
0x120: {  	[spmem:s2] =	stream.indirect.scatter.add.f32 [tilespmem:s15], [sflag:$0xD], $0x40, s12, s9, $0xb8;
	[tilespmem:$0x1F000] =	vst v63  }
0x121: {  	_ =	swait.ge [sflag:s13], $0x2000  }
0x122: {  	[sflag:s13] =	ssyncset.done $0x0  }
0x123: {  	s14 =	sadd.s32 $0x2A80, s5;
	[sflag:s13] =	ssyncadd.s32 $0xFFFFE000  }
0x124: {  	[spmem:s2] =	stream.indirect.scatter.add.f32 [tilespmem:s16], [sflag:$0xE], $0x40, s14, s9, $0xb8;
	[tilespmem:$0x1F000] =	vst v63  }
0x125: {  	_ =	swait.ge [sflag:s28], $0x2000  }
0x126: {  	[sflag:s28] =	ssyncset.done $0x0  }
0x127: {  	s3 =	sadd.s32 $0x2B00, s5;
	[sflag:s28] =	ssyncadd.s32 $0xFFFFE000  }
0x128: {  	[spmem:s2] =	stream.indirect.scatter.add.f32 [tilespmem:s17], [sflag:$0xF], $0x40, s3, s9, $0xb8;
	[tilespmem:$0x1F000] =	vst v63  }
0x129: {  	_ =	swait.ge [sflag:s29], $0x2000  }
0x12a: {  	[sflag:s29] =	ssyncset.done $0x0  }
0x12b: {  	s5 =	sadd.s32 $0x2B80, s5;
	[sflag:s29] =	ssyncadd.s32 $0xFFFFE000  }
0x12c: {  	[spmem:s2] =	stream.indirect.scatter.add.f32 [tilespmem:s18], [sflag:$0x10], $0x40, s5, s9, $0xb8;
	[tilespmem:$0x1F000] =	vst v63  }
0x12d: {  	_ =	swait.ge [sflag:s30], $0x2000  }
0x12e: {  	[sflag:s30] =	ssyncset.done $0x0  }
0x12f: {  	[sflag:s30] =	ssyncadd.s32 $0xFFFFE000  }
0x130: {  	_ =	swait.ge [sflag:s7], $0x2000  }
0x131: {  	[sflag:s7] =	ssyncset.done $0x0  }
0x132: {  	[sflag:s7] =	ssyncadd.s32 $0xFFFFE000  }
0x133: {  	_ =	swait.ge [sflag:s31], $0x2000  }
0x134: {  	[sflag:s31] =	ssyncset.done $0x0  }
0x135: {  	[sflag:s31] =	ssyncadd.s32 $0xFFFFE000  }
0x136: {  	_ =	swait.ge [sflag:s0], $0x2000  }
0x137: {  	[sflag:s0] =	ssyncset.done $0x0  }
0x138: {  	[sflag:s0] =	ssyncadd.s32 $0xFFFFE000  }
0x139: {  	[bflag:$0x0] =	sbarrier.arrive $0xFFFF  }
0x13a: {  	s14 =	simm.s32 $0x11;
	s3 =	rddreg [dreg:$0x5]  }
0x13b: {  	[tilespmem:s10], [sflag:$0x11] =	stream.linear.gather [spmem:s3], $0x2000, $0x38;
	[tilespmem:$0x1F000] =	vst v63  }
0x13c: {  	_ =	swait.ge [sflag:s14], $0x2000  }
0x13d: {  	[sflag:s14] =	ssyncset.done $0x0  }
0x13e: {  	s1 =	simm.s32 $0x0;
	s6 =	rddreg [dreg:$0xb];
	[sflag:s14] =	ssyncadd.s32 $0xFFFFE000  }
0x13f: {  	[hbm4b:s6+s1] =	stream.linear.scatter [tilespmem:s10], [sflag:$0x11], $0x2000, $0x38;
	[tilespmem:$0x1F000] =	vst v63  }
0x140: {  	_ =	swait.ge [sflag:s14], $0x2000  }
0x141: {  	[sflag:s14] =	ssyncset.done $0x0  }
0x142: {  	s6 =	rddreg [dreg:$0x1c];
	[sflag:s14] =	ssyncadd.s32 $0xFFFFE000  }
0x143: {  	[tilespmem:s10], [sflag:$0x11] =	stream.linear.gather [spmem:s6], $0x2000, $0x38;
	[tilespmem:$0x1F000] =	vst v63  }
0x144: {  	_ =	swait.ge [sflag:s14], $0x2000  }
0x145: {  	[sflag:s14] =	ssyncset.done $0x0  }
0x146: {  	s8 =	rddreg [dreg:$0xc];
	[sflag:s14] =	ssyncadd.s32 $0xFFFFE000  }
0x147: {  	[hbm4b:s8+s1] =	stream.linear.scatter [tilespmem:s10], [sflag:$0x11], $0x2000, $0x38;
	[tilespmem:$0x1F000] =	vst v63  }
0x148: {  	_ =	swait.ge [sflag:s14], $0x2000  }
0x149: {  	[sflag:s14] =	ssyncset.done $0x0  }
0x14a: {  	s8 =	rddreg [dreg:$0x1d];
	[sflag:s14] =	ssyncadd.s32 $0xFFFFE000  }
0x14b: {  	[tilespmem:s10], [sflag:$0x11] =	stream.linear.gather [spmem:s8], $0x2000, $0x38;
	[tilespmem:$0x1F000] =	vst v63  }
0x14c: {  	_ =	swait.ge [sflag:s14], $0x2000  }
0x14d: {  	[sflag:s14] =	ssyncset.done $0x0  }
0x14e: {  	s12 =	rddreg [dreg:$0xd];
	[sflag:s14] =	ssyncadd.s32 $0xFFFFE000  }
0x14f: {  	[hbm4b:s12+s1] =	stream.linear.scatter [tilespmem:s10], [sflag:$0x11], $0x2000, $0x38;
	[tilespmem:$0x1F000] =	vst v63  }
0x150: {  	_ =	swait.ge [sflag:s14], $0x2000  }
0x151: {  	[sflag:s14] =	ssyncset.done $0x0  }
0x152: {  	s12 =	rddreg [dreg:$0x1e];
	[sflag:s14] =	ssyncadd.s32 $0xFFFFE000  }
0x153: {  	[tilespmem:s10], [sflag:$0x11] =	stream.linear.gather [spmem:s12], $0x2000, $0x38;
	[tilespmem:$0x1F000] =	vst v63  }
0x154: {  	_ =	swait.ge [sflag:s14], $0x2000  }
0x155: {  	[sflag:s14] =	ssyncset.done $0x0  }
0x156: {  	s12 =	rddreg [dreg:$0xe];
	[sflag:s14] =	ssyncadd.s32 $0xFFFFE000  }
0x157: {  	[hbm4b:s12+s1] =	stream.linear.scatter [tilespmem:s10], [sflag:$0x11], $0x2000, $0x38;
	[tilespmem:$0x1F000] =	vst v63  }
0x158: {  	_ =	swait.ge [sflag:s14], $0x2000  }
0x159: {  	[sflag:s14] =	ssyncset.done $0x0  }
0x15a: {  	s12 =	rddreg [dreg:$0x1f];
	[sflag:s14] =	ssyncadd.s32 $0xFFFFE000  }
0x15b: {  	[tilespmem:s10], [sflag:$0x11] =	stream.linear.gather [spmem:s12], $0x2000, $0x38;
	[tilespmem:$0x1F000] =	vst v63  }
0x15c: {  	_ =	swait.ge [sflag:s14], $0x2000  }
0x15d: {  	[sflag:s14] =	ssyncset.done $0x0  }
0x15e: {  	s5 =	rddreg [dreg:$0xf];
	[sflag:s14] =	ssyncadd.s32 $0xFFFFE000  }
0x15f: {  	[hbm4b:s5+s1] =	stream.linear.scatter [tilespmem:s10], [sflag:$0x11], $0x2000, $0x38;
	[tilespmem:$0x1F000] =	vst v63  }
0x160: {  	_ =	swait.ge [sflag:s14], $0x2000  }
0x161: {  	[sflag:s14] =	ssyncset.done $0x0  }
0x162: {  	s5 =	rddreg [dreg:$0x10];
	[sflag:s14] =	ssyncadd.s32 $0xFFFFE000  }
0x163: {  	[tilespmem:s10], [sflag:$0x11] =	stream.linear.gather [hbm4b:s5+s1], $0x2000, $0x38;
	[tilespmem:$0x1F000] =	vst v63  }
0x164: {  	_ =	swait.ge [sflag:s14], $0x2000  }
0x165: {  	[sflag:s14] =	ssyncset.done $0x0  }
0x166: {  	[sflag:s14] =	ssyncadd.s32 $0xFFFFE000  }
0x167: {  	[spmem:s3] =	stream.linear.scatter [tilespmem:s10], [sflag:$0x11], $0x2000, $0x38;
	[tilespmem:$0x1F000] =	vst v63  }
0x168: {  	_ =	swait.ge [sflag:s14], $0x2000  }
0x169: {  	[sflag:s14] =	ssyncset.done $0x0  }
0x16a: {  	s5 =	rddreg [dreg:$0x13];
	[sflag:s14] =	ssyncadd.s32 $0xFFFFE000  }
0x16b: {  	[tilespmem:s10], [sflag:$0x11] =	stream.linear.gather [hbm4b:s5+s1], $0x2000, $0x38;
	[tilespmem:$0x1F000] =	vst v63  }
0x16c: {  	_ =	swait.ge [sflag:s14], $0x2000  }
0x16d: {  	[sflag:s14] =	ssyncset.done $0x0  }
0x16e: {  	[sflag:s14] =	ssyncadd.s32 $0xFFFFE000  }
0x16f: {  	[spmem:s6] =	stream.linear.scatter [tilespmem:s10], [sflag:$0x11], $0x2000, $0x38;
	[tilespmem:$0x1F000] =	vst v63  }
0x170: {  	_ =	swait.ge [sflag:s14], $0x2000  }
0x171: {  	[sflag:s14] =	ssyncset.done $0x0  }
0x172: {  	s6 =	rddreg [dreg:$0x15];
	[sflag:s14] =	ssyncadd.s32 $0xFFFFE000  }
0x173: {  	[tilespmem:s10], [sflag:$0x11] =	stream.linear.gather [hbm4b:s6+s1], $0x2000, $0x38;
	[tilespmem:$0x1F000] =	vst v63  }
0x174: {  	_ =	swait.ge [sflag:s14], $0x2000  }
0x175: {  	[sflag:s14] =	ssyncset.done $0x0  }
0x176: {  	[sflag:s14] =	ssyncadd.s32 $0xFFFFE000  }
0x177: {  	[spmem:s8] =	stream.linear.scatter [tilespmem:s10], [sflag:$0x11], $0x2000, $0x38;
	[tilespmem:$0x1F000] =	vst v63  }
0x178: {  	_ =	swait.ge [sflag:s14], $0x2000  }
0x179: {  	[sflag:s14] =	ssyncset.done $0x0  }
0x17a: {  	s8 =	rddreg [dreg:$0x17];
	[sflag:s14] =	ssyncadd.s32 $0xFFFFE000  }
0x17b: {  	[tilespmem:s10], [sflag:$0x11] =	stream.linear.gather [hbm4b:s8+s1], $0x2000, $0x38;
	[tilespmem:$0x1F000] =	vst v63  }
0x17c: {  	_ =	swait.ge [sflag:s14], $0x2000  }
0x17d: {  	[sflag:s14] =	ssyncset.done $0x0  }
0x17e: {  	s5 =	rddreg [dreg:$0x1e];
	[sflag:s14] =	ssyncadd.s32 $0xFFFFE000  }
0x17f: {  	[spmem:s5] =	stream.linear.scatter [tilespmem:s10], [sflag:$0x11], $0x2000, $0x38;
	[tilespmem:$0x1F000] =	vst v63  }
0x180: {  	_ =	swait.ge [sflag:s14], $0x2000  }
0x181: {  	[sflag:s14] =	ssyncset.done $0x0  }
0x182: {  	s6 =	rddreg [dreg:$0x1a];
	[sflag:s14] =	ssyncadd.s32 $0xFFFFE000  }
0x183: {  	[tilespmem:s10], [sflag:$0x11] =	stream.linear.gather [hbm4b:s6+s1], $0x2000, $0x38;
	[tilespmem:$0x1F000] =	vst v63  }
0x184: {  	_ =	swait.ge [sflag:s14], $0x2000  }
0x185: {  	[sflag:s14] =	ssyncset.done $0x0  }
0x186: {  	[sflag:s14] =	ssyncadd.s32 $0xFFFFE000  }
0x187: {  	[spmem:s12] =	stream.linear.scatter [tilespmem:s10], [sflag:$0x11], $0x2000, $0x38;
	[tilespmem:$0x1F000] =	vst v63  }
0x188: {  	_ =	swait.ge [sflag:s14], $0x2000  }
0x189: {  	[sflag:s14] =	ssyncset.done $0x0  }
0x18a: {  	s8 =	rddreg [dreg:$0x11];
	[sflag:s14] =	ssyncadd.s32 $0xFFFFE000  }
0x18b: {  	[tilespmem:s1], [sflag:$0x11] =	stream.linear.gather [hbm4b:s8+s1], $0x2800, $0x38;
	[tilespmem:$0x1F000] =	vst v63  }
0x18c: {  	_ =	swait.ge [sflag:s14], $0x2800  }
0x18d: {  	[sflag:s14] =	ssyncset.done $0x0  }
0x18e: {  	[sflag:s14] =	ssyncadd.s32 $0xFFFFD800  }
0x18f: {  	[bflag:$0x0] =	sbarrier.arrive $0xFFFF  }
0x190: {  	[tilespmem:s10], [sflag:$0x1] =	stream.indirect.gather [hbm4b:s4+s9], $0x40, s1, s9, $0xb8;
	[tilespmem:$0x1F000] =	vst v63  }
0x191: {  	s3 =	simm.s32 $0x7000  }
0x192: {  	[tilespmem:s3], [sflag:$0x2] =	stream.indirect.gather [hbm4b:s4+s9], $0x40, s9, s9, $0xb8;
	[tilespmem:$0x1F000] =	vst v63  }
0x193: {  	s5 =	simm.s32 $0x9000;
	s12 =	simm.s32 $0x100  }
0x194: {  	[tilespmem:s5], [sflag:$0x3] =	stream.indirect.gather [hbm4b:s4+s9], $0x40, s12, s9, $0xb8;
	[tilespmem:$0x1F000] =	vst v63  }
0x195: {  	s6 =	simm.s32 $0xB000;
	s14 =	simm.s32 $0x180  }
0x196: {  	[tilespmem:s6], [sflag:$0x4] =	stream.indirect.gather [hbm4b:s4+s9], $0x40, s14, s9, $0xb8;
	[tilespmem:$0x1F000] =	vst v63  }
0x197: {  	s8 =	simm.s32 $0x200  }
0x198: {  	[tilespmem:s15], [sflag:$0x5] =	stream.indirect.gather [hbm4b:s4+s9], $0x40, s8, s9, $0xb8;
	[tilespmem:$0x1F000] =	vst v63  }
0x199: {  	s12 =	simm.s32 $0x280  }
0x19a: {  	[tilespmem:s16], [sflag:$0x6] =	stream.indirect.gather [hbm4b:s4+s9], $0x40, s12, s9, $0xb8;
	[tilespmem:$0x1F000] =	vst v63  }
0x19b: {  	s14 =	simm.s32 $0x300  }
0x19c: {  	[tilespmem:s17], [sflag:$0x7] =	stream.indirect.gather [hbm4b:s4+s9], $0x40, s14, s9, $0xb8;
	[tilespmem:$0x1F000] =	vst v63  }
0x19d: {  	s8 =	simm.s32 $0x380  }
0x19e: {  	[tilespmem:s18], [sflag:$0x8] =	stream.indirect.gather [hbm4b:s4+s9], $0x40, s8, s9, $0xb8;
	[tilespmem:$0x1F000] =	vst v63  }
0x19f: {  	_ =	swait.ge [sflag:s19], $0x2000  }
0x1a0: {  	[sflag:s19] =	ssyncset.done $0x0  }
0x1a1: {  	s12 =	simm.s32 $0x2800;
	[sflag:s19] =	ssyncadd.s32 $0xFFFFE000  }
0x1a2: {  	[spmem:s2] =	stream.indirect.scatter.add.f32 [tilespmem:s10], [sflag:$0x9], $0x40, s12, s9, $0xb8;
	[tilespmem:$0x1F000] =	vst v63  }
0x1a3: {  	_ =	swait.ge [sflag:s20], $0x2000  }
0x1a4: {  	[sflag:s20] =	ssyncset.done $0x0  }
0x1a5: {  	s14 =	simm.s32 $0x2880;
	[sflag:s20] =	ssyncadd.s32 $0xFFFFE000  }
0x1a6: {  	[spmem:s2] =	stream.indirect.scatter.add.f32 [tilespmem:s3], [sflag:$0xA], $0x40, s14, s9, $0xb8;
	[tilespmem:$0x1F000] =	vst v63  }
0x1a7: {  	_ =	swait.ge [sflag:s21], $0x2000  }
0x1a8: {  	[sflag:s21] =	ssyncset.done $0x0  }
0x1a9: {  	s3 =	simm.s32 $0x2900;
	[sflag:s21] =	ssyncadd.s32 $0xFFFFE000  }
0x1aa: {  	[spmem:s2] =	stream.indirect.scatter.add.f32 [tilespmem:s5], [sflag:$0xB], $0x40, s3, s9, $0xb8;
	[tilespmem:$0x1F000] =	vst v63  }
0x1ab: {  	_ =	swait.ge [sflag:s22], $0x2000  }
0x1ac: {  	[sflag:s22] =	ssyncset.done $0x0  }
0x1ad: {  	s5 =	simm.s32 $0x2980;
	[sflag:s22] =	ssyncadd.s32 $0xFFFFE000  }
0x1ae: {  	[spmem:s2] =	stream.indirect.scatter.add.f32 [tilespmem:s6], [sflag:$0xC], $0x40, s5, s9, $0xb8;
	[tilespmem:$0x1F000] =	vst v63  }
0x1af: {  	_ =	swait.ge [sflag:s23], $0x2000  }
0x1b0: {  	[sflag:s23] =	ssyncset.done $0x0  }
0x1b1: {  	[sflag:s23] =	ssyncadd.s32 $0xFFFFE000  }
0x1b2: {  	_ =	swait.ge [sflag:s24], $0x2000  }
0x1b3: {  	[sflag:s24] =	ssyncset.done $0x0  }
0x1b4: {  	[sflag:s24] =	ssyncadd.s32 $0xFFFFE000  }
0x1b5: {  	_ =	swait.ge [sflag:s11], $0x2000  }
0x1b6: {  	[sflag:s11] =	ssyncset.done $0x0  }
0x1b7: {  	[sflag:s11] =	ssyncadd.s32 $0xFFFFE000  }
0x1b8: {  	p0 =	por $0x0, $0x0;
	_ =	swait.ge [sflag:s25], $0x2000  }
0x1b9: {  	s1 =	simm.s32 @!p0 $0x5000;
	[sflag:s25] =	ssyncset.done $0x0  }
0x1ba: {  	s3 =	simm.s32 @!p0 $0x400;
	s5 =	simm.s32 @!p0 $0x80;
	[sflag:s25] =	ssyncadd.s32 $0xFFFFE000  }
0x1bb: {  	[tilespmem:s1], [sflag:$0x1] =	stream.indirect.gather @!p0 [hbm4b:s4+s5], $0x40, s3, s5, $0xb8;
	[tilespmem:$0x1F000] =	vst v63  }
0x1bc: {  	s1 =	simm.s32 @!p0 $0x480;
	s3 =	simm.s32 @!p0 $0x7000  }
0x1bd: {  	[tilespmem:s3], [sflag:$0x2] =	stream.indirect.gather @!p0 [hbm4b:s4+s5], $0x40, s1, s5, $0xb8;
	[tilespmem:$0x1F000] =	vst v63  }
0x1be: {  	s1 =	simm.s32 @!p0 $0x500;
	s3 =	simm.s32 @!p0 $0x9000  }
0x1bf: {  	[tilespmem:s3], [sflag:$0x3] =	stream.indirect.gather @!p0 [hbm4b:s4+s5], $0x40, s1, s5, $0xb8;
	[tilespmem:$0x1F000] =	vst v63  }
0x1c0: {  	s1 =	simm.s32 @!p0 $0x580;
	s3 =	simm.s32 @!p0 $0xB000  }
0x1c1: {  	[tilespmem:s3], [sflag:$0x4] =	stream.indirect.gather @!p0 [hbm4b:s4+s5], $0x40, s1, s5, $0xb8;
	[tilespmem:$0x1F000] =	vst v63  }
0x1c2: {  	_ =	swait.ge [sflag:s26], $0x2000  }
0x1c3: {  	[sflag:s26] =	ssyncset.done $0x0  }
0x1c4: {  	s8 =	simm.s32 $0x2A00;
	[sflag:s26] =	ssyncadd.s32 $0xFFFFE000  }
0x1c5: {  	[spmem:s2] =	stream.indirect.scatter.add.f32 [tilespmem:s15], [sflag:$0xD], $0x40, s8, s9, $0xb8;
	[tilespmem:$0x1F000] =	vst v63  }
0x1c6: {  	_ =	swait.ge [sflag:s13], $0x2000  }
0x1c7: {  	[sflag:s13] =	ssyncset.done $0x0  }
0x1c8: {  	s10 =	simm.s32 $0x2A80;
	[sflag:s13] =	ssyncadd.s32 $0xFFFFE000  }
0x1c9: {  	[spmem:s2] =	stream.indirect.scatter.add.f32 [tilespmem:s16], [sflag:$0xE], $0x40, s10, s9, $0xb8;
	[tilespmem:$0x1F000] =	vst v63  }
0x1ca: {  	_ =	swait.ge [sflag:s28], $0x2000  }
0x1cb: {  	[sflag:s28] =	ssyncset.done $0x0  }
0x1cc: {  	s12 =	simm.s32 $0x2B00;
	[sflag:s28] =	ssyncadd.s32 $0xFFFFE000  }
0x1cd: {  	[spmem:s2] =	stream.indirect.scatter.add.f32 [tilespmem:s17], [sflag:$0xF], $0x40, s12, s9, $0xb8;
	[tilespmem:$0x1F000] =	vst v63  }
0x1ce: {  	_ =	swait.ge [sflag:s29], $0x2000  }
0x1cf: {  	[sflag:s29] =	ssyncset.done $0x0  }
0x1d0: {  	s14 =	simm.s32 $0x2B80;
	[sflag:s29] =	ssyncadd.s32 $0xFFFFE000  }
0x1d1: {  	[spmem:s2] =	stream.indirect.scatter.add.f32 [tilespmem:s18], [sflag:$0x10], $0x40, s14, s9, $0xb8;
	[tilespmem:$0x1F000] =	vst v63  }
0x1d2: {  	_ =	swait.ge [sflag:s30], $0x2000  }
0x1d3: {  	[sflag:s30] =	ssyncset.done $0x0  }
0x1d4: {  	[sflag:s30] =	ssyncadd.s32 $0xFFFFE000  }
0x1d5: {  	_ =	swait.ge [sflag:s7], $0x2000  }
0x1d6: {  	[sflag:s7] =	ssyncset.done $0x0  }
0x1d7: {  	[sflag:s7] =	ssyncadd.s32 $0xFFFFE000  }
0x1d8: {  	_ =	swait.ge [sflag:s31], $0x2000  }
0x1d9: {  	[sflag:s31] =	ssyncset.done $0x0  }
0x1da: {  	[sflag:s31] =	ssyncadd.s32 $0xFFFFE000  }
0x1db: {  	s3 =	simm.s32 $0x1000;
	_ =	swait.ge [sflag:s0], $0x2000  }
0x1dc: {  	s1 =	simm.s32 $0x2000;
	s5 =	simm.s32 $0x400;
	[sflag:s0] =	ssyncset.done $0x0  }
.LBB2_4:
0x1dd: {  	s8 =	sadd.s32 $0x200, s5  }
0x1de: {  	[sflag:s0] =	ssyncadd.s32 $0xFFFFE000;
	s6 =	smov.u32 s1;
	s1 =	sadd.s32 $0x1000, s1  }
0x1df: {  	[tilespmem:s15], [sflag:$0x5] =	stream.indirect.gather [hbm4b:s4+s9], $0x40, s8, s9, $0xb8;
	[tilespmem:$0x1F000] =	vst v63  }
0x1e0: {  	p0 =	sne.s32 s1, $0xA000;
	s8 =	sadd.s32 $0x280, s5  }
0x1e1: {  	[tilespmem:s16], [sflag:$0x6] =	stream.indirect.gather [hbm4b:s4+s9], $0x40, s8, s9, $0xb8;
	[tilespmem:$0x1F000] =	vst v63  }
0x1e2: {  	s8 =	sadd.s32 $0x300, s5  }
0x1e3: {  	[tilespmem:s17], [sflag:$0x7] =	stream.indirect.gather [hbm4b:s4+s9], $0x40, s8, s9, $0xb8;
	[tilespmem:$0x1F000] =	vst v63  }
0x1e4: {  	s8 =	sadd.s32 $0x380, s5  }
0x1e5: {  	[tilespmem:s18], [sflag:$0x8] =	stream.indirect.gather [hbm4b:s4+s9], $0x40, s8, s9, $0xb8;
	[tilespmem:$0x1F000] =	vst v63  }
0x1e6: {  	_ =	swait.ge [sflag:s19], $0x2000  }
0x1e7: {  	[sflag:s19] =	ssyncset.done $0x0  }
0x1e8: {  	s10 =	simm.s32 $0x5000;
	s8 =	sadd.s32 $0x2800, s5;
	[sflag:s19] =	ssyncadd.s32 $0xFFFFE000  }
0x1e9: {  	[spmem:s2] =	stream.indirect.scatter.add.f32 [tilespmem:s10], [sflag:$0x9], $0x40, s8, s9, $0xb8;
	[tilespmem:$0x1F000] =	vst v63  }
0x1ea: {  	_ =	swait.ge [sflag:s20], $0x2000  }
0x1eb: {  	[sflag:s20] =	ssyncset.done $0x0  }
0x1ec: {  	s8 =	sadd.s32 $0x2880, s5;
	s10 =	simm.s32 $0x7000;
	[sflag:s20] =	ssyncadd.s32 $0xFFFFE000  }
0x1ed: {  	[spmem:s2] =	stream.indirect.scatter.add.f32 [tilespmem:s10], [sflag:$0xA], $0x40, s8, s9, $0xb8;
	[tilespmem:$0x1F000] =	vst v63  }
0x1ee: {  	_ =	swait.ge [sflag:s21], $0x2000  }
0x1ef: {  	[sflag:s21] =	ssyncset.done $0x0  }
0x1f0: {  	s8 =	sadd.s32 $0x2900, s5;
	s10 =	simm.s32 $0x9000;
	[sflag:s21] =	ssyncadd.s32 $0xFFFFE000  }
0x1f1: {  	[spmem:s2] =	stream.indirect.scatter.add.f32 [tilespmem:s10], [sflag:$0xB], $0x40, s8, s9, $0xb8;
	[tilespmem:$0x1F000] =	vst v63  }
0x1f2: {  	_ =	swait.ge [sflag:s22], $0x2000  }
0x1f3: {  	[sflag:s22] =	ssyncset.done $0x0  }
0x1f4: {  	s8 =	sadd.s32 $0x2980, s5;
	s10 =	simm.s32 $0xB000;
	[sflag:s22] =	ssyncadd.s32 $0xFFFFE000  }
0x1f5: {  	[spmem:s2] =	stream.indirect.scatter.add.f32 [tilespmem:s10], [sflag:$0xC], $0x40, s8, s9, $0xb8;
	[tilespmem:$0x1F000] =	vst v63  }
0x1f6: {  	_ =	swait.ge [sflag:s23], $0x2000  }
0x1f7: {  	[sflag:s23] =	ssyncset.done $0x0  }
0x1f8: {  	[sflag:s23] =	ssyncadd.s32 $0xFFFFE000  }
0x1f9: {  	_ =	swait.ge [sflag:s24], $0x2000  }
0x1fa: {  	[sflag:s24] =	ssyncset.done $0x0  }
0x1fb: {  	[sflag:s24] =	ssyncadd.s32 $0xFFFFE000  }
0x1fc: {  	_ =	swait.ge [sflag:s11], $0x2000  }
0x1fd: {  	[sflag:s11] =	ssyncset.done $0x0  }
0x1fe: {  	[sflag:s11] =	ssyncadd.s32 $0xFFFFE000  }
0x1ff: {  	p1 =	seq.s32 s3, $0x9000;
	_ =	swait.ge [sflag:s25], $0x2000  }
0x200: {  	s3 =	sshra.s32 @!p1 s3, $0x2;
	s8 =	simm.s32 @!p1 $0x5000;
	[sflag:s25] =	ssyncset.done $0x0  }
0x201: {  	s12 =	simm.s32 @!p1 $0x80;
	s10 =	sadd.s32 @!p1 $0x400, s3;
	[sflag:s25] =	ssyncadd.s32 $0xFFFFE000  }
0x202: {  	[tilespmem:s8], [sflag:$0x1] =	stream.indirect.gather @!p1 [hbm4b:s4+s12], $0x40, s10, s12, $0xb8;
	[tilespmem:$0x1F000] =	vst v63  }
0x203: {  	s14 =	sadd.s32 @!p1 $0x500, s3;
	s8 =	sadd.s32 @!p1 $0x480, s3;
	s10 =	simm.s32 @!p1 $0x7000  }
0x204: {  	[tilespmem:s10], [sflag:$0x2] =	stream.indirect.gather @!p1 [hbm4b:s4+s12], $0x40, s8, s12, $0xb8;
	[tilespmem:$0x1F000] =	vst v63  }
0x205: {  	s8 =	simm.s32 @!p1 $0x9000;
	s10 =	sadd.s32 @!p1 $0x580, s3;
	s3 =	smov.u32 s6  }
0x206: {  	[tilespmem:s8], [sflag:$0x3] =	stream.indirect.gather @!p1 [hbm4b:s4+s12], $0x40, s14, s12, $0xb8;
	[tilespmem:$0x1F000] =	vst v63  }
0x207: {  	s6 =	simm.s32 @!p1 $0xB000  }
0x208: {  	[tilespmem:s6], [sflag:$0x4] =	stream.indirect.gather @!p1 [hbm4b:s4+s12], $0x40, s10, s12, $0xb8;
	[tilespmem:$0x1F000] =	vst v63  }
0x209: {  	_ =	swait.ge [sflag:s26], $0x2000  }
0x20a: {  	[sflag:s26] =	ssyncset.done $0x0  }
0x20b: {  	s6 =	sadd.s32 $0x2A00, s5;
	[sflag:s26] =	ssyncadd.s32 $0xFFFFE000  }
0x20c: {  	[spmem:s2] =	stream.indirect.scatter.add.f32 [tilespmem:s15], [sflag:$0xD], $0x40, s6, s9, $0xb8;
	[tilespmem:$0x1F000] =	vst v63  }
0x20d: {  	_ =	swait.ge [sflag:s13], $0x2000  }
0x20e: {  	[sflag:s13] =	ssyncset.done $0x0  }
0x20f: {  	s6 =	sadd.s32 $0x2A80, s5;
	[sflag:s13] =	ssyncadd.s32 $0xFFFFE000  }
0x210: {  	[spmem:s2] =	stream.indirect.scatter.add.f32 [tilespmem:s16], [sflag:$0xE], $0x40, s6, s9, $0xb8;
	[tilespmem:$0x1F000] =	vst v63  }
0x211: {  	_ =	swait.ge [sflag:s28], $0x2000  }
0x212: {  	[sflag:s28] =	ssyncset.done $0x0  }
0x213: {  	s6 =	sadd.s32 $0x2B00, s5;
	[sflag:s28] =	ssyncadd.s32 $0xFFFFE000  }
0x214: {  	[spmem:s2] =	stream.indirect.scatter.add.f32 [tilespmem:s17], [sflag:$0xF], $0x40, s6, s9, $0xb8;
	[tilespmem:$0x1F000] =	vst v63  }
0x215: {  	_ =	swait.ge [sflag:s29], $0x2000  }
0x216: {  	[sflag:s29] =	ssyncset.done $0x0  }
0x217: {  	s5 =	sadd.s32 $0x2B80, s5;
	[sflag:s29] =	ssyncadd.s32 $0xFFFFE000  }
0x218: {  	[spmem:s2] =	stream.indirect.scatter.add.f32 [tilespmem:s18], [sflag:$0x10], $0x40, s5, s9, $0xb8;
	[tilespmem:$0x1F000] =	vst v63  }
0x219: {  	_ =	swait.ge [sflag:s30], $0x2000  }
0x21a: {  	[sflag:s30] =	ssyncset.done $0x0  }
0x21b: {  	[sflag:s30] =	ssyncadd.s32 $0xFFFFE000  }
0x21c: {  	_ =	swait.ge [sflag:s7], $0x2000  }
0x21d: {  	[sflag:s7] =	ssyncset.done $0x0  }
0x21e: {  	[sflag:s7] =	ssyncadd.s32 $0xFFFFE000  }
.Ltmp1:
0x21f: {  	_ =	swait.ge [sflag:s31], $0x2000;
	(pc) =	sbr.rel @p0 .LBB2_4-.Ltmp1, $4  }
0x220: {  	[sflag:s31] =	ssyncset.done $0x0  }
0x221: {  	[sflag:s31] =	ssyncadd.s32 $0xFFFFE000  }
0x222: {  	_ =	swait.ge [sflag:s0], $0x2000  }
0x223: {  	s5 =	sshra.s32 s3, $0x2;
	[sflag:s0] =	ssyncset.done $0x0  }
0x224: {  	s1 =	sadd.s32 $0x200, s5;
	[sflag:s0] =	ssyncadd.s32 $0xFFFFE000  }
0x225: {  	[tilespmem:s15], [sflag:$0x5] =	stream.indirect.gather [hbm4b:s4+s9], $0x40, s1, s9, $0xb8;
	[tilespmem:$0x1F000] =	vst v63  }
0x226: {  	s14 =	sadd.s32 $0x280, s5  }
0x227: {  	[tilespmem:s16], [sflag:$0x6] =	stream.indirect.gather [hbm4b:s4+s9], $0x40, s14, s9, $0xb8;
	[tilespmem:$0x1F000] =	vst v63  }
0x228: {  	s6 =	sadd.s32 $0x300, s5  }
0x229: {  	[tilespmem:s17], [sflag:$0x7] =	stream.indirect.gather [hbm4b:s4+s9], $0x40, s6, s9, $0xb8;
	[tilespmem:$0x1F000] =	vst v63  }
0x22a: {  	s8 =	sadd.s32 $0x380, s5  }
0x22b: {  	[tilespmem:s18], [sflag:$0x8] =	stream.indirect.gather [hbm4b:s4+s9], $0x40, s8, s9, $0xb8;
	[tilespmem:$0x1F000] =	vst v63  }
0x22c: {  	_ =	swait.ge [sflag:s19], $0x2000  }
0x22d: {  	[sflag:s19] =	ssyncset.done $0x0  }
0x22e: {  	s10 =	sadd.s32 $0x2800, s5;
	s12 =	simm.s32 $0x5000;
	[sflag:s19] =	ssyncadd.s32 $0xFFFFE000  }
0x22f: {  	[spmem:s2] =	stream.indirect.scatter.add.f32 [tilespmem:s12], [sflag:$0x9], $0x40, s10, s9, $0xb8;
	[tilespmem:$0x1F000] =	vst v63  }
0x230: {  	_ =	swait.ge [sflag:s20], $0x2000  }
0x231: {  	[sflag:s20] =	ssyncset.done $0x0  }
0x232: {  	s14 =	sadd.s32 $0x2880, s5;
	s6 =	simm.s32 $0x7000;
	[sflag:s20] =	ssyncadd.s32 $0xFFFFE000  }
0x233: {  	[spmem:s2] =	stream.indirect.scatter.add.f32 [tilespmem:s6], [sflag:$0xA], $0x40, s14, s9, $0xb8;
	[tilespmem:$0x1F000] =	vst v63  }
0x234: {  	_ =	swait.ge [sflag:s21], $0x2000  }
0x235: {  	[sflag:s21] =	ssyncset.done $0x0  }
0x236: {  	s8 =	simm.s32 $0x9000;
	s6 =	sadd.s32 $0x2900, s5;
	[sflag:s21] =	ssyncadd.s32 $0xFFFFE000  }
0x237: {  	[spmem:s2] =	stream.indirect.scatter.add.f32 [tilespmem:s8], [sflag:$0xB], $0x40, s6, s9, $0xb8;
	[tilespmem:$0x1F000] =	vst v63  }
0x238: {  	_ =	swait.ge [sflag:s22], $0x2000  }
0x239: {  	[sflag:s22] =	ssyncset.done $0x0  }
0x23a: {  	s10 =	sadd.s32 $0x2980, s5;
	s14 =	simm.s32 $0xB000;
	[sflag:s22] =	ssyncadd.s32 $0xFFFFE000  }
0x23b: {  	[spmem:s2] =	stream.indirect.scatter.add.f32 [tilespmem:s14], [sflag:$0xC], $0x40, s10, s9, $0xb8;
	[tilespmem:$0x1F000] =	vst v63  }
0x23c: {  	_ =	swait.ge [sflag:s23], $0x2000  }
0x23d: {  	[sflag:s23] =	ssyncset.done $0x0  }
0x23e: {  	[sflag:s23] =	ssyncadd.s32 $0xFFFFE000  }
0x23f: {  	_ =	swait.ge [sflag:s24], $0x2000  }
0x240: {  	[sflag:s24] =	ssyncset.done $0x0  }
0x241: {  	[sflag:s24] =	ssyncadd.s32 $0xFFFFE000  }
0x242: {  	_ =	swait.ge [sflag:s11], $0x2000  }
0x243: {  	[sflag:s11] =	ssyncset.done $0x0  }
0x244: {  	[sflag:s11] =	ssyncadd.s32 $0xFFFFE000  }
0x245: {  	p0 =	seq.s32 s3, $0x9000;
	_ =	swait.ge [sflag:s25], $0x2000  }
0x246: {  	s1 =	sshra.s32 @!p0 s3, $0x2;
	s3 =	simm.s32 @!p0 $0x5000;
	[sflag:s25] =	ssyncset.done $0x0  }
0x247: {  	s6 =	sadd.s32 @!p0 $0x400, s1;
	s8 =	simm.s32 @!p0 $0x80;
	[sflag:s25] =	ssyncadd.s32 $0xFFFFE000  }
0x248: {  	[tilespmem:s3], [sflag:$0x1] =	stream.indirect.gather @!p0 [hbm4b:s4+s8], $0x40, s6, s8, $0xb8;
	[tilespmem:$0x1F000] =	vst v63  }
0x249: {  	s3 =	sadd.s32 @!p0 $0x480, s1;
	s6 =	simm.s32 @!p0 $0x7000  }
0x24a: {  	[tilespmem:s6], [sflag:$0x2] =	stream.indirect.gather @!p0 [hbm4b:s4+s8], $0x40, s3, s8, $0xb8;
	[tilespmem:$0x1F000] =	vst v63  }
0x24b: {  	s3 =	sadd.s32 @!p0 $0x500, s1;
	s6 =	simm.s32 @!p0 $0x9000  }
0x24c: {  	[tilespmem:s6], [sflag:$0x3] =	stream.indirect.gather @!p0 [hbm4b:s4+s8], $0x40, s3, s8, $0xb8;
	[tilespmem:$0x1F000] =	vst v63  }
0x24d: {  	s1 =	sadd.s32 @!p0 $0x580, s1;
	s3 =	simm.s32 @!p0 $0xB000  }
0x24e: {  	[tilespmem:s3], [sflag:$0x4] =	stream.indirect.gather @!p0 [hbm4b:s4+s8], $0x40, s1, s8, $0xb8;
	[tilespmem:$0x1F000] =	vst v63  }
0x24f: {  	_ =	swait.ge [sflag:s26], $0x2000  }
0x250: {  	[sflag:s26] =	ssyncset.done $0x0  }
0x251: {  	s6 =	sadd.s32 $0x2A00, s5;
	[sflag:s26] =	ssyncadd.s32 $0xFFFFE000  }
0x252: {  	[spmem:s2] =	stream.indirect.scatter.add.f32 [tilespmem:s15], [sflag:$0xD], $0x40, s6, s9, $0xb8;
	[tilespmem:$0x1F000] =	vst v63  }
0x253: {  	_ =	swait.ge [sflag:s13], $0x2000  }
0x254: {  	[sflag:s13] =	ssyncset.done $0x0  }
0x255: {  	s8 =	sadd.s32 $0x2A80, s5;
	[sflag:s13] =	ssyncadd.s32 $0xFFFFE000  }
0x256: {  	[spmem:s2] =	stream.indirect.scatter.add.f32 [tilespmem:s16], [sflag:$0xE], $0x40, s8, s9, $0xb8;
	[tilespmem:$0x1F000] =	vst v63  }
0x257: {  	_ =	swait.ge [sflag:s28], $0x2000  }
0x258: {  	[sflag:s28] =	ssyncset.done $0x0  }
0x259: {  	s10 =	sadd.s32 $0x2B00, s5;
	[sflag:s28] =	ssyncadd.s32 $0xFFFFE000  }
0x25a: {  	[spmem:s2] =	stream.indirect.scatter.add.f32 [tilespmem:s17], [sflag:$0xF], $0x40, s10, s9, $0xb8;
	[tilespmem:$0x1F000] =	vst v63  }
0x25b: {  	_ =	swait.ge [sflag:s29], $0x2000  }
0x25c: {  	[sflag:s29] =	ssyncset.done $0x0  }
0x25d: {  	s14 =	sadd.s32 $0x2B80, s5;
	[sflag:s29] =	ssyncadd.s32 $0xFFFFE000  }
0x25e: {  	[spmem:s2] =	stream.indirect.scatter.add.f32 [tilespmem:s18], [sflag:$0x10], $0x40, s14, s9, $0xb8;
	[tilespmem:$0x1F000] =	vst v63  }
0x25f: {  	_ =	swait.ge [sflag:s30], $0x2000  }
0x260: {  	[sflag:s30] =	ssyncset.done $0x0  }
0x261: {  	[sflag:s30] =	ssyncadd.s32 $0xFFFFE000  }
0x262: {  	_ =	swait.ge [sflag:s7], $0x2000  }
0x263: {  	[sflag:s7] =	ssyncset.done $0x0  }
0x264: {  	[sflag:s7] =	ssyncadd.s32 $0xFFFFE000  }
0x265: {  	_ =	swait.ge [sflag:s31], $0x2000  }
0x266: {  	[sflag:s31] =	ssyncset.done $0x0  }
0x267: {  	[sflag:s31] =	ssyncadd.s32 $0xFFFFE000  }
0x268: {  	_ =	swait.ge [sflag:s0], $0x2000  }
0x269: {  	[sflag:s0] =	ssyncset.done $0x0  }
0x26a: {  	[sflag:s0] =	ssyncadd.s32 $0xFFFFE000  }
0x26b: {  	[bflag:$0x0] =	sbarrier.arrive $0xFFFF  }
0x26c: {  	s3 =	rddreg [dreg:$0x5]  }
0x26d: {  	[tilespmem:s12], [sflag:$0x11] =	stream.linear.gather [spmem:s3], $0x2000, $0x38;
	[tilespmem:$0x1F000] =	vst v63  }
0x26e: {  	s3 =	simm.s32 $0x11  }
0x26f: {  	_ =	swait.ge [sflag:s3], $0x2000  }
0x270: {  	[sflag:s3] =	ssyncset.done $0x0  }
0x271: {  	s14 =	simm.s32 $0x0;
	s5 =	rddreg [dreg:$0x12];
	[sflag:s3] =	ssyncadd.s32 $0xFFFFE000  }
0x272: {  	[hbm4b:s5+s14] =	stream.linear.scatter [tilespmem:s12], [sflag:$0x11], $0x2000, $0x38;
	[tilespmem:$0x1F000] =	vst v63  }
0x273: {  	_ =	swait.ge [sflag:s3], $0x2000  }
0x274: {  	[sflag:s3] =	ssyncset.done $0x0  }
0x275: {  	s5 =	rddreg [dreg:$0x1c];
	[sflag:s3] =	ssyncadd.s32 $0xFFFFE000  }
0x276: {  	[tilespmem:s12], [sflag:$0x11] =	stream.linear.gather [spmem:s5], $0x2000, $0x38;
	[tilespmem:$0x1F000] =	vst v63  }
0x277: {  	_ =	swait.ge [sflag:s3], $0x2000  }
0x278: {  	[sflag:s3] =	ssyncset.done $0x0  }
0x279: {  	s6 =	rddreg [dreg:$0x14];
	[sflag:s3] =	ssyncadd.s32 $0xFFFFE000  }
0x27a: {  	[hbm4b:s6+s14] =	stream.linear.scatter [tilespmem:s12], [sflag:$0x11], $0x2000, $0x38;
	[tilespmem:$0x1F000] =	vst v63  }
0x27b: {  	_ =	swait.ge [sflag:s3], $0x2000  }
0x27c: {  	[sflag:s3] =	ssyncset.done $0x0  }
0x27d: {  	s6 =	rddreg [dreg:$0x1d];
	[sflag:s3] =	ssyncadd.s32 $0xFFFFE000  }
0x27e: {  	[tilespmem:s12], [sflag:$0x11] =	stream.linear.gather [spmem:s6], $0x2000, $0x38;
	[tilespmem:$0x1F000] =	vst v63  }
0x27f: {  	_ =	swait.ge [sflag:s3], $0x2000  }
0x280: {  	[sflag:s3] =	ssyncset.done $0x0  }
0x281: {  	s8 =	rddreg [dreg:$0x16];
	[sflag:s3] =	ssyncadd.s32 $0xFFFFE000  }
0x282: {  	[hbm4b:s8+s14] =	stream.linear.scatter [tilespmem:s12], [sflag:$0x11], $0x2000, $0x38;
	[tilespmem:$0x1F000] =	vst v63  }
0x283: {  	_ =	swait.ge [sflag:s3], $0x2000  }
0x284: {  	[sflag:s3] =	ssyncset.done $0x0  }
0x285: {  	s8 =	rddreg [dreg:$0x1e];
	[sflag:s3] =	ssyncadd.s32 $0xFFFFE000  }
0x286: {  	[tilespmem:s12], [sflag:$0x11] =	stream.linear.gather [spmem:s8], $0x2000, $0x38;
	[tilespmem:$0x1F000] =	vst v63  }
0x287: {  	_ =	swait.ge [sflag:s3], $0x2000  }
0x288: {  	[sflag:s3] =	ssyncset.done $0x0  }
0x289: {  	s10 =	rddreg [dreg:$0x18];
	[sflag:s3] =	ssyncadd.s32 $0xFFFFE000  }
0x28a: {  	[hbm4b:s10+s14] =	stream.linear.scatter [tilespmem:s12], [sflag:$0x11], $0x2000, $0x38;
	[tilespmem:$0x1F000] =	vst v63  }
0x28b: {  	_ =	swait.ge [sflag:s3], $0x2000  }
0x28c: {  	[sflag:s3] =	ssyncset.done $0x0  }
0x28d: {  	s10 =	rddreg [dreg:$0x1f];
	[sflag:s3] =	ssyncadd.s32 $0xFFFFE000  }
0x28e: {  	[tilespmem:s12], [sflag:$0x11] =	stream.linear.gather [spmem:s10], $0x2000, $0x38;
	[tilespmem:$0x1F000] =	vst v63  }
0x28f: {  	_ =	swait.ge [sflag:s3], $0x2000  }
0x290: {  	[sflag:s3] =	ssyncset.done $0x0  }
0x291: {  	s1 =	rddreg [dreg:$0x19];
	[sflag:s3] =	ssyncadd.s32 $0xFFFFE000  }
0x292: {  	[hbm4b:s1+s14] =	stream.linear.scatter [tilespmem:s12], [sflag:$0x11], $0x2000, $0x38;
	[tilespmem:$0x1F000] =	vst v63  }
0x293: {  	_ =	swait.ge [sflag:s3], $0x2000  }
0x294: {  	s1 =	sld [smem:$0x7FD];
	_ =	sdelay $0x2  }
0x295: {  	[sflag:s3] =	ssyncset.done $0x0;
	s3 =	rddreg [dreg:$0x1b];
	s12 =	sadd.s32 $0x1, s1  }
0x296: {  	p0 =	sne.s32 s12, s3  }
.Ltmp2:
0x297: {  	_ = 	snop;
	(pc) =	sbr.rel @p0 .LBB2_1-.Ltmp2, $3  }
0x298: {  	_ =	sdelay $0x1  }
0x299: {  	s3 =	simm.s32 $0x11  }
0x29a: {  	[sflag:s3] =	ssyncadd.s32 $0xFFFFE000  }
0x29b: {  	_ =	sfence.sel $0x180000  }
0x29c: {  	[bflag:$0x0] =	sbarrier.arrive $0xFFFF  }
0x29d: {  	_ =	strace $0x9000004D  }
0x29e: {  	s0 =	stileid.u32;
	[bflag:$0x2] =	sbarrier.arrive $0xFFFF  }
0x29f: {  	p0 =	sne.s32 s0, $0x0;
	s0 =	rddreg [dreg:$0x2]  }
0x2a0: {  	s0 =	sadd.s32 @!p0 $0x100000, s0  }
0x2a1: {  	[sflag:s0] =	ssyncadd.tile.s32 @!p0 $0x1;
	_ =	shalt  }
.Lfunc_end2:
_tile_overlayer_lowered:
.L_overlay_start_2:
0x2a2: {  	(tag) =	ssettag $0x2  }
0x2a3: {  	s0 =	rddreg [dreg:$0x0];
	s2 =	stileid.u32  }
0x2a4: {  	s1 =	rddreg [dreg:$0x1];
	p0 =	sne.s32 s2, $0x0  }
0x2a5: {  	s3 =	rddreg [dreg:$0x2];
	[bflag:$0x3] =	sbarrier.arrive $0xFFFF;
	s2 =	simm.s32 @!p0 $0x1C11  }
0x2a6: {  	[timem:s3], [sflag:s2] =	dma.local @!p0 [hbm:s0], s1  }
0x2a7: {  	s0 =	simm.s32 @!p0 $0x11  }
0x2a8: {  	_ =	swait.ge @!p0 [sflag:s0], s1  }
0x2a9: {  	s1 =	ssub.s32 @!p0 $0x0, s1;
	[sflag:s0] =	ssyncset.done @!p0 $0x0  }
0x2aa: {  	[sflag:s0] =	ssyncadd.s32 @!p0 s1  }
0x2ab: {  	[bflag:$0x3] =	sbarrier.arrive $0xFFFF  }
0x2ac: {  	_ =	shalt  }

// kernel: kernel.8.cloned.1.call-start
scs
__scs_entry_jumppad:
0x0: {  	(pc) =	sbr.rel $0x88, $3  }
0x1: {  	(tag) =	ssettag $0x0;
	lr =	simm.s32 $0x1  }
0x2: {  	[smem:$0x3F96] =	sst lr;
	_ =	strace $0xD0000000  }
0x3: {  	_ = 	snop  }
0x4: {  	_ = 	snop  }
0x5: {  	_ = 	snop  }
0x6: {  	_ = 	snop  }
0x7: {  	_ = 	snop  }
__scs_overlays_trampoline_lowered:
0x8: {  	[smem:$0x3FA5] =	sst s0  }
0x9: {  	[smem:$0x3FA6] =	sst s1  }
0xa: {  	[smem:$0x3FA7] =	sst s2  }
0xb: {  	[smem:$0x3FA8] =	sst s3  }
0xc: {  	[smem:$0x3FA9] =	sst s4  }
0xd: {  	[smem:$0x3FAA] =	sst s5  }
0xe: {  	[smem:$0x3FAB] =	sst s6  }
0xf: {  	[smem:$0x3FAC] =	sst s7  }
0x10: {  	[smem:$0x3FAD] =	sst s8  }
0x11: {  	[smem:$0x3FAE] =	sst s9;
	s0 =	simm.s32 @!p0 $0x0  }
0x12: {  	s1 =	sld [smem:$0x3F94];
	s0 =	simm.s32 @p0 $0x1  }
0x13: {  	[smem:$0x3FAF] =	sst s0;
	s0 =	simm.s32 @!p1 $0x0  }
0x14: {  	s2 =	sld [smem:$0x3F93];
	s0 =	simm.s32 @p1 $0x1  }
0x15: {  	[smem:$0x3FB0] =	sst s0;
	s0 =	simm.s32 @!p2 $0x0  }
0x16: {  	s3 =	sld [smem:$0x3FDB];
	s0 =	simm.s32 @p2 $0x1  }
0x17: {  	s4 =	simm.s32 $0x1BF5;
	[smem:$0x3FB2] =	sst s0  }
0x18: {  	s0 =	sld [smem:$0x3F95];
	_ =	swait.ge [sflag:s4], $0x0  }
0x19: {  	s7 =	sld [smem:$0x3F96]  }
0x1a: {  	s8 =	sadd.s32 $0xFFFFE003, lr  }
0x1b: {  	s9 =	sadd.s32 $0xFFFFFEF7, lr;
	s5 =	simm.s32 $0xFFFFFFFF;
	p2 =	slt.u32 s8, $0xFFFFF086  }
0x1c: {  	p1 =	slt.u32 s9, $0xF7A;
	s5 =	simm.s32 @!p2 $0x0  }
0x1d: {  	s5 =	simm.s32 @p1 $0x1;
	p0 =	seq.s32 s7, s2  }
0x1e: {  	s7 =	smul.u32 @!p0 $0xF7A, s2;
	p2 =	seq.s32 @!p0 s5, $0x0  }
0x1f: {  	s9 =	smul.u32 $0xF7A, s1;
	s8 =	simm.s32 @!p0 $0x1BF5;
	p2 =	por !p2, p0  }
0x20: {  	[sflag:s8] =	ssyncset.s32 @!p0 $0xFFFFF086;
	s6 =	sadd.s32 @!p0 s3, s7;
	s7 =	simm.s32 @!p0 $0x108  }
0x21: {  	s3 =	sadd.s32 s3, s9;
	s6 =	sadd.s32 @!p0 $0x88, s6;
	s7 =	simm.s32 @p2 $0x1082  }
0x22: {  	[simem:s7], [sflag:s8] =	dma.local @!p0 [hbm:s6], $0xF7A  }
0x23: {  	s9 =	sor.u32 $0xD0000000, s2;
	s6 =	simm.s32 $0x108;
	_ =	swait.ge @!p0 [sflag:s8], $0x0  }
0x24: {  	s3 =	sadd.s32 $0x88, s3;
	s6 =	simm.s32 @!p1 $0x1082;
	[sflag:s4] =	ssyncset.s32 $0xFFFFF086  }
0x25: {  	[simem:s6], [sflag:s4] =	dma.local [hbm:s3], $0xF7A  }
0x26: {  	[smem:$0x3F96] =	sst s1;
	(tag) =	ssettag s2;
	_ =	strace s9  }
0x27: {  	s1 =	sld [smem:$0x3FA6]  }
0x28: {  	s2 =	sld [smem:$0x3FA7]  }
0x29: {  	s4 =	sld [smem:$0x3FA9]  }
0x2a: {  	p0 =	seq.s32 s5, $0x0;
	s5 =	sld [smem:$0x3FAA]  }
0x2b: {  	s6 =	sld [smem:$0x3FAB]  }
0x2c: {  	s7 =	sld [smem:$0x3FAC]  }
0x2d: {  	s3 =	simm.s32 $0x108;
	s8 =	sld [smem:$0x3FAD]  }
0x2e: {  	s3 =	simm.s32 @!p0 $0x1082;
	s9 =	sld [smem:$0x3FAE]  }
0x2f: {  	lr =	sadd.s32 s0, s3;
	s0 =	sld [smem:$0x3FA5]  }
0x30: {  	s3 =	sld [smem:$0x3FA8]  }
0x31: {  	[smem:$0x3FB1] =	sst s10  }
0x32: {  	s10 =	sld [smem:$0x3FAF];
	_ =	sdelay $0x3  }
0x33: {  	p0 =	seq.s32 s10, $0x1;
	s10 =	sld [smem:$0x3FB1];
	_ =	sdelay $0x3  }
0x34: {  	[smem:$0x3FB1] =	sst s10  }
0x35: {  	s10 =	sld [smem:$0x3FB0];
	_ =	sdelay $0x3  }
0x36: {  	p1 =	seq.s32 s10, $0x1;
	s10 =	sld [smem:$0x3FB1];
	_ =	sdelay $0x3  }
0x37: {  	[smem:$0x3FB1] =	sst s10  }
0x38: {  	s10 =	sld [smem:$0x3FB2]  }
0x39: {  	_ = 	snop;
	(pc) =	sbr.ind lr, $3  }
0x3a: {  	_ = 	snop  }
0x3b: {  	_ = 	snop  }
0x3c: {  	p2 =	seq.s32 s10, $0x1;
	s10 =	sld [smem:$0x3FB1]  }
0x3d: {  	_ =	shalt  }
0x3e: {  	_ =	shalt  }
0x3f: {  	_ =	shalt  }
0x40: {  	_ =	shalt  }
0x41: {  	_ =	shalt  }
0x42: {  	_ =	shalt  }
0x43: {  	_ =	shalt  }
0x44: {  	_ =	shalt  }
0x45: {  	_ =	shalt  }
0x46: {  	_ =	shalt  }
0x47: {  	_ =	shalt  }
0x48: {  	_ =	shalt  }
0x49: {  	_ =	shalt  }
0x4a: {  	_ =	shalt  }
0x4b: {  	_ =	shalt  }
0x4c: {  	_ =	shalt  }
0x4d: {  	_ =	shalt  }
0x4e: {  	_ =	shalt  }
0x4f: {  	_ =	shalt  }
0x50: {  	_ =	shalt  }
0x51: {  	_ =	shalt  }
0x52: {  	_ =	shalt  }
0x53: {  	_ =	shalt  }
0x54: {  	_ =	shalt  }
0x55: {  	_ =	shalt  }
0x56: {  	_ =	shalt  }
0x57: {  	_ =	shalt  }
0x58: {  	_ =	shalt  }
0x59: {  	_ =	shalt  }
0x5a: {  	_ =	shalt  }
0x5b: {  	_ =	shalt  }
0x5c: {  	_ =	shalt  }
0x5d: {  	_ =	shalt  }
0x5e: {  	_ =	shalt  }
0x5f: {  	_ =	shalt  }
0x60: {  	_ =	shalt  }
0x61: {  	_ =	shalt  }
0x62: {  	_ =	shalt  }
0x63: {  	_ =	shalt  }
0x64: {  	_ =	shalt  }
0x65: {  	_ =	shalt  }
0x66: {  	_ =	shalt  }
0x67: {  	_ =	shalt  }
0x68: {  	_ =	shalt  }
0x69: {  	_ =	shalt  }
0x6a: {  	_ =	shalt  }
0x6b: {  	_ =	shalt  }
0x6c: {  	_ =	shalt  }
0x6d: {  	_ =	shalt  }
0x6e: {  	_ =	shalt  }
0x6f: {  	_ =	shalt  }
0x70: {  	_ =	shalt  }
0x71: {  	_ =	shalt  }
0x72: {  	_ =	shalt  }
0x73: {  	_ =	shalt  }
0x74: {  	_ =	shalt  }
0x75: {  	_ =	shalt  }
0x76: {  	_ =	shalt  }
0x77: {  	_ =	shalt  }
0x78: {  	_ =	shalt  }
0x79: {  	_ =	shalt  }
0x7a: {  	_ =	shalt  }
0x7b: {  	_ =	shalt  }
0x7c: {  	_ =	shalt  }
0x7d: {  	_ =	shalt  }
0x7e: {  	_ =	shalt  }
0x7f: {  	_ =	shalt  }
0x80: {  	_ =	shalt  }
0x81: {  	_ =	shalt  }
0x82: {  	_ =	shalt  }
0x83: {  	_ =	shalt  }
0x84: {  	_ =	shalt  }
0x85: {  	_ =	shalt  }
0x86: {  	_ =	shalt  }
0x87: {  	_ =	shalt  }
.Lfunc_end0:
.L_simem_size_0:
called_computation_lowered:
.L_overlay_start_0:
0x88: {  	s2 =	sld [smem:$0x3FD9]  }
0x89: {  	s3 =	sld [smem:$0x3FFE];
	_ =	sdelay $0x1  }
0x8a: {  	s1 =	srdreg.scid  }
0x8b: {  	s0 =	sand.u32 $0x1, s1  }
0x8c: {  	s17 =	sshll.u32 s0, $0xA;
	s2 =	sadd.s32 s3, s2  }
0x8d: {  	s2 =	sadd.s32 s2, s17  }
0x8e: {  	[smem:$0x3FBD] =	sst s2  }
0x8f: {  	_ = 	snop  }
0x90: {  	s2 =	sld [smem:$0x3FD0];
	(tm) =	ssettm $0x1  }
0x91: {  	s18 =	sld [smem:$0x3FFB];
	_ =	sdelay $0x3  }
0x92: {  	_ =	strace s18  }
0x93: {  	s3 =	sld [smem:$0x3FFC];
	_ =	sdelay $0x3  }
0x94: {  	_ =	strace s3  }
0x95: {  	s3 =	sld [smem:$0x3FFD];
	_ =	sdelay $0x3  }
0x96: {  	_ =	strace s3  }
0x97: {  	_ =	strace $0x8FFFFFFF  }
0x98: {  	s19 =	sld [smem:$0x3FDB];
	_ =	sdelay $0x1  }
0x99: {  	s4 =	simm.s32 $_scs_section_size  }
0x9a: {  	s5 =	simm.s32 $_size__tile_overlayer_lowered;
	s6 =	simm.s32 $_tile_overlayer_lowered  }
0x9b: {  	s22 =	simm.s32 $0x1BFF;
	s21 =	sshll.u32 s6, $0x1;
	s3 =	sadd.s32 s4, s19  }
0x9c: {  	s7 =	simm.s32 $0x0;
	s20 =	sshll.u32 s5, $0x1;
	s5 =	sadd.s32 s21, s3  }
0x9d: {  	[timem:s7], [sflag:s22] =	dma.local [hbm:s5], s20  }
0x9e: {  	_ =	swait.ge [sflag:s22], s20  }
0x9f: {  	s4 =	ssub.s32 $0x0, s20;
	[sflag:s22] =	ssyncset.done $0x0  }
0xa0: {  	[sflag:s22] =	ssyncadd.s32 s4;
	_ =	sdelay $0x1  }
0xa1: {  	s23 =	simm.s32 $0x1B8B  }
0xa2: {  	_ =	swait.ge [sflag:s23], $0x1  }
0xa3: {  	[sflag:s23] =	ssyncset.done $0x0  }
0xa4: {  	s25 =	simm.s32 $0x1B8E;
	s24 =	sld [smem:$0x3FFE];
	[sflag:s23] =	ssyncadd.s32 $0xFFFFFFFF  }
0xa5: {  	s26 =	simm.s32 $execute0_lowered;
	[smem:$0x3FD2] =	sst s25  }
0xa6: {  	s5 =	sshll.u32 s26, $0x1;
	_ =	strace $0x80000046;
	[dreg:$0x1] =	wrdreg $0xFFFFFFFF  }
0xa7: {  	s28 =	simm.s32 $_size_execute0_lowered;
	s3 =	sadd.s32 s3, s5;
	[dreg:$0x0] =	wrdreg $0x0  }
0xa8: {  	s5 =	sshll.u32 s28, $0x1;
	[dreg:$0x2] =	wrdreg s3  }
0xa9: {  	[dreg:$0x3] =	wrdreg s5  }
0xaa: {  	[dreg:$0x4] =	wrdreg $0xC0  }
0xab: {  	_ =	task [dreg:s7], $0x5FFFF  }
0xac: {  	[dreg:$0x1] =	wrdreg $0xFFFFFFFF  }
0xad: {  	[dreg:$0x0] =	wrdreg $0x60  }
0xae: {  	[dreg:$0x2] =	wrdreg s24  }
0xaf: {  	[dreg:$0x3] =	wrdreg s2  }
0xb0: {  	[dreg:$0x4] =	wrdreg $0x58000  }
0xb1: {  	[dreg:$0x5] =	wrdreg $0x9  }
0xb2: {  	_ =	task.clear_ibuf [dreg:s7], $0x6FFFF;
	_ =	strace $0x90000046  }
0xb3: {  	s29 =	simm.s32 $0x9;
	_ =	strace $0x80000048  }
0xb4: {  	_ =	swait.ge [sflag:s29], $0x1  }
0xb5: {  	[sflag:s29] =	ssyncadd.s32 $0xFFFFFFFF  }
0xb6: {  	_ =	strace $0x90000048  }
0xb7: {  	_ =	sfence  }
0xb8: {  	s30 =	sld [smem:$0x0];
	_ =	sdelay $0x2  }
0xb9: {  	s31 =	sshll.u32 s1, $0xD;
	s1 =	sshrl.u32 s1, $0x2  }
0xba: {  	s3 =	sand.u32 $0x4000, s31;
	s1 =	sadd.s32 s1, s30  }
0xbb: {  	s0 =	sor.u32 s3, s0;
	s1 =	sshll.u32 s1, $0x11  }
0xbc: {  	s0 =	sor.u32 s1, s0  }
0xbd: {  	s0 =	sadd.s32 $0x8F2B, s0  }
0xbe: {  	[sflag:s0] =	ssyncadd.remote.s32 $0x1  }
0xbf: {  	_ =	sfence.sel $0xFFFF  }
0xc0: {  	[dreg:$0x0] =	wrdreg $0xFFFFFFFF;
	(pc) =	sbr.abs _section_cstart, $3  }
0xc1: {  	[dreg:$0x1] =	wrdreg $0xFFFFFFFF  }
0xc2: {  	_ =	task.clear_ibuf [dreg:s7], $0x2FFFF;
	_ =	strace $0x9FFFFFFF  }
0xc3: {  	(tm) =	ssettm $0x7FFFFFFF  }
tec
execute0_lowered:
.L_overlay_start_1:
0x0: {  	(tag) =	ssettag $0x1  }
0x1: {  	s6 =	rddreg [dreg:$0x0]  }
0x2: {  	s2 =	rddreg [dreg:$0x1]  }
0x3: {  	s3 =	rddreg [dreg:$0x2]  }
0x4: {  	s0 =	rddreg [dreg:$0x3];
	s4 =	simm.s32 $0x0;
	s1 =	stileid.u32  }
0x5: {  	s7 =	srdreg.scid;
	s13 =	simm.s32 $0x2800;
	s5 =	smul.u32 $0x500, s1  }
0x6: {  	s14 =	simm.s32 $0x80;
	s15 =	simm.s32 $0x0;
	s8 =	smul.u32 $0x2800, s1  }
0x7: {  	[smem:$0x7FF] =	sst s4;
	s11 =	sand.u32 $0x1, s7;
	s30 =	smul.u32 $0xA000, s1  }
0x8: {  	_ =	strace $0x80000047;
	s12 =	ssub.s32 $0x2, s11;
	p0 =	sne.s32 s11, $0x0  }
.Ltmp0:
0x9: {  	s11 =	simm.s32 $0x3000;
	s9 =	sadd.s32 s5, s6;
	(pc) =	sbr.rel .LBB2_1-.Ltmp0, $4  }
0xa: {  	s5 =	sadd.s32 $0x6800, s6;
	s10 =	sshrl.u32 s8, $0x3;
	s31 =	sshrl.u32 s12, $0x1  }
0xb: {  	s7 =	sshrl.u32 s30, $0x2;
	s8 =	sadd.s32 s8, s3;
	s10 =	sadd.s32 s10, s6  }
0xc: {  	s12 =	ssub.s32 s12, s31;
	s6 =	sadd.s32 s7, s3;
	s7 =	sadd.s32 $0x1800, s9  }
0xd: {  	s9 =	sadd.s32 $0x6E00, s10;
	s10 =	smax.u32 s12, $0x1;
	s12 =	simm.s32 $0x1  }
.LBB2_7:
0xe: {  	[bflag:$0x0] =	sbarrier.arrive $0xFFFF  }
0xf: {  	[bflag:$0x0] =	sbarrier.arrive $0xFFFF  }
.LBB2_5:
0x10: {  	s15 =	sadd.s32 $0x1, s15  }
0x11: {  	p1 =	sne.s32 s15, s10  }
.Ltmp1:
0x12: {  	_ = 	snop;
	(pc) =	sbr.rel @!p1 .LBB2_6-.Ltmp1, $1  }
0x13: {  	_ =	sdelay $0x3  }
.LBB2_1:
.Ltmp2:
0x14: {  	(pc) =	sbr.rel @p0 .LBB2_7-.Ltmp2, $1  }
0x15: {  	_ =	sdelay $0x3  }
0x16: {  	s16 =	simm.s32 $0x0  }
0x17: {  	[tilespmem:s11], [sflag:$0x1] =	stream.linear.gather [hbm4b:s5+s16], $0x2800, $0x38;
	[tilespmem:$0x8000] =	vst v63  }
0x18: {  	_ =	swait.ge [sflag:s12], $0x2800  }
0x19: {  	[sflag:s12] =	ssyncset.done $0x0  }
0x1a: {  	[sflag:s12] =	ssyncadd.s32 $0xFFFFD800  }
0x1b: {  	[spmem:s6] =	stream.linear.scatter [tilespmem:s11], [sflag:$0x1], $0x2800, $0x38;
	[tilespmem:$0x8000] =	vst v63  }
0x1c: {  	_ =	swait.ge [sflag:s12], $0x2800  }
0x1d: {  	[sflag:s12] =	ssyncset.done $0x0  }
0x1e: {  	[sflag:s12] =	ssyncadd.s32 $0xFFFFD800  }
0x1f: {  	[tilespmem:s13], [sflag:$0x1] =	stream.linear.gather [hbm4b:s2+s16], $0x800, $0x38;
	[tilespmem:$0x8000] =	vst v63  }
0x20: {  	_ =	swait.ge [sflag:s12], $0x800  }
0x21: {  	[sflag:s12] =	ssyncset.done $0x0  }
0x22: {  	[sflag:s12] =	ssyncadd.s32 $0xFFFFF800  }
0x23: {  	[tilespmem:s16], [sflag:$0x1] =	stream.linear.gather [hbm4b:s7+s16], $0x2800, $0x38;
	[tilespmem:$0x8000] =	vst v63  }
0x24: {  	_ =	swait.ge [sflag:s12], $0x2800  }
0x25: {  	[sflag:s12] =	ssyncset.done $0x0  }
0x26: {  	[sflag:s12] =	ssyncadd.s32 $0xFFFFD800  }
0x27: {  	s31 =	simm.s32 $0x0;
	[bflag:$0x0] =	sbarrier.arrive $0xFFFF  }
0x28: {  	[spmem:s3] =	stream.indirect.scatter.add.f32 [tilespmem:s13], [sflag:$0x1], $0x10, s31, s14, $0xb8;
	[tilespmem:$0x8000] =	vst v63  }
0x29: {  	_ =	swait.ge [sflag:s12], $0x800  }
0x2a: {  	s16 =	simm.s32 $0x200;
	[sflag:s12] =	ssyncset.done $0x0  }
.LBB2_3:
0x2b: {  	s17 =	sshra.s32 s16, $0x2;
	[sflag:s12] =	ssyncadd.s32 $0xFFFFF800;
	p1 =	seq.s32 s16, $0x9E00  }
0x2c: {  	[spmem:s3] =	stream.indirect.scatter.add.f32 [tilespmem:s13], [sflag:$0x1], $0x10, s17, s14, $0xb8;
	[tilespmem:$0x8000] =	vst v63  }
.Ltmp3:
0x2d: {  	_ = 	snop;
	(pc) =	sbr.rel @!p1 .LBB2_3-.Ltmp3, $4  }
0x2e: {  	_ = 	snop  }
0x2f: {  	s16 =	sadd.s32 $0x200, s16  }
0x30: {  	_ =	swait.ge [sflag:s12], $0x800  }
0x31: {  	[sflag:s12] =	ssyncset.done $0x0  }
0x32: {  	[sflag:s12] =	ssyncadd.s32 $0xFFFFF800  }
0x33: {  	[bflag:$0x0] =	sbarrier.arrive $0xFFFF  }
0x34: {  	[tilespmem:s11], [sflag:$0x1] =	stream.linear.gather [spmem:s8], $0x2800, $0x38;
	[tilespmem:$0x8000] =	vst v63  }
0x35: {  	_ =	swait.ge [sflag:s12], $0x2800  }
0x36: {  	[sflag:s12] =	ssyncset.done $0x0  }
.Ltmp4:
0x37: {  	[sflag:s12] =	ssyncadd.s32 $0xFFFFD800;
	(pc) =	sbr.rel .LBB2_5-.Ltmp4, $4  }
0x38: {  	[hbm4b:s9+s4] =	stream.linear.scatter [tilespmem:s11], [sflag:$0x1], $0x2800, $0x38;
	[tilespmem:$0x8000] =	vst v63  }
0x39: {  	_ =	swait.ge [sflag:s12], $0x2800  }
0x3a: {  	[sflag:s12] =	ssyncset.done $0x0  }
0x3b: {  	[sflag:s12] =	ssyncadd.s32 $0xFFFFD800  }
.LBB2_6:
0x3c: {  	_ =	sfence.sel $0x180000  }
0x3d: {  	[bflag:$0x0] =	sbarrier.arrive $0xFFFF  }
0x3e: {  	p0 =	sne.s32 s1, $0x0;
	_ =	strace $0x90000047  }
0x3f: {  	s0 =	sadd.s32 @!p0 $0x100000, s0;
	[bflag:$0x2] =	sbarrier.arrive $0xFFFF  }
0x40: {  	[sflag:s0] =	ssyncadd.tile.s32 @!p0 $0x1;
	_ =	shalt  }
.Lfunc_end2:
_tile_overlayer_lowered:
.L_overlay_start_2:
0x41: {  	(tag) =	ssettag $0x2  }
0x42: {  	s0 =	rddreg [dreg:$0x0];
	s2 =	stileid.u32  }
0x43: {  	s1 =	rddreg [dreg:$0x1];
	p0 =	sne.s32 s2, $0x0  }
0x44: {  	s3 =	rddreg [dreg:$0x2];
	[bflag:$0x3] =	sbarrier.arrive $0xFFFF;
	s2 =	simm.s32 @!p0 $0x1C01  }
0x45: {  	[timem:s3], [sflag:s2] =	dma.local @!p0 [hbm:s0], s1  }
0x46: {  	s0 =	simm.s32 @!p0 $0x1  }
0x47: {  	_ =	swait.ge @!p0 [sflag:s0], s1  }
0x48: {  	s1 =	ssub.s32 @!p0 $0x0, s1;
	[sflag:s0] =	ssyncset.done @!p0 $0x0  }
0x49: {  	[sflag:s0] =	ssyncadd.s32 @!p0 s1  }
0x4a: {  	[bflag:$0x3] =	sbarrier.arrive $0xFFFF  }
0x4b: {  	_ =	shalt  }

</sc_bundles>
